<compile_context>
chip_gen: v7x
topology: tpu7x:2x2x1
jax: 0.10.2.dev20260603
libtpu: 0.0.44.dev20260713+nightly
codegen_flags: <defaults>
</compile_context>

<pallas_src>
import functools

import jax
import jax.numpy as jnp
from jax import lax
from jax.experimental import pallas as pl
from jax.experimental.pallas import tpu as pltpu
from jax.experimental.pallas import tpu_sc as plsc

B, N, D = 32, 8192, 64
C = 129
NC, NS = 2, 16

TOK = N // NS
CH1 = 256
NCHK1 = TOK // CH1
SUB1 = CH1 // 128

CH3 = 512
NCH3 = N // CH3
SUB3 = CH3 // 128

_mesh = plsc.VectorSubcoreMesh(
    core_axis_name="c", subcore_axis_name="s", num_cores=NC, num_subcores=NS)
_sc_params = pltpu.CompilerParams(use_tc_tiling_on_sc=False)


@functools.partial(
    pl.kernel,
    out_type=(
        jax.ShapeDtypeStruct((B, C, D), jnp.float32),
        jax.ShapeDtypeStruct((B, C, D), jnp.float32),
        jax.ShapeDtypeStruct((B, C, D), jnp.float32),
        jax.ShapeDtypeStruct((B, C, D), jnp.float32),
    ),
    mesh=_mesh,
    scratch_types=[
        pltpu.VMEM((SUB1 * NCHK1, 128), jnp.int32),
        pltpu.VMEM((CH1, D), jnp.float32),
        pltpu.VMEM((CH1, D), jnp.float32),
        pltpu.VMEM((CH1, D), jnp.float32),
        pltpu.VMEM((128, D), jnp.float32),
        pltpu.VMEM_SHARED((C, D), jnp.float32),
        pltpu.VMEM_SHARED((C, D), jnp.float32),
        pltpu.VMEM_SHARED((C, D), jnp.float32),
        pltpu.VMEM_SHARED((C, D), jnp.float32),
    ],
    compiler_params=_sc_params,
)
def _seg_sums(q_hbm, k_hbm, v_hbm, cl_hbm, zeros_hbm, ones_hbm,
              segq_hbm, segk_hbm, segv_hbm, cnt_hbm,
              idx_v, qb, kb, vb, ones_v, aq, ak, av, ac):
    s = lax.axis_index("s")
    c = lax.axis_index("c")
    pltpu.sync_copy(ones_hbm, ones_v)

    def batch_body(i, carry):
        b = i * NC + c

        @pl.when(s == 0)
        def _zero():
            pltpu.sync_copy(zeros_hbm, aq)
            pltpu.sync_copy(zeros_hbm, ak)
            pltpu.sync_copy(zeros_hbm, av)
            pltpu.sync_copy(zeros_hbm, ac)

        plsc.subcore_barrier()

        pltpu.sync_copy(cl_hbm.at[b, pl.ds(s * (TOK // 128), TOK // 128)],
                        idx_v)

        def chunk_body(t, carry2):
            tok0 = s * TOK + t * CH1
            pltpu.sync_copy(q_hbm.at[b, pl.ds(tok0, CH1)], qb)
            pltpu.sync_copy(k_hbm.at[b, pl.ds(tok0, CH1)], kb)
            pltpu.sync_copy(v_hbm.at[b, pl.ds(tok0, CH1)], vb)
            for j in range(SUB1):
                row = idx_v.at[t * SUB1 + j]
                sl = pl.ds(j * 128, 128)
                pltpu.sync_copy(qb.at[sl], aq.at[row], add=True)
                pltpu.sync_copy(kb.at[sl], ak.at[row], add=True)
                pltpu.sync_copy(vb.at[sl], av.at[row], add=True)
                pltpu.sync_copy(ones_v, ac.at[row], add=True)
            return carry2

        lax.fori_loop(0, NCHK1, chunk_body, 0)

        plsc.subcore_barrier()

        @pl.when(s == 0)
        def _writeout():
            pltpu.sync_copy(aq, segq_hbm.at[b])
            pltpu.sync_copy(ak, segk_hbm.at[b])
            pltpu.sync_copy(av, segv_hbm.at[b])
            pltpu.sync_copy(ac, cnt_hbm.at[b])

        return carry

    lax.fori_loop(0, NS, batch_body, 0)


def _attn_body(segq_ref, segk_ref, segv_ref, cnt_ref, v2_ref, acol_ref):
    col0 = (lax.broadcasted_iota(jnp.int32, (C, C), 1) == 0).astype(jnp.float32)
    for b in range(B):
        cnt = jnp.sum(cnt_ref[b], axis=1) * (1.0 / D)
        inv = 1.0 / cnt
        qc = segq_ref[b] * inv[:, None]
        kc = segk_ref[b] * inv[:, None]
        vc = segv_ref[b] * inv[:, None]

        qk = lax.dot_general(qc, kc, (((1,), (1,)), ((), ())),
                             preferred_element_type=jnp.float32)
        a = jax.nn.softmax(qk, axis=-1)
        aw = a * cnt[None, :]
        aw = aw / jnp.sum(aw, axis=-1, keepdims=True)

        v2_ref[b] = jnp.dot(aw, vc, preferred_element_type=jnp.float32)
        acol_ref[b, 0, :] = jnp.sum(aw * col0, axis=1)


def _attn(segq, segk, segv, cntd):
    return pl.pallas_call(
        _attn_body,
        out_shape=[
            jax.ShapeDtypeStruct((B, C, D), jnp.float32),
            jax.ShapeDtypeStruct((B, 1, C), jnp.float32),
        ],
    )(segq, segk, segv, cntd)


@functools.partial(
    pl.kernel,
    out_type=jax.ShapeDtypeStruct((B, N, D), jnp.float32),
    mesh=_mesh,
    scratch_types=[
        pltpu.VMEM((SUB3, 128), jnp.int32),
        pltpu.VMEM((CH3, D), jnp.float32),
        pltpu.SemaphoreType.DMA,
    ],
    compiler_params=_sc_params,
)
def _bcast_gather(v2_hbm, gcl_hbm, out_hbm, idx_v, rows, sem):
    b = lax.axis_index("s") * NC + lax.axis_index("c")

    def body(ci, carry):
        pltpu.sync_copy(gcl_hbm.at[b, pl.ds(ci * SUB3, SUB3)], idx_v)
        for j in range(SUB3):
            pltpu.async_copy(v2_hbm.at[idx_v.at[j]],
                             rows.at[pl.ds(j * 128, 128)], sem).wait()
        pltpu.sync_copy(rows, out_hbm.at[b, pl.ds(ci * CH3, CH3)])
        return carry

    lax.fori_loop(0, NCH3, body, 0)


def kernel(queries, keys, values, clusters):
    zeros = jnp.zeros((C, D), jnp.float32)
    ones = jnp.ones((128, D), jnp.float32)
    cl3 = clusters.reshape(B, N // 128, 128)

    segq, segk, segv, cntd = _seg_sums(queries, keys, values, cl3, zeros, ones)
    v2, acol = _attn(segq, segk, segv, cntd)

    gcl = (clusters + C * jnp.arange(B, dtype=jnp.int32)[:, None])
    gcl = gcl.reshape(B, N // 128, 128)
    out = _bcast_gather(v2.reshape(B * C, D), gcl)
    return (out, acol.reshape(B, C))

# --- scband reference (transcript-rebuilt; emitter-appended) ---
"""Pipeline reference for scband-ada-clustering-attention-17197049053474 (READ-ONLY COPY).

The authoritative reference and input builder live on the scoring server;
editing this copy changes nothing except your own understanding.
"""

import jax, jax.numpy as jnp
import numpy as np

B, N, D = 32, 8192, 64
NUM_CLUSTERS = 128
C = NUM_CLUSTERS + 1
SOFTMAX_TEMP = 1.0


def setup_inputs(seed: int = 0):
    key = jax.random.key(seed)
    k1, k2, k3, k4 = jax.random.split(key, 4)
    return {
        "queries": jax.random.normal(k1, (B, N, D), dtype=jnp.float32),
        "keys": jax.random.normal(k2, (B, N, D), dtype=jnp.float32),
        "values": jax.random.normal(k3, (B, N, D), dtype=jnp.float32),
        "clusters": jax.random.randint(k4, (B, N), 0, C, dtype=jnp.int32),
    }


def _counts(groups):
    # per-batch bincount with fixed length C (torch: bincount(minlength=c))
    return jax.vmap(lambda g: jnp.bincount(g, length=C))(groups)


def _weighted_sum(x, groups, weights):
    # center[b, c, :] = weights[b, c] * sum_{i: groups[b,i]==c} x[b, i, :]
    seg = jax.vmap(lambda xx, gg: jax.ops.segment_sum(xx, gg, num_segments=C))(x, groups)
    return seg * weights[:, :, None]


def _broadcast(center, groups):
    # x[b, i, :] = center[b, groups[b, i], :]  (gather)
    return jax.vmap(lambda c, g: c[g])(center, groups)


def _weighted_softmax(x, weight):
    ret = jax.nn.softmax(x, axis=-1)
    if weight is not None:
        ret = ret * weight[:, None, :]
        ret = ret / jnp.sum(ret, axis=-1, keepdims=True)
    return ret


def reference(queries, keys, values, clusters):
    groups = clusters.astype(jnp.int32)
    counts = _counts(groups)  # int counts per cluster, shape [B, C]
    inv_counts = 1.0 / counts.astype(jnp.float32)

    # group_q: cluster queries -> centers (weighted mean)
    q_center = _weighted_sum(queries, groups, inv_counts)
    # group_k: cluster keys and values -> centers
    k_center = _weighted_sum(keys, groups, inv_counts)
    v_center = _weighted_sum(values, groups, inv_counts)

    qk = jnp.einsum('bcd,bed->bce', q_center, k_center)
    a_full = _weighted_softmax(SOFTMAX_TEMP * qk, counts.astype(jnp.float32))
    v = jnp.einsum('bce,bed->bcd', a_full, v_center)
    # broadcast cluster outputs back to all tokens in the cluster
    out = _broadcast(v, groups)
    return (out, a_full[:, :, 0])

if __name__ == "__main__":
    import jax
    _d = setup_inputs()
    print(jax.jit(kernel)(*tuple(_d.values())))

</pallas_src>

<mosaic_0001>
#map = affine_map<(d0, d1) -> (0, 0, 0)>
#map1 = affine_map<(d0, d1) -> (0, 0)>
module attributes {stable_mosaic.version = 14 : i64} {
  func.func @_seg_sums(%arg0: i32, %arg1: i32, %arg2: memref<32x8192x64xf32, #tpu.memory_space<hbm>>, %arg3: memref<32x8192x64xf32, #tpu.memory_space<hbm>>, %arg4: memref<32x8192x64xf32, #tpu.memory_space<hbm>>, %arg5: memref<32x64x128xi32, #tpu.memory_space<hbm>>, %arg6: memref<129x64xf32, #tpu.memory_space<hbm>>, %arg7: memref<128x64xf32, #tpu.memory_space<hbm>>, %arg8: memref<32x129x64xf32, #tpu.memory_space<hbm>>, %arg9: memref<32x129x64xf32, #tpu.memory_space<hbm>>, %arg10: memref<32x129x64xf32, #tpu.memory_space<hbm>>, %arg11: memref<32x129x64xf32, #tpu.memory_space<hbm>>, %arg12: memref<4x128xi32, #tpu.memory_space<vmem>>, %arg13: memref<256x64xf32, #tpu.memory_space<vmem>>, %arg14: memref<256x64xf32, #tpu.memory_space<vmem>>, %arg15: memref<256x64xf32, #tpu.memory_space<vmem>>, %arg16: memref<128x64xf32, #tpu.memory_space<vmem>>, %arg17: memref<129x64xf32, #tpu.memory_space<vmem_shared>>, %arg18: memref<129x64xf32, #tpu.memory_space<vmem_shared>>, %arg19: memref<129x64xf32, #tpu.memory_space<vmem_shared>>, %arg20: memref<129x64xf32, #tpu.memory_space<vmem_shared>>) attributes {dimension_semantics = [#tpu.dimension_semantics<core_parallel>, #tpu.dimension_semantics<subcore_parallel>], iteration_bounds = array<i64: 2, 16>, scalar_prefetch = 0 : i64, scratch_operands = 9 : i64, tpu.core_type = #tpu.core_type<sc_vector_subcore>, window_params = [{transform_indices = #map}, {transform_indices = #map}, {transform_indices = #map}, {transform_indices = #map}, {transform_indices = #map1}, {transform_indices = #map1}, {transform_indices = #map}, {transform_indices = #map}, {transform_indices = #map}, {transform_indices = #map}]} {
    "tpu.region"() ({
      %run_scoped3A = tpu.sem_alloc : memref<!tpu.dma_semaphore, #tpu.memory_space<semaphore_mem>>
      tpu.enqueue_dma source(%arg7 : memref<128x64xf32, #tpu.memory_space<hbm>>) target(%arg16 : memref<128x64xf32, #tpu.memory_space<vmem>>) target_semaphore(%run_scoped3A : memref<!tpu.dma_semaphore, #tpu.memory_space<semaphore_mem>>)
      tpu.wait_dma2 semaphore(%run_scoped3A : memref<!tpu.dma_semaphore, #tpu.memory_space<semaphore_mem>>) src(%arg7 : memref<128x64xf32, #tpu.memory_space<hbm>>) dst(%arg16 : memref<128x64xf32, #tpu.memory_space<vmem>>)
      tpu.yield
    }) : () -> ()
    %scan3A = arith.constant 0 : i32
    %scan3A_0 = arith.constant 0 : i32
    %scan3A_1 = arith.constant 16 : i32
    %scan3A_2 = arith.addi %scan3A_0, %scan3A_1 : i32
    %scan3A_3 = arith.constant 1 : i32
    scf.for %scan3A_5 = %scan3A_0 to %scan3A_2 step %scan3A_3  : i32 {
      %mul3A = arith.constant 2 : i32
      %mul3A_6 = arith.muli %scan3A_5, %mul3A : i32
      %add3A = arith.addi %mul3A_6, %arg0 : i32
      %eq3A = arith.constant 0 : i32
      %eq3A_7 = arith.cmpi eq, %arg1, %eq3A : i32
      %convert_element_type3A = arith.extui %eq3A_7 : i1 to i32
      %cond3A = arith.constant 0 : i32
      %cond3A_8 = arith.cmpi ne, %convert_element_type3A, %cond3A : i32
      scf.if %cond3A_8 {
        "tpu.region"() ({
          %run_scoped3A = tpu.sem_alloc : memref<!tpu.dma_semaphore, #tpu.memory_space<semaphore_mem>>
          tpu.enqueue_dma source(%arg6 : memref<129x64xf32, #tpu.memory_space<hbm>>) target(%arg17 : memref<129x64xf32, #tpu.memory_space<vmem_shared>>) target_semaphore(%run_scoped3A : memref<!tpu.dma_semaphore, #tpu.memory_space<semaphore_mem>>)
          tpu.wait_dma2 semaphore(%run_scoped3A : memref<!tpu.dma_semaphore, #tpu.memory_space<semaphore_mem>>) src(%arg6 : memref<129x64xf32, #tpu.memory_space<hbm>>) dst(%arg17 : memref<129x64xf32, #tpu.memory_space<vmem_shared>>)
          tpu.yield
        }) : () -> ()
        "tpu.region"() ({
          %run_scoped3A = tpu.sem_alloc : memref<!tpu.dma_semaphore, #tpu.memory_space<semaphore_mem>>
          tpu.enqueue_dma source(%arg6 : memref<129x64xf32, #tpu.memory_space<hbm>>) target(%arg18 : memref<129x64xf32, #tpu.memory_space<vmem_shared>>) target_semaphore(%run_scoped3A : memref<!tpu.dma_semaphore, #tpu.memory_space<semaphore_mem>>)
          tpu.wait_dma2 semaphore(%run_scoped3A : memref<!tpu.dma_semaphore, #tpu.memory_space<semaphore_mem>>) src(%arg6 : memref<129x64xf32, #tpu.memory_space<hbm>>) dst(%arg18 : memref<129x64xf32, #tpu.memory_space<vmem_shared>>)
          tpu.yield
        }) : () -> ()
        "tpu.region"() ({
          %run_scoped3A = tpu.sem_alloc : memref<!tpu.dma_semaphore, #tpu.memory_space<semaphore_mem>>
          tpu.enqueue_dma source(%arg6 : memref<129x64xf32, #tpu.memory_space<hbm>>) target(%arg19 : memref<129x64xf32, #tpu.memory_space<vmem_shared>>) target_semaphore(%run_scoped3A : memref<!tpu.dma_semaphore, #tpu.memory_space<semaphore_mem>>)
          tpu.wait_dma2 semaphore(%run_scoped3A : memref<!tpu.dma_semaphore, #tpu.memory_space<semaphore_mem>>) src(%arg6 : memref<129x64xf32, #tpu.memory_space<hbm>>) dst(%arg19 : memref<129x64xf32, #tpu.memory_space<vmem_shared>>)
          tpu.yield
        }) : () -> ()
        "tpu.region"() ({
          %run_scoped3A = tpu.sem_alloc : memref<!tpu.dma_semaphore, #tpu.memory_space<semaphore_mem>>
          tpu.enqueue_dma source(%arg6 : memref<129x64xf32, #tpu.memory_space<hbm>>) target(%arg20 : memref<129x64xf32, #tpu.memory_space<vmem_shared>>) target_semaphore(%run_scoped3A : memref<!tpu.dma_semaphore, #tpu.memory_space<semaphore_mem>>)
          tpu.wait_dma2 semaphore(%run_scoped3A : memref<!tpu.dma_semaphore, #tpu.memory_space<semaphore_mem>>) src(%arg6 : memref<129x64xf32, #tpu.memory_space<hbm>>) dst(%arg20 : memref<129x64xf32, #tpu.memory_space<vmem_shared>>)
          tpu.yield
        }) : () -> ()
      } else {
      }
      %barrier3A = arith.constant 0 : index
      tpu.barrier barrier_id(%barrier3A)
      %mul3A_9 = arith.constant 4 : i32
      %mul3A_10 = arith.muli %arg1, %mul3A_9 : i32
      "tpu.region"() ({
        %run_scoped3A = tpu.sem_alloc : memref<!tpu.dma_semaphore, #tpu.memory_space<semaphore_mem>>
        %dma_start3A = arith.constant 0 : i32
        %dma_start3A_23 = tpu.memref_slice %arg5[%add3A, %mul3A_10, %dma_start3A] : memref<32x64x128xi32, #tpu.memory_space<hbm>> -> memref<1x4x128xi32, #tpu.memory_space<hbm>>
        %dma_start3A_24 = tpu.memref_squeeze %dma_start3A_23 : memref<1x4x128xi32, #tpu.memory_space<hbm>> -> memref<4x128xi32, #tpu.memory_space<hbm>>
        %dma_start3A_25 = arith.constant 0 : i32
        %dma_start3A_26 = tpu.memref_slice %arg5[%add3A, %mul3A_10, %dma_start3A_25] : memref<32x64x128xi32, #tpu.memory_space<hbm>> -> memref<1x4x128xi32, #tpu.memory_space<hbm>>
        %dma_start3A_27 = tpu.memref_squeeze %dma_start3A_26 : memref<1x4x128xi32, #tpu.memory_space<hbm>> -> memref<4x128xi32, #tpu.memory_space<hbm>>
        tpu.enqueue_dma source(%dma_start3A_27 : memref<4x128xi32, #tpu.memory_space<hbm>>) target(%arg12 : memref<4x128xi32, #tpu.memory_space<vmem>>) target_semaphore(%run_scoped3A : memref<!tpu.dma_semaphore, #tpu.memory_space<semaphore_mem>>)
        %dma_wait3A = arith.constant 0 : i32
        %dma_wait3A_28 = tpu.memref_slice %arg5[%add3A, %mul3A_10, %dma_wait3A] : memref<32x64x128xi32, #tpu.memory_space<hbm>> -> memref<1x4x128xi32, #tpu.memory_space<hbm>>
        %dma_wait3A_29 = tpu.memref_squeeze %dma_wait3A_28 : memref<1x4x128xi32, #tpu.memory_space<hbm>> -> memref<4x128xi32, #tpu.memory_space<hbm>>
        %dma_wait3A_30 = arith.constant 0 : i32
        %dma_wait3A_31 = tpu.memref_slice %arg5[%add3A, %mul3A_10, %dma_wait3A_30] : memref<32x64x128xi32, #tpu.memory_space<hbm>> -> memref<1x4x128xi32, #tpu.memory_space<hbm>>
        %dma_wait3A_32 = tpu.memref_squeeze %dma_wait3A_31 : memref<1x4x128xi32, #tpu.memory_space<hbm>> -> memref<4x128xi32, #tpu.memory_space<hbm>>
        tpu.wait_dma2 semaphore(%run_scoped3A : memref<!tpu.dma_semaphore, #tpu.memory_space<semaphore_mem>>) src(%dma_wait3A_32 : memref<4x128xi32, #tpu.memory_space<hbm>>) dst(%arg12 : memref<4x128xi32, #tpu.memory_space<vmem>>)
        tpu.yield
      }) : () -> ()
      %scan3A_11 = arith.constant 0 : i32
      %scan3A_12 = arith.constant 0 : i32
      %scan3A_13 = arith.constant 2 : i32
      %scan3A_14 = arith.addi %scan3A_12, %scan3A_13 : i32
      %scan3A_15 = arith.constant 1 : i32
      scf.for %scan3A_23 = %scan3A_12 to %scan3A_14 step %scan3A_15  : i32 {
        %mul3A_24 = arith.constant 512 : i32
        %mul3A_25 = arith.muli %arg1, %mul3A_24 : i32
        %mul3A_26 = arith.constant 256 : i32
        %mul3A_27 = arith.muli %scan3A_23, %mul3A_26 : i32
        %add3A_28 = arith.addi %mul3A_25, %mul3A_27 : i32
        "tpu.region"() ({
          %run_scoped3A = tpu.sem_alloc : memref<!tpu.dma_semaphore, #tpu.memory_space<semaphore_mem>>
          %dma_start3A = arith.constant 0 : i32
          %dma_start3A_37 = tpu.memref_slice %arg2[%add3A, %add3A_28, %dma_start3A] : memref<32x8192x64xf32, #tpu.memory_space<hbm>> -> memref<1x256x64xf32, #tpu.memory_space<hbm>>
          %dma_start3A_38 = tpu.memref_squeeze %dma_start3A_37 : memref<1x256x64xf32, #tpu.memory_space<hbm>> -> memref<256x64xf32, #tpu.memory_space<hbm>>
          %dma_start3A_39 = arith.constant 0 : i32
          %dma_start3A_40 = tpu.memref_slice %arg2[%add3A, %add3A_28, %dma_start3A_39] : memref<32x8192x64xf32, #tpu.memory_space<hbm>> -> memref<1x256x64xf32, #tpu.memory_space<hbm>>
          %dma_start3A_41 = tpu.memref_squeeze %dma_start3A_40 : memref<1x256x64xf32, #tpu.memory_space<hbm>> -> memref<256x64xf32, #tpu.memory_space<hbm>>
          tpu.enqueue_dma source(%dma_start3A_41 : memref<256x64xf32, #tpu.memory_space<hbm>>) target(%arg13 : memref<256x64xf32, #tpu.memory_space<vmem>>) target_semaphore(%run_scoped3A : memref<!tpu.dma_semaphore, #tpu.memory_space<semaphore_mem>>)
          %dma_wait3A = arith.constant 0 : i32
          %dma_wait3A_42 = tpu.memref_slice %arg2[%add3A, %add3A_28, %dma_wait3A] : memref<32x8192x64xf32, #tpu.memory_space<hbm>> -> memref<1x256x64xf32, #tpu.memory_space<hbm>>
          %dma_wait3A_43 = tpu.memref_squeeze %dma_wait3A_42 : memref<1x256x64xf32, #tpu.memory_space<hbm>> -> memref<256x64xf32, #tpu.memory_space<hbm>>
          %dma_wait3A_44 = arith.constant 0 : i32
          %dma_wait3A_45 = tpu.memref_slice %arg2[%add3A, %add3A_28, %dma_wait3A_44] : memref<32x8192x64xf32, #tpu.memory_space<hbm>> -> memref<1x256x64xf32, #tpu.memory_space<hbm>>
          %dma_wait3A_46 = tpu.memref_squeeze %dma_wait3A_45 : memref<1x256x64xf32, #tpu.memory_space<hbm>> -> memref<256x64xf32, #tpu.memory_space<hbm>>
          tpu.wait_dma2 semaphore(%run_scoped3A : memref<!tpu.dma_semaphore, #tpu.memory_space<semaphore_mem>>) src(%dma_wait3A_46 : memref<256x64xf32, #tpu.memory_space<hbm>>) dst(%arg13 : memref<256x64xf32, #tpu.memory_space<vmem>>)
          tpu.yield
        }) : () -> ()
        "tpu.region"() ({
          %run_scoped3A = tpu.sem_alloc : memref<!tpu.dma_semaphore, #tpu.memory_space<semaphore_mem>>
          %dma_start3A = arith.constant 0 : i32
          %dma_start3A_37 = tpu.memref_slice %arg3[%add3A, %add3A_28, %dma_start3A] : memref<32x8192x64xf32, #tpu.memory_space<hbm>> -> memref<1x256x64xf32, #tpu.memory_space<hbm>>
          %dma_start3A_38 = tpu.memref_squeeze %dma_start3A_37 : memref<1x256x64xf32, #tpu.memory_space<hbm>> -> memref<256x64xf32, #tpu.memory_space<hbm>>
          %dma_start3A_39 = arith.constant 0 : i32
          %dma_start3A_40 = tpu.memref_slice %arg3[%add3A, %add3A_28, %dma_start3A_39] : memref<32x8192x64xf32, #tpu.memory_space<hbm>> -> memref<1x256x64xf32, #tpu.memory_space<hbm>>
          %dma_start3A_41 = tpu.memref_squeeze %dma_start3A_40 : memref<1x256x64xf32, #tpu.memory_space<hbm>> -> memref<256x64xf32, #tpu.memory_space<hbm>>
          tpu.enqueue_dma source(%dma_start3A_41 : memref<256x64xf32, #tpu.memory_space<hbm>>) target(%arg14 : memref<256x64xf32, #tpu.memory_space<vmem>>) target_semaphore(%run_scoped3A : memref<!tpu.dma_semaphore, #tpu.memory_space<semaphore_mem>>)
          %dma_wait3A = arith.constant 0 : i32
          %dma_wait3A_42 = tpu.memref_slice %arg3[%add3A, %add3A_28, %dma_wait3A] : memref<32x8192x64xf32, #tpu.memory_space<hbm>> -> memref<1x256x64xf32, #tpu.memory_space<hbm>>
          %dma_wait3A_43 = tpu.memref_squeeze %dma_wait3A_42 : memref<1x256x64xf32, #tpu.memory_space<hbm>> -> memref<256x64xf32, #tpu.memory_space<hbm>>
          %dma_wait3A_44 = arith.constant 0 : i32
          %dma_wait3A_45 = tpu.memref_slice %arg3[%add3A, %add3A_28, %dma_wait3A_44] : memref<32x8192x64xf32, #tpu.memory_space<hbm>> -> memref<1x256x64xf32, #tpu.memory_space<hbm>>
          %dma_wait3A_46 = tpu.memref_squeeze %dma_wait3A_45 : memref<1x256x64xf32, #tpu.memory_space<hbm>> -> memref<256x64xf32, #tpu.memory_space<hbm>>
          tpu.wait_dma2 semaphore(%run_scoped3A : memref<!tpu.dma_semaphore, #tpu.memory_space<semaphore_mem>>) src(%dma_wait3A_46 : memref<256x64xf32, #tpu.memory_space<hbm>>) dst(%arg14 : memref<256x64xf32, #tpu.memory_space<vmem>>)
          tpu.yield
        }) : () -> ()
        "tpu.region"() ({
          %run_scoped3A = tpu.sem_alloc : memref<!tpu.dma_semaphore, #tpu.memory_space<semaphore_mem>>
          %dma_start3A = arith.constant 0 : i32
          %dma_start3A_37 = tpu.memref_slice %arg4[%add3A, %add3A_28, %dma_start3A] : memref<32x8192x64xf32, #tpu.memory_space<hbm>> -> memref<1x256x64xf32, #tpu.memory_space<hbm>>
          %dma_start3A_38 = tpu.memref_squeeze %dma_start3A_37 : memref<1x256x64xf32, #tpu.memory_space<hbm>> -> memref<256x64xf32, #tpu.memory_space<hbm>>
          %dma_start3A_39 = arith.constant 0 : i32
          %dma_start3A_40 = tpu.memref_slice %arg4[%add3A, %add3A_28, %dma_start3A_39] : memref<32x8192x64xf32, #tpu.memory_space<hbm>> -> memref<1x256x64xf32, #tpu.memory_space<hbm>>
          %dma_start3A_41 = tpu.memref_squeeze %dma_start3A_40 : memref<1x256x64xf32, #tpu.memory_space<hbm>> -> memref<256x64xf32, #tpu.memory_space<hbm>>
          tpu.enqueue_dma source(%dma_start3A_41 : memref<256x64xf32, #tpu.memory_space<hbm>>) target(%arg15 : memref<256x64xf32, #tpu.memory_space<vmem>>) target_semaphore(%run_scoped3A : memref<!tpu.dma_semaphore, #tpu.memory_space<semaphore_mem>>)
          %dma_wait3A = arith.constant 0 : i32
          %dma_wait3A_42 = tpu.memref_slice %arg4[%add3A, %add3A_28, %dma_wait3A] : memref<32x8192x64xf32, #tpu.memory_space<hbm>> -> memref<1x256x64xf32, #tpu.memory_space<hbm>>
          %dma_wait3A_43 = tpu.memref_squeeze %dma_wait3A_42 : memref<1x256x64xf32, #tpu.memory_space<hbm>> -> memref<256x64xf32, #tpu.memory_space<hbm>>
          %dma_wait3A_44 = arith.constant 0 : i32
          %dma_wait3A_45 = tpu.memref_slice %arg4[%add3A, %add3A_28, %dma_wait3A_44] : memref<32x8192x64xf32, #tpu.memory_space<hbm>> -> memref<1x256x64xf32, #tpu.memory_space<hbm>>
          %dma_wait3A_46 = tpu.memref_squeeze %dma_wait3A_45 : memref<1x256x64xf32, #tpu.memory_space<hbm>> -> memref<256x64xf32, #tpu.memory_space<hbm>>
          tpu.wait_dma2 semaphore(%run_scoped3A : memref<!tpu.dma_semaphore, #tpu.memory_space<semaphore_mem>>) src(%dma_wait3A_46 : memref<256x64xf32, #tpu.memory_space<hbm>>) dst(%arg15 : memref<256x64xf32, #tpu.memory_space<vmem>>)
          tpu.yield
        }) : () -> ()
        %mul3A_29 = arith.constant 2 : i32
        %mul3A_30 = arith.muli %scan3A_23, %mul3A_29 : i32
        %add3A_31 = arith.constant 0 : i32
        %add3A_32 = arith.addi %mul3A_30, %add3A_31 : i32
        "tpu.region"() ({
          %run_scoped3A = tpu.sem_alloc : memref<!tpu.dma_semaphore, #tpu.memory_space<semaphore_mem>>
          %dma_start3A = arith.constant 0 : i32
          %dma_start3A_37 = arith.constant 0 : i32
          %dma_start3A_38 = tpu.memref_slice %arg13[%dma_start3A, %dma_start3A_37] : memref<256x64xf32, #tpu.memory_space<vmem>> -> memref<128x64xf32, #tpu.memory_space<vmem>>
          %dma_start3A_39 = arith.constant 0 : i32
          %dma_start3A_40 = tpu.memref_slice %arg12[%add3A_32, %dma_start3A_39] : memref<4x128xi32, #tpu.memory_space<vmem>> -> memref<1x128xi32, #tpu.memory_space<vmem>>
          %dma_start3A_41 = tpu.memref_squeeze %dma_start3A_40 : memref<1x128xi32, #tpu.memory_space<vmem>> -> memref<128xi32, #tpu.memory_space<vmem>>
          %dma_start3A_42 = arith.constant 0 : i32
          %dma_start3A_43 = arith.constant 0 : i32
          %dma_start3A_44 = tpu.memref_slice %arg17[%dma_start3A_42, %dma_start3A_43] : memref<129x64xf32, #tpu.memory_space<vmem_shared>> -> memref<129x64xf32, #tpu.memory_space<vmem_shared>>
          tpu.enqueue_indirect_dma source(%dma_start3A_38 : memref<128x64xf32, #tpu.memory_space<vmem>>) target(%dma_start3A_44 : memref<129x64xf32, #tpu.memory_space<vmem_shared>>) offsets(%dma_start3A_41 : memref<128xi32, #tpu.memory_space<vmem>>) semaphore(%run_scoped3A : memref<!tpu.dma_semaphore, #tpu.memory_space<semaphore_mem>>) {add = true}
          %dma_wait3A = arith.constant 0 : i32
          %dma_wait3A_45 = arith.constant 0 : i32
          %dma_wait3A_46 = tpu.memref_slice %arg13[%dma_wait3A, %dma_wait3A_45] : memref<256x64xf32, #tpu.memory_space<vmem>> -> memref<128x64xf32, #tpu.memory_space<vmem>>
          %dma_wait3A_47 = arith.constant 0 : i32
          %dma_wait3A_48 = tpu.memref_slice %arg12[%add3A_32, %dma_wait3A_47] : memref<4x128xi32, #tpu.memory_space<vmem>> -> memref<1x128xi32, #tpu.memory_space<vmem>>
          %dma_wait3A_49 = tpu.memref_squeeze %dma_wait3A_48 : memref<1x128xi32, #tpu.memory_space<vmem>> -> memref<128xi32, #tpu.memory_space<vmem>>
          %dma_wait3A_50 = arith.constant 0 : i32
          %dma_wait3A_51 = arith.constant 0 : i32
          %dma_wait3A_52 = tpu.memref_slice %arg17[%dma_wait3A_50, %dma_wait3A_51] : memref<129x64xf32, #tpu.memory_space<vmem_shared>> -> memref<129x64xf32, #tpu.memory_space<vmem_shared>>
          tpu.wait_indirect_dma semaphore(%run_scoped3A : memref<!tpu.dma_semaphore, #tpu.memory_space<semaphore_mem>>) src(%dma_wait3A_46 : memref<128x64xf32, #tpu.memory_space<vmem>>) dst(%dma_wait3A_52 : memref<129x64xf32, #tpu.memory_space<vmem_shared>>)
          tpu.yield
        }) : () -> ()
        "tpu.region"() ({
          %run_scoped3A = tpu.sem_alloc : memref<!tpu.dma_semaphore, #tpu.memory_space<semaphore_mem>>
          %dma_start3A = arith.constant 0 : i32
          %dma_start3A_37 = arith.constant 0 : i32
          %dma_start3A_38 = tpu.memref_slice %arg14[%dma_start3A, %dma_start3A_37] : memref<256x64xf32, #tpu.memory_space<vmem>> -> memref<128x64xf32, #tpu.memory_space<vmem>>
          %dma_start3A_39 = arith.constant 0 : i32
          %dma_start3A_40 = tpu.memref_slice %arg12[%add3A_32, %dma_start3A_39] : memref<4x128xi32, #tpu.memory_space<vmem>> -> memref<1x128xi32, #tpu.memory_space<vmem>>
          %dma_start3A_41 = tpu.memref_squeeze %dma_start3A_40 : memref<1x128xi32, #tpu.memory_space<vmem>> -> memref<128xi32, #tpu.memory_space<vmem>>
          %dma_start3A_42 = arith.constant 0 : i32
          %dma_start3A_43 = arith.constant 0 : i32
          %dma_start3A_44 = tpu.memref_slice %arg18[%dma_start3A_42, %dma_start3A_43] : memref<129x64xf32, #tpu.memory_space<vmem_shared>> -> memref<129x64xf32, #tpu.memory_space<vmem_shared>>
          tpu.enqueue_indirect_dma source(%dma_start3A_38 : memref<128x64xf32, #tpu.memory_space<vmem>>) target(%dma_start3A_44 : memref<129x64xf32, #tpu.memory_space<vmem_shared>>) offsets(%dma_start3A_41 : memref<128xi32, #tpu.memory_space<vmem>>) semaphore(%run_scoped3A : memref<!tpu.dma_semaphore, #tpu.memory_space<semaphore_mem>>) {add = true}
          %dma_wait3A = arith.constant 0 : i32
          %dma_wait3A_45 = arith.constant 0 : i32
          %dma_wait3A_46 = tpu.memref_slice %arg14[%dma_wait3A, %dma_wait3A_45] : memref<256x64xf32, #tpu.memory_space<vmem>> -> memref<128x64xf32, #tpu.memory_space<vmem>>
          %dma_wait3A_47 = arith.constant 0 : i32
          %dma_wait3A_48 = tpu.memref_slice %arg12[%add3A_32, %dma_wait3A_47] : memref<4x128xi32, #tpu.memory_space<vmem>> -> memref<1x128xi32, #tpu.memory_space<vmem>>
          %dma_wait3A_49 = tpu.memref_squeeze %dma_wait3A_48 : memref<1x128xi32, #tpu.memory_space<vmem>> -> memref<128xi32, #tpu.memory_space<vmem>>
          %dma_wait3A_50 = arith.constant 0 : i32
          %dma_wait3A_51 = arith.constant 0 : i32
          %dma_wait3A_52 = tpu.memref_slice %arg18[%dma_wait3A_50, %dma_wait3A_51] : memref<129x64xf32, #tpu.memory_space<vmem_shared>> -> memref<129x64xf32, #tpu.memory_space<vmem_shared>>
          tpu.wait_indirect_dma semaphore(%run_scoped3A : memref<!tpu.dma_semaphore, #tpu.memory_space<semaphore_mem>>) src(%dma_wait3A_46 : memref<128x64xf32, #tpu.memory_space<vmem>>) dst(%dma_wait3A_52 : memref<129x64xf32, #tpu.memory_space<vmem_shared>>)
          tpu.yield
        }) : () -> ()
        "tpu.region"() ({
          %run_scoped3A = tpu.sem_alloc : memref<!tpu.dma_semaphore, #tpu.memory_space<semaphore_mem>>
          %dma_start3A = arith.constant 0 : i32
          %dma_start3A_37 = arith.constant 0 : i32
          %dma_start3A_38 = tpu.memref_slice %arg15[%dma_start3A, %dma_start3A_37] : memref<256x64xf32, #tpu.memory_space<vmem>> -> memref<128x64xf32, #tpu.memory_space<vmem>>
          %dma_start3A_39 = arith.constant 0 : i32
          %dma_start3A_40 = tpu.memref_slice %arg12[%add3A_32, %dma_start3A_39] : memref<4x128xi32, #tpu.memory_space<vmem>> -> memref<1x128xi32, #tpu.memory_space<vmem>>
          %dma_start3A_41 = tpu.memref_squeeze %dma_start3A_40 : memref<1x128xi32, #tpu.memory_space<vmem>> -> memref<128xi32, #tpu.memory_space<vmem>>
          %dma_start3A_42 = arith.constant 0 : i32
          %dma_start3A_43 = arith.constant 0 : i32
          %dma_start3A_44 = tpu.memref_slice %arg19[%dma_start3A_42, %dma_start3A_43] : memref<129x64xf32, #tpu.memory_space<vmem_shared>> -> memref<129x64xf32, #tpu.memory_space<vmem_shared>>
          tpu.enqueue_indirect_dma source(%dma_start3A_38 : memref<128x64xf32, #tpu.memory_space<vmem>>) target(%dma_start3A_44 : memref<129x64xf32, #tpu.memory_space<vmem_shared>>) offsets(%dma_start3A_41 : memref<128xi32, #tpu.memory_space<vmem>>) semaphore(%run_scoped3A : memref<!tpu.dma_semaphore, #tpu.memory_space<semaphore_mem>>) {add = true}
          %dma_wait3A = arith.constant 0 : i32
          %dma_wait3A_45 = arith.constant 0 : i32
          %dma_wait3A_46 = tpu.memref_slice %arg15[%dma_wait3A, %dma_wait3A_45] : memref<256x64xf32, #tpu.memory_space<vmem>> -> memref<128x64xf32, #tpu.memory_space<vmem>>
          %dma_wait3A_47 = arith.constant 0 : i32
          %dma_wait3A_48 = tpu.memref_slice %arg12[%add3A_32, %dma_wait3A_47] : memref<4x128xi32, #tpu.memory_space<vmem>> -> memref<1x128xi32, #tpu.memory_space<vmem>>
          %dma_wait3A_49 = tpu.memref_squeeze %dma_wait3A_48 : memref<1x128xi32, #tpu.memory_space<vmem>> -> memref<128xi32, #tpu.memory_space<vmem>>
          %dma_wait3A_50 = arith.constant 0 : i32
          %dma_wait3A_51 = arith.constant 0 : i32
          %dma_wait3A_52 = tpu.memref_slice %arg19[%dma_wait3A_50, %dma_wait3A_51] : memref<129x64xf32, #tpu.memory_space<vmem_shared>> -> memref<129x64xf32, #tpu.memory_space<vmem_shared>>
          tpu.wait_indirect_dma semaphore(%run_scoped3A : memref<!tpu.dma_semaphore, #tpu.memory_space<semaphore_mem>>) src(%dma_wait3A_46 : memref<128x64xf32, #tpu.memory_space<vmem>>) dst(%dma_wait3A_52 : memref<129x64xf32, #tpu.memory_space<vmem_shared>>)
          tpu.yield
        }) : () -> ()
        "tpu.region"() ({
          %run_scoped3A = tpu.sem_alloc : memref<!tpu.dma_semaphore, #tpu.memory_space<semaphore_mem>>
          %dma_start3A = arith.constant 0 : i32
          %dma_start3A_37 = tpu.memref_slice %arg12[%add3A_32, %dma_start3A] : memref<4x128xi32, #tpu.memory_space<vmem>> -> memref<1x128xi32, #tpu.memory_space<vmem>>
          %dma_start3A_38 = tpu.memref_squeeze %dma_start3A_37 : memref<1x128xi32, #tpu.memory_space<vmem>> -> memref<128xi32, #tpu.memory_space<vmem>>
          %dma_start3A_39 = arith.constant 0 : i32
          %dma_start3A_40 = arith.constant 0 : i32
          %dma_start3A_41 = tpu.memref_slice %arg20[%dma_start3A_39, %dma_start3A_40] : memref<129x64xf32, #tpu.memory_space<vmem_shared>> -> memref<129x64xf32, #tpu.memory_space<vmem_shared>>
          tpu.enqueue_indirect_dma source(%arg16 : memref<128x64xf32, #tpu.memory_space<vmem>>) target(%dma_start3A_41 : memref<129x64xf32, #tpu.memory_space<vmem_shared>>) offsets(%dma_start3A_38 : memref<128xi32, #tpu.memory_space<vmem>>) semaphore(%run_scoped3A : memref<!tpu.dma_semaphore, #tpu.memory_space<semaphore_mem>>) {add = true}
          %dma_wait3A = arith.constant 0 : i32
          %dma_wait3A_42 = tpu.memref_slice %arg12[%add3A_32, %dma_wait3A] : memref<4x128xi32, #tpu.memory_space<vmem>> -> memref<1x128xi32, #tpu.memory_space<vmem>>
          %dma_wait3A_43 = tpu.memref_squeeze %dma_wait3A_42 : memref<1x128xi32, #tpu.memory_space<vmem>> -> memref<128xi32, #tpu.memory_space<vmem>>
          %dma_wait3A_44 = arith.constant 0 : i32
          %dma_wait3A_45 = arith.constant 0 : i32
          %dma_wait3A_46 = tpu.memref_slice %arg20[%dma_wait3A_44, %dma_wait3A_45] : memref<129x64xf32, #tpu.memory_space<vmem_shared>> -> memref<129x64xf32, #tpu.memory_space<vmem_shared>>
          tpu.wait_indirect_dma semaphore(%run_scoped3A : memref<!tpu.dma_semaphore, #tpu.memory_space<semaphore_mem>>) src(%arg16 : memref<128x64xf32, #tpu.memory_space<vmem>>) dst(%dma_wait3A_46 : memref<129x64xf32, #tpu.memory_space<vmem_shared>>)
          tpu.yield
        }) : () -> ()
        %mul3A_33 = arith.constant 2 : i32
        %mul3A_34 = arith.muli %scan3A_23, %mul3A_33 : i32
        %add3A_35 = arith.constant 1 : i32
        %add3A_36 = arith.addi %mul3A_34, %add3A_35 : i32
        "tpu.region"() ({
          %run_scoped3A = tpu.sem_alloc : memref<!tpu.dma_semaphore, #tpu.memory_space<semaphore_mem>>
          %dma_start3A = arith.constant 128 : i32
          %dma_start3A_37 = arith.constant 0 : i32
          %dma_start3A_38 = tpu.memref_slice %arg13[%dma_start3A, %dma_start3A_37] : memref<256x64xf32, #tpu.memory_space<vmem>> -> memref<128x64xf32, #tpu.memory_space<vmem>>
          %dma_start3A_39 = arith.constant 0 : i32
          %dma_start3A_40 = tpu.memref_slice %arg12[%add3A_36, %dma_start3A_39] : memref<4x128xi32, #tpu.memory_space<vmem>> -> memref<1x128xi32, #tpu.memory_space<vmem>>
          %dma_start3A_41 = tpu.memref_squeeze %dma_start3A_40 : memref<1x128xi32, #tpu.memory_space<vmem>> -> memref<128xi32, #tpu.memory_space<vmem>>
          %dma_start3A_42 = arith.constant 0 : i32
          %dma_start3A_43 = arith.constant 0 : i32
          %dma_start3A_44 = tpu.memref_slice %arg17[%dma_start3A_42, %dma_start3A_43] : memref<129x64xf32, #tpu.memory_space<vmem_shared>> -> memref<129x64xf32, #tpu.memory_space<vmem_shared>>
          tpu.enqueue_indirect_dma source(%dma_start3A_38 : memref<128x64xf32, #tpu.memory_space<vmem>>) target(%dma_start3A_44 : memref<129x64xf32, #tpu.memory_space<vmem_shared>>) offsets(%dma_start3A_41 : memref<128xi32, #tpu.memory_space<vmem>>) semaphore(%run_scoped3A : memref<!tpu.dma_semaphore, #tpu.memory_space<semaphore_mem>>) {add = true}
          %dma_wait3A = arith.constant 128 : i32
          %dma_wait3A_45 = arith.constant 0 : i32
          %dma_wait3A_46 = tpu.memref_slice %arg13[%dma_wait3A, %dma_wait3A_45] : memref<256x64xf32, #tpu.memory_space<vmem>> -> memref<128x64xf32, #tpu.memory_space<vmem>>
          %dma_wait3A_47 = arith.constant 0 : i32
          %dma_wait3A_48 = tpu.memref_slice %arg12[%add3A_36, %dma_wait3A_47] : memref<4x128xi32, #tpu.memory_space<vmem>> -> memref<1x128xi32, #tpu.memory_space<vmem>>
          %dma_wait3A_49 = tpu.memref_squeeze %dma_wait3A_48 : memref<1x128xi32, #tpu.memory_space<vmem>> -> memref<128xi32, #tpu.memory_space<vmem>>
          %dma_wait3A_50 = arith.constant 0 : i32
          %dma_wait3A_51 = arith.constant 0 : i32
          %dma_wait3A_52 = tpu.memref_slice %arg17[%dma_wait3A_50, %dma_wait3A_51] : memref<129x64xf32, #tpu.memory_space<vmem_shared>> -> memref<129x64xf32, #tpu.memory_space<vmem_shared>>
          tpu.wait_indirect_dma semaphore(%run_scoped3A : memref<!tpu.dma_semaphore, #tpu.memory_space<semaphore_mem>>) src(%dma_wait3A_46 : memref<128x64xf32, #tpu.memory_space<vmem>>) dst(%dma_wait3A_52 : memref<129x64xf32, #tpu.memory_space<vmem_shared>>)
          tpu.yield
        }) : () -> ()
        "tpu.region"() ({
          %run_scoped3A = tpu.sem_alloc : memref<!tpu.dma_semaphore, #tpu.memory_space<semaphore_mem>>
          %dma_start3A = arith.constant 128 : i32
          %dma_start3A_37 = arith.constant 0 : i32
          %dma_start3A_38 = tpu.memref_slice %arg14[%dma_start3A, %dma_start3A_37] : memref<256x64xf32, #tpu.memory_space<vmem>> -> memref<128x64xf32, #tpu.memory_space<vmem>>
          %dma_start3A_39 = arith.constant 0 : i32
          %dma_start3A_40 = tpu.memref_slice %arg12[%add3A_36, %dma_start3A_39] : memref<4x128xi32, #tpu.memory_space<vmem>> -> memref<1x128xi32, #tpu.memory_space<vmem>>
          %dma_start3A_41 = tpu.memref_squeeze %dma_start3A_40 : memref<1x128xi32, #tpu.memory_space<vmem>> -> memref<128xi32, #tpu.memory_space<vmem>>
          %dma_start3A_42 = arith.constant 0 : i32
          %dma_start3A_43 = arith.constant 0 : i32
          %dma_start3A_44 = tpu.memref_slice %arg18[%dma_start3A_42, %dma_start3A_43] : memref<129x64xf32, #tpu.memory_space<vmem_shared>> -> memref<129x64xf32, #tpu.memory_space<vmem_shared>>
          tpu.enqueue_indirect_dma source(%dma_start3A_38 : memref<128x64xf32, #tpu.memory_space<vmem>>) target(%dma_start3A_44 : memref<129x64xf32, #tpu.memory_space<vmem_shared>>) offsets(%dma_start3A_41 : memref<128xi32, #tpu.memory_space<vmem>>) semaphore(%run_scoped3A : memref<!tpu.dma_semaphore, #tpu.memory_space<semaphore_mem>>) {add = true}
          %dma_wait3A = arith.constant 128 : i32
          %dma_wait3A_45 = arith.constant 0 : i32
          %dma_wait3A_46 = tpu.memref_slice %arg14[%dma_wait3A, %dma_wait3A_45] : memref<256x64xf32, #tpu.memory_space<vmem>> -> memref<128x64xf32, #tpu.memory_space<vmem>>
          %dma_wait3A_47 = arith.constant 0 : i32
          %dma_wait3A_48 = tpu.memref_slice %arg12[%add3A_36, %dma_wait3A_47] : memref<4x128xi32, #tpu.memory_space<vmem>> -> memref<1x128xi32, #tpu.memory_space<vmem>>
          %dma_wait3A_49 = tpu.memref_squeeze %dma_wait3A_48 : memref<1x128xi32, #tpu.memory_space<vmem>> -> memref<128xi32, #tpu.memory_space<vmem>>
          %dma_wait3A_50 = arith.constant 0 : i32
          %dma_wait3A_51 = arith.constant 0 : i32
          %dma_wait3A_52 = tpu.memref_slice %arg18[%dma_wait3A_50, %dma_wait3A_51] : memref<129x64xf32, #tpu.memory_space<vmem_shared>> -> memref<129x64xf32, #tpu.memory_space<vmem_shared>>
          tpu.wait_indirect_dma semaphore(%run_scoped3A : memref<!tpu.dma_semaphore, #tpu.memory_space<semaphore_mem>>) src(%dma_wait3A_46 : memref<128x64xf32, #tpu.memory_space<vmem>>) dst(%dma_wait3A_52 : memref<129x64xf32, #tpu.memory_space<vmem_shared>>)
          tpu.yield
        }) : () -> ()
        "tpu.region"() ({
          %run_scoped3A = tpu.sem_alloc : memref<!tpu.dma_semaphore, #tpu.memory_space<semaphore_mem>>
          %dma_start3A = arith.constant 128 : i32
          %dma_start3A_37 = arith.constant 0 : i32
          %dma_start3A_38 = tpu.memref_slice %arg15[%dma_start3A, %dma_start3A_37] : memref<256x64xf32, #tpu.memory_space<vmem>> -> memref<128x64xf32, #tpu.memory_space<vmem>>
          %dma_start3A_39 = arith.constant 0 : i32
          %dma_start3A_40 = tpu.memref_slice %arg12[%add3A_36, %dma_start3A_39] : memref<4x128xi32, #tpu.memory_space<vmem>> -> memref<1x128xi32, #tpu.memory_space<vmem>>
          %dma_start3A_41 = tpu.memref_squeeze %dma_start3A_40 : memref<1x128xi32, #tpu.memory_space<vmem>> -> memref<128xi32, #tpu.memory_space<vmem>>
          %dma_start3A_42 = arith.constant 0 : i32
          %dma_start3A_43 = arith.constant 0 : i32
          %dma_start3A_44 = tpu.memref_slice %arg19[%dma_start3A_42, %dma_start3A_43] : memref<129x64xf32, #tpu.memory_space<vmem_shared>> -> memref<129x64xf32, #tpu.memory_space<vmem_shared>>
          tpu.enqueue_indirect_dma source(%dma_start3A_38 : memref<128x64xf32, #tpu.memory_space<vmem>>) target(%dma_start3A_44 : memref<129x64xf32, #tpu.memory_space<vmem_shared>>) offsets(%dma_start3A_41 : memref<128xi32, #tpu.memory_space<vmem>>) semaphore(%run_scoped3A : memref<!tpu.dma_semaphore, #tpu.memory_space<semaphore_mem>>) {add = true}
          %dma_wait3A = arith.constant 128 : i32
          %dma_wait3A_45 = arith.constant 0 : i32
          %dma_wait3A_46 = tpu.memref_slice %arg15[%dma_wait3A, %dma_wait3A_45] : memref<256x64xf32, #tpu.memory_space<vmem>> -> memref<128x64xf32, #tpu.memory_space<vmem>>
          %dma_wait3A_47 = arith.constant 0 : i32
          %dma_wait3A_48 = tpu.memref_slice %arg12[%add3A_36, %dma_wait3A_47] : memref<4x128xi32, #tpu.memory_space<vmem>> -> memref<1x128xi32, #tpu.memory_space<vmem>>
          %dma_wait3A_49 = tpu.memref_squeeze %dma_wait3A_48 : memref<1x128xi32, #tpu.memory_space<vmem>> -> memref<128xi32, #tpu.memory_space<vmem>>
          %dma_wait3A_50 = arith.constant 0 : i32
          %dma_wait3A_51 = arith.constant 0 : i32
          %dma_wait3A_52 = tpu.memref_slice %arg19[%dma_wait3A_50, %dma_wait3A_51] : memref<129x64xf32, #tpu.memory_space<vmem_shared>> -> memref<129x64xf32, #tpu.memory_space<vmem_shared>>
          tpu.wait_indirect_dma semaphore(%run_scoped3A : memref<!tpu.dma_semaphore, #tpu.memory_space<semaphore_mem>>) src(%dma_wait3A_46 : memref<128x64xf32, #tpu.memory_space<vmem>>) dst(%dma_wait3A_52 : memref<129x64xf32, #tpu.memory_space<vmem_shared>>)
          tpu.yield
        }) : () -> ()
        "tpu.region"() ({
          %run_scoped3A = tpu.sem_alloc : memref<!tpu.dma_semaphore, #tpu.memory_space<semaphore_mem>>
          %dma_start3A = arith.constant 0 : i32
          %dma_start3A_37 = tpu.memref_slice %arg12[%add3A_36, %dma_start3A] : memref<4x128xi32, #tpu.memory_space<vmem>> -> memref<1x128xi32, #tpu.memory_space<vmem>>
          %dma_start3A_38 = tpu.memref_squeeze %dma_start3A_37 : memref<1x128xi32, #tpu.memory_space<vmem>> -> memref<128xi32, #tpu.memory_space<vmem>>
          %dma_start3A_39 = arith.constant 0 : i32
          %dma_start3A_40 = arith.constant 0 : i32
          %dma_start3A_41 = tpu.memref_slice %arg20[%dma_start3A_39, %dma_start3A_40] : memref<129x64xf32, #tpu.memory_space<vmem_shared>> -> memref<129x64xf32, #tpu.memory_space<vmem_shared>>
          tpu.enqueue_indirect_dma source(%arg16 : memref<128x64xf32, #tpu.memory_space<vmem>>) target(%dma_start3A_41 : memref<129x64xf32, #tpu.memory_space<vmem_shared>>) offsets(%dma_start3A_38 : memref<128xi32, #tpu.memory_space<vmem>>) semaphore(%run_scoped3A : memref<!tpu.dma_semaphore, #tpu.memory_space<semaphore_mem>>) {add = true}
          %dma_wait3A = arith.constant 0 : i32
          %dma_wait3A_42 = tpu.memref_slice %arg12[%add3A_36, %dma_wait3A] : memref<4x128xi32, #tpu.memory_space<vmem>> -> memref<1x128xi32, #tpu.memory_space<vmem>>
          %dma_wait3A_43 = tpu.memref_squeeze %dma_wait3A_42 : memref<1x128xi32, #tpu.memory_space<vmem>> -> memref<128xi32, #tpu.memory_space<vmem>>
          %dma_wait3A_44 = arith.constant 0 : i32
          %dma_wait3A_45 = arith.constant 0 : i32
          %dma_wait3A_46 = tpu.memref_slice %arg20[%dma_wait3A_44, %dma_wait3A_45] : memref<129x64xf32, #tpu.memory_space<vmem_shared>> -> memref<129x64xf32, #tpu.memory_space<vmem_shared>>
          tpu.wait_indirect_dma semaphore(%run_scoped3A : memref<!tpu.dma_semaphore, #tpu.memory_space<semaphore_mem>>) src(%arg16 : memref<128x64xf32, #tpu.memory_space<vmem>>) dst(%dma_wait3A_46 : memref<129x64xf32, #tpu.memory_space<vmem_shared>>)
          tpu.yield
        }) : () -> ()
      }
      %scan3A_16 = arith.constant 2 : i32
      %barrier3A_17 = arith.constant 0 : index
      tpu.barrier barrier_id(%barrier3A_17)
      %eq3A_18 = arith.constant 0 : i32
      %eq3A_19 = arith.cmpi eq, %arg1, %eq3A_18 : i32
      %convert_element_type3A_20 = arith.extui %eq3A_19 : i1 to i32
      %cond3A_21 = arith.constant 0 : i32
      %cond3A_22 = arith.cmpi ne, %convert_element_type3A_20, %cond3A_21 : i32
      scf.if %cond3A_22 {
        "tpu.region"() ({
          %run_scoped3A = tpu.sem_alloc : memref<!tpu.dma_semaphore, #tpu.memory_space<semaphore_mem>>
          %dma_start3A = arith.constant 0 : i32
          %dma_start3A_23 = arith.constant 0 : i32
          %dma_start3A_24 = tpu.memref_slice %arg8[%add3A, %dma_start3A, %dma_start3A_23] : memref<32x129x64xf32, #tpu.memory_space<hbm>> -> memref<1x129x64xf32, #tpu.memory_space<hbm>>
          %dma_start3A_25 = tpu.memref_squeeze %dma_start3A_24 : memref<1x129x64xf32, #tpu.memory_space<hbm>> -> memref<129x64xf32, #tpu.memory_space<hbm>>
          tpu.enqueue_dma source(%arg17 : memref<129x64xf32, #tpu.memory_space<vmem_shared>>) target(%dma_start3A_25 : memref<129x64xf32, #tpu.memory_space<hbm>>) target_semaphore(%run_scoped3A : memref<!tpu.dma_semaphore, #tpu.memory_space<semaphore_mem>>)
          %dma_wait3A = arith.constant 0 : i32
          %dma_wait3A_26 = arith.constant 0 : i32
          %dma_wait3A_27 = tpu.memref_slice %arg8[%add3A, %dma_wait3A, %dma_wait3A_26] : memref<32x129x64xf32, #tpu.memory_space<hbm>> -> memref<1x129x64xf32, #tpu.memory_space<hbm>>
          %dma_wait3A_28 = tpu.memref_squeeze %dma_wait3A_27 : memref<1x129x64xf32, #tpu.memory_space<hbm>> -> memref<129x64xf32, #tpu.memory_space<hbm>>
          tpu.wait_dma2 semaphore(%run_scoped3A : memref<!tpu.dma_semaphore, #tpu.memory_space<semaphore_mem>>) src(%arg17 : memref<129x64xf32, #tpu.memory_space<vmem_shared>>) dst(%dma_wait3A_28 : memref<129x64xf32, #tpu.memory_space<hbm>>)
          tpu.yield
        }) : () -> ()
        "tpu.region"() ({
          %run_scoped3A = tpu.sem_alloc : memref<!tpu.dma_semaphore, #tpu.memory_space<semaphore_mem>>
          %dma_start3A = arith.constant 0 : i32
          %dma_start3A_23 = arith.constant 0 : i32
          %dma_start3A_24 = tpu.memref_slice %arg9[%add3A, %dma_start3A, %dma_start3A_23] : memref<32x129x64xf32, #tpu.memory_space<hbm>> -> memref<1x129x64xf32, #tpu.memory_space<hbm>>
          %dma_start3A_25 = tpu.memref_squeeze %dma_start3A_24 : memref<1x129x64xf32, #tpu.memory_space<hbm>> -> memref<129x64xf32, #tpu.memory_space<hbm>>
          tpu.enqueue_dma source(%arg18 : memref<129x64xf32, #tpu.memory_space<vmem_shared>>) target(%dma_start3A_25 : memref<129x64xf32, #tpu.memory_space<hbm>>) target_semaphore(%run_scoped3A : memref<!tpu.dma_semaphore, #tpu.memory_space<semaphore_mem>>)
          %dma_wait3A = arith.constant 0 : i32
          %dma_wait3A_26 = arith.constant 0 : i32
          %dma_wait3A_27 = tpu.memref_slice %arg9[%add3A, %dma_wait3A, %dma_wait3A_26] : memref<32x129x64xf32, #tpu.memory_space<hbm>> -> memref<1x129x64xf32, #tpu.memory_space<hbm>>
          %dma_wait3A_28 = tpu.memref_squeeze %dma_wait3A_27 : memref<1x129x64xf32, #tpu.memory_space<hbm>> -> memref<129x64xf32, #tpu.memory_space<hbm>>
          tpu.wait_dma2 semaphore(%run_scoped3A : memref<!tpu.dma_semaphore, #tpu.memory_space<semaphore_mem>>) src(%arg18 : memref<129x64xf32, #tpu.memory_space<vmem_shared>>) dst(%dma_wait3A_28 : memref<129x64xf32, #tpu.memory_space<hbm>>)
          tpu.yield
        }) : () -> ()
        "tpu.region"() ({
          %run_scoped3A = tpu.sem_alloc : memref<!tpu.dma_semaphore, #tpu.memory_space<semaphore_mem>>
          %dma_start3A = arith.constant 0 : i32
          %dma_start3A_23 = arith.constant 0 : i32
          %dma_start3A_24 = tpu.memref_slice %arg10[%add3A, %dma_start3A, %dma_start3A_23] : memref<32x129x64xf32, #tpu.memory_space<hbm>> -> memref<1x129x64xf32, #tpu.memory_space<hbm>>
          %dma_start3A_25 = tpu.memref_squeeze %dma_start3A_24 : memref<1x129x64xf32, #tpu.memory_space<hbm>> -> memref<129x64xf32, #tpu.memory_space<hbm>>
          tpu.enqueue_dma source(%arg19 : memref<129x64xf32, #tpu.memory_space<vmem_shared>>) target(%dma_start3A_25 : memref<129x64xf32, #tpu.memory_space<hbm>>) target_semaphore(%run_scoped3A : memref<!tpu.dma_semaphore, #tpu.memory_space<semaphore_mem>>)
          %dma_wait3A = arith.constant 0 : i32
          %dma_wait3A_26 = arith.constant 0 : i32
          %dma_wait3A_27 = tpu.memref_slice %arg10[%add3A, %dma_wait3A, %dma_wait3A_26] : memref<32x129x64xf32, #tpu.memory_space<hbm>> -> memref<1x129x64xf32, #tpu.memory_space<hbm>>
          %dma_wait3A_28 = tpu.memref_squeeze %dma_wait3A_27 : memref<1x129x64xf32, #tpu.memory_space<hbm>> -> memref<129x64xf32, #tpu.memory_space<hbm>>
          tpu.wait_dma2 semaphore(%run_scoped3A : memref<!tpu.dma_semaphore, #tpu.memory_space<semaphore_mem>>) src(%arg19 : memref<129x64xf32, #tpu.memory_space<vmem_shared>>) dst(%dma_wait3A_28 : memref<129x64xf32, #tpu.memory_space<hbm>>)
          tpu.yield
        }) : () -> ()
        "tpu.region"() ({
          %run_scoped3A = tpu.sem_alloc : memref<!tpu.dma_semaphore, #tpu.memory_space<semaphore_mem>>
          %dma_start3A = arith.constant 0 : i32
          %dma_start3A_23 = arith.constant 0 : i32
          %dma_start3A_24 = tpu.memref_slice %arg11[%add3A, %dma_start3A, %dma_start3A_23] : memref<32x129x64xf32, #tpu.memory_space<hbm>> -> memref<1x129x64xf32, #tpu.memory_space<hbm>>
          %dma_start3A_25 = tpu.memref_squeeze %dma_start3A_24 : memref<1x129x64xf32, #tpu.memory_space<hbm>> -> memref<129x64xf32, #tpu.memory_space<hbm>>
          tpu.enqueue_dma source(%arg20 : memref<129x64xf32, #tpu.memory_space<vmem_shared>>) target(%dma_start3A_25 : memref<129x64xf32, #tpu.memory_space<hbm>>) target_semaphore(%run_scoped3A : memref<!tpu.dma_semaphore, #tpu.memory_space<semaphore_mem>>)
          %dma_wait3A = arith.constant 0 : i32
          %dma_wait3A_26 = arith.constant 0 : i32
          %dma_wait3A_27 = tpu.memref_slice %arg11[%add3A, %dma_wait3A, %dma_wait3A_26] : memref<32x129x64xf32, #tpu.memory_space<hbm>> -> memref<1x129x64xf32, #tpu.memory_space<hbm>>
          %dma_wait3A_28 = tpu.memref_squeeze %dma_wait3A_27 : memref<1x129x64xf32, #tpu.memory_space<hbm>> -> memref<129x64xf32, #tpu.memory_space<hbm>>
          tpu.wait_dma2 semaphore(%run_scoped3A : memref<!tpu.dma_semaphore, #tpu.memory_space<semaphore_mem>>) src(%arg20 : memref<129x64xf32, #tpu.memory_space<vmem_shared>>) dst(%dma_wait3A_28 : memref<129x64xf32, #tpu.memory_space<hbm>>)
          tpu.yield
        }) : () -> ()
      } else {
      }
    }
    %scan3A_4 = arith.constant 16 : i32
    return
  }
}

#map = affine_map<(d0, d1) -> (0, 0)>
#map1 = affine_map<(d0, d1) -> (0, 0, 0)>
module attributes {stable_mosaic.version = 14 : i64} {
  func.func @_bcast_gather(%arg0: i32, %arg1: i32, %arg2: memref<4128x64xf32, #tpu.memory_space<hbm>>, %arg3: memref<32x64x128xi32, #tpu.memory_space<hbm>>, %arg4: memref<32x8192x64xf32, #tpu.memory_space<hbm>>, %arg5: memref<4x128xi32, #tpu.memory_space<vmem>>, %arg6: memref<512x64xf32, #tpu.memory_space<vmem>>, %arg7: memref<!tpu.dma_semaphore, #tpu.memory_space<semaphore_mem>>) attributes {dimension_semantics = [#tpu.dimension_semantics<core_parallel>, #tpu.dimension_semantics<subcore_parallel>], iteration_bounds = array<i64: 2, 16>, scalar_prefetch = 0 : i64, scratch_operands = 3 : i64, tpu.core_type = #tpu.core_type<sc_vector_subcore>, window_params = [{transform_indices = #map}, {transform_indices = #map1}, {transform_indices = #map1}]} {
    %mul3A = arith.constant 2 : i32
    %mul3A_0 = arith.muli %arg1, %mul3A : i32
    %add3A = arith.addi %mul3A_0, %arg0 : i32
    %scan3A = arith.constant 0 : i32
    %scan3A_1 = arith.constant 0 : i32
    %scan3A_2 = arith.constant 16 : i32
    %scan3A_3 = arith.addi %scan3A_1, %scan3A_2 : i32
    %scan3A_4 = arith.constant 1 : i32
    scf.for %scan3A_6 = %scan3A_1 to %scan3A_3 step %scan3A_4  : i32 {
      %mul3A_7 = arith.constant 4 : i32
      %mul3A_8 = arith.muli %scan3A_6, %mul3A_7 : i32
      "tpu.region"() ({
        %run_scoped3A = tpu.sem_alloc : memref<!tpu.dma_semaphore, #tpu.memory_space<semaphore_mem>>
        %dma_start3A_89 = arith.constant 0 : i32
        %dma_start3A_90 = tpu.memref_slice %arg3[%add3A, %mul3A_8, %dma_start3A_89] : memref<32x64x128xi32, #tpu.memory_space<hbm>> -> memref<1x4x128xi32, #tpu.memory_space<hbm>>
        %dma_start3A_91 = tpu.memref_squeeze %dma_start3A_90 : memref<1x4x128xi32, #tpu.memory_space<hbm>> -> memref<4x128xi32, #tpu.memory_space<hbm>>
        %dma_start3A_92 = arith.constant 0 : i32
        %dma_start3A_93 = tpu.memref_slice %arg3[%add3A, %mul3A_8, %dma_start3A_92] : memref<32x64x128xi32, #tpu.memory_space<hbm>> -> memref<1x4x128xi32, #tpu.memory_space<hbm>>
        %dma_start3A_94 = tpu.memref_squeeze %dma_start3A_93 : memref<1x4x128xi32, #tpu.memory_space<hbm>> -> memref<4x128xi32, #tpu.memory_space<hbm>>
        tpu.enqueue_dma source(%dma_start3A_94 : memref<4x128xi32, #tpu.memory_space<hbm>>) target(%arg5 : memref<4x128xi32, #tpu.memory_space<vmem>>) target_semaphore(%run_scoped3A : memref<!tpu.dma_semaphore, #tpu.memory_space<semaphore_mem>>)
        %dma_wait3A_95 = arith.constant 0 : i32
        %dma_wait3A_96 = tpu.memref_slice %arg3[%add3A, %mul3A_8, %dma_wait3A_95] : memref<32x64x128xi32, #tpu.memory_space<hbm>> -> memref<1x4x128xi32, #tpu.memory_space<hbm>>
        %dma_wait3A_97 = tpu.memref_squeeze %dma_wait3A_96 : memref<1x4x128xi32, #tpu.memory_space<hbm>> -> memref<4x128xi32, #tpu.memory_space<hbm>>
        %dma_wait3A_98 = arith.constant 0 : i32
        %dma_wait3A_99 = tpu.memref_slice %arg3[%add3A, %mul3A_8, %dma_wait3A_98] : memref<32x64x128xi32, #tpu.memory_space<hbm>> -> memref<1x4x128xi32, #tpu.memory_space<hbm>>
        %dma_wait3A_100 = tpu.memref_squeeze %dma_wait3A_99 : memref<1x4x128xi32, #tpu.memory_space<hbm>> -> memref<4x128xi32, #tpu.memory_space<hbm>>
        tpu.wait_dma2 semaphore(%run_scoped3A : memref<!tpu.dma_semaphore, #tpu.memory_space<semaphore_mem>>) src(%dma_wait3A_100 : memref<4x128xi32, #tpu.memory_space<hbm>>) dst(%arg5 : memref<4x128xi32, #tpu.memory_space<vmem>>)
        tpu.yield
      }) : () -> ()
      %dma_start3A = arith.constant 0 : i32
      %dma_start3A_9 = arith.constant 0 : i32
      %dma_start3A_10 = arith.constant 0 : i32
      %dma_start3A_11 = tpu.memref_slice %arg6[%dma_start3A_9, %dma_start3A_10] : memref<512x64xf32, #tpu.memory_space<vmem>> -> memref<128x64xf32, #tpu.memory_space<vmem>>
      %dma_start3A_12 = arith.constant 0 : i32
      %dma_start3A_13 = tpu.memref_slice %arg5[%dma_start3A, %dma_start3A_12] : memref<4x128xi32, #tpu.memory_space<vmem>> -> memref<1x128xi32, #tpu.memory_space<vmem>>
      %dma_start3A_14 = tpu.memref_squeeze %dma_start3A_13 : memref<1x128xi32, #tpu.memory_space<vmem>> -> memref<128xi32, #tpu.memory_space<vmem>>
      %dma_start3A_15 = arith.constant 0 : i32
      %dma_start3A_16 = arith.constant 0 : i32
      %dma_start3A_17 = tpu.memref_slice %arg2[%dma_start3A_15, %dma_start3A_16] : memref<4128x64xf32, #tpu.memory_space<hbm>> -> memref<4128x64xf32, #tpu.memory_space<hbm>>
      tpu.enqueue_indirect_dma source(%dma_start3A_17 : memref<4128x64xf32, #tpu.memory_space<hbm>>) target(%dma_start3A_11 : memref<128x64xf32, #tpu.memory_space<vmem>>) offsets(%dma_start3A_14 : memref<128xi32, #tpu.memory_space<vmem>>) semaphore(%arg7 : memref<!tpu.dma_semaphore, #tpu.memory_space<semaphore_mem>>)
      %dma_wait3A = arith.constant 0 : i32
      %dma_wait3A_18 = arith.constant 0 : i32
      %dma_wait3A_19 = arith.constant 0 : i32
      %dma_wait3A_20 = tpu.memref_slice %arg6[%dma_wait3A_18, %dma_wait3A_19] : memref<512x64xf32, #tpu.memory_space<vmem>> -> memref<128x64xf32, #tpu.memory_space<vmem>>
      %dma_wait3A_21 = arith.constant 0 : i32
      %dma_wait3A_22 = tpu.memref_slice %arg5[%dma_wait3A, %dma_wait3A_21] : memref<4x128xi32, #tpu.memory_space<vmem>> -> memref<1x128xi32, #tpu.memory_space<vmem>>
      %dma_wait3A_23 = tpu.memref_squeeze %dma_wait3A_22 : memref<1x128xi32, #tpu.memory_space<vmem>> -> memref<128xi32, #tpu.memory_space<vmem>>
      %dma_wait3A_24 = arith.constant 0 : i32
      %dma_wait3A_25 = arith.constant 0 : i32
      %dma_wait3A_26 = tpu.memref_slice %arg2[%dma_wait3A_24, %dma_wait3A_25] : memref<4128x64xf32, #tpu.memory_space<hbm>> -> memref<4128x64xf32, #tpu.memory_space<hbm>>
      tpu.wait_indirect_dma semaphore(%arg7 : memref<!tpu.dma_semaphore, #tpu.memory_space<semaphore_mem>>) src(%dma_wait3A_26 : memref<4128x64xf32, #tpu.memory_space<hbm>>) dst(%dma_wait3A_20 : memref<128x64xf32, #tpu.memory_space<vmem>>)
      %dma_start3A_27 = arith.constant 1 : i32
      %dma_start3A_28 = arith.constant 128 : i32
      %dma_start3A_29 = arith.constant 0 : i32
      %dma_start3A_30 = tpu.memref_slice %arg6[%dma_start3A_28, %dma_start3A_29] : memref<512x64xf32, #tpu.memory_space<vmem>> -> memref<128x64xf32, #tpu.memory_space<vmem>>
      %dma_start3A_31 = arith.constant 0 : i32
      %dma_start3A_32 = tpu.memref_slice %arg5[%dma_start3A_27, %dma_start3A_31] : memref<4x128xi32, #tpu.memory_space<vmem>> -> memref<1x128xi32, #tpu.memory_space<vmem>>
      %dma_start3A_33 = tpu.memref_squeeze %dma_start3A_32 : memref<1x128xi32, #tpu.memory_space<vmem>> -> memref<128xi32, #tpu.memory_space<vmem>>
      %dma_start3A_34 = arith.constant 0 : i32
      %dma_start3A_35 = arith.constant 0 : i32
      %dma_start3A_36 = tpu.memref_slice %arg2[%dma_start3A_34, %dma_start3A_35] : memref<4128x64xf32, #tpu.memory_space<hbm>> -> memref<4128x64xf32, #tpu.memory_space<hbm>>
      tpu.enqueue_indirect_dma source(%dma_start3A_36 : memref<4128x64xf32, #tpu.memory_space<hbm>>) target(%dma_start3A_30 : memref<128x64xf32, #tpu.memory_space<vmem>>) offsets(%dma_start3A_33 : memref<128xi32, #tpu.memory_space<vmem>>) semaphore(%arg7 : memref<!tpu.dma_semaphore, #tpu.memory_space<semaphore_mem>>)
      %dma_wait3A_37 = arith.constant 1 : i32
      %dma_wait3A_38 = arith.constant 128 : i32
      %dma_wait3A_39 = arith.constant 0 : i32
      %dma_wait3A_40 = tpu.memref_slice %arg6[%dma_wait3A_38, %dma_wait3A_39] : memref<512x64xf32, #tpu.memory_space<vmem>> -> memref<128x64xf32, #tpu.memory_space<vmem>>
      %dma_wait3A_41 = arith.constant 0 : i32
      %dma_wait3A_42 = tpu.memref_slice %arg5[%dma_wait3A_37, %dma_wait3A_41] : memref<4x128xi32, #tpu.memory_space<vmem>> -> memref<1x128xi32, #tpu.memory_space<vmem>>
      %dma_wait3A_43 = tpu.memref_squeeze %dma_wait3A_42 : memref<1x128xi32, #tpu.memory_space<vmem>> -> memref<128xi32, #tpu.memory_space<vmem>>
      %dma_wait3A_44 = arith.constant 0 : i32
      %dma_wait3A_45 = arith.constant 0 : i32
      %dma_wait3A_46 = tpu.memref_slice %arg2[%dma_wait3A_44, %dma_wait3A_45] : memref<4128x64xf32, #tpu.memory_space<hbm>> -> memref<4128x64xf32, #tpu.memory_space<hbm>>
      tpu.wait_indirect_dma semaphore(%arg7 : memref<!tpu.dma_semaphore, #tpu.memory_space<semaphore_mem>>) src(%dma_wait3A_46 : memref<4128x64xf32, #tpu.memory_space<hbm>>) dst(%dma_wait3A_40 : memref<128x64xf32, #tpu.memory_space<vmem>>)
      %dma_start3A_47 = arith.constant 2 : i32
      %dma_start3A_48 = arith.constant 256 : i32
      %dma_start3A_49 = arith.constant 0 : i32
      %dma_start3A_50 = tpu.memref_slice %arg6[%dma_start3A_48, %dma_start3A_49] : memref<512x64xf32, #tpu.memory_space<vmem>> -> memref<128x64xf32, #tpu.memory_space<vmem>>
      %dma_start3A_51 = arith.constant 0 : i32
      %dma_start3A_52 = tpu.memref_slice %arg5[%dma_start3A_47, %dma_start3A_51] : memref<4x128xi32, #tpu.memory_space<vmem>> -> memref<1x128xi32, #tpu.memory_space<vmem>>
      %dma_start3A_53 = tpu.memref_squeeze %dma_start3A_52 : memref<1x128xi32, #tpu.memory_space<vmem>> -> memref<128xi32, #tpu.memory_space<vmem>>
      %dma_start3A_54 = arith.constant 0 : i32
      %dma_start3A_55 = arith.constant 0 : i32
      %dma_start3A_56 = tpu.memref_slice %arg2[%dma_start3A_54, %dma_start3A_55] : memref<4128x64xf32, #tpu.memory_space<hbm>> -> memref<4128x64xf32, #tpu.memory_space<hbm>>
      tpu.enqueue_indirect_dma source(%dma_start3A_56 : memref<4128x64xf32, #tpu.memory_space<hbm>>) target(%dma_start3A_50 : memref<128x64xf32, #tpu.memory_space<vmem>>) offsets(%dma_start3A_53 : memref<128xi32, #tpu.memory_space<vmem>>) semaphore(%arg7 : memref<!tpu.dma_semaphore, #tpu.memory_space<semaphore_mem>>)
      %dma_wait3A_57 = arith.constant 2 : i32
      %dma_wait3A_58 = arith.constant 256 : i32
      %dma_wait3A_59 = arith.constant 0 : i32
      %dma_wait3A_60 = tpu.memref_slice %arg6[%dma_wait3A_58, %dma_wait3A_59] : memref<512x64xf32, #tpu.memory_space<vmem>> -> memref<128x64xf32, #tpu.memory_space<vmem>>
      %dma_wait3A_61 = arith.constant 0 : i32
      %dma_wait3A_62 = tpu.memref_slice %arg5[%dma_wait3A_57, %dma_wait3A_61] : memref<4x128xi32, #tpu.memory_space<vmem>> -> memref<1x128xi32, #tpu.memory_space<vmem>>
      %dma_wait3A_63 = tpu.memref_squeeze %dma_wait3A_62 : memref<1x128xi32, #tpu.memory_space<vmem>> -> memref<128xi32, #tpu.memory_space<vmem>>
      %dma_wait3A_64 = arith.constant 0 : i32
      %dma_wait3A_65 = arith.constant 0 : i32
      %dma_wait3A_66 = tpu.memref_slice %arg2[%dma_wait3A_64, %dma_wait3A_65] : memref<4128x64xf32, #tpu.memory_space<hbm>> -> memref<4128x64xf32, #tpu.memory_space<hbm>>
      tpu.wait_indirect_dma semaphore(%arg7 : memref<!tpu.dma_semaphore, #tpu.memory_space<semaphore_mem>>) src(%dma_wait3A_66 : memref<4128x64xf32, #tpu.memory_space<hbm>>) dst(%dma_wait3A_60 : memref<128x64xf32, #tpu.memory_space<vmem>>)
      %dma_start3A_67 = arith.constant 3 : i32
      %dma_start3A_68 = arith.constant 384 : i32
      %dma_start3A_69 = arith.constant 0 : i32
      %dma_start3A_70 = tpu.memref_slice %arg6[%dma_start3A_68, %dma_start3A_69] : memref<512x64xf32, #tpu.memory_space<vmem>> -> memref<128x64xf32, #tpu.memory_space<vmem>>
      %dma_start3A_71 = arith.constant 0 : i32
      %dma_start3A_72 = tpu.memref_slice %arg5[%dma_start3A_67, %dma_start3A_71] : memref<4x128xi32, #tpu.memory_space<vmem>> -> memref<1x128xi32, #tpu.memory_space<vmem>>
      %dma_start3A_73 = tpu.memref_squeeze %dma_start3A_72 : memref<1x128xi32, #tpu.memory_space<vmem>> -> memref<128xi32, #tpu.memory_space<vmem>>
      %dma_start3A_74 = arith.constant 0 : i32
      %dma_start3A_75 = arith.constant 0 : i32
      %dma_start3A_76 = tpu.memref_slice %arg2[%dma_start3A_74, %dma_start3A_75] : memref<4128x64xf32, #tpu.memory_space<hbm>> -> memref<4128x64xf32, #tpu.memory_space<hbm>>
      tpu.enqueue_indirect_dma source(%dma_start3A_76 : memref<4128x64xf32, #tpu.memory_space<hbm>>) target(%dma_start3A_70 : memref<128x64xf32, #tpu.memory_space<vmem>>) offsets(%dma_start3A_73 : memref<128xi32, #tpu.memory_space<vmem>>) semaphore(%arg7 : memref<!tpu.dma_semaphore, #tpu.memory_space<semaphore_mem>>)
      %dma_wait3A_77 = arith.constant 3 : i32
      %dma_wait3A_78 = arith.constant 384 : i32
      %dma_wait3A_79 = arith.constant 0 : i32
      %dma_wait3A_80 = tpu.memref_slice %arg6[%dma_wait3A_78, %dma_wait3A_79] : memref<512x64xf32, #tpu.memory_space<vmem>> -> memref<128x64xf32, #tpu.memory_space<vmem>>
      %dma_wait3A_81 = arith.constant 0 : i32
      %dma_wait3A_82 = tpu.memref_slice %arg5[%dma_wait3A_77, %dma_wait3A_81] : memref<4x128xi32, #tpu.memory_space<vmem>> -> memref<1x128xi32, #tpu.memory_space<vmem>>
      %dma_wait3A_83 = tpu.memref_squeeze %dma_wait3A_82 : memref<1x128xi32, #tpu.memory_space<vmem>> -> memref<128xi32, #tpu.memory_space<vmem>>
      %dma_wait3A_84 = arith.constant 0 : i32
      %dma_wait3A_85 = arith.constant 0 : i32
      %dma_wait3A_86 = tpu.memref_slice %arg2[%dma_wait3A_84, %dma_wait3A_85] : memref<4128x64xf32, #tpu.memory_space<hbm>> -> memref<4128x64xf32, #tpu.memory_space<hbm>>
      tpu.wait_indirect_dma semaphore(%arg7 : memref<!tpu.dma_semaphore, #tpu.memory_space<semaphore_mem>>) src(%dma_wait3A_86 : memref<4128x64xf32, #tpu.memory_space<hbm>>) dst(%dma_wait3A_80 : memref<128x64xf32, #tpu.memory_space<vmem>>)
      %mul3A_87 = arith.constant 512 : i32
      %mul3A_88 = arith.muli %scan3A_6, %mul3A_87 : i32
      "tpu.region"() ({
        %run_scoped3A = tpu.sem_alloc : memref<!tpu.dma_semaphore, #tpu.memory_space<semaphore_mem>>
        %dma_start3A_89 = arith.constant 0 : i32
        %dma_start3A_90 = tpu.memref_slice %arg4[%add3A, %mul3A_88, %dma_start3A_89] : memref<32x8192x64xf32, #tpu.memory_space<hbm>> -> memref<1x512x64xf32, #tpu.memory_space<hbm>>
        %dma_start3A_91 = tpu.memref_squeeze %dma_start3A_90 : memref<1x512x64xf32, #tpu.memory_space<hbm>> -> memref<512x64xf32, #tpu.memory_space<hbm>>
        %dma_start3A_92 = arith.constant 0 : i32
        %dma_start3A_93 = tpu.memref_slice %arg4[%add3A, %mul3A_88, %dma_start3A_92] : memref<32x8192x64xf32, #tpu.memory_space<hbm>> -> memref<1x512x64xf32, #tpu.memory_space<hbm>>
        %dma_start3A_94 = tpu.memref_squeeze %dma_start3A_93 : memref<1x512x64xf32, #tpu.memory_space<hbm>> -> memref<512x64xf32, #tpu.memory_space<hbm>>
        tpu.enqueue_dma source(%arg6 : memref<512x64xf32, #tpu.memory_space<vmem>>) target(%dma_start3A_94 : memref<512x64xf32, #tpu.memory_space<hbm>>) target_semaphore(%run_scoped3A : memref<!tpu.dma_semaphore, #tpu.memory_space<semaphore_mem>>)
        %dma_wait3A_95 = arith.constant 0 : i32
        %dma_wait3A_96 = tpu.memref_slice %arg4[%add3A, %mul3A_88, %dma_wait3A_95] : memref<32x8192x64xf32, #tpu.memory_space<hbm>> -> memref<1x512x64xf32, #tpu.memory_space<hbm>>
        %dma_wait3A_97 = tpu.memref_squeeze %dma_wait3A_96 : memref<1x512x64xf32, #tpu.memory_space<hbm>> -> memref<512x64xf32, #tpu.memory_space<hbm>>
        %dma_wait3A_98 = arith.constant 0 : i32
        %dma_wait3A_99 = tpu.memref_slice %arg4[%add3A, %mul3A_88, %dma_wait3A_98] : memref<32x8192x64xf32, #tpu.memory_space<hbm>> -> memref<1x512x64xf32, #tpu.memory_space<hbm>>
        %dma_wait3A_100 = tpu.memref_squeeze %dma_wait3A_99 : memref<1x512x64xf32, #tpu.memory_space<hbm>> -> memref<512x64xf32, #tpu.memory_space<hbm>>
        tpu.wait_dma2 semaphore(%run_scoped3A : memref<!tpu.dma_semaphore, #tpu.memory_space<semaphore_mem>>) src(%arg6 : memref<512x64xf32, #tpu.memory_space<vmem>>) dst(%dma_wait3A_100 : memref<512x64xf32, #tpu.memory_space<hbm>>)
        tpu.yield
      }) : () -> ()
    }
    %scan3A_5 = arith.constant 16 : i32
    return
  }
}

module attributes {stable_mosaic.version = 14 : i64} {
  func.func @_attn_body(%arg0: memref<32x129x64xf32, #tpu.memory_space<vmem>>, %arg1: memref<32x129x64xf32, #tpu.memory_space<vmem>>, %arg2: memref<32x129x64xf32, #tpu.memory_space<vmem>>, %arg3: memref<32x129x64xf32, #tpu.memory_space<vmem>>, %arg4: memref<32x129x64xf32, #tpu.memory_space<vmem>>, %arg5: memref<32x1x129xf32, #tpu.memory_space<vmem>>) attributes {dimension_semantics = [], scalar_prefetch = 0 : i64, scratch_operands = 0 : i64, tpu.core_type = #tpu.core_type<tc>} {
    %iota3A = tpu.iota {dimensions = array<i32: 1>} : vector<129x129xi32>
    %eq3A = arith.constant 0 : i32
    %eq3A_0 = vector.broadcast %eq3A : i32 to vector<129x129xi32>
    %eq3A_1 = arith.cmpi eq, %iota3A, %eq3A_0 : vector<129x129xi32>
    %convert_element_type3A = arith.extui %eq3A_1 : vector<129x129xi1> to vector<129x129xi32>
    %convert_element_type3A_2 = arith.sitofp %convert_element_type3A : vector<129x129xi32> to vector<129x129xf32>
    %get3A = arith.constant 0 : index
    %get3A_3 = arith.constant 0 : index
    %get3A_4 = arith.constant 0 : index
    %get3A_5 = vector.load %arg3[%get3A, %get3A_3, %get3A_4] : memref<32x129x64xf32, #tpu.memory_space<vmem>>, vector<1x129x64xf32>
    %get3A_6 = vector.shape_cast %get3A_5 : vector<1x129x64xf32> to vector<129x64xf32>
    %reduce_sum3A = arith.constant dense<0.000000e+00> : vector<129xf32>
    %reduce_sum3A_7 = vector.multi_reduction <add>, %get3A_6, %reduce_sum3A [1] : vector<129x64xf32> to vector<129xf32>
    %mul3A = arith.constant 1.562500e-02 : f32
    %mul3A_8 = vector.broadcast %mul3A : f32 to vector<129xf32>
    %mul3A_9 = arith.mulf %reduce_sum3A_7, %mul3A_8 : vector<129xf32>
    %div3A = arith.constant 1.000000e+00 : f32
    %div3A_10 = vector.broadcast %div3A : f32 to vector<129xf32>
    %div3A_11 = arith.divf %div3A_10, %mul3A_9 : vector<129xf32>
    %get3A_12 = arith.constant 0 : index
    %get3A_13 = arith.constant 0 : index
    %get3A_14 = arith.constant 0 : index
    %get3A_15 = vector.load %arg0[%get3A_12, %get3A_13, %get3A_14] : memref<32x129x64xf32, #tpu.memory_space<vmem>>, vector<1x129x64xf32>
    %get3A_16 = vector.shape_cast %get3A_15 : vector<1x129x64xf32> to vector<129x64xf32>
    %broadcast_in_dim3A = vector.shape_cast %div3A_11 : vector<129xf32> to vector<129x1xf32>
    %mul3A_17 = vector.broadcast %broadcast_in_dim3A : vector<129x1xf32> to vector<129x64xf32>
    %mul3A_18 = arith.mulf %get3A_16, %mul3A_17 : vector<129x64xf32>
    %get3A_19 = arith.constant 0 : index
    %get3A_20 = arith.constant 0 : index
    %get3A_21 = arith.constant 0 : index
    %get3A_22 = vector.load %arg1[%get3A_19, %get3A_20, %get3A_21] : memref<32x129x64xf32, #tpu.memory_space<vmem>>, vector<1x129x64xf32>
    %get3A_23 = vector.shape_cast %get3A_22 : vector<1x129x64xf32> to vector<129x64xf32>
    %broadcast_in_dim3A_24 = vector.shape_cast %div3A_11 : vector<129xf32> to vector<129x1xf32>
    %mul3A_25 = vector.broadcast %broadcast_in_dim3A_24 : vector<129x1xf32> to vector<129x64xf32>
    %mul3A_26 = arith.mulf %get3A_23, %mul3A_25 : vector<129x64xf32>
    %get3A_27 = arith.constant 0 : index
    %get3A_28 = arith.constant 0 : index
    %get3A_29 = arith.constant 0 : index
    %get3A_30 = vector.load %arg2[%get3A_27, %get3A_28, %get3A_29] : memref<32x129x64xf32, #tpu.memory_space<vmem>>, vector<1x129x64xf32>
    %get3A_31 = vector.shape_cast %get3A_30 : vector<1x129x64xf32> to vector<129x64xf32>
    %broadcast_in_dim3A_32 = vector.shape_cast %div3A_11 : vector<129xf32> to vector<129x1xf32>
    %mul3A_33 = vector.broadcast %broadcast_in_dim3A_32 : vector<129x1xf32> to vector<129x64xf32>
    %mul3A_34 = arith.mulf %get3A_31, %mul3A_33 : vector<129x64xf32>
    %dot_general3A = arith.constant dense<0.000000e+00> : vector<129x129xf32>
    %dot_general3A_35 = tpu.matmul %mul3A_18, %mul3A_26, %dot_general3A {dimension_numbers = #tpu.dot_dimension_numbers<[1], [1], [0], [0], [0, 0, 1, 0], [], []>, transpose_lhs_hint = false} : vector<129x64xf32>, vector<129x64xf32>, vector<129x129xf32> -> vector<129x129xf32>
    %reduce_max3A = arith.constant dense<0xFF800000> : vector<129xf32>
    %reduce_max3A_36 = vector.multi_reduction <maximumf>, %dot_general3A_35, %reduce_max3A [1] : vector<129x129xf32> to vector<129xf32>
    %max3A = arith.constant 0xFF800000 : f32
    %max3A_37 = vector.broadcast %max3A : f32 to vector<129xf32>
    %max3A_38 = arith.maximumf %max3A_37, %reduce_max3A_36 : vector<129xf32>
    %broadcast_in_dim3A_39 = vector.shape_cast %max3A_38 : vector<129xf32> to vector<129x1xf32>
    %sub3A = vector.broadcast %broadcast_in_dim3A_39 : vector<129x1xf32> to vector<129x129xf32>
    %sub3A_40 = arith.subf %dot_general3A_35, %sub3A : vector<129x129xf32>
    %exp3A = math.exp %sub3A_40 : vector<129x129xf32>
    %reduce_sum3A_41 = arith.constant dense<0.000000e+00> : vector<129xf32>
    %reduce_sum3A_42 = vector.multi_reduction <add>, %exp3A, %reduce_sum3A_41 [1] : vector<129x129xf32> to vector<129xf32>
    %broadcast_in_dim3A_43 = vector.shape_cast %reduce_sum3A_42 : vector<129xf32> to vector<129x1xf32>
    %div3A_44 = vector.broadcast %broadcast_in_dim3A_43 : vector<129x1xf32> to vector<129x129xf32>
    %div3A_45 = arith.divf %exp3A, %div3A_44 : vector<129x129xf32>
    %broadcast_in_dim3A_46 = vector.shape_cast %mul3A_9 : vector<129xf32> to vector<1x129xf32>
    %mul3A_47 = vector.broadcast %broadcast_in_dim3A_46 : vector<1x129xf32> to vector<129x129xf32>
    %mul3A_48 = arith.mulf %div3A_45, %mul3A_47 : vector<129x129xf32>
    %reduce_sum3A_49 = arith.constant dense<0.000000e+00> : vector<129xf32>
    %reduce_sum3A_50 = vector.multi_reduction <add>, %mul3A_48, %reduce_sum3A_49 [1] : vector<129x129xf32> to vector<129xf32>
    %broadcast_in_dim3A_51 = vector.shape_cast %reduce_sum3A_50 : vector<129xf32> to vector<129x1xf32>
    %div3A_52 = vector.broadcast %broadcast_in_dim3A_51 : vector<129x1xf32> to vector<129x129xf32>
    %div3A_53 = arith.divf %mul3A_48, %div3A_52 : vector<129x129xf32>
    %dot_general3A_54 = arith.constant dense<0.000000e+00> : vector<129x64xf32>
    %dot_general3A_55 = tpu.matmul %div3A_53, %mul3A_34, %dot_general3A_54 {dimension_numbers = #tpu.dot_dimension_numbers<[1], [0], [0], [1], [0, 0, 1, 1], [], []>, transpose_lhs_hint = false} : vector<129x129xf32>, vector<129x64xf32>, vector<129x64xf32> -> vector<129x64xf32>
    %swap3A = arith.constant 0 : index
    %swap3A_56 = arith.constant 0 : index
    %swap3A_57 = arith.constant 0 : index
    %swap3A_58 = vector.load %arg4[%swap3A, %swap3A_56, %swap3A_57] : memref<32x129x64xf32, #tpu.memory_space<vmem>>, vector<1x129x64xf32>
    %swap3A_59 = vector.shape_cast %swap3A_58 : vector<1x129x64xf32> to vector<129x64xf32>
    %swap3A_60 = vector.shape_cast %dot_general3A_55 : vector<129x64xf32> to vector<1x129x64xf32>
    tpu.vector_store %arg4[%swap3A, %swap3A_56, %swap3A_57], %swap3A_60 {strides = array<i32>} : memref<32x129x64xf32, #tpu.memory_space<vmem>>, vector<1x129x64xf32>,
    %mul3A_61 = arith.mulf %div3A_53, %convert_element_type3A_2 : vector<129x129xf32>
    %reduce_sum3A_62 = arith.constant dense<0.000000e+00> : vector<129xf32>
    %reduce_sum3A_63 = vector.multi_reduction <add>, %mul3A_61, %reduce_sum3A_62 [1] : vector<129x129xf32> to vector<129xf32>
    %swap3A_64 = arith.constant 0 : index
    %swap3A_65 = arith.constant 0 : index
    %swap3A_66 = arith.constant 0 : index
    %swap3A_67 = vector.load %arg5[%swap3A_64, %swap3A_65, %swap3A_66] : memref<32x1x129xf32, #tpu.memory_space<vmem>>, vector<1x1x129xf32>
    %swap3A_68 = vector.shape_cast %swap3A_67 : vector<1x1x129xf32> to vector<129xf32>
    %swap3A_69 = vector.shape_cast %reduce_sum3A_63 : vector<129xf32> to vector<1x1x129xf32>
    tpu.vector_store %arg5[%swap3A_64, %swap3A_65, %swap3A_66], %swap3A_69 {strides = array<i32>} : memref<32x1x129xf32, #tpu.memory_space<vmem>>, vector<1x1x129xf32>,
    %get3A_70 = arith.constant 1 : index
    %get3A_71 = arith.constant 0 : index
    %get3A_72 = arith.constant 0 : index
    %get3A_73 = vector.load %arg3[%get3A_70, %get3A_71, %get3A_72] : memref<32x129x64xf32, #tpu.memory_space<vmem>>, vector<1x129x64xf32>
    %get3A_74 = vector.shape_cast %get3A_73 : vector<1x129x64xf32> to vector<129x64xf32>
    %reduce_sum3A_75 = arith.constant dense<0.000000e+00> : vector<129xf32>
    %reduce_sum3A_76 = vector.multi_reduction <add>, %get3A_74, %reduce_sum3A_75 [1] : vector<129x64xf32> to vector<129xf32>
    %mul3A_77 = arith.constant 1.562500e-02 : f32
    %mul3A_78 = vector.broadcast %mul3A_77 : f32 to vector<129xf32>
    %mul3A_79 = arith.mulf %reduce_sum3A_76, %mul3A_78 : vector<129xf32>
    %div3A_80 = arith.constant 1.000000e+00 : f32
    %div3A_81 = vector.broadcast %div3A_80 : f32 to vector<129xf32>
    %div3A_82 = arith.divf %div3A_81, %mul3A_79 : vector<129xf32>
    %get3A_83 = arith.constant 1 : index
    %get3A_84 = arith.constant 0 : index
    %get3A_85 = arith.constant 0 : index
    %get3A_86 = vector.load %arg0[%get3A_83, %get3A_84, %get3A_85] : memref<32x129x64xf32, #tpu.memory_space<vmem>>, vector<1x129x64xf32>
    %get3A_87 = vector.shape_cast %get3A_86 : vector<1x129x64xf32> to vector<129x64xf32>
    %broadcast_in_dim3A_88 = vector.shape_cast %div3A_82 : vector<129xf32> to vector<129x1xf32>
    %mul3A_89 = vector.broadcast %broadcast_in_dim3A_88 : vector<129x1xf32> to vector<129x64xf32>
    %mul3A_90 = arith.mulf %get3A_87, %mul3A_89 : vector<129x64xf32>
    %get3A_91 = arith.constant 1 : index
    %get3A_92 = arith.constant 0 : index
    %get3A_93 = arith.constant 0 : index
    %get3A_94 = vector.load %arg1[%get3A_91, %get3A_92, %get3A_93] : memref<32x129x64xf32, #tpu.memory_space<vmem>>, vector<1x129x64xf32>
    %get3A_95 = vector.shape_cast %get3A_94 : vector<1x129x64xf32> to vector<129x64xf32>
    %broadcast_in_dim3A_96 = vector.shape_cast %div3A_82 : vector<129xf32> to vector<129x1xf32>
    %mul3A_97 = vector.broadcast %broadcast_in_dim3A_96 : vector<129x1xf32> to vector<129x64xf32>
    %mul3A_98 = arith.mulf %get3A_95, %mul3A_97 : vector<129x64xf32>
    %get3A_99 = arith.constant 1 : index
    %get3A_100 = arith.constant 0 : index
    %get3A_101 = arith.constant 0 : index
    %get3A_102 = vector.load %arg2[%get3A_99, %get3A_100, %get3A_101] : memref<32x129x64xf32, #tpu.memory_space<vmem>>, vector<1x129x64xf32>
    %get3A_103 = vector.shape_cast %get3A_102 : vector<1x129x64xf32> to vector<129x64xf32>
    %broadcast_in_dim3A_104 = vector.shape_cast %div3A_82 : vector<129xf32> to vector<129x1xf32>
    %mul3A_105 = vector.broadcast %broadcast_in_dim3A_104 : vector<129x1xf32> to vector<129x64xf32>
    %mul3A_106 = arith.mulf %get3A_103, %mul3A_105 : vector<129x64xf32>
    %dot_general3A_107 = arith.constant dense<0.000000e+00> : vector<129x129xf32>
    %dot_general3A_108 = tpu.matmul %mul3A_90, %mul3A_98, %dot_general3A_107 {dimension_numbers = #tpu.dot_dimension_numbers<[1], [1], [0], [0], [0, 0, 1, 0], [], []>, transpose_lhs_hint = false} : vector<129x64xf32>, vector<129x64xf32>, vector<129x129xf32> -> vector<129x129xf32>
    %reduce_max3A_109 = arith.constant dense<0xFF800000> : vector<129xf32>
    %reduce_max3A_110 = vector.multi_reduction <maximumf>, %dot_general3A_108, %reduce_max3A_109 [1] : vector<129x129xf32> to vector<129xf32>
    %max3A_111 = arith.constant 0xFF800000 : f32
    %max3A_112 = vector.broadcast %max3A_111 : f32 to vector<129xf32>
    %max3A_113 = arith.maximumf %max3A_112, %reduce_max3A_110 : vector<129xf32>
    %broadcast_in_dim3A_114 = vector.shape_cast %max3A_113 : vector<129xf32> to vector<129x1xf32>
    %sub3A_115 = vector.broadcast %broadcast_in_dim3A_114 : vector<129x1xf32> to vector<129x129xf32>
    %sub3A_116 = arith.subf %dot_general3A_108, %sub3A_115 : vector<129x129xf32>
    %exp3A_117 = math.exp %sub3A_116 : vector<129x129xf32>
    %reduce_sum3A_118 = arith.constant dense<0.000000e+00> : vector<129xf32>
    %reduce_sum3A_119 = vector.multi_reduction <add>, %exp3A_117, %reduce_sum3A_118 [1] : vector<129x129xf32> to vector<129xf32>
    %broadcast_in_dim3A_120 = vector.shape_cast %reduce_sum3A_119 : vector<129xf32> to vector<129x1xf32>
    %div3A_121 = vector.broadcast %broadcast_in_dim3A_120 : vector<129x1xf32> to vector<129x129xf32>
    %div3A_122 = arith.divf %exp3A_117, %div3A_121 : vector<129x129xf32>
    %broadcast_in_dim3A_123 = vector.shape_cast %mul3A_79 : vector<129xf32> to vector<1x129xf32>
    %mul3A_124 = vector.broadcast %broadcast_in_dim3A_123 : vector<1x129xf32> to vector<129x129xf32>
    %mul3A_125 = arith.mulf %div3A_122, %mul3A_124 : vector<129x129xf32>
    %reduce_sum3A_126 = arith.constant dense<0.000000e+00> : vector<129xf32>
    %reduce_sum3A_127 = vector.multi_reduction <add>, %mul3A_125, %reduce_sum3A_126 [1] : vector<129x129xf32> to vector<129xf32>
    %broadcast_in_dim3A_128 = vector.shape_cast %reduce_sum3A_127 : vector<129xf32> to vector<129x1xf32>
    %div3A_129 = vector.broadcast %broadcast_in_dim3A_128 : vector<129x1xf32> to vector<129x129xf32>
    %div3A_130 = arith.divf %mul3A_125, %div3A_129 : vector<129x129xf32>
    %dot_general3A_131 = arith.constant dense<0.000000e+00> : vector<129x64xf32>
    %dot_general3A_132 = tpu.matmul %div3A_130, %mul3A_106, %dot_general3A_131 {dimension_numbers = #tpu.dot_dimension_numbers<[1], [0], [0], [1], [0, 0, 1, 1], [], []>, transpose_lhs_hint = false} : vector<129x129xf32>, vector<129x64xf32>, vector<129x64xf32> -> vector<129x64xf32>
    %swap3A_133 = arith.constant 1 : index
    %swap3A_134 = arith.constant 0 : index
    %swap3A_135 = arith.constant 0 : index
    %swap3A_136 = vector.load %arg4[%swap3A_133, %swap3A_134, %swap3A_135] : memref<32x129x64xf32, #tpu.memory_space<vmem>>, vector<1x129x64xf32>
    %swap3A_137 = vector.shape_cast %swap3A_136 : vector<1x129x64xf32> to vector<129x64xf32>
    %swap3A_138 = vector.shape_cast %dot_general3A_132 : vector<129x64xf32> to vector<1x129x64xf32>
    tpu.vector_store %arg4[%swap3A_133, %swap3A_134, %swap3A_135], %swap3A_138 {strides = array<i32>} : memref<32x129x64xf32, #tpu.memory_space<vmem>>, vector<1x129x64xf32>,
    %mul3A_139 = arith.mulf %div3A_130, %convert_element_type3A_2 : vector<129x129xf32>
    %reduce_sum3A_140 = arith.constant dense<0.000000e+00> : vector<129xf32>
    %reduce_sum3A_141 = vector.multi_reduction <add>, %mul3A_139, %reduce_sum3A_140 [1] : vector<129x129xf32> to vector<129xf32>
    %swap3A_142 = arith.constant 1 : index
    %swap3A_143 = arith.constant 0 : index
    %swap3A_144 = arith.constant 0 : index
    %swap3A_145 = vector.load %arg5[%swap3A_142, %swap3A_143, %swap3A_144] : memref<32x1x129xf32, #tpu.memory_space<vmem>>, vector<1x1x129xf32>
    %swap3A_146 = vector.shape_cast %swap3A_145 : vector<1x1x129xf32> to vector<129xf32>
    %swap3A_147 = vector.shape_cast %reduce_sum3A_141 : vector<129xf32> to vector<1x1x129xf32>
    tpu.vector_store %arg5[%swap3A_142, %swap3A_143, %swap3A_144], %swap3A_147 {strides = array<i32>} : memref<32x1x129xf32, #tpu.memory_space<vmem>>, vector<1x1x129xf32>,
    %get3A_148 = arith.constant 2 : index
    %get3A_149 = arith.constant 0 : index
    %get3A_150 = arith.constant 0 : index
    %get3A_151 = vector.load %arg3[%get3A_148, %get3A_149, %get3A_150] : memref<32x129x64xf32, #tpu.memory_space<vmem>>, vector<1x129x64xf32>
    %get3A_152 = vector.shape_cast %get3A_151 : vector<1x129x64xf32> to vector<129x64xf32>
    %reduce_sum3A_153 = arith.constant dense<0.000000e+00> : vector<129xf32>
    %reduce_sum3A_154 = vector.multi_reduction <add>, %get3A_152, %reduce_sum3A_153 [1] : vector<129x64xf32> to vector<129xf32>
    %mul3A_155 = arith.constant 1.562500e-02 : f32
    %mul3A_156 = vector.broadcast %mul3A_155 : f32 to vector<129xf32>
    %mul3A_157 = arith.mulf %reduce_sum3A_154, %mul3A_156 : vector<129xf32>
    %div3A_158 = arith.constant 1.000000e+00 : f32
    %div3A_159 = vector.broadcast %div3A_158 : f32 to vector<129xf32>
    %div3A_160 = arith.divf %div3A_159, %mul3A_157 : vector<129xf32>
    %get3A_161 = arith.constant 2 : index
    %get3A_162 = arith.constant 0 : index
    %get3A_163 = arith.constant 0 : index
    %get3A_164 = vector.load %arg0[%get3A_161, %get3A_162, %get3A_163] : memref<32x129x64xf32, #tpu.memory_space<vmem>>, vector<1x129x64xf32>
    %get3A_165 = vector.shape_cast %get3A_164 : vector<1x129x64xf32> to vector<129x64xf32>
    %broadcast_in_dim3A_166 = vector.shape_cast %div3A_160 : vector<129xf32> to vector<129x1xf32>
    %mul3A_167 = vector.broadcast %broadcast_in_dim3A_166 : vector<129x1xf32> to vector<129x64xf32>
    %mul3A_168 = arith.mulf %get3A_165, %mul3A_167 : vector<129x64xf32>
    %get3A_169 = arith.constant 2 : index
    %get3A_170 = arith.constant 0 : index
    %get3A_171 = arith.constant 0 : index
    %get3A_172 = vector.load %arg1[%get3A_169, %get3A_170, %get3A_171] : memref<32x129x64xf32, #tpu.memory_space<vmem>>, vector<1x129x64xf32>
    %get3A_173 = vector.shape_cast %get3A_172 : vector<1x129x64xf32> to vector<129x64xf32>
    %broadcast_in_dim3A_174 = vector.shape_cast %div3A_160 : vector<129xf32> to vector<129x1xf32>
    %mul3A_175 = vector.broadcast %broadcast_in_dim3A_174 : vector<129x1xf32> to vector<129x64xf32>
    %mul3A_176 = arith.mulf %get3A_173, %mul3A_175 : vector<129x64xf32>
    %get3A_177 = arith.constant 2 : index
    %get3A_178 = arith.constant 0 : index
    %get3A_179 = arith.constant 0 : index
    %get3A_180 = vector.load %arg2[%get3A_177, %get3A_178, %get3A_179] : memref<32x129x64xf32, #tpu.memory_space<vmem>>, vector<1x129x64xf32>
    %get3A_181 = vector.shape_cast %get3A_180 : vector<1x129x64xf32> to vector<129x64xf32>
    %broadcast_in_dim3A_182 = vector.shape_cast %div3A_160 : vector<129xf32> to vector<129x1xf32>
    %mul3A_183 = vector.broadcast %broadcast_in_dim3A_182 : vector<129x1xf32> to vector<129x64xf32>
    %mul3A_184 = arith.mulf %get3A_181, %mul3A_183 : vector<129x64xf32>
    %dot_general3A_185 = arith.constant dense<0.000000e+00> : vector<129x129xf32>
    %dot_general3A_186 = tpu.matmul %mul3A_168, %mul3A_176, %dot_general3A_185 {dimension_numbers = #tpu.dot_dimension_numbers<[1], [1], [0], [0], [0, 0, 1, 0], [], []>, transpose_lhs_hint = false} : vector<129x64xf32>, vector<129x64xf32>, vector<129x129xf32> -> vector<129x129xf32>
    %reduce_max3A_187 = arith.constant dense<0xFF800000> : vector<129xf32>
    %reduce_max3A_188 = vector.multi_reduction <maximumf>, %dot_general3A_186, %reduce_max3A_187 [1] : vector<129x129xf32> to vector<129xf32>
    %max3A_189 = arith.constant 0xFF800000 : f32
    %max3A_190 = vector.broadcast %max3A_189 : f32 to vector<129xf32>
    %max3A_191 = arith.maximumf %max3A_190, %reduce_max3A_188 : vector<129xf32>
    %broadcast_in_dim3A_192 = vector.shape_cast %max3A_191 : vector<129xf32> to vector<129x1xf32>
    %sub3A_193 = vector.broadcast %broadcast_in_dim3A_192 : vector<129x1xf32> to vector<129x129xf32>
    %sub3A_194 = arith.subf %dot_general3A_186, %sub3A_193 : vector<129x129xf32>
    %exp3A_195 = math.exp %sub3A_194 : vector<129x129xf32>
    %reduce_sum3A_196 = arith.constant dense<0.000000e+00> : vector<129xf32>
    %reduce_sum3A_197 = vector.multi_reduction <add>, %exp3A_195, %reduce_sum3A_196 [1] : vector<129x129xf32> to vector<129xf32>
    %broadcast_in_dim3A_198 = vector.shape_cast %reduce_sum3A_197 : vector<129xf32> to vector<129x1xf32>
    %div3A_199 = vector.broadcast %broadcast_in_dim3A_198 : vector<129x1xf32> to vector<129x129xf32>
    %div3A_200 = arith.divf %exp3A_195, %div3A_199 : vector<129x129xf32>
    %broadcast_in_dim3A_201 = vector.shape_cast %mul3A_157 : vector<129xf32> to vector<1x129xf32>
    %mul3A_202 = vector.broadcast %broadcast_in_dim3A_201 : vector<1x129xf32> to vector<129x129xf32>
    %mul3A_203 = arith.mulf %div3A_200, %mul3A_202 : vector<129x129xf32>
    %reduce_sum3A_204 = arith.constant dense<0.000000e+00> : vector<129xf32>
    %reduce_sum3A_205 = vector.multi_reduction <add>, %mul3A_203, %reduce_sum3A_204 [1] : vector<129x129xf32> to vector<129xf32>
    %broadcast_in_dim3A_206 = vector.shape_cast %reduce_sum3A_205 : vector<129xf32> to vector<129x1xf32>
    %div3A_207 = vector.broadcast %broadcast_in_dim3A_206 : vector<129x1xf32> to vector<129x129xf32>
    %div3A_208 = arith.divf %mul3A_203, %div3A_207 : vector<129x129xf32>
    %dot_general3A_209 = arith.constant dense<0.000000e+00> : vector<129x64xf32>
    %dot_general3A_210 = tpu.matmul %div3A_208, %mul3A_184, %dot_general3A_209 {dimension_numbers = #tpu.dot_dimension_numbers<[1], [0], [0], [1], [0, 0, 1, 1], [], []>, transpose_lhs_hint = false} : vector<129x129xf32>, vector<129x64xf32>, vector<129x64xf32> -> vector<129x64xf32>
    %swap3A_211 = arith.constant 2 : index
    %swap3A_212 = arith.constant 0 : index
    %swap3A_213 = arith.constant 0 : index
    %swap3A_214 = vector.load %arg4[%swap3A_211, %swap3A_212, %swap3A_213] : memref<32x129x64xf32, #tpu.memory_space<vmem>>, vector<1x129x64xf32>
    %swap3A_215 = vector.shape_cast %swap3A_214 : vector<1x129x64xf32> to vector<129x64xf32>
    %swap3A_216 = vector.shape_cast %dot_general3A_210 : vector<129x64xf32> to vector<1x129x64xf32>
    tpu.vector_store %arg4[%swap3A_211, %swap3A_212, %swap3A_213], %swap3A_216 {strides = array<i32>} : memref<32x129x64xf32, #tpu.memory_space<vmem>>, vector<1x129x64xf32>,
    %mul3A_217 = arith.mulf %div3A_208, %convert_element_type3A_2 : vector<129x129xf32>
    %reduce_sum3A_218 = arith.constant dense<0.000000e+00> : vector<129xf32>
    %reduce_sum3A_219 = vector.multi_reduction <add>, %mul3A_217, %reduce_sum3A_218 [1] : vector<129x129xf32> to vector<129xf32>
    %swap3A_220 = arith.constant 2 : index
    %swap3A_221 = arith.constant 0 : index
    %swap3A_222 = arith.constant 0 : index
    %swap3A_223 = vector.load %arg5[%swap3A_220, %swap3A_221, %swap3A_222] : memref<32x1x129xf32, #tpu.memory_space<vmem>>, vector<1x1x129xf32>
    %swap3A_224 = vector.shape_cast %swap3A_223 : vector<1x1x129xf32> to vector<129xf32>
    %swap3A_225 = vector.shape_cast %reduce_sum3A_219 : vector<129xf32> to vector<1x1x129xf32>
    tpu.vector_store %arg5[%swap3A_220, %swap3A_221, %swap3A_222], %swap3A_225 {strides = array<i32>} : memref<32x1x129xf32, #tpu.memory_space<vmem>>, vector<1x1x129xf32>,
    %get3A_226 = arith.constant 3 : index
    %get3A_227 = arith.constant 0 : index
    %get3A_228 = arith.constant 0 : index
    %get3A_229 = vector.load %arg3[%get3A_226, %get3A_227, %get3A_228] : memref<32x129x64xf32, #tpu.memory_space<vmem>>, vector<1x129x64xf32>
    %get3A_230 = vector.shape_cast %get3A_229 : vector<1x129x64xf32> to vector<129x64xf32>
    %reduce_sum3A_231 = arith.constant dense<0.000000e+00> : vector<129xf32>
    %reduce_sum3A_232 = vector.multi_reduction <add>, %get3A_230, %reduce_sum3A_231 [1] : vector<129x64xf32> to vector<129xf32>
    %mul3A_233 = arith.constant 1.562500e-02 : f32
    %mul3A_234 = vector.broadcast %mul3A_233 : f32 to vector<129xf32>
    %mul3A_235 = arith.mulf %reduce_sum3A_232, %mul3A_234 : vector<129xf32>
    %div3A_236 = arith.constant 1.000000e+00 : f32
    %div3A_237 = vector.broadcast %div3A_236 : f32 to vector<129xf32>
    %div3A_238 = arith.divf %div3A_237, %mul3A_235 : vector<129xf32>
    %get3A_239 = arith.constant 3 : index
    %get3A_240 = arith.constant 0 : index
    %get3A_241 = arith.constant 0 : index
    %get3A_242 = vector.load %arg0[%get3A_239, %get3A_240, %get3A_241] : memref<32x129x64xf32, #tpu.memory_space<vmem>>, vector<1x129x64xf32>
    %get3A_243 = vector.shape_cast %get3A_242 : vector<1x129x64xf32> to vector<129x64xf32>
    %broadcast_in_dim3A_244 = vector.shape_cast %div3A_238 : vector<129xf32> to vector<129x1xf32>
    %mul3A_245 = vector.broadcast %broadcast_in_dim3A_244 : vector<129x1xf32> to vector<129x64xf32>
    %mul3A_246 = arith.mulf %get3A_243, %mul3A_245 : vector<129x64xf32>
    %get3A_247 = arith.constant 3 : index
    %get3A_248 = arith.constant 0 : index
    %get3A_249 = arith.constant 0 : index
    %get3A_250 = vector.load %arg1[%get3A_247, %get3A_248, %get3A_249] : memref<32x129x64xf32, #tpu.memory_space<vmem>>, vector<1x129x64xf32>
    %get3A_251 = vector.shape_cast %get3A_250 : vector<1x129x64xf32> to vector<129x64xf32>
    %broadcast_in_dim3A_252 = vector.shape_cast %div3A_238 : vector<129xf32> to vector<129x1xf32>
    %mul3A_253 = vector.broadcast %broadcast_in_dim3A_252 : vector<129x1xf32> to vector<129x64xf32>
    %mul3A_254 = arith.mulf %get3A_251, %mul3A_253 : vector<129x64xf32>
    %get3A_255 = arith.constant 3 : index
    %get3A_256 = arith.constant 0 : index
    %get3A_257 = arith.constant 0 : index
    %get3A_258 = vector.load %arg2[%get3A_255, %get3A_256, %get3A_257] : memref<32x129x64xf32, #tpu.memory_space<vmem>>, vector<1x129x64xf32>
    %get3A_259 = vector.shape_cast %get3A_258 : vector<1x129x64xf32> to vector<129x64xf32>
    %broadcast_in_dim3A_260 = vector.shape_cast %div3A_238 : vector<129xf32> to vector<129x1xf32>
    %mul3A_261 = vector.broadcast %broadcast_in_dim3A_260 : vector<129x1xf32> to vector<129x64xf32>
    %mul3A_262 = arith.mulf %get3A_259, %mul3A_261 : vector<129x64xf32>
    %dot_general3A_263 = arith.constant dense<0.000000e+00> : vector<129x129xf32>
    %dot_general3A_264 = tpu.matmul %mul3A_246, %mul3A_254, %dot_general3A_263 {dimension_numbers = #tpu.dot_dimension_numbers<[1], [1], [0], [0], [0, 0, 1, 0], [], []>, transpose_lhs_hint = false} : vector<129x64xf32>, vector<129x64xf32>, vector<129x129xf32> -> vector<129x129xf32>
    %reduce_max3A_265 = arith.constant dense<0xFF800000> : vector<129xf32>
    %reduce_max3A_266 = vector.multi_reduction <maximumf>, %dot_general3A_264, %reduce_max3A_265 [1] : vector<129x129xf32> to vector<129xf32>
    %max3A_267 = arith.constant 0xFF800000 : f32
    %max3A_268 = vector.broadcast %max3A_267 : f32 to vector<129xf32>
    %max3A_269 = arith.maximumf %max3A_268, %reduce_max3A_266 : vector<129xf32>
    %broadcast_in_dim3A_270 = vector.shape_cast %max3A_269 : vector<129xf32> to vector<129x1xf32>
    %sub3A_271 = vector.broadcast %broadcast_in_dim3A_270 : vector<129x1xf32> to vector<129x129xf32>
    %sub3A_272 = arith.subf %dot_general3A_264, %sub3A_271 : vector<129x129xf32>
    %exp3A_273 = math.exp %sub3A_272 : vector<129x129xf32>
    %reduce_sum3A_274 = arith.constant dense<0.000000e+00> : vector<129xf32>
    %reduce_sum3A_275 = vector.multi_reduction <add>, %exp3A_273, %reduce_sum3A_274 [1] : vector<129x129xf32> to vector<129xf32>
    %broadcast_in_dim3A_276 = vector.shape_cast %reduce_sum3A_275 : vector<129xf32> to vector<129x1xf32>
    %div3A_277 = vector.broadcast %broadcast_in_dim3A_276 : vector<129x1xf32> to vector<129x129xf32>
    %div3A_278 = arith.divf %exp3A_273, %div3A_277 : vector<129x129xf32>
    %broadcast_in_dim3A_279 = vector.shape_cast %mul3A_235 : vector<129xf32> to vector<1x129xf32>
    %mul3A_280 = vector.broadcast %broadcast_in_dim3A_279 : vector<1x129xf32> to vector<129x129xf32>
    %mul3A_281 = arith.mulf %div3A_278, %mul3A_280 : vector<129x129xf32>
    %reduce_sum3A_282 = arith.constant dense<0.000000e+00> : vector<129xf32>
    %reduce_sum3A_283 = vector.multi_reduction <add>, %mul3A_281, %reduce_sum3A_282 [1] : vector<129x129xf32> to vector<129xf32>
    %broadcast_in_dim3A_284 = vector.shape_cast %reduce_sum3A_283 : vector<129xf32> to vector<129x1xf32>
    %div3A_285 = vector.broadcast %broadcast_in_dim3A_284 : vector<129x1xf32> to vector<129x129xf32>
    %div3A_286 = arith.divf %mul3A_281, %div3A_285 : vector<129x129xf32>
    %dot_general3A_287 = arith.constant dense<0.000000e+00> : vector<129x64xf32>
    %dot_general3A_288 = tpu.matmul %div3A_286, %mul3A_262, %dot_general3A_287 {dimension_numbers = #tpu.dot_dimension_numbers<[1], [0], [0], [1], [0, 0, 1, 1], [], []>, transpose_lhs_hint = false} : vector<129x129xf32>, vector<129x64xf32>, vector<129x64xf32> -> vector<129x64xf32>
    %swap3A_289 = arith.constant 3 : index
    %swap3A_290 = arith.constant 0 : index
    %swap3A_291 = arith.constant 0 : index
    %swap3A_292 = vector.load %arg4[%swap3A_289, %swap3A_290, %swap3A_291] : memref<32x129x64xf32, #tpu.memory_space<vmem>>, vector<1x129x64xf32>
    %swap3A_293 = vector.shape_cast %swap3A_292 : vector<1x129x64xf32> to vector<129x64xf32>
    %swap3A_294 = vector.shape_cast %dot_general3A_288 : vector<129x64xf32> to vector<1x129x64xf32>
    tpu.vector_store %arg4[%swap3A_289, %swap3A_290, %swap3A_291], %swap3A_294 {strides = array<i32>} : memref<32x129x64xf32, #tpu.memory_space<vmem>>, vector<1x129x64xf32>,
    %mul3A_295 = arith.mulf %div3A_286, %convert_element_type3A_2 : vector<129x129xf32>
    %reduce_sum3A_296 = arith.constant dense<0.000000e+00> : vector<129xf32>
    %reduce_sum3A_297 = vector.multi_reduction <add>, %mul3A_295, %reduce_sum3A_296 [1] : vector<129x129xf32> to vector<129xf32>
    %swap3A_298 = arith.constant 3 : index
    %swap3A_299 = arith.constant 0 : index
    %swap3A_300 = arith.constant 0 : index
    %swap3A_301 = vector.load %arg5[%swap3A_298, %swap3A_299, %swap3A_300] : memref<32x1x129xf32, #tpu.memory_space<vmem>>, vector<1x1x129xf32>
    %swap3A_302 = vector.shape_cast %swap3A_301 : vector<1x1x129xf32> to vector<129xf32>
    %swap3A_303 = vector.shape_cast %reduce_sum3A_297 : vector<129xf32> to vector<1x1x129xf32>
    tpu.vector_store %arg5[%swap3A_298, %swap3A_299, %swap3A_300], %swap3A_303 {strides = array<i32>} : memref<32x1x129xf32, #tpu.memory_space<vmem>>, vector<1x1x129xf32>,
    %get3A_304 = arith.constant 4 : index
    %get3A_305 = arith.constant 0 : index
    %get3A_306 = arith.constant 0 : index
    %get3A_307 = vector.load %arg3[%get3A_304, %get3A_305, %get3A_306] : memref<32x129x64xf32, #tpu.memory_space<vmem>>, vector<1x129x64xf32>
    %get3A_308 = vector.shape_cast %get3A_307 : vector<1x129x64xf32> to vector<129x64xf32>
    %reduce_sum3A_309 = arith.constant dense<0.000000e+00> : vector<129xf32>
    %reduce_sum3A_310 = vector.multi_reduction <add>, %get3A_308, %reduce_sum3A_309 [1] : vector<129x64xf32> to vector<129xf32>
    %mul3A_311 = arith.constant 1.562500e-02 : f32
    %mul3A_312 = vector.broadcast %mul3A_311 : f32 to vector<129xf32>
    %mul3A_313 = arith.mulf %reduce_sum3A_310, %mul3A_312 : vector<129xf32>
    %div3A_314 = arith.constant 1.000000e+00 : f32
    %div3A_315 = vector.broadcast %div3A_314 : f32 to vector<129xf32>
    %div3A_316 = arith.divf %div3A_315, %mul3A_313 : vector<129xf32>
    %get3A_317 = arith.constant 4 : index
    %get3A_318 = arith.constant 0 : index
    %get3A_319 = arith.constant 0 : index
    %get3A_320 = vector.load %arg0[%get3A_317, %get3A_318, %get3A_319] : memref<32x129x64xf32, #tpu.memory_space<vmem>>, vector<1x129x64xf32>
    %get3A_321 = vector.shape_cast %get3A_320 : vector<1x129x64xf32> to vector<129x64xf32>
    %broadcast_in_dim3A_322 = vector.shape_cast %div3A_316 : vector<129xf32> to vector<129x1xf32>
    %mul3A_323 = vector.broadcast %broadcast_in_dim3A_322 : vector<129x1xf32> to vector<129x64xf32>
    %mul3A_324 = arith.mulf %get3A_321, %mul3A_323 : vector<129x64xf32>
    %get3A_325 = arith.constant 4 : index
    %get3A_326 = arith.constant 0 : index
    %get3A_327 = arith.constant 0 : index
    %get3A_328 = vector.load %arg1[%get3A_325, %get3A_326, %get3A_327] : memref<32x129x64xf32, #tpu.memory_space<vmem>>, vector<1x129x64xf32>
    %get3A_329 = vector.shape_cast %get3A_328 : vector<1x129x64xf32> to vector<129x64xf32>
    %broadcast_in_dim3A_330 = vector.shape_cast %div3A_316 : vector<129xf32> to vector<129x1xf32>
    %mul3A_331 = vector.broadcast %broadcast_in_dim3A_330 : vector<129x1xf32> to vector<129x64xf32>
    %mul3A_332 = arith.mulf %get3A_329, %mul3A_331 : vector<129x64xf32>
    %get3A_333 = arith.constant 4 : index
    %get3A_334 = arith.constant 0 : index
    %get3A_335 = arith.constant 0 : index
    %get3A_336 = vector.load %arg2[%get3A_333, %get3A_334, %get3A_335] : memref<32x129x64xf32, #tpu.memory_space<vmem>>, vector<1x129x64xf32>
    %get3A_337 = vector.shape_cast %get3A_336 : vector<1x129x64xf32> to vector<129x64xf32>
    %broadcast_in_dim3A_338 = vector.shape_cast %div3A_316 : vector<129xf32> to vector<129x1xf32>
    %mul3A_339 = vector.broadcast %broadcast_in_dim3A_338 : vector<129x1xf32> to vector<129x64xf32>
    %mul3A_340 = arith.mulf %get3A_337, %mul3A_339 : vector<129x64xf32>
    %dot_general3A_341 = arith.constant dense<0.000000e+00> : vector<129x129xf32>
    %dot_general3A_342 = tpu.matmul %mul3A_324, %mul3A_332, %dot_general3A_341 {dimension_numbers = #tpu.dot_dimension_numbers<[1], [1], [0], [0], [0, 0, 1, 0], [], []>, transpose_lhs_hint = false} : vector<129x64xf32>, vector<129x64xf32>, vector<129x129xf32> -> vector<129x129xf32>
    %reduce_max3A_343 = arith.constant dense<0xFF800000> : vector<129xf32>
    %reduce_max3A_344 = vector.multi_reduction <maximumf>, %dot_general3A_342, %reduce_max3A_343 [1] : vector<129x129xf32> to vector<129xf32>
    %max3A_345 = arith.constant 0xFF800000 : f32
    %max3A_346 = vector.broadcast %max3A_345 : f32 to vector<129xf32>
    %max3A_347 = arith.maximumf %max3A_346, %reduce_max3A_344 : vector<129xf32>
    %broadcast_in_dim3A_348 = vector.shape_cast %max3A_347 : vector<129xf32> to vector<129x1xf32>
    %sub3A_349 = vector.broadcast %broadcast_in_dim3A_348 : vector<129x1xf32> to vector<129x129xf32>
    %sub3A_350 = arith.subf %dot_general3A_342, %sub3A_349 : vector<129x129xf32>
    %exp3A_351 = math.exp %sub3A_350 : vector<129x129xf32>
    %reduce_sum3A_352 = arith.constant dense<0.000000e+00> : vector<129xf32>
    %reduce_sum3A_353 = vector.multi_reduction <add>, %exp3A_351, %reduce_sum3A_352 [1] : vector<129x129xf32> to vector<129xf32>
    %broadcast_in_dim3A_354 = vector.shape_cast %reduce_sum3A_353 : vector<129xf32> to vector<129x1xf32>
    %div3A_355 = vector.broadcast %broadcast_in_dim3A_354 : vector<129x1xf32> to vector<129x129xf32>
    %div3A_356 = arith.divf %exp3A_351, %div3A_355 : vector<129x129xf32>
    %broadcast_in_dim3A_357 = vector.shape_cast %mul3A_313 : vector<129xf32> to vector<1x129xf32>
    %mul3A_358 = vector.broadcast %broadcast_in_dim3A_357 : vector<1x129xf32> to vector<129x129xf32>
    %mul3A_359 = arith.mulf %div3A_356, %mul3A_358 : vector<129x129xf32>
    %reduce_sum3A_360 = arith.constant dense<0.000000e+00> : vector<129xf32>
    %reduce_sum3A_361 = vector.multi_reduction <add>, %mul3A_359, %reduce_sum3A_360 [1] : vector<129x129xf32> to vector<129xf32>
    %broadcast_in_dim3A_362 = vector.shape_cast %reduce_sum3A_361 : vector<129xf32> to vector<129x1xf32>
    %div3A_363 = vector.broadcast %broadcast_in_dim3A_362 : vector<129x1xf32> to vector<129x129xf32>
    %div3A_364 = arith.divf %mul3A_359, %div3A_363 : vector<129x129xf32>
    %dot_general3A_365 = arith.constant dense<0.000000e+00> : vector<129x64xf32>
    %dot_general3A_366 = tpu.matmul %div3A_364, %mul3A_340, %dot_general3A_365 {dimension_numbers = #tpu.dot_dimension_numbers<[1], [0], [0], [1], [0, 0, 1, 1], [], []>, transpose_lhs_hint = false} : vector<129x129xf32>, vector<129x64xf32>, vector<129x64xf32> -> vector<129x64xf32>
    %swap3A_367 = arith.constant 4 : index
    %swap3A_368 = arith.constant 0 : index
    %swap3A_369 = arith.constant 0 : index
    %swap3A_370 = vector.load %arg4[%swap3A_367, %swap3A_368, %swap3A_369] : memref<32x129x64xf32, #tpu.memory_space<vmem>>, vector<1x129x64xf32>
    %swap3A_371 = vector.shape_cast %swap3A_370 : vector<1x129x64xf32> to vector<129x64xf32>
    %swap3A_372 = vector.shape_cast %dot_general3A_366 : vector<129x64xf32> to vector<1x129x64xf32>
    tpu.vector_store %arg4[%swap3A_367, %swap3A_368, %swap3A_369], %swap3A_372 {strides = array<i32>} : memref<32x129x64xf32, #tpu.memory_space<vmem>>, vector<1x129x64xf32>,
    %mul3A_373 = arith.mulf %div3A_364, %convert_element_type3A_2 : vector<129x129xf32>
    %reduce_sum3A_374 = arith.constant dense<0.000000e+00> : vector<129xf32>
    %reduce_sum3A_375 = vector.multi_reduction <add>, %mul3A_373, %reduce_sum3A_374 [1] : vector<129x129xf32> to vector<129xf32>
    %swap3A_376 = arith.constant 4 : index
    %swap3A_377 = arith.constant 0 : index
    %swap3A_378 = arith.constant 0 : index
    %swap3A_379 = vector.load %arg5[%swap3A_376, %swap3A_377, %swap3A_378] : memref<32x1x129xf32, #tpu.memory_space<vmem>>, vector<1x1x129xf32>
    %swap3A_380 = vector.shape_cast %swap3A_379 : vector<1x1x129xf32> to vector<129xf32>
    %swap3A_381 = vector.shape_cast %reduce_sum3A_375 : vector<129xf32> to vector<1x1x129xf32>
    tpu.vector_store %arg5[%swap3A_376, %swap3A_377, %swap3A_378], %swap3A_381 {strides = array<i32>} : memref<32x1x129xf32, #tpu.memory_space<vmem>>, vector<1x1x129xf32>,
    %get3A_382 = arith.constant 5 : index
    %get3A_383 = arith.constant 0 : index
    %get3A_384 = arith.constant 0 : index
    %get3A_385 = vector.load %arg3[%get3A_382, %get3A_383, %get3A_384] : memref<32x129x64xf32, #tpu.memory_space<vmem>>, vector<1x129x64xf32>
    %get3A_386 = vector.shape_cast %get3A_385 : vector<1x129x64xf32> to vector<129x64xf32>
    %reduce_sum3A_387 = arith.constant dense<0.000000e+00> : vector<129xf32>
    %reduce_sum3A_388 = vector.multi_reduction <add>, %get3A_386, %reduce_sum3A_387 [1] : vector<129x64xf32> to vector<129xf32>
    %mul3A_389 = arith.constant 1.562500e-02 : f32
    %mul3A_390 = vector.broadcast %mul3A_389 : f32 to vector<129xf32>
    %mul3A_391 = arith.mulf %reduce_sum3A_388, %mul3A_390 : vector<129xf32>
    %div3A_392 = arith.constant 1.000000e+00 : f32
    %div3A_393 = vector.broadcast %div3A_392 : f32 to vector<129xf32>
    %div3A_394 = arith.divf %div3A_393, %mul3A_391 : vector<129xf32>
    %get3A_395 = arith.constant 5 : index
    %get3A_396 = arith.constant 0 : index
    %get3A_397 = arith.constant 0 : index
    %get3A_398 = vector.load %arg0[%get3A_395, %get3A_396, %get3A_397] : memref<32x129x64xf32, #tpu.memory_space<vmem>>, vector<1x129x64xf32>
    %get3A_399 = vector.shape_cast %get3A_398 : vector<1x129x64xf32> to vector<129x64xf32>
    %broadcast_in_dim3A_400 = vector.shape_cast %div3A_394 : vector<129xf32> to vector<129x1xf32>
    %mul3A_401 = vector.broadcast %broadcast_in_dim3A_400 : vector<129x1xf32> to vector<129x64xf32>
    %mul3A_402 = arith.mulf %get3A_399, %mul3A_401 : vector<129x64xf32>
    %get3A_403 = arith.constant 5 : index
    %get3A_404 = arith.constant 0 : index
    %get3A_405 = arith.constant 0 : index
    %get3A_406 = vector.load %arg1[%get3A_403, %get3A_404, %get3A_405] : memref<32x129x64xf32, #tpu.memory_space<vmem>>, vector<1x129x64xf32>
    %get3A_407 = vector.shape_cast %get3A_406 : vector<1x129x64xf32> to vector<129x64xf32>
    %broadcast_in_dim3A_408 = vector.shape_cast %div3A_394 : vector<129xf32> to vector<129x1xf32>
    %mul3A_409 = vector.broadcast %broadcast_in_dim3A_408 : vector<129x1xf32> to vector<129x64xf32>
    %mul3A_410 = arith.mulf %get3A_407, %mul3A_409 : vector<129x64xf32>
    %get3A_411 = arith.constant 5 : index
    %get3A_412 = arith.constant 0 : index
    %get3A_413 = arith.constant 0 : index
    %get3A_414 = vector.load %arg2[%get3A_411, %get3A_412, %get3A_413] : memref<32x129x64xf32, #tpu.memory_space<vmem>>, vector<1x129x64xf32>
    %get3A_415 = vector.shape_cast %get3A_414 : vector<1x129x64xf32> to vector<129x64xf32>
    %broadcast_in_dim3A_416 = vector.shape_cast %div3A_394 : vector<129xf32> to vector<129x1xf32>
    %mul3A_417 = vector.broadcast %broadcast_in_dim3A_416 : vector<129x1xf32> to vector<129x64xf32>
    %mul3A_418 = arith.mulf %get3A_415, %mul3A_417 : vector<129x64xf32>
    %dot_general3A_419 = arith.constant dense<0.000000e+00> : vector<129x129xf32>
    %dot_general3A_420 = tpu.matmul %mul3A_402, %mul3A_410, %dot_general3A_419 {dimension_numbers = #tpu.dot_dimension_numbers<[1], [1], [0], [0], [0, 0, 1, 0], [], []>, transpose_lhs_hint = false} : vector<129x64xf32>, vector<129x64xf32>, vector<129x129xf32> -> vector<129x129xf32>
    %reduce_max3A_421 = arith.constant dense<0xFF800000> : vector<129xf32>
    %reduce_max3A_422 = vector.multi_reduction <maximumf>, %dot_general3A_420, %reduce_max3A_421 [1] : vector<129x129xf32> to vector<129xf32>
    %max3A_423 = arith.constant 0xFF800000 : f32
    %max3A_424 = vector.broadcast %max3A_423 : f32 to vector<129xf32>
    %max3A_425 = arith.maximumf %max3A_424, %reduce_max3A_422 : vector<129xf32>
    %broadcast_in_dim3A_426 = vector.shape_cast %max3A_425 : vector<129xf32> to vector<129x1xf32>
    %sub3A_427 = vector.broadcast %broadcast_in_dim3A_426 : vector<129x1xf32> to vector<129x129xf32>
    %sub3A_428 = arith.subf %dot_general3A_420, %sub3A_427 : vector<129x129xf32>
    %exp3A_429 = math.exp %sub3A_428 : vector<129x129xf32>
    %reduce_sum3A_430 = arith.constant dense<0.000000e+00> : vector<129xf32>
    %reduce_sum3A_431 = vector.multi_reduction <add>, %exp3A_429, %reduce_sum3A_430 [1] : vector<129x129xf32> to vector<129xf32>
    %broadcast_in_dim3A_432 = vector.shape_cast %reduce_sum3A_431 : vector<129xf32> to vector<129x1xf32>
    %div3A_433 = vector.broadcast %broadcast_in_dim3A_432 : vector<129x1xf32> to vector<129x129xf32>
    %div3A_434 = arith.divf %exp3A_429, %div3A_433 : vector<129x129xf32>
    %broadcast_in_dim3A_435 = vector.shape_cast %mul3A_391 : vector<129xf32> to vector<1x129xf32>
    %mul3A_436 = vector.broadcast %broadcast_in_dim3A_435 : vector<1x129xf32> to vector<129x129xf32>
    %mul3A_437 = arith.mulf %div3A_434, %mul3A_436 : vector<129x129xf32>
    %reduce_sum3A_438 = arith.constant dense<0.000000e+00> : vector<129xf32>
    %reduce_sum3A_439 = vector.multi_reduction <add>, %mul3A_437, %reduce_sum3A_438 [1] : vector<129x129xf32> to vector<129xf32>
    %broadcast_in_dim3A_440 = vector.shape_cast %reduce_sum3A_439 : vector<129xf32> to vector<129x1xf32>
    %div3A_441 = vector.broadcast %broadcast_in_dim3A_440 : vector<129x1xf32> to vector<129x129xf32>
    %div3A_442 = arith.divf %mul3A_437, %div3A_441 : vector<129x129xf32>
    %dot_general3A_443 = arith.constant dense<0.000000e+00> : vector<129x64xf32>
    %dot_general3A_444 = tpu.matmul %div3A_442, %mul3A_418, %dot_general3A_443 {dimension_numbers = #tpu.dot_dimension_numbers<[1], [0], [0], [1], [0, 0, 1, 1], [], []>, transpose_lhs_hint = false} : vector<129x129xf32>, vector<129x64xf32>, vector<129x64xf32> -> vector<129x64xf32>
    %swap3A_445 = arith.constant 5 : index
    %swap3A_446 = arith.constant 0 : index
    %swap3A_447 = arith.constant 0 : index
    %swap3A_448 = vector.load %arg4[%swap3A_445, %swap3A_446, %swap3A_447] : memref<32x129x64xf32, #tpu.memory_space<vmem>>, vector<1x129x64xf32>
    %swap3A_449 = vector.shape_cast %swap3A_448 : vector<1x129x64xf32> to vector<129x64xf32>
    %swap3A_450 = vector.shape_cast %dot_general3A_444 : vector<129x64xf32> to vector<1x129x64xf32>
    tpu.vector_store %arg4[%swap3A_445, %swap3A_446, %swap3A_447], %swap3A_450 {strides = array<i32>} : memref<32x129x64xf32, #tpu.memory_space<vmem>>, vector<1x129x64xf32>,
    %mul3A_451 = arith.mulf %div3A_442, %convert_element_type3A_2 : vector<129x129xf32>
    %reduce_sum3A_452 = arith.constant dense<0.000000e+00> : vector<129xf32>
    %reduce_sum3A_453 = vector.multi_reduction <add>, %mul3A_451, %reduce_sum3A_452 [1] : vector<129x129xf32> to vector<129xf32>
    %swap3A_454 = arith.constant 5 : index
    %swap3A_455 = arith.constant 0 : index
    %swap3A_456 = arith.constant 0 : index
    %swap3A_457 = vector.load %arg5[%swap3A_454, %swap3A_455, %swap3A_456] : memref<32x1x129xf32, #tpu.memory_space<vmem>>, vector<1x1x129xf32>
    %swap3A_458 = vector.shape_cast %swap3A_457 : vector<1x1x129xf32> to vector<129xf32>
    %swap3A_459 = vector.shape_cast %reduce_sum3A_453 : vector<129xf32> to vector<1x1x129xf32>
    tpu.vector_store %arg5[%swap3A_454, %swap3A_455, %swap3A_456], %swap3A_459 {strides = array<i32>} : memref<32x1x129xf32, #tpu.memory_space<vmem>>, vector<1x1x129xf32>,
    %get3A_460 = arith.constant 6 : index
    %get3A_461 = arith.constant 0 : index
    %get3A_462 = arith.constant 0 : index
    %get3A_463 = vector.load %arg3[%get3A_460, %get3A_461, %get3A_462] : memref<32x129x64xf32, #tpu.memory_space<vmem>>, vector<1x129x64xf32>
    %get3A_464 = vector.shape_cast %get3A_463 : vector<1x129x64xf32> to vector<129x64xf32>
    %reduce_sum3A_465 = arith.constant dense<0.000000e+00> : vector<129xf32>
    %reduce_sum3A_466 = vector.multi_reduction <add>, %get3A_464, %reduce_sum3A_465 [1] : vector<129x64xf32> to vector<129xf32>
    %mul3A_467 = arith.constant 1.562500e-02 : f32
    %mul3A_468 = vector.broadcast %mul3A_467 : f32 to vector<129xf32>
    %mul3A_469 = arith.mulf %reduce_sum3A_466, %mul3A_468 : vector<129xf32>
    %div3A_470 = arith.constant 1.000000e+00 : f32
    %div3A_471 = vector.broadcast %div3A_470 : f32 to vector<129xf32>
    %div3A_472 = arith.divf %div3A_471, %mul3A_469 : vector<129xf32>
    %get3A_473 = arith.constant 6 : index
    %get3A_474 = arith.constant 0 : index
    %get3A_475 = arith.constant 0 : index
    %get3A_476 = vector.load %arg0[%get3A_473, %get3A_474, %get3A_475] : memref<32x129x64xf32, #tpu.memory_space<vmem>>, vector<1x129x64xf32>
    %get3A_477 = vector.shape_cast %get3A_476 : vector<1x129x64xf32> to vector<129x64xf32>
    %broadcast_in_dim3A_478 = vector.shape_cast %div3A_472 : vector<129xf32> to vector<129x1xf32>
    %mul3A_479 = vector.broadcast %broadcast_in_dim3A_478 : vector<129x1xf32> to vector<129x64xf32>
    %mul3A_480 = arith.mulf %get3A_477, %mul3A_479 : vector<129x64xf32>
    %get3A_481 = arith.constant 6 : index
    %get3A_482 = arith.constant 0 : index
    %get3A_483 = arith.constant 0 : index
    %get3A_484 = vector.load %arg1[%get3A_481, %get3A_482, %get3A_483] : memref<32x129x64xf32, #tpu.memory_space<vmem>>, vector<1x129x64xf32>
    %get3A_485 = vector.shape_cast %get3A_484 : vector<1x129x64xf32> to vector<129x64xf32>
    %broadcast_in_dim3A_486 = vector.shape_cast %div3A_472 : vector<129xf32> to vector<129x1xf32>
    %mul3A_487 = vector.broadcast %broadcast_in_dim3A_486 : vector<129x1xf32> to vector<129x64xf32>
    %mul3A_488 = arith.mulf %get3A_485, %mul3A_487 : vector<129x64xf32>
    %get3A_489 = arith.constant 6 : index
    %get3A_490 = arith.constant 0 : index
    %get3A_491 = arith.constant 0 : index
    %get3A_492 = vector.load %arg2[%get3A_489, %get3A_490, %get3A_491] : memref<32x129x64xf32, #tpu.memory_space<vmem>>, vector<1x129x64xf32>
    %get3A_493 = vector.shape_cast %get3A_492 : vector<1x129x64xf32> to vector<129x64xf32>
    %broadcast_in_dim3A_494 = vector.shape_cast %div3A_472 : vector<129xf32> to vector<129x1xf32>
    %mul3A_495 = vector.broadcast %broadcast_in_dim3A_494 : vector<129x1xf32> to vector<129x64xf32>
    %mul3A_496 = arith.mulf %get3A_493, %mul3A_495 : vector<129x64xf32>
    %dot_general3A_497 = arith.constant dense<0.000000e+00> : vector<129x129xf32>
    %dot_general3A_498 = tpu.matmul %mul3A_480, %mul3A_488, %dot_general3A_497 {dimension_numbers = #tpu.dot_dimension_numbers<[1], [1], [0], [0], [0, 0, 1, 0], [], []>, transpose_lhs_hint = false} : vector<129x64xf32>, vector<129x64xf32>, vector<129x129xf32> -> vector<129x129xf32>
    %reduce_max3A_499 = arith.constant dense<0xFF800000> : vector<129xf32>
    %reduce_max3A_500 = vector.multi_reduction <maximumf>, %dot_general3A_498, %reduce_max3A_499 [1] : vector<129x129xf32> to vector<129xf32>
    %max3A_501 = arith.constant 0xFF800000 : f32
    %max3A_502 = vector.broadcast %max3A_501 : f32 to vector<129xf32>
    %max3A_503 = arith.maximumf %max3A_502, %reduce_max3A_500 : vector<129xf32>
    %broadcast_in_dim3A_504 = vector.shape_cast %max3A_503 : vector<129xf32> to vector<129x1xf32>
    %sub3A_505 = vector.broadcast %broadcast_in_dim3A_504 : vector<129x1xf32> to vector<129x129xf32>
    %sub3A_506 = arith.subf %dot_general3A_498, %sub3A_505 : vector<129x129xf32>
    %exp3A_507 = math.exp %sub3A_506 : vector<129x129xf32>
    %reduce_sum3A_508 = arith.constant dense<0.000000e+00> : vector<129xf32>
    %reduce_sum3A_509 = vector.multi_reduction <add>, %exp3A_507, %reduce_sum3A_508 [1] : vector<129x129xf32> to vector<129xf32>
    %broadcast_in_dim3A_510 = vector.shape_cast %reduce_sum3A_509 : vector<129xf32> to vector<129x1xf32>
    %div3A_511 = vector.broadcast %broadcast_in_dim3A_510 : vector<129x1xf32> to vector<129x129xf32>
    %div3A_512 = arith.divf %exp3A_507, %div3A_511 : vector<129x129xf32>
    %broadcast_in_dim3A_513 = vector.shape_cast %mul3A_469 : vector<129xf32> to vector<1x129xf32>
    %mul3A_514 = vector.broadcast %broadcast_in_dim3A_513 : vector<1x129xf32> to vector<129x129xf32>
    %mul3A_515 = arith.mulf %div3A_512, %mul3A_514 : vector<129x129xf32>
    %reduce_sum3A_516 = arith.constant dense<0.000000e+00> : vector<129xf32>
    %reduce_sum3A_517 = vector.multi_reduction <add>, %mul3A_515, %reduce_sum3A_516 [1] : vector<129x129xf32> to vector<129xf32>
    %broadcast_in_dim3A_518 = vector.shape_cast %reduce_sum3A_517 : vector<129xf32> to vector<129x1xf32>
    %div3A_519 = vector.broadcast %broadcast_in_dim3A_518 : vector<129x1xf32> to vector<129x129xf32>
    %div3A_520 = arith.divf %mul3A_515, %div3A_519 : vector<129x129xf32>
    %dot_general3A_521 = arith.constant dense<0.000000e+00> : vector<129x64xf32>
    %dot_general3A_522 = tpu.matmul %div3A_520, %mul3A_496, %dot_general3A_521 {dimension_numbers = #tpu.dot_dimension_numbers<[1], [0], [0], [1], [0, 0, 1, 1], [], []>, transpose_lhs_hint = false} : vector<129x129xf32>, vector<129x64xf32>, vector<129x64xf32> -> vector<129x64xf32>
    %swap3A_523 = arith.constant 6 : index
    %swap3A_524 = arith.constant 0 : index
    %swap3A_525 = arith.constant 0 : index
    %swap3A_526 = vector.load %arg4[%swap3A_523, %swap3A_524, %swap3A_525] : memref<32x129x64xf32, #tpu.memory_space<vmem>>, vector<1x129x64xf32>
    %swap3A_527 = vector.shape_cast %swap3A_526 : vector<1x129x64xf32> to vector<129x64xf32>
    %swap3A_528 = vector.shape_cast %dot_general3A_522 : vector<129x64xf32> to vector<1x129x64xf32>
    tpu.vector_store %arg4[%swap3A_523, %swap3A_524, %swap3A_525], %swap3A_528 {strides = array<i32>} : memref<32x129x64xf32, #tpu.memory_space<vmem>>, vector<1x129x64xf32>,
    %mul3A_529 = arith.mulf %div3A_520, %convert_element_type3A_2 : vector<129x129xf32>
    %reduce_sum3A_530 = arith.constant dense<0.000000e+00> : vector<129xf32>
    %reduce_sum3A_531 = vector.multi_reduction <add>, %mul3A_529, %reduce_sum3A_530 [1] : vector<129x129xf32> to vector<129xf32>
    %swap3A_532 = arith.constant 6 : index
    %swap3A_533 = arith.constant 0 : index
    %swap3A_534 = arith.constant 0 : index
    %swap3A_535 = vector.load %arg5[%swap3A_532, %swap3A_533, %swap3A_534] : memref<32x1x129xf32, #tpu.memory_space<vmem>>, vector<1x1x129xf32>
    %swap3A_536 = vector.shape_cast %swap3A_535 : vector<1x1x129xf32> to vector<129xf32>
    %swap3A_537 = vector.shape_cast %reduce_sum3A_531 : vector<129xf32> to vector<1x1x129xf32>
    tpu.vector_store %arg5[%swap3A_532, %swap3A_533, %swap3A_534], %swap3A_537 {strides = array<i32>} : memref<32x1x129xf32, #tpu.memory_space<vmem>>, vector<1x1x129xf32>,
    %get3A_538 = arith.constant 7 : index
    %get3A_539 = arith.constant 0 : index
    %get3A_540 = arith.constant 0 : index
    %get3A_541 = vector.load %arg3[%get3A_538, %get3A_539, %get3A_540] : memref<32x129x64xf32, #tpu.memory_space<vmem>>, vector<1x129x64xf32>
    %get3A_542 = vector.shape_cast %get3A_541 : vector<1x129x64xf32> to vector<129x64xf32>
    %reduce_sum3A_543 = arith.constant dense<0.000000e+00> : vector<129xf32>
    %reduce_sum3A_544 = vector.multi_reduction <add>, %get3A_542, %reduce_sum3A_543 [1] : vector<129x64xf32> to vector<129xf32>
    %mul3A_545 = arith.constant 1.562500e-02 : f32
    %mul3A_546 = vector.broadcast %mul3A_545 : f32 to vector<129xf32>
    %mul3A_547 = arith.mulf %reduce_sum3A_544, %mul3A_546 : vector<129xf32>
    %div3A_548 = arith.constant 1.000000e+00 : f32
    %div3A_549 = vector.broadcast %div3A_548 : f32 to vector<129xf32>
    %div3A_550 = arith.divf %div3A_549, %mul3A_547 : vector<129xf32>
    %get3A_551 = arith.constant 7 : index
    %get3A_552 = arith.constant 0 : index
    %get3A_553 = arith.constant 0 : index
    %get3A_554 = vector.load %arg0[%get3A_551, %get3A_552, %get3A_553] : memref<32x129x64xf32, #tpu.memory_space<vmem>>, vector<1x129x64xf32>
    %get3A_555 = vector.shape_cast %get3A_554 : vector<1x129x64xf32> to vector<129x64xf32>
    %broadcast_in_dim3A_556 = vector.shape_cast %div3A_550 : vector<129xf32> to vector<129x1xf32>
    %mul3A_557 = vector.broadcast %broadcast_in_dim3A_556 : vector<129x1xf32> to vector<129x64xf32>
    %mul3A_558 = arith.mulf %get3A_555, %mul3A_557 : vector<129x64xf32>
    %get3A_559 = arith.constant 7 : index
    %get3A_560 = arith.constant 0 : index
    %get3A_561 = arith.constant 0 : index
    %get3A_562 = vector.load %arg1[%get3A_559, %get3A_560, %get3A_561] : memref<32x129x64xf32, #tpu.memory_space<vmem>>, vector<1x129x64xf32>
    %get3A_563 = vector.shape_cast %get3A_562 : vector<1x129x64xf32> to vector<129x64xf32>
    %broadcast_in_dim3A_564 = vector.shape_cast %div3A_550 : vector<129xf32> to vector<129x1xf32>
    %mul3A_565 = vector.broadcast %broadcast_in_dim3A_564 : vector<129x1xf32> to vector<129x64xf32>
    %mul3A_566 = arith.mulf %get3A_563, %mul3A_565 : vector<129x64xf32>
    %get3A_567 = arith.constant 7 : index
    %get3A_568 = arith.constant 0 : index
    %get3A_569 = arith.constant 0 : index
    %get3A_570 = vector.load %arg2[%get3A_567, %get3A_568, %get3A_569] : memref<32x129x64xf32, #tpu.memory_space<vmem>>, vector<1x129x64xf32>
    %get3A_571 = vector.shape_cast %get3A_570 : vector<1x129x64xf32> to vector<129x64xf32>
    %broadcast_in_dim3A_572 = vector.shape_cast %div3A_550 : vector<129xf32> to vector<129x1xf32>
    %mul3A_573 = vector.broadcast %broadcast_in_dim3A_572 : vector<129x1xf32> to vector<129x64xf32>
    %mul3A_574 = arith.mulf %get3A_571, %mul3A_573 : vector<129x64xf32>
    %dot_general3A_575 = arith.constant dense<0.000000e+00> : vector<129x129xf32>
    %dot_general3A_576 = tpu.matmul %mul3A_558, %mul3A_566, %dot_general3A_575 {dimension_numbers = #tpu.dot_dimension_numbers<[1], [1], [0], [0], [0, 0, 1, 0], [], []>, transpose_lhs_hint = false} : vector<129x64xf32>, vector<129x64xf32>, vector<129x129xf32> -> vector<129x129xf32>
    %reduce_max3A_577 = arith.constant dense<0xFF800000> : vector<129xf32>
    %reduce_max3A_578 = vector.multi_reduction <maximumf>, %dot_general3A_576, %reduce_max3A_577 [1] : vector<129x129xf32> to vector<129xf32>
    %max3A_579 = arith.constant 0xFF800000 : f32
    %max3A_580 = vector.broadcast %max3A_579 : f32 to vector<129xf32>
    %max3A_581 = arith.maximumf %max3A_580, %reduce_max3A_578 : vector<129xf32>
    %broadcast_in_dim3A_582 = vector.shape_cast %max3A_581 : vector<129xf32> to vector<129x1xf32>
    %sub3A_583 = vector.broadcast %broadcast_in_dim3A_582 : vector<129x1xf32> to vector<129x129xf32>
    %sub3A_584 = arith.subf %dot_general3A_576, %sub3A_583 : vector<129x129xf32>
    %exp3A_585 = math.exp %sub3A_584 : vector<129x129xf32>
    %reduce_sum3A_586 = arith.constant dense<0.000000e+00> : vector<129xf32>
    %reduce_sum3A_587 = vector.multi_reduction <add>, %exp3A_585, %reduce_sum3A_586 [1] : vector<129x129xf32> to vector<129xf32>
    %broadcast_in_dim3A_588 = vector.shape_cast %reduce_sum3A_587 : vector<129xf32> to vector<129x1xf32>
    %div3A_589 = vector.broadcast %broadcast_in_dim3A_588 : vector<129x1xf32> to vector<129x129xf32>
    %div3A_590 = arith.divf %exp3A_585, %div3A_589 : vector<129x129xf32>
    %broadcast_in_dim3A_591 = vector.shape_cast %mul3A_547 : vector<129xf32> to vector<1x129xf32>
    %mul3A_592 = vector.broadcast %broadcast_in_dim3A_591 : vector<1x129xf32> to vector<129x129xf32>
    %mul3A_593 = arith.mulf %div3A_590, %mul3A_592 : vector<129x129xf32>
    %reduce_sum3A_594 = arith.constant dense<0.000000e+00> : vector<129xf32>
    %reduce_sum3A_595 = vector.multi_reduction <add>, %mul3A_593, %reduce_sum3A_594 [1] : vector<129x129xf32> to vector<129xf32>
    %broadcast_in_dim3A_596 = vector.shape_cast %reduce_sum3A_595 : vector<129xf32> to vector<129x1xf32>
    %div3A_597 = vector.broadcast %broadcast_in_dim3A_596 : vector<129x1xf32> to vector<129x129xf32>
    %div3A_598 = arith.divf %mul3A_593, %div3A_597 : vector<129x129xf32>
    %dot_general3A_599 = arith.constant dense<0.000000e+00> : vector<129x64xf32>
    %dot_general3A_600 = tpu.matmul %div3A_598, %mul3A_574, %dot_general3A_599 {dimension_numbers = #tpu.dot_dimension_numbers<[1], [0], [0], [1], [0, 0, 1, 1], [], []>, transpose_lhs_hint = false} : vector<129x129xf32>, vector<129x64xf32>, vector<129x64xf32> -> vector<129x64xf32>
    %swap3A_601 = arith.constant 7 : index
    %swap3A_602 = arith.constant 0 : index
    %swap3A_603 = arith.constant 0 : index
    %swap3A_604 = vector.load %arg4[%swap3A_601, %swap3A_602, %swap3A_603] : memref<32x129x64xf32, #tpu.memory_space<vmem>>, vector<1x129x64xf32>
    %swap3A_605 = vector.shape_cast %swap3A_604 : vector<1x129x64xf32> to vector<129x64xf32>
    %swap3A_606 = vector.shape_cast %dot_general3A_600 : vector<129x64xf32> to vector<1x129x64xf32>
    tpu.vector_store %arg4[%swap3A_601, %swap3A_602, %swap3A_603], %swap3A_606 {strides = array<i32>} : memref<32x129x64xf32, #tpu.memory_space<vmem>>, vector<1x129x64xf32>,
    %mul3A_607 = arith.mulf %div3A_598, %convert_element_type3A_2 : vector<129x129xf32>
    %reduce_sum3A_608 = arith.constant dense<0.000000e+00> : vector<129xf32>
    %reduce_sum3A_609 = vector.multi_reduction <add>, %mul3A_607, %reduce_sum3A_608 [1] : vector<129x129xf32> to vector<129xf32>
    %swap3A_610 = arith.constant 7 : index
    %swap3A_611 = arith.constant 0 : index
    %swap3A_612 = arith.constant 0 : index
    %swap3A_613 = vector.load %arg5[%swap3A_610, %swap3A_611, %swap3A_612] : memref<32x1x129xf32, #tpu.memory_space<vmem>>, vector<1x1x129xf32>
    %swap3A_614 = vector.shape_cast %swap3A_613 : vector<1x1x129xf32> to vector<129xf32>
    %swap3A_615 = vector.shape_cast %reduce_sum3A_609 : vector<129xf32> to vector<1x1x129xf32>
    tpu.vector_store %arg5[%swap3A_610, %swap3A_611, %swap3A_612], %swap3A_615 {strides = array<i32>} : memref<32x1x129xf32, #tpu.memory_space<vmem>>, vector<1x1x129xf32>,
    %get3A_616 = arith.constant 8 : index
    %get3A_617 = arith.constant 0 : index
    %get3A_618 = arith.constant 0 : index
    %get3A_619 = vector.load %arg3[%get3A_616, %get3A_617, %get3A_618] : memref<32x129x64xf32, #tpu.memory_space<vmem>>, vector<1x129x64xf32>
    %get3A_620 = vector.shape_cast %get3A_619 : vector<1x129x64xf32> to vector<129x64xf32>
    %reduce_sum3A_621 = arith.constant dense<0.000000e+00> : vector<129xf32>
    %reduce_sum3A_622 = vector.multi_reduction <add>, %get3A_620, %reduce_sum3A_621 [1] : vector<129x64xf32> to vector<129xf32>
    %mul3A_623 = arith.constant 1.562500e-02 : f32
    %mul3A_624 = vector.broadcast %mul3A_623 : f32 to vector<129xf32>
    %mul3A_625 = arith.mulf %reduce_sum3A_622, %mul3A_624 : vector<129xf32>
    %div3A_626 = arith.constant 1.000000e+00 : f32
    %div3A_627 = vector.broadcast %div3A_626 : f32 to vector<129xf32>
    %div3A_628 = arith.divf %div3A_627, %mul3A_625 : vector<129xf32>
    %get3A_629 = arith.constant 8 : index
    %get3A_630 = arith.constant 0 : index
    %get3A_631 = arith.constant 0 : index
    %get3A_632 = vector.load %arg0[%get3A_629, %get3A_630, %get3A_631] : memref<32x129x64xf32, #tpu.memory_space<vmem>>, vector<1x129x64xf32>
    %get3A_633 = vector.shape_cast %get3A_632 : vector<1x129x64xf32> to vector<129x64xf32>
    %broadcast_in_dim3A_634 = vector.shape_cast %div3A_628 : vector<129xf32> to vector<129x1xf32>
    %mul3A_635 = vector.broadcast %broadcast_in_dim3A_634 : vector<129x1xf32> to vector<129x64xf32>
    %mul3A_636 = arith.mulf %get3A_633, %mul3A_635 : vector<129x64xf32>
    %get3A_637 = arith.constant 8 : index
    %get3A_638 = arith.constant 0 : index
    %get3A_639 = arith.constant 0 : index
    %get3A_640 = vector.load %arg1[%get3A_637, %get3A_638, %get3A_639] : memref<32x129x64xf32, #tpu.memory_space<vmem>>, vector<1x129x64xf32>
    %get3A_641 = vector.shape_cast %get3A_640 : vector<1x129x64xf32> to vector<129x64xf32>
    %broadcast_in_dim3A_642 = vector.shape_cast %div3A_628 : vector<129xf32> to vector<129x1xf32>
    %mul3A_643 = vector.broadcast %broadcast_in_dim3A_642 : vector<129x1xf32> to vector<129x64xf32>
    %mul3A_644 = arith.mulf %get3A_641, %mul3A_643 : vector<129x64xf32>
    %get3A_645 = arith.constant 8 : index
    %get3A_646 = arith.constant 0 : index
    %get3A_647 = arith.constant 0 : index
    %get3A_648 = vector.load %arg2[%get3A_645, %get3A_646, %get3A_647] : memref<32x129x64xf32, #tpu.memory_space<vmem>>, vector<1x129x64xf32>
    %get3A_649 = vector.shape_cast %get3A_648 : vector<1x129x64xf32> to vector<129x64xf32>
    %broadcast_in_dim3A_650 = vector.shape_cast %div3A_628 : vector<129xf32> to vector<129x1xf32>
    %mul3A_651 = vector.broadcast %broadcast_in_dim3A_650 : vector<129x1xf32> to vector<129x64xf32>
    %mul3A_652 = arith.mulf %get3A_649, %mul3A_651 : vector<129x64xf32>
    %dot_general3A_653 = arith.constant dense<0.000000e+00> : vector<129x129xf32>
    %dot_general3A_654 = tpu.matmul %mul3A_636, %mul3A_644, %dot_general3A_653 {dimension_numbers = #tpu.dot_dimension_numbers<[1], [1], [0], [0], [0, 0, 1, 0], [], []>, transpose_lhs_hint = false} : vector<129x64xf32>, vector<129x64xf32>, vector<129x129xf32> -> vector<129x129xf32>
    %reduce_max3A_655 = arith.constant dense<0xFF800000> : vector<129xf32>
    %reduce_max3A_656 = vector.multi_reduction <maximumf>, %dot_general3A_654, %reduce_max3A_655 [1] : vector<129x129xf32> to vector<129xf32>
    %max3A_657 = arith.constant 0xFF800000 : f32
    %max3A_658 = vector.broadcast %max3A_657 : f32 to vector<129xf32>
    %max3A_659 = arith.maximumf %max3A_658, %reduce_max3A_656 : vector<129xf32>
    %broadcast_in_dim3A_660 = vector.shape_cast %max3A_659 : vector<129xf32> to vector<129x1xf32>
    %sub3A_661 = vector.broadcast %broadcast_in_dim3A_660 : vector<129x1xf32> to vector<129x129xf32>
    %sub3A_662 = arith.subf %dot_general3A_654, %sub3A_661 : vector<129x129xf32>
    %exp3A_663 = math.exp %sub3A_662 : vector<129x129xf32>
    %reduce_sum3A_664 = arith.constant dense<0.000000e+00> : vector<129xf32>
    %reduce_sum3A_665 = vector.multi_reduction <add>, %exp3A_663, %reduce_sum3A_664 [1] : vector<129x129xf32> to vector<129xf32>
    %broadcast_in_dim3A_666 = vector.shape_cast %reduce_sum3A_665 : vector<129xf32> to vector<129x1xf32>
    %div3A_667 = vector.broadcast %broadcast_in_dim3A_666 : vector<129x1xf32> to vector<129x129xf32>
    %div3A_668 = arith.divf %exp3A_663, %div3A_667 : vector<129x129xf32>
    %broadcast_in_dim3A_669 = vector.shape_cast %mul3A_625 : vector<129xf32> to vector<1x129xf32>
    %mul3A_670 = vector.broadcast %broadcast_in_dim3A_669 : vector<1x129xf32> to vector<129x129xf32>
    %mul3A_671 = arith.mulf %div3A_668, %mul3A_670 : vector<129x129xf32>
    %reduce_sum3A_672 = arith.constant dense<0.000000e+00> : vector<129xf32>
    %reduce_sum3A_673 = vector.multi_reduction <add>, %mul3A_671, %reduce_sum3A_672 [1] : vector<129x129xf32> to vector<129xf32>
    %broadcast_in_dim3A_674 = vector.shape_cast %reduce_sum3A_673 : vector<129xf32> to vector<129x1xf32>
    %div3A_675 = vector.broadcast %broadcast_in_dim3A_674 : vector<129x1xf32> to vector<129x129xf32>
    %div3A_676 = arith.divf %mul3A_671, %div3A_675 : vector<129x129xf32>
    %dot_general3A_677 = arith.constant dense<0.000000e+00> : vector<129x64xf32>
    %dot_general3A_678 = tpu.matmul %div3A_676, %mul3A_652, %dot_general3A_677 {dimension_numbers = #tpu.dot_dimension_numbers<[1], [0], [0], [1], [0, 0, 1, 1], [], []>, transpose_lhs_hint = false} : vector<129x129xf32>, vector<129x64xf32>, vector<129x64xf32> -> vector<129x64xf32>
    %swap3A_679 = arith.constant 8 : index
    %swap3A_680 = arith.constant 0 : index
    %swap3A_681 = arith.constant 0 : index
    %swap3A_682 = vector.load %arg4[%swap3A_679, %swap3A_680, %swap3A_681] : memref<32x129x64xf32, #tpu.memory_space<vmem>>, vector<1x129x64xf32>
    %swap3A_683 = vector.shape_cast %swap3A_682 : vector<1x129x64xf32> to vector<129x64xf32>
    %swap3A_684 = vector.shape_cast %dot_general3A_678 : vector<129x64xf32> to vector<1x129x64xf32>
    tpu.vector_store %arg4[%swap3A_679, %swap3A_680, %swap3A_681], %swap3A_684 {strides = array<i32>} : memref<32x129x64xf32, #tpu.memory_space<vmem>>, vector<1x129x64xf32>,
    %mul3A_685 = arith.mulf %div3A_676, %convert_element_type3A_2 : vector<129x129xf32>
    %reduce_sum3A_686 = arith.constant dense<0.000000e+00> : vector<129xf32>
    %reduce_sum3A_687 = vector.multi_reduction <add>, %mul3A_685, %reduce_sum3A_686 [1] : vector<129x129xf32> to vector<129xf32>
    %swap3A_688 = arith.constant 8 : index
    %swap3A_689 = arith.constant 0 : index
    %swap3A_690 = arith.constant 0 : index
    %swap3A_691 = vector.load %arg5[%swap3A_688, %swap3A_689, %swap3A_690] : memref<32x1x129xf32, #tpu.memory_space<vmem>>, vector<1x1x129xf32>
    %swap3A_692 = vector.shape_cast %swap3A_691 : vector<1x1x129xf32> to vector<129xf32>
    %swap3A_693 = vector.shape_cast %reduce_sum3A_687 : vector<129xf32> to vector<1x1x129xf32>
    tpu.vector_store %arg5[%swap3A_688, %swap3A_689, %swap3A_690], %swap3A_693 {strides = array<i32>} : memref<32x1x129xf32, #tpu.memory_space<vmem>>, vector<1x1x129xf32>,
    %get3A_694 = arith.constant 9 : index
    %get3A_695 = arith.constant 0 : index
    %get3A_696 = arith.constant 0 : index
    %get3A_697 = vector.load %arg3[%get3A_694, %get3A_695, %get3A_696] : memref<32x129x64xf32, #tpu.memory_space<vmem>>, vector<1x129x64xf32>
    %get3A_698 = vector.shape_cast %get3A_697 : vector<1x129x64xf32> to vector<129x64xf32>
    %reduce_sum3A_699 = arith.constant dense<0.000000e+00> : vector<129xf32>
    %reduce_sum3A_700 = vector.multi_reduction <add>, %get3A_698, %reduce_sum3A_699 [1] : vector<129x64xf32> to vector<129xf32>
    %mul3A_701 = arith.constant 1.562500e-02 : f32
    %mul3A_702 = vector.broadcast %mul3A_701 : f32 to vector<129xf32>
    %mul3A_703 = arith.mulf %reduce_sum3A_700, %mul3A_702 : vector<129xf32>
    %div3A_704 = arith.constant 1.000000e+00 : f32
    %div3A_705 = vector.broadcast %div3A_704 : f32 to vector<129xf32>
    %div3A_706 = arith.divf %div3A_705, %mul3A_703 : vector<129xf32>
    %get3A_707 = arith.constant 9 : index
    %get3A_708 = arith.constant 0 : index
    %get3A_709 = arith.constant 0 : index
    %get3A_710 = vector.load %arg0[%get3A_707, %get3A_708, %get3A_709] : memref<32x129x64xf32, #tpu.memory_space<vmem>>, vector<1x129x64xf32>
    %get3A_711 = vector.shape_cast %get3A_710 : vector<1x129x64xf32> to vector<129x64xf32>
    %broadcast_in_dim3A_712 = vector.shape_cast %div3A_706 : vector<129xf32> to vector<129x1xf32>
    %mul3A_713 = vector.broadcast %broadcast_in_dim3A_712 : vector<129x1xf32> to vector<129x64xf32>
    %mul3A_714 = arith.mulf %get3A_711, %mul3A_713 : vector<129x64xf32>
    %get3A_715 = arith.constant 9 : index
    %get3A_716 = arith.constant 0 : index
    %get3A_717 = arith.constant 0 : index
    %get3A_718 = vector.load %arg1[%get3A_715, %get3A_716, %get3A_717] : memref<32x129x64xf32, #tpu.memory_space<vmem>>, vector<1x129x64xf32>
    %get3A_719 = vector.shape_cast %get3A_718 : vector<1x129x64xf32> to vector<129x64xf32>
    %broadcast_in_dim3A_720 = vector.shape_cast %div3A_706 : vector<129xf32> to vector<129x1xf32>
    %mul3A_721 = vector.broadcast %broadcast_in_dim3A_720 : vector<129x1xf32> to vector<129x64xf32>
    %mul3A_722 = arith.mulf %get3A_719, %mul3A_721 : vector<129x64xf32>
    %get3A_723 = arith.constant 9 : index
    %get3A_724 = arith.constant 0 : index
    %get3A_725 = arith.constant 0 : index
    %get3A_726 = vector.load %arg2[%get3A_723, %get3A_724, %get3A_725] : memref<32x129x64xf32, #tpu.memory_space<vmem>>, vector<1x129x64xf32>
    %get3A_727 = vector.shape_cast %get3A_726 : vector<1x129x64xf32> to vector<129x64xf32>
    %broadcast_in_dim3A_728 = vector.shape_cast %div3A_706 : vector<129xf32> to vector<129x1xf32>
    %mul3A_729 = vector.broadcast %broadcast_in_dim3A_728 : vector<129x1xf32> to vector<129x64xf32>
    %mul3A_730 = arith.mulf %get3A_727, %mul3A_729 : vector<129x64xf32>
    %dot_general3A_731 = arith.constant dense<0.000000e+00> : vector<129x129xf32>
    %dot_general3A_732 = tpu.matmul %mul3A_714, %mul3A_722, %dot_general3A_731 {dimension_numbers = #tpu.dot_dimension_numbers<[1], [1], [0], [0], [0, 0, 1, 0], [], []>, transpose_lhs_hint = false} : vector<129x64xf32>, vector<129x64xf32>, vector<129x129xf32> -> vector<129x129xf32>
    %reduce_max3A_733 = arith.constant dense<0xFF800000> : vector<129xf32>
    %reduce_max3A_734 = vector.multi_reduction <maximumf>, %dot_general3A_732, %reduce_max3A_733 [1] : vector<129x129xf32> to vector<129xf32>
    %max3A_735 = arith.constant 0xFF800000 : f32
    %max3A_736 = vector.broadcast %max3A_735 : f32 to vector<129xf32>
    %max3A_737 = arith.maximumf %max3A_736, %reduce_max3A_734 : vector<129xf32>
    %broadcast_in_dim3A_738 = vector.shape_cast %max3A_737 : vector<129xf32> to vector<129x1xf32>
    %sub3A_739 = vector.broadcast %broadcast_in_dim3A_738 : vector<129x1xf32> to vector<129x129xf32>
    %sub3A_740 = arith.subf %dot_general3A_732, %sub3A_739 : vector<129x129xf32>
    %exp3A_741 = math.exp %sub3A_740 : vector<129x129xf32>
    %reduce_sum3A_742 = arith.constant dense<0.000000e+00> : vector<129xf32>
    %reduce_sum3A_743 = vector.multi_reduction <add>, %exp3A_741, %reduce_sum3A_742 [1] : vector<129x129xf32> to vector<129xf32>
    %broadcast_in_dim3A_744 = vector.shape_cast %reduce_sum3A_743 : vector<129xf32> to vector<129x1xf32>
    %div3A_745 = vector.broadcast %broadcast_in_dim3A_744 : vector<129x1xf32> to vector<129x129xf32>
    %div3A_746 = arith.divf %exp3A_741, %div3A_745 : vector<129x129xf32>
    %broadcast_in_dim3A_747 = vector.shape_cast %mul3A_703 : vector<129xf32> to vector<1x129xf32>
    %mul3A_748 = vector.broadcast %broadcast_in_dim3A_747 : vector<1x129xf32> to vector<129x129xf32>
    %mul3A_749 = arith.mulf %div3A_746, %mul3A_748 : vector<129x129xf32>
    %reduce_sum3A_750 = arith.constant dense<0.000000e+00> : vector<129xf32>
    %reduce_sum3A_751 = vector.multi_reduction <add>, %mul3A_749, %reduce_sum3A_750 [1] : vector<129x129xf32> to vector<129xf32>
    %broadcast_in_dim3A_752 = vector.shape_cast %reduce_sum3A_751 : vector<129xf32> to vector<129x1xf32>
    %div3A_753 = vector.broadcast %broadcast_in_dim3A_752 : vector<129x1xf32> to vector<129x129xf32>
    %div3A_754 = arith.divf %mul3A_749, %div3A_753 : vector<129x129xf32>
    %dot_general3A_755 = arith.constant dense<0.000000e+00> : vector<129x64xf32>
    %dot_general3A_756 = tpu.matmul %div3A_754, %mul3A_730, %dot_general3A_755 {dimension_numbers = #tpu.dot_dimension_numbers<[1], [0], [0], [1], [0, 0, 1, 1], [], []>, transpose_lhs_hint = false} : vector<129x129xf32>, vector<129x64xf32>, vector<129x64xf32> -> vector<129x64xf32>
    %swap3A_757 = arith.constant 9 : index
    %swap3A_758 = arith.constant 0 : index
    %swap3A_759 = arith.constant 0 : index
    %swap3A_760 = vector.load %arg4[%swap3A_757, %swap3A_758, %swap3A_759] : memref<32x129x64xf32, #tpu.memory_space<vmem>>, vector<1x129x64xf32>
    %swap3A_761 = vector.shape_cast %swap3A_760 : vector<1x129x64xf32> to vector<129x64xf32>
    %swap3A_762 = vector.shape_cast %dot_general3A_756 : vector<129x64xf32> to vector<1x129x64xf32>
    tpu.vector_store %arg4[%swap3A_757, %swap3A_758, %swap3A_759], %swap3A_762 {strides = array<i32>} : memref<32x129x64xf32, #tpu.memory_space<vmem>>, vector<1x129x64xf32>,
    %mul3A_763 = arith.mulf %div3A_754, %convert_element_type3A_2 : vector<129x129xf32>
    %reduce_sum3A_764 = arith.constant dense<0.000000e+00> : vector<129xf32>
    %reduce_sum3A_765 = vector.multi_reduction <add>, %mul3A_763, %reduce_sum3A_764 [1] : vector<129x129xf32> to vector<129xf32>
    %swap3A_766 = arith.constant 9 : index
    %swap3A_767 = arith.constant 0 : index
    %swap3A_768 = arith.constant 0 : index
    %swap3A_769 = vector.load %arg5[%swap3A_766, %swap3A_767, %swap3A_768] : memref<32x1x129xf32, #tpu.memory_space<vmem>>, vector<1x1x129xf32>
    %swap3A_770 = vector.shape_cast %swap3A_769 : vector<1x1x129xf32> to vector<129xf32>
    %swap3A_771 = vector.shape_cast %reduce_sum3A_765 : vector<129xf32> to vector<1x1x129xf32>
    tpu.vector_store %arg5[%swap3A_766, %swap3A_767, %swap3A_768], %swap3A_771 {strides = array<i32>} : memref<32x1x129xf32, #tpu.memory_space<vmem>>, vector<1x1x129xf32>,
    %get3A_772 = arith.constant 10 : index
    %get3A_773 = arith.constant 0 : index
    %get3A_774 = arith.constant 0 : index
    %get3A_775 = vector.load %arg3[%get3A_772, %get3A_773, %get3A_774] : memref<32x129x64xf32, #tpu.memory_space<vmem>>, vector<1x129x64xf32>
    %get3A_776 = vector.shape_cast %get3A_775 : vector<1x129x64xf32> to vector<129x64xf32>
    %reduce_sum3A_777 = arith.constant dense<0.000000e+00> : vector<129xf32>
    %reduce_sum3A_778 = vector.multi_reduction <add>, %get3A_776, %reduce_sum3A_777 [1] : vector<129x64xf32> to vector<129xf32>
    %mul3A_779 = arith.constant 1.562500e-02 : f32
    %mul3A_780 = vector.broadcast %mul3A_779 : f32 to vector<129xf32>
    %mul3A_781 = arith.mulf %reduce_sum3A_778, %mul3A_780 : vector<129xf32>
    %div3A_782 = arith.constant 1.000000e+00 : f32
    %div3A_783 = vector.broadcast %div3A_782 : f32 to vector<129xf32>
    %div3A_784 = arith.divf %div3A_783, %mul3A_781 : vector<129xf32>
    %get3A_785 = arith.constant 10 : index
    %get3A_786 = arith.constant 0 : index
    %get3A_787 = arith.constant 0 : index
    %get3A_788 = vector.load %arg0[%get3A_785, %get3A_786, %get3A_787] : memref<32x129x64xf32, #tpu.memory_space<vmem>>, vector<1x129x64xf32>
    %get3A_789 = vector.shape_cast %get3A_788 : vector<1x129x64xf32> to vector<129x64xf32>
    %broadcast_in_dim3A_790 = vector.shape_cast %div3A_784 : vector<129xf32> to vector<129x1xf32>
    %mul3A_791 = vector.broadcast %broadcast_in_dim3A_790 : vector<129x1xf32> to vector<129x64xf32>
    %mul3A_792 = arith.mulf %get3A_789, %mul3A_791 : vector<129x64xf32>
    %get3A_793 = arith.constant 10 : index
    %get3A_794 = arith.constant 0 : index
    %get3A_795 = arith.constant 0 : index
    %get3A_796 = vector.load %arg1[%get3A_793, %get3A_794, %get3A_795] : memref<32x129x64xf32, #tpu.memory_space<vmem>>, vector<1x129x64xf32>
    %get3A_797 = vector.shape_cast %get3A_796 : vector<1x129x64xf32> to vector<129x64xf32>
    %broadcast_in_dim3A_798 = vector.shape_cast %div3A_784 : vector<129xf32> to vector<129x1xf32>
    %mul3A_799 = vector.broadcast %broadcast_in_dim3A_798 : vector<129x1xf32> to vector<129x64xf32>
    %mul3A_800 = arith.mulf %get3A_797, %mul3A_799 : vector<129x64xf32>
    %get3A_801 = arith.constant 10 : index
    %get3A_802 = arith.constant 0 : index
    %get3A_803 = arith.constant 0 : index
    %get3A_804 = vector.load %arg2[%get3A_801, %get3A_802, %get3A_803] : memref<32x129x64xf32, #tpu.memory_space<vmem>>, vector<1x129x64xf32>
    %get3A_805 = vector.shape_cast %get3A_804 : vector<1x129x64xf32> to vector<129x64xf32>
    %broadcast_in_dim3A_806 = vector.shape_cast %div3A_784 : vector<129xf32> to vector<129x1xf32>
    %mul3A_807 = vector.broadcast %broadcast_in_dim3A_806 : vector<129x1xf32> to vector<129x64xf32>
    %mul3A_808 = arith.mulf %get3A_805, %mul3A_807 : vector<129x64xf32>
    %dot_general3A_809 = arith.constant dense<0.000000e+00> : vector<129x129xf32>
    %dot_general3A_810 = tpu.matmul %mul3A_792, %mul3A_800, %dot_general3A_809 {dimension_numbers = #tpu.dot_dimension_numbers<[1], [1], [0], [0], [0, 0, 1, 0], [], []>, transpose_lhs_hint = false} : vector<129x64xf32>, vector<129x64xf32>, vector<129x129xf32> -> vector<129x129xf32>
    %reduce_max3A_811 = arith.constant dense<0xFF800000> : vector<129xf32>
    %reduce_max3A_812 = vector.multi_reduction <maximumf>, %dot_general3A_810, %reduce_max3A_811 [1] : vector<129x129xf32> to vector<129xf32>
    %max3A_813 = arith.constant 0xFF800000 : f32
    %max3A_814 = vector.broadcast %max3A_813 : f32 to vector<129xf32>
    %max3A_815 = arith.maximumf %max3A_814, %reduce_max3A_812 : vector<129xf32>
    %broadcast_in_dim3A_816 = vector.shape_cast %max3A_815 : vector<129xf32> to vector<129x1xf32>
    %sub3A_817 = vector.broadcast %broadcast_in_dim3A_816 : vector<129x1xf32> to vector<129x129xf32>
    %sub3A_818 = arith.subf %dot_general3A_810, %sub3A_817 : vector<129x129xf32>
    %exp3A_819 = math.exp %sub3A_818 : vector<129x129xf32>
    %reduce_sum3A_820 = arith.constant dense<0.000000e+00> : vector<129xf32>
    %reduce_sum3A_821 = vector.multi_reduction <add>, %exp3A_819, %reduce_sum3A_820 [1] : vector<129x129xf32> to vector<129xf32>
    %broadcast_in_dim3A_822 = vector.shape_cast %reduce_sum3A_821 : vector<129xf32> to vector<129x1xf32>
    %div3A_823 = vector.broadcast %broadcast_in_dim3A_822 : vector<129x1xf32> to vector<129x129xf32>
    %div3A_824 = arith.divf %exp3A_819, %div3A_823 : vector<129x129xf32>
    %broadcast_in_dim3A_825 = vector.shape_cast %mul3A_781 : vector<129xf32> to vector<1x129xf32>
    %mul3A_826 = vector.broadcast %broadcast_in_dim3A_825 : vector<1x129xf32> to vector<129x129xf32>
    %mul3A_827 = arith.mulf %div3A_824, %mul3A_826 : vector<129x129xf32>
    %reduce_sum3A_828 = arith.constant dense<0.000000e+00> : vector<129xf32>
    %reduce_sum3A_829 = vector.multi_reduction <add>, %mul3A_827, %reduce_sum3A_828 [1] : vector<129x129xf32> to vector<129xf32>
    %broadcast_in_dim3A_830 = vector.shape_cast %reduce_sum3A_829 : vector<129xf32> to vector<129x1xf32>
    %div3A_831 = vector.broadcast %broadcast_in_dim3A_830 : vector<129x1xf32> to vector<129x129xf32>
    %div3A_832 = arith.divf %mul3A_827, %div3A_831 : vector<129x129xf32>
    %dot_general3A_833 = arith.constant dense<0.000000e+00> : vector<129x64xf32>
    %dot_general3A_834 = tpu.matmul %div3A_832, %mul3A_808, %dot_general3A_833 {dimension_numbers = #tpu.dot_dimension_numbers<[1], [0], [0], [1], [0, 0, 1, 1], [], []>, transpose_lhs_hint = false} : vector<129x129xf32>, vector<129x64xf32>, vector<129x64xf32> -> vector<129x64xf32>
    %swap3A_835 = arith.constant 10 : index
    %swap3A_836 = arith.constant 0 : index
    %swap3A_837 = arith.constant 0 : index
    %swap3A_838 = vector.load %arg4[%swap3A_835, %swap3A_836, %swap3A_837] : memref<32x129x64xf32, #tpu.memory_space<vmem>>, vector<1x129x64xf32>
    %swap3A_839 = vector.shape_cast %swap3A_838 : vector<1x129x64xf32> to vector<129x64xf32>
    %swap3A_840 = vector.shape_cast %dot_general3A_834 : vector<129x64xf32> to vector<1x129x64xf32>
    tpu.vector_store %arg4[%swap3A_835, %swap3A_836, %swap3A_837], %swap3A_840 {strides = array<i32>} : memref<32x129x64xf32, #tpu.memory_space<vmem>>, vector<1x129x64xf32>,
    %mul3A_841 = arith.mulf %div3A_832, %convert_element_type3A_2 : vector<129x129xf32>
    %reduce_sum3A_842 = arith.constant dense<0.000000e+00> : vector<129xf32>
    %reduce_sum3A_843 = vector.multi_reduction <add>, %mul3A_841, %reduce_sum3A_842 [1] : vector<129x129xf32> to vector<129xf32>
    %swap3A_844 = arith.constant 10 : index
    %swap3A_845 = arith.constant 0 : index
    %swap3A_846 = arith.constant 0 : index
    %swap3A_847 = vector.load %arg5[%swap3A_844, %swap3A_845, %swap3A_846] : memref<32x1x129xf32, #tpu.memory_space<vmem>>, vector<1x1x129xf32>
    %swap3A_848 = vector.shape_cast %swap3A_847 : vector<1x1x129xf32> to vector<129xf32>
    %swap3A_849 = vector.shape_cast %reduce_sum3A_843 : vector<129xf32> to vector<1x1x129xf32>
    tpu.vector_store %arg5[%swap3A_844, %swap3A_845, %swap3A_846], %swap3A_849 {strides = array<i32>} : memref<32x1x129xf32, #tpu.memory_space<vmem>>, vector<1x1x129xf32>,
    %get3A_850 = arith.constant 11 : index
    %get3A_851 = arith.constant 0 : index
    %get3A_852 = arith.constant 0 : index
    %get3A_853 = vector.load %arg3[%get3A_850, %get3A_851, %get3A_852] : memref<32x129x64xf32, #tpu.memory_space<vmem>>, vector<1x129x64xf32>
    %get3A_854 = vector.shape_cast %get3A_853 : vector<1x129x64xf32> to vector<129x64xf32>
    %reduce_sum3A_855 = arith.constant dense<0.000000e+00> : vector<129xf32>
    %reduce_sum3A_856 = vector.multi_reduction <add>, %get3A_854, %reduce_sum3A_855 [1] : vector<129x64xf32> to vector<129xf32>
    %mul3A_857 = arith.constant 1.562500e-02 : f32
    %mul3A_858 = vector.broadcast %mul3A_857 : f32 to vector<129xf32>
    %mul3A_859 = arith.mulf %reduce_sum3A_856, %mul3A_858 : vector<129xf32>
    %div3A_860 = arith.constant 1.000000e+00 : f32
    %div3A_861 = vector.broadcast %div3A_860 : f32 to vector<129xf32>
    %div3A_862 = arith.divf %div3A_861, %mul3A_859 : vector<129xf32>
    %get3A_863 = arith.constant 11 : index
    %get3A_864 = arith.constant 0 : index
    %get3A_865 = arith.constant 0 : index
    %get3A_866 = vector.load %arg0[%get3A_863, %get3A_864, %get3A_865] : memref<32x129x64xf32, #tpu.memory_space<vmem>>, vector<1x129x64xf32>
    %get3A_867 = vector.shape_cast %get3A_866 : vector<1x129x64xf32> to vector<129x64xf32>
    %broadcast_in_dim3A_868 = vector.shape_cast %div3A_862 : vector<129xf32> to vector<129x1xf32>
    %mul3A_869 = vector.broadcast %broadcast_in_dim3A_868 : vector<129x1xf32> to vector<129x64xf32>
    %mul3A_870 = arith.mulf %get3A_867, %mul3A_869 : vector<129x64xf32>
    %get3A_871 = arith.constant 11 : index
    %get3A_872 = arith.constant 0 : index
    %get3A_873 = arith.constant 0 : index
    %get3A_874 = vector.load %arg1[%get3A_871, %get3A_872, %get3A_873] : memref<32x129x64xf32, #tpu.memory_space<vmem>>, vector<1x129x64xf32>
    %get3A_875 = vector.shape_cast %get3A_874 : vector<1x129x64xf32> to vector<129x64xf32>
    %broadcast_in_dim3A_876 = vector.shape_cast %div3A_862 : vector<129xf32> to vector<129x1xf32>
    %mul3A_877 = vector.broadcast %broadcast_in_dim3A_876 : vector<129x1xf32> to vector<129x64xf32>
    %mul3A_878 = arith.mulf %get3A_875, %mul3A_877 : vector<129x64xf32>
    %get3A_879 = arith.constant 11 : index
    %get3A_880 = arith.constant 0 : index
    %get3A_881 = arith.constant 0 : index
    %get3A_882 = vector.load %arg2[%get3A_879, %get3A_880, %get3A_881] : memref<32x129x64xf32, #tpu.memory_space<vmem>>, vector<1x129x64xf32>
    %get3A_883 = vector.shape_cast %get3A_882 : vector<1x129x64xf32> to vector<129x64xf32>
    %broadcast_in_dim3A_884 = vector.shape_cast %div3A_862 : vector<129xf32> to vector<129x1xf32>
    %mul3A_885 = vector.broadcast %broadcast_in_dim3A_884 : vector<129x1xf32> to vector<129x64xf32>
    %mul3A_886 = arith.mulf %get3A_883, %mul3A_885 : vector<129x64xf32>
    %dot_general3A_887 = arith.constant dense<0.000000e+00> : vector<129x129xf32>
    %dot_general3A_888 = tpu.matmul %mul3A_870, %mul3A_878, %dot_general3A_887 {dimension_numbers = #tpu.dot_dimension_numbers<[1], [1], [0], [0], [0, 0, 1, 0], [], []>, transpose_lhs_hint = false} : vector<129x64xf32>, vector<129x64xf32>, vector<129x129xf32> -> vector<129x129xf32>
    %reduce_max3A_889 = arith.constant dense<0xFF800000> : vector<129xf32>
    %reduce_max3A_890 = vector.multi_reduction <maximumf>, %dot_general3A_888, %reduce_max3A_889 [1] : vector<129x129xf32> to vector<129xf32>
    %max3A_891 = arith.constant 0xFF800000 : f32
    %max3A_892 = vector.broadcast %max3A_891 : f32 to vector<129xf32>
    %max3A_893 = arith.maximumf %max3A_892, %reduce_max3A_890 : vector<129xf32>
    %broadcast_in_dim3A_894 = vector.shape_cast %max3A_893 : vector<129xf32> to vector<129x1xf32>
    %sub3A_895 = vector.broadcast %broadcast_in_dim3A_894 : vector<129x1xf32> to vector<129x129xf32>
    %sub3A_896 = arith.subf %dot_general3A_888, %sub3A_895 : vector<129x129xf32>
    %exp3A_897 = math.exp %sub3A_896 : vector<129x129xf32>
    %reduce_sum3A_898 = arith.constant dense<0.000000e+00> : vector<129xf32>
    %reduce_sum3A_899 = vector.multi_reduction <add>, %exp3A_897, %reduce_sum3A_898 [1] : vector<129x129xf32> to vector<129xf32>
    %broadcast_in_dim3A_900 = vector.shape_cast %reduce_sum3A_899 : vector<129xf32> to vector<129x1xf32>
    %div3A_901 = vector.broadcast %broadcast_in_dim3A_900 : vector<129x1xf32> to vector<129x129xf32>
    %div3A_902 = arith.divf %exp3A_897, %div3A_901 : vector<129x129xf32>
    %broadcast_in_dim3A_903 = vector.shape_cast %mul3A_859 : vector<129xf32> to vector<1x129xf32>
    %mul3A_904 = vector.broadcast %broadcast_in_dim3A_903 : vector<1x129xf32> to vector<129x129xf32>
    %mul3A_905 = arith.mulf %div3A_902, %mul3A_904 : vector<129x129xf32>
    %reduce_sum3A_906 = arith.constant dense<0.000000e+00> : vector<129xf32>
    %reduce_sum3A_907 = vector.multi_reduction <add>, %mul3A_905, %reduce_sum3A_906 [1] : vector<129x129xf32> to vector<129xf32>
    %broadcast_in_dim3A_908 = vector.shape_cast %reduce_sum3A_907 : vector<129xf32> to vector<129x1xf32>
    %div3A_909 = vector.broadcast %broadcast_in_dim3A_908 : vector<129x1xf32> to vector<129x129xf32>
    %div3A_910 = arith.divf %mul3A_905, %div3A_909 : vector<129x129xf32>
    %dot_general3A_911 = arith.constant dense<0.000000e+00> : vector<129x64xf32>
    %dot_general3A_912 = tpu.matmul %div3A_910, %mul3A_886, %dot_general3A_911 {dimension_numbers = #tpu.dot_dimension_numbers<[1], [0], [0], [1], [0, 0, 1, 1], [], []>, transpose_lhs_hint = false} : vector<129x129xf32>, vector<129x64xf32>, vector<129x64xf32> -> vector<129x64xf32>
    %swap3A_913 = arith.constant 11 : index
    %swap3A_914 = arith.constant 0 : index
    %swap3A_915 = arith.constant 0 : index
    %swap3A_916 = vector.load %arg4[%swap3A_913, %swap3A_914, %swap3A_915] : memref<32x129x64xf32, #tpu.memory_space<vmem>>, vector<1x129x64xf32>
    %swap3A_917 = vector.shape_cast %swap3A_916 : vector<1x129x64xf32> to vector<129x64xf32>
    %swap3A_918 = vector.shape_cast %dot_general3A_912 : vector<129x64xf32> to vector<1x129x64xf32>
    tpu.vector_store %arg4[%swap3A_913, %swap3A_914, %swap3A_915], %swap3A_918 {strides = array<i32>} : memref<32x129x64xf32, #tpu.memory_space<vmem>>, vector<1x129x64xf32>,
    %mul3A_919 = arith.mulf %div3A_910, %convert_element_type3A_2 : vector<129x129xf32>
    %reduce_sum3A_920 = arith.constant dense<0.000000e+00> : vector<129xf32>
    %reduce_sum3A_921 = vector.multi_reduction <add>, %mul3A_919, %reduce_sum3A_920 [1] : vector<129x129xf32> to vector<129xf32>
    %swap3A_922 = arith.constant 11 : index
    %swap3A_923 = arith.constant 0 : index
    %swap3A_924 = arith.constant 0 : index
    %swap3A_925 = vector.load %arg5[%swap3A_922, %swap3A_923, %swap3A_924] : memref<32x1x129xf32, #tpu.memory_space<vmem>>, vector<1x1x129xf32>
    %swap3A_926 = vector.shape_cast %swap3A_925 : vector<1x1x129xf32> to vector<129xf32>
    %swap3A_927 = vector.shape_cast %reduce_sum3A_921 : vector<129xf32> to vector<1x1x129xf32>
    tpu.vector_store %arg5[%swap3A_922, %swap3A_923, %swap3A_924], %swap3A_927 {strides = array<i32>} : memref<32x1x129xf32, #tpu.memory_space<vmem>>, vector<1x1x129xf32>,
    %get3A_928 = arith.constant 12 : index
    %get3A_929 = arith.constant 0 : index
    %get3A_930 = arith.constant 0 : index
    %get3A_931 = vector.load %arg3[%get3A_928, %get3A_929, %get3A_930] : memref<32x129x64xf32, #tpu.memory_space<vmem>>, vector<1x129x64xf32>
    %get3A_932 = vector.shape_cast %get3A_931 : vector<1x129x64xf32> to vector<129x64xf32>
    %reduce_sum3A_933 = arith.constant dense<0.000000e+00> : vector<129xf32>
    %reduce_sum3A_934 = vector.multi_reduction <add>, %get3A_932, %reduce_sum3A_933 [1] : vector<129x64xf32> to vector<129xf32>
    %mul3A_935 = arith.constant 1.562500e-02 : f32
    %mul3A_936 = vector.broadcast %mul3A_935 : f32 to vector<129xf32>
    %mul3A_937 = arith.mulf %reduce_sum3A_934, %mul3A_936 : vector<129xf32>
    %div3A_938 = arith.constant 1.000000e+00 : f32
    %div3A_939 = vector.broadcast %div3A_938 : f32 to vector<129xf32>
    %div3A_940 = arith.divf %div3A_939, %mul3A_937 : vector<129xf32>
    %get3A_941 = arith.constant 12 : index
    %get3A_942 = arith.constant 0 : index
    %get3A_943 = arith.constant 0 : index
    %get3A_944 = vector.load %arg0[%get3A_941, %get3A_942, %get3A_943] : memref<32x129x64xf32, #tpu.memory_space<vmem>>, vector<1x129x64xf32>
    %get3A_945 = vector.shape_cast %get3A_944 : vector<1x129x64xf32> to vector<129x64xf32>
    %broadcast_in_dim3A_946 = vector.shape_cast %div3A_940 : vector<129xf32> to vector<129x1xf32>
    %mul3A_947 = vector.broadcast %broadcast_in_dim3A_946 : vector<129x1xf32> to vector<129x64xf32>
    %mul3A_948 = arith.mulf %get3A_945, %mul3A_947 : vector<129x64xf32>
    %get3A_949 = arith.constant 12 : index
    %get3A_950 = arith.constant 0 : index
    %get3A_951 = arith.constant 0 : index
    %get3A_952 = vector.load %arg1[%get3A_949, %get3A_950, %get3A_951] : memref<32x129x64xf32, #tpu.memory_space<vmem>>, vector<1x129x64xf32>
    %get3A_953 = vector.shape_cast %get3A_952 : vector<1x129x64xf32> to vector<129x64xf32>
    %broadcast_in_dim3A_954 = vector.shape_cast %div3A_940 : vector<129xf32> to vector<129x1xf32>
    %mul3A_955 = vector.broadcast %broadcast_in_dim3A_954 : vector<129x1xf32> to vector<129x64xf32>
    %mul3A_956 = arith.mulf %get3A_953, %mul3A_955 : vector<129x64xf32>
    %get3A_957 = arith.constant 12 : index
    %get3A_958 = arith.constant 0 : index
    %get3A_959 = arith.constant 0 : index
    %get3A_960 = vector.load %arg2[%get3A_957, %get3A_958, %get3A_959] : memref<32x129x64xf32, #tpu.memory_space<vmem>>, vector<1x129x64xf32>
    %get3A_961 = vector.shape_cast %get3A_960 : vector<1x129x64xf32> to vector<129x64xf32>
    %broadcast_in_dim3A_962 = vector.shape_cast %div3A_940 : vector<129xf32> to vector<129x1xf32>
    %mul3A_963 = vector.broadcast %broadcast_in_dim3A_962 : vector<129x1xf32> to vector<129x64xf32>
    %mul3A_964 = arith.mulf %get3A_961, %mul3A_963 : vector<129x64xf32>
    %dot_general3A_965 = arith.constant dense<0.000000e+00> : vector<129x129xf32>
    %dot_general3A_966 = tpu.matmul %mul3A_948, %mul3A_956, %dot_general3A_965 {dimension_numbers = #tpu.dot_dimension_numbers<[1], [1], [0], [0], [0, 0, 1, 0], [], []>, transpose_lhs_hint = false} : vector<129x64xf32>, vector<129x64xf32>, vector<129x129xf32> -> vector<129x129xf32>
    %reduce_max3A_967 = arith.constant dense<0xFF800000> : vector<129xf32>
    %reduce_max3A_968 = vector.multi_reduction <maximumf>, %dot_general3A_966, %reduce_max3A_967 [1] : vector<129x129xf32> to vector<129xf32>
    %max3A_969 = arith.constant 0xFF800000 : f32
    %max3A_970 = vector.broadcast %max3A_969 : f32 to vector<129xf32>
    %max3A_971 = arith.maximumf %max3A_970, %reduce_max3A_968 : vector<129xf32>
    %broadcast_in_dim3A_972 = vector.shape_cast %max3A_971 : vector<129xf32> to vector<129x1xf32>
    %sub3A_973 = vector.broadcast %broadcast_in_dim3A_972 : vector<129x1xf32> to vector<129x129xf32>
    %sub3A_974 = arith.subf %dot_general3A_966, %sub3A_973 : vector<129x129xf32>
    %exp3A_975 = math.exp %sub3A_974 : vector<129x129xf32>
    %reduce_sum3A_976 = arith.constant dense<0.000000e+00> : vector<129xf32>
    %reduce_sum3A_977 = vector.multi_reduction <add>, %exp3A_975, %reduce_sum3A_976 [1] : vector<129x129xf32> to vector<129xf32>
    %broadcast_in_dim3A_978 = vector.shape_cast %reduce_sum3A_977 : vector<129xf32> to vector<129x1xf32>
    %div3A_979 = vector.broadcast %broadcast_in_dim3A_978 : vector<129x1xf32> to vector<129x129xf32>
    %div3A_980 = arith.divf %exp3A_975, %div3A_979 : vector<129x129xf32>
    %broadcast_in_dim3A_981 = vector.shape_cast %mul3A_937 : vector<129xf32> to vector<1x129xf32>
    %mul3A_982 = vector.broadcast %broadcast_in_dim3A_981 : vector<1x129xf32> to vector<129x129xf32>
    %mul3A_983 = arith.mulf %div3A_980, %mul3A_982 : vector<129x129xf32>
    %reduce_sum3A_984 = arith.constant dense<0.000000e+00> : vector<129xf32>
    %reduce_sum3A_985 = vector.multi_reduction <add>, %mul3A_983, %reduce_sum3A_984 [1] : vector<129x129xf32> to vector<129xf32>
    %broadcast_in_dim3A_986 = vector.shape_cast %reduce_sum3A_985 : vector<129xf32> to vector<129x1xf32>
    %div3A_987 = vector.broadcast %broadcast_in_dim3A_986 : vector<129x1xf32> to vector<129x129xf32>
    %div3A_988 = arith.divf %mul3A_983, %div3A_987 : vector<129x129xf32>
    %dot_general3A_989 = arith.constant dense<0.000000e+00> : vector<129x64xf32>
    %dot_general3A_990 = tpu.matmul %div3A_988, %mul3A_964, %dot_general3A_989 {dimension_numbers = #tpu.dot_dimension_numbers<[1], [0], [0], [1], [0, 0, 1, 1], [], []>, transpose_lhs_hint = false} : vector<129x129xf32>, vector<129x64xf32>, vector<129x64xf32> -> vector<129x64xf32>
    %swap3A_991 = arith.constant 12 : index
    %swap3A_992 = arith.constant 0 : index
    %swap3A_993 = arith.constant 0 : index
    %swap3A_994 = vector.load %arg4[%swap3A_991, %swap3A_992, %swap3A_993] : memref<32x129x64xf32, #tpu.memory_space<vmem>>, vector<1x129x64xf32>
    %swap3A_995 = vector.shape_cast %swap3A_994 : vector<1x129x64xf32> to vector<129x64xf32>
    %swap3A_996 = vector.shape_cast %dot_general3A_990 : vector<129x64xf32> to vector<1x129x64xf32>
    tpu.vector_store %arg4[%swap3A_991, %swap3A_992, %swap3A_993], %swap3A_996 {strides = array<i32>} : memref<32x129x64xf32, #tpu.memory_space<vmem>>, vector<1x129x64xf32>,
    %mul3A_997 = arith.mulf %div3A_988, %convert_element_type3A_2 : vector<129x129xf32>
    %reduce_sum3A_998 = arith.constant dense<0.000000e+00> : vector<129xf32>
    %reduce_sum3A_999 = vector.multi_reduction <add>, %mul3A_997, %reduce_sum3A_998 [1] : vector<129x129xf32> to vector<129xf32>
    %swap3A_1000 = arith.constant 12 : index
    %swap3A_1001 = arith.constant 0 : index
    %swap3A_1002 = arith.constant 0 : index
    %swap3A_1003 = vector.load %arg5[%swap3A_1000, %swap3A_1001, %swap3A_1002] : memref<32x1x129xf32, #tpu.memory_space<vmem>>, vector<1x1x129xf32>
    %swap3A_1004 = vector.shape_cast %swap3A_1003 : vector<1x1x129xf32> to vector<129xf32>
    %swap3A_1005 = vector.shape_cast %reduce_sum3A_999 : vector<129xf32> to vector<1x1x129xf32>
    tpu.vector_store %arg5[%swap3A_1000, %swap3A_1001, %swap3A_1002], %swap3A_1005 {strides = array<i32>} : memref<32x1x129xf32, #tpu.memory_space<vmem>>, vector<1x1x129xf32>,
    %get3A_1006 = arith.constant 13 : index
    %get3A_1007 = arith.constant 0 : index
    %get3A_1008 = arith.constant 0 : index
    %get3A_1009 = vector.load %arg3[%get3A_1006, %get3A_1007, %get3A_1008] : memref<32x129x64xf32, #tpu.memory_space<vmem>>, vector<1x129x64xf32>
    %get3A_1010 = vector.shape_cast %get3A_1009 : vector<1x129x64xf32> to vector<129x64xf32>
    %reduce_sum3A_1011 = arith.constant dense<0.000000e+00> : vector<129xf32>
    %reduce_sum3A_1012 = vector.multi_reduction <add>, %get3A_1010, %reduce_sum3A_1011 [1] : vector<129x64xf32> to vector<129xf32>
    %mul3A_1013 = arith.constant 1.562500e-02 : f32
    %mul3A_1014 = vector.broadcast %mul3A_1013 : f32 to vector<129xf32>
    %mul3A_1015 = arith.mulf %reduce_sum3A_1012, %mul3A_1014 : vector<129xf32>
    %div3A_1016 = arith.constant 1.000000e+00 : f32
    %div3A_1017 = vector.broadcast %div3A_1016 : f32 to vector<129xf32>
    %div3A_1018 = arith.divf %div3A_1017, %mul3A_1015 : vector<129xf32>
    %get3A_1019 = arith.constant 13 : index
    %get3A_1020 = arith.constant 0 : index
    %get3A_1021 = arith.constant 0 : index
    %get3A_1022 = vector.load %arg0[%get3A_1019, %get3A_1020, %get3A_1021] : memref<32x129x64xf32, #tpu.memory_space<vmem>>, vector<1x129x64xf32>
    %get3A_1023 = vector.shape_cast %get3A_1022 : vector<1x129x64xf32> to vector<129x64xf32>
    %broadcast_in_dim3A_1024 = vector.shape_cast %div3A_1018 : vector<129xf32> to vector<129x1xf32>
    %mul3A_1025 = vector.broadcast %broadcast_in_dim3A_1024 : vector<129x1xf32> to vector<129x64xf32>
    %mul3A_1026 = arith.mulf %get3A_1023, %mul3A_1025 : vector<129x64xf32>
    %get3A_1027 = arith.constant 13 : index
    %get3A_1028 = arith.constant 0 : index
    %get3A_1029 = arith.constant 0 : index
    %get3A_1030 = vector.load %arg1[%get3A_1027, %get3A_1028, %get3A_1029] : memref<32x129x64xf32, #tpu.memory_space<vmem>>, vector<1x129x64xf32>
    %get3A_1031 = vector.shape_cast %get3A_1030 : vector<1x129x64xf32> to vector<129x64xf32>
    %broadcast_in_dim3A_1032 = vector.shape_cast %div3A_1018 : vector<129xf32> to vector<129x1xf32>
    %mul3A_1033 = vector.broadcast %broadcast_in_dim3A_1032 : vector<129x1xf32> to vector<129x64xf32>
    %mul3A_1034 = arith.mulf %get3A_1031, %mul3A_1033 : vector<129x64xf32>
    %get3A_1035 = arith.constant 13 : index
    %get3A_1036 = arith.constant 0 : index
    %get3A_1037 = arith.constant 0 : index
    %get3A_1038 = vector.load %arg2[%get3A_1035, %get3A_1036, %get3A_1037] : memref<32x129x64xf32, #tpu.memory_space<vmem>>, vector<1x129x64xf32>
    %get3A_1039 = vector.shape_cast %get3A_1038 : vector<1x129x64xf32> to vector<129x64xf32>
    %broadcast_in_dim3A_1040 = vector.shape_cast %div3A_1018 : vector<129xf32> to vector<129x1xf32>
    %mul3A_1041 = vector.broadcast %broadcast_in_dim3A_1040 : vector<129x1xf32> to vector<129x64xf32>
    %mul3A_1042 = arith.mulf %get3A_1039, %mul3A_1041 : vector<129x64xf32>
    %dot_general3A_1043 = arith.constant dense<0.000000e+00> : vector<129x129xf32>
    %dot_general3A_1044 = tpu.matmul %mul3A_1026, %mul3A_1034, %dot_general3A_1043 {dimension_numbers = #tpu.dot_dimension_numbers<[1], [1], [0], [0], [0, 0, 1, 0], [], []>, transpose_lhs_hint = false} : vector<129x64xf32>, vector<129x64xf32>, vector<129x129xf32> -> vector<129x129xf32>
    %reduce_max3A_1045 = arith.constant dense<0xFF800000> : vector<129xf32>
    %reduce_max3A_1046 = vector.multi_reduction <maximumf>, %dot_general3A_1044, %reduce_max3A_1045 [1] : vector<129x129xf32> to vector<129xf32>
    %max3A_1047 = arith.constant 0xFF800000 : f32
    %max3A_1048 = vector.broadcast %max3A_1047 : f32 to vector<129xf32>
    %max3A_1049 = arith.maximumf %max3A_1048, %reduce_max3A_1046 : vector<129xf32>
    %broadcast_in_dim3A_1050 = vector.shape_cast %max3A_1049 : vector<129xf32> to vector<129x1xf32>
    %sub3A_1051 = vector.broadcast %broadcast_in_dim3A_1050 : vector<129x1xf32> to vector<129x129xf32>
    %sub3A_1052 = arith.subf %dot_general3A_1044, %sub3A_1051 : vector<129x129xf32>
    %exp3A_1053 = math.exp %sub3A_1052 : vector<129x129xf32>
    %reduce_sum3A_1054 = arith.constant dense<0.000000e+00> : vector<129xf32>
    %reduce_sum3A_1055 = vector.multi_reduction <add>, %exp3A_1053, %reduce_sum3A_1054 [1] : vector<129x129xf32> to vector<129xf32>
    %broadcast_in_dim3A_1056 = vector.shape_cast %reduce_sum3A_1055 : vector<129xf32> to vector<129x1xf32>
    %div3A_1057 = vector.broadcast %broadcast_in_dim3A_1056 : vector<129x1xf32> to vector<129x129xf32>
    %div3A_1058 = arith.divf %exp3A_1053, %div3A_1057 : vector<129x129xf32>
    %broadcast_in_dim3A_1059 = vector.shape_cast %mul3A_1015 : vector<129xf32> to vector<1x129xf32>
    %mul3A_1060 = vector.broadcast %broadcast_in_dim3A_1059 : vector<1x129xf32> to vector<129x129xf32>
    %mul3A_1061 = arith.mulf %div3A_1058, %mul3A_1060 : vector<129x129xf32>
    %reduce_sum3A_1062 = arith.constant dense<0.000000e+00> : vector<129xf32>
    %reduce_sum3A_1063 = vector.multi_reduction <add>, %mul3A_1061, %reduce_sum3A_1062 [1] : vector<129x129xf32> to vector<129xf32>
    %broadcast_in_dim3A_1064 = vector.shape_cast %reduce_sum3A_1063 : vector<129xf32> to vector<129x1xf32>
    %div3A_1065 = vector.broadcast %broadcast_in_dim3A_1064 : vector<129x1xf32> to vector<129x129xf32>
    %div3A_1066 = arith.divf %mul3A_1061, %div3A_1065 : vector<129x129xf32>
    %dot_general3A_1067 = arith.constant dense<0.000000e+00> : vector<129x64xf32>
    %dot_general3A_1068 = tpu.matmul %div3A_1066, %mul3A_1042, %dot_general3A_1067 {dimension_numbers = #tpu.dot_dimension_numbers<[1], [0], [0], [1], [0, 0, 1, 1], [], []>, transpose_lhs_hint = false} : vector<129x129xf32>, vector<129x64xf32>, vector<129x64xf32> -> vector<129x64xf32>
    %swap3A_1069 = arith.constant 13 : index
    %swap3A_1070 = arith.constant 0 : index
    %swap3A_1071 = arith.constant 0 : index
    %swap3A_1072 = vector.load %arg4[%swap3A_1069, %swap3A_1070, %swap3A_1071] : memref<32x129x64xf32, #tpu.memory_space<vmem>>, vector<1x129x64xf32>
    %swap3A_1073 = vector.shape_cast %swap3A_1072 : vector<1x129x64xf32> to vector<129x64xf32>
    %swap3A_1074 = vector.shape_cast %dot_general3A_1068 : vector<129x64xf32> to vector<1x129x64xf32>
    tpu.vector_store %arg4[%swap3A_1069, %swap3A_1070, %swap3A_1071], %swap3A_1074 {strides = array<i32>} : memref<32x129x64xf32, #tpu.memory_space<vmem>>, vector<1x129x64xf32>,
    %mul3A_1075 = arith.mulf %div3A_1066, %convert_element_type3A_2 : vector<129x129xf32>
    %reduce_sum3A_1076 = arith.constant dense<0.000000e+00> : vector<129xf32>
    %reduce_sum3A_1077 = vector.multi_reduction <add>, %mul3A_1075, %reduce_sum3A_1076 [1] : vector<129x129xf32> to vector<129xf32>
    %swap3A_1078 = arith.constant 13 : index
    %swap3A_1079 = arith.constant 0 : index
    %swap3A_1080 = arith.constant 0 : index
    %swap3A_1081 = vector.load %arg5[%swap3A_1078, %swap3A_1079, %swap3A_1080] : memref<32x1x129xf32, #tpu.memory_space<vmem>>, vector<1x1x129xf32>
    %swap3A_1082 = vector.shape_cast %swap3A_1081 : vector<1x1x129xf32> to vector<129xf32>
    %swap3A_1083 = vector.shape_cast %reduce_sum3A_1077 : vector<129xf32> to vector<1x1x129xf32>
    tpu.vector_store %arg5[%swap3A_1078, %swap3A_1079, %swap3A_1080], %swap3A_1083 {strides = array<i32>} : memref<32x1x129xf32, #tpu.memory_space<vmem>>, vector<1x1x129xf32>,
    %get3A_1084 = arith.constant 14 : index
    %get3A_1085 = arith.constant 0 : index
    %get3A_1086 = arith.constant 0 : index
    %get3A_1087 = vector.load %arg3[%get3A_1084, %get3A_1085, %get3A_1086] : memref<32x129x64xf32, #tpu.memory_space<vmem>>, vector<1x129x64xf32>
    %get3A_1088 = vector.shape_cast %get3A_1087 : vector<1x129x64xf32> to vector<129x64xf32>
    %reduce_sum3A_1089 = arith.constant dense<0.000000e+00> : vector<129xf32>
    %reduce_sum3A_1090 = vector.multi_reduction <add>, %get3A_1088, %reduce_sum3A_1089 [1] : vector<129x64xf32> to vector<129xf32>
    %mul3A_1091 = arith.constant 1.562500e-02 : f32
    %mul3A_1092 = vector.broadcast %mul3A_1091 : f32 to vector<129xf32>
    %mul3A_1093 = arith.mulf %reduce_sum3A_1090, %mul3A_1092 : vector<129xf32>
    %div3A_1094 = arith.constant 1.000000e+00 : f32
    %div3A_1095 = vector.broadcast %div3A_1094 : f32 to vector<129xf32>
    %div3A_1096 = arith.divf %div3A_1095, %mul3A_1093 : vector<129xf32>
    %get3A_1097 = arith.constant 14 : index
    %get3A_1098 = arith.constant 0 : index
    %get3A_1099 = arith.constant 0 : index
    %get3A_1100 = vector.load %arg0[%get3A_1097, %get3A_1098, %get3A_1099] : memref<32x129x64xf32, #tpu.memory_space<vmem>>, vector<1x129x64xf32>
    %get3A_1101 = vector.shape_cast %get3A_1100 : vector<1x129x64xf32> to vector<129x64xf32>
    %broadcast_in_dim3A_1102 = vector.shape_cast %div3A_1096 : vector<129xf32> to vector<129x1xf32>
    %mul3A_1103 = vector.broadcast %broadcast_in_dim3A_1102 : vector<129x1xf32> to vector<129x64xf32>
    %mul3A_1104 = arith.mulf %get3A_1101, %mul3A_1103 : vector<129x64xf32>
    %get3A_1105 = arith.constant 14 : index
    %get3A_1106 = arith.constant 0 : index
    %get3A_1107 = arith.constant 0 : index
    %get3A_1108 = vector.load %arg1[%get3A_1105, %get3A_1106, %get3A_1107] : memref<32x129x64xf32, #tpu.memory_space<vmem>>, vector<1x129x64xf32>
    %get3A_1109 = vector.shape_cast %get3A_1108 : vector<1x129x64xf32> to vector<129x64xf32>
    %broadcast_in_dim3A_1110 = vector.shape_cast %div3A_1096 : vector<129xf32> to vector<129x1xf32>
    %mul3A_1111 = vector.broadcast %broadcast_in_dim3A_1110 : vector<129x1xf32> to vector<129x64xf32>
    %mul3A_1112 = arith.mulf %get3A_1109, %mul3A_1111 : vector<129x64xf32>
    %get3A_1113 = arith.constant 14 : index
    %get3A_1114 = arith.constant 0 : index
    %get3A_1115 = arith.constant 0 : index
    %get3A_1116 = vector.load %arg2[%get3A_1113, %get3A_1114, %get3A_1115] : memref<32x129x64xf32, #tpu.memory_space<vmem>>, vector<1x129x64xf32>
    %get3A_1117 = vector.shape_cast %get3A_1116 : vector<1x129x64xf32> to vector<129x64xf32>
    %broadcast_in_dim3A_1118 = vector.shape_cast %div3A_1096 : vector<129xf32> to vector<129x1xf32>
    %mul3A_1119 = vector.broadcast %broadcast_in_dim3A_1118 : vector<129x1xf32> to vector<129x64xf32>
    %mul3A_1120 = arith.mulf %get3A_1117, %mul3A_1119 : vector<129x64xf32>
    %dot_general3A_1121 = arith.constant dense<0.000000e+00> : vector<129x129xf32>
    %dot_general3A_1122 = tpu.matmul %mul3A_1104, %mul3A_1112, %dot_general3A_1121 {dimension_numbers = #tpu.dot_dimension_numbers<[1], [1], [0], [0], [0, 0, 1, 0], [], []>, transpose_lhs_hint = false} : vector<129x64xf32>, vector<129x64xf32>, vector<129x129xf32> -> vector<129x129xf32>
    %reduce_max3A_1123 = arith.constant dense<0xFF800000> : vector<129xf32>
    %reduce_max3A_1124 = vector.multi_reduction <maximumf>, %dot_general3A_1122, %reduce_max3A_1123 [1] : vector<129x129xf32> to vector<129xf32>
    %max3A_1125 = arith.constant 0xFF800000 : f32
    %max3A_1126 = vector.broadcast %max3A_1125 : f32 to vector<129xf32>
    %max3A_1127 = arith.maximumf %max3A_1126, %reduce_max3A_1124 : vector<129xf32>
    %broadcast_in_dim3A_1128 = vector.shape_cast %max3A_1127 : vector<129xf32> to vector<129x1xf32>
    %sub3A_1129 = vector.broadcast %broadcast_in_dim3A_1128 : vector<129x1xf32> to vector<129x129xf32>
    %sub3A_1130 = arith.subf %dot_general3A_1122, %sub3A_1129 : vector<129x129xf32>
    %exp3A_1131 = math.exp %sub3A_1130 : vector<129x129xf32>
    %reduce_sum3A_1132 = arith.constant dense<0.000000e+00> : vector<129xf32>
    %reduce_sum3A_1133 = vector.multi_reduction <add>, %exp3A_1131, %reduce_sum3A_1132 [1] : vector<129x129xf32> to vector<129xf32>
    %broadcast_in_dim3A_1134 = vector.shape_cast %reduce_sum3A_1133 : vector<129xf32> to vector<129x1xf32>
    %div3A_1135 = vector.broadcast %broadcast_in_dim3A_1134 : vector<129x1xf32> to vector<129x129xf32>
    %div3A_1136 = arith.divf %exp3A_1131, %div3A_1135 : vector<129x129xf32>
    %broadcast_in_dim3A_1137 = vector.shape_cast %mul3A_1093 : vector<129xf32> to vector<1x129xf32>
    %mul3A_1138 = vector.broadcast %broadcast_in_dim3A_1137 : vector<1x129xf32> to vector<129x129xf32>
    %mul3A_1139 = arith.mulf %div3A_1136, %mul3A_1138 : vector<129x129xf32>
    %reduce_sum3A_1140 = arith.constant dense<0.000000e+00> : vector<129xf32>
    %reduce_sum3A_1141 = vector.multi_reduction <add>, %mul3A_1139, %reduce_sum3A_1140 [1] : vector<129x129xf32> to vector<129xf32>
    %broadcast_in_dim3A_1142 = vector.shape_cast %reduce_sum3A_1141 : vector<129xf32> to vector<129x1xf32>
    %div3A_1143 = vector.broadcast %broadcast_in_dim3A_1142 : vector<129x1xf32> to vector<129x129xf32>
    %div3A_1144 = arith.divf %mul3A_1139, %div3A_1143 : vector<129x129xf32>
    %dot_general3A_1145 = arith.constant dense<0.000000e+00> : vector<129x64xf32>
    %dot_general3A_1146 = tpu.matmul %div3A_1144, %mul3A_1120, %dot_general3A_1145 {dimension_numbers = #tpu.dot_dimension_numbers<[1], [0], [0], [1], [0, 0, 1, 1], [], []>, transpose_lhs_hint = false} : vector<129x129xf32>, vector<129x64xf32>, vector<129x64xf32> -> vector<129x64xf32>
    %swap3A_1147 = arith.constant 14 : index
    %swap3A_1148 = arith.constant 0 : index
    %swap3A_1149 = arith.constant 0 : index
    %swap3A_1150 = vector.load %arg4[%swap3A_1147, %swap3A_1148, %swap3A_1149] : memref<32x129x64xf32, #tpu.memory_space<vmem>>, vector<1x129x64xf32>
    %swap3A_1151 = vector.shape_cast %swap3A_1150 : vector<1x129x64xf32> to vector<129x64xf32>
    %swap3A_1152 = vector.shape_cast %dot_general3A_1146 : vector<129x64xf32> to vector<1x129x64xf32>
    tpu.vector_store %arg4[%swap3A_1147, %swap3A_1148, %swap3A_1149], %swap3A_1152 {strides = array<i32>} : memref<32x129x64xf32, #tpu.memory_space<vmem>>, vector<1x129x64xf32>,
    %mul3A_1153 = arith.mulf %div3A_1144, %convert_element_type3A_2 : vector<129x129xf32>
    %reduce_sum3A_1154 = arith.constant dense<0.000000e+00> : vector<129xf32>
    %reduce_sum3A_1155 = vector.multi_reduction <add>, %mul3A_1153, %reduce_sum3A_1154 [1] : vector<129x129xf32> to vector<129xf32>
    %swap3A_1156 = arith.constant 14 : index
    %swap3A_1157 = arith.constant 0 : index
    %swap3A_1158 = arith.constant 0 : index
    %swap3A_1159 = vector.load %arg5[%swap3A_1156, %swap3A_1157, %swap3A_1158] : memref<32x1x129xf32, #tpu.memory_space<vmem>>, vector<1x1x129xf32>
    %swap3A_1160 = vector.shape_cast %swap3A_1159 : vector<1x1x129xf32> to vector<129xf32>
    %swap3A_1161 = vector.shape_cast %reduce_sum3A_1155 : vector<129xf32> to vector<1x1x129xf32>
    tpu.vector_store %arg5[%swap3A_1156, %swap3A_1157, %swap3A_1158], %swap3A_1161 {strides = array<i32>} : memref<32x1x129xf32, #tpu.memory_space<vmem>>, vector<1x1x129xf32>,
    %get3A_1162 = arith.constant 15 : index
    %get3A_1163 = arith.constant 0 : index
    %get3A_1164 = arith.constant 0 : index
    %get3A_1165 = vector.load %arg3[%get3A_1162, %get3A_1163, %get3A_1164] : memref<32x129x64xf32, #tpu.memory_space<vmem>>, vector<1x129x64xf32>
    %get3A_1166 = vector.shape_cast %get3A_1165 : vector<1x129x64xf32> to vector<129x64xf32>
    %reduce_sum3A_1167 = arith.constant dense<0.000000e+00> : vector<129xf32>
    %reduce_sum3A_1168 = vector.multi_reduction <add>, %get3A_1166, %reduce_sum3A_1167 [1] : vector<129x64xf32> to vector<129xf32>
    %mul3A_1169 = arith.constant 1.562500e-02 : f32
    %mul3A_1170 = vector.broadcast %mul3A_1169 : f32 to vector<129xf32>
    %mul3A_1171 = arith.mulf %reduce_sum3A_1168, %mul3A_1170 : vector<129xf32>
    %div3A_1172 = arith.constant 1.000000e+00 : f32
    %div3A_1173 = vector.broadcast %div3A_1172 : f32 to vector<129xf32>
    %div3A_1174 = arith.divf %div3A_1173, %mul3A_1171 : vector<129xf32>
    %get3A_1175 = arith.constant 15 : index
    %get3A_1176 = arith.constant 0 : index
    %get3A_1177 = arith.constant 0 : index
    %get3A_1178 = vector.load %arg0[%get3A_1175, %get3A_1176, %get3A_1177] : memref<32x129x64xf32, #tpu.memory_space<vmem>>, vector<1x129x64xf32>
    %get3A_1179 = vector.shape_cast %get3A_1178 : vector<1x129x64xf32> to vector<129x64xf32>
    %broadcast_in_dim3A_1180 = vector.shape_cast %div3A_1174 : vector<129xf32> to vector<129x1xf32>
    %mul3A_1181 = vector.broadcast %broadcast_in_dim3A_1180 : vector<129x1xf32> to vector<129x64xf32>
    %mul3A_1182 = arith.mulf %get3A_1179, %mul3A_1181 : vector<129x64xf32>
    %get3A_1183 = arith.constant 15 : index
    %get3A_1184 = arith.constant 0 : index
    %get3A_1185 = arith.constant 0 : index
    %get3A_1186 = vector.load %arg1[%get3A_1183, %get3A_1184, %get3A_1185] : memref<32x129x64xf32, #tpu.memory_space<vmem>>, vector<1x129x64xf32>
    %get3A_1187 = vector.shape_cast %get3A_1186 : vector<1x129x64xf32> to vector<129x64xf32>
    %broadcast_in_dim3A_1188 = vector.shape_cast %div3A_1174 : vector<129xf32> to vector<129x1xf32>
    %mul3A_1189 = vector.broadcast %broadcast_in_dim3A_1188 : vector<129x1xf32> to vector<129x64xf32>
    %mul3A_1190 = arith.mulf %get3A_1187, %mul3A_1189 : vector<129x64xf32>
    %get3A_1191 = arith.constant 15 : index
    %get3A_1192 = arith.constant 0 : index
    %get3A_1193 = arith.constant 0 : index
    %get3A_1194 = vector.load %arg2[%get3A_1191, %get3A_1192, %get3A_1193] : memref<32x129x64xf32, #tpu.memory_space<vmem>>, vector<1x129x64xf32>
    %get3A_1195 = vector.shape_cast %get3A_1194 : vector<1x129x64xf32> to vector<129x64xf32>
    %broadcast_in_dim3A_1196 = vector.shape_cast %div3A_1174 : vector<129xf32> to vector<129x1xf32>
    %mul3A_1197 = vector.broadcast %broadcast_in_dim3A_1196 : vector<129x1xf32> to vector<129x64xf32>
    %mul3A_1198 = arith.mulf %get3A_1195, %mul3A_1197 : vector<129x64xf32>
    %dot_general3A_1199 = arith.constant dense<0.000000e+00> : vector<129x129xf32>
    %dot_general3A_1200 = tpu.matmul %mul3A_1182, %mul3A_1190, %dot_general3A_1199 {dimension_numbers = #tpu.dot_dimension_numbers<[1], [1], [0], [0], [0, 0, 1, 0], [], []>, transpose_lhs_hint = false} : vector<129x64xf32>, vector<129x64xf32>, vector<129x129xf32> -> vector<129x129xf32>
    %reduce_max3A_1201 = arith.constant dense<0xFF800000> : vector<129xf32>
    %reduce_max3A_1202 = vector.multi_reduction <maximumf>, %dot_general3A_1200, %reduce_max3A_1201 [1] : vector<129x129xf32> to vector<129xf32>
    %max3A_1203 = arith.constant 0xFF800000 : f32
    %max3A_1204 = vector.broadcast %max3A_1203 : f32 to vector<129xf32>
    %max3A_1205 = arith.maximumf %max3A_1204, %reduce_max3A_1202 : vector<129xf32>
    %broadcast_in_dim3A_1206 = vector.shape_cast %max3A_1205 : vector<129xf32> to vector<129x1xf32>
    %sub3A_1207 = vector.broadcast %broadcast_in_dim3A_1206 : vector<129x1xf32> to vector<129x129xf32>
    %sub3A_1208 = arith.subf %dot_general3A_1200, %sub3A_1207 : vector<129x129xf32>
    %exp3A_1209 = math.exp %sub3A_1208 : vector<129x129xf32>
    %reduce_sum3A_1210 = arith.constant dense<0.000000e+00> : vector<129xf32>
    %reduce_sum3A_1211 = vector.multi_reduction <add>, %exp3A_1209, %reduce_sum3A_1210 [1] : vector<129x129xf32> to vector<129xf32>
    %broadcast_in_dim3A_1212 = vector.shape_cast %reduce_sum3A_1211 : vector<129xf32> to vector<129x1xf32>
    %div3A_1213 = vector.broadcast %broadcast_in_dim3A_1212 : vector<129x1xf32> to vector<129x129xf32>
    %div3A_1214 = arith.divf %exp3A_1209, %div3A_1213 : vector<129x129xf32>
    %broadcast_in_dim3A_1215 = vector.shape_cast %mul3A_1171 : vector<129xf32> to vector<1x129xf32>
    %mul3A_1216 = vector.broadcast %broadcast_in_dim3A_1215 : vector<1x129xf32> to vector<129x129xf32>
    %mul3A_1217 = arith.mulf %div3A_1214, %mul3A_1216 : vector<129x129xf32>
    %reduce_sum3A_1218 = arith.constant dense<0.000000e+00> : vector<129xf32>
    %reduce_sum3A_1219 = vector.multi_reduction <add>, %mul3A_1217, %reduce_sum3A_1218 [1] : vector<129x129xf32> to vector<129xf32>
    %broadcast_in_dim3A_1220 = vector.shape_cast %reduce_sum3A_1219 : vector<129xf32> to vector<129x1xf32>
    %div3A_1221 = vector.broadcast %broadcast_in_dim3A_1220 : vector<129x1xf32> to vector<129x129xf32>
    %div3A_1222 = arith.divf %mul3A_1217, %div3A_1221 : vector<129x129xf32>
    %dot_general3A_1223 = arith.constant dense<0.000000e+00> : vector<129x64xf32>
    %dot_general3A_1224 = tpu.matmul %div3A_1222, %mul3A_1198, %dot_general3A_1223 {dimension_numbers = #tpu.dot_dimension_numbers<[1], [0], [0], [1], [0, 0, 1, 1], [], []>, transpose_lhs_hint = false} : vector<129x129xf32>, vector<129x64xf32>, vector<129x64xf32> -> vector<129x64xf32>
    %swap3A_1225 = arith.constant 15 : index
    %swap3A_1226 = arith.constant 0 : index
    %swap3A_1227 = arith.constant 0 : index
    %swap3A_1228 = vector.load %arg4[%swap3A_1225, %swap3A_1226, %swap3A_1227] : memref<32x129x64xf32, #tpu.memory_space<vmem>>, vector<1x129x64xf32>
    %swap3A_1229 = vector.shape_cast %swap3A_1228 : vector<1x129x64xf32> to vector<129x64xf32>
    %swap3A_1230 = vector.shape_cast %dot_general3A_1224 : vector<129x64xf32> to vector<1x129x64xf32>
    tpu.vector_store %arg4[%swap3A_1225, %swap3A_1226, %swap3A_1227], %swap3A_1230 {strides = array<i32>} : memref<32x129x64xf32, #tpu.memory_space<vmem>>, vector<1x129x64xf32>,
    %mul3A_1231 = arith.mulf %div3A_1222, %convert_element_type3A_2 : vector<129x129xf32>
    %reduce_sum3A_1232 = arith.constant dense<0.000000e+00> : vector<129xf32>
    %reduce_sum3A_1233 = vector.multi_reduction <add>, %mul3A_1231, %reduce_sum3A_1232 [1] : vector<129x129xf32> to vector<129xf32>
    %swap3A_1234 = arith.constant 15 : index
    %swap3A_1235 = arith.constant 0 : index
    %swap3A_1236 = arith.constant 0 : index
    %swap3A_1237 = vector.load %arg5[%swap3A_1234, %swap3A_1235, %swap3A_1236] : memref<32x1x129xf32, #tpu.memory_space<vmem>>, vector<1x1x129xf32>
    %swap3A_1238 = vector.shape_cast %swap3A_1237 : vector<1x1x129xf32> to vector<129xf32>
    %swap3A_1239 = vector.shape_cast %reduce_sum3A_1233 : vector<129xf32> to vector<1x1x129xf32>
    tpu.vector_store %arg5[%swap3A_1234, %swap3A_1235, %swap3A_1236], %swap3A_1239 {strides = array<i32>} : memref<32x1x129xf32, #tpu.memory_space<vmem>>, vector<1x1x129xf32>,
    %get3A_1240 = arith.constant 16 : index
    %get3A_1241 = arith.constant 0 : index
    %get3A_1242 = arith.constant 0 : index
    %get3A_1243 = vector.load %arg3[%get3A_1240, %get3A_1241, %get3A_1242] : memref<32x129x64xf32, #tpu.memory_space<vmem>>, vector<1x129x64xf32>
    %get3A_1244 = vector.shape_cast %get3A_1243 : vector<1x129x64xf32> to vector<129x64xf32>
    %reduce_sum3A_1245 = arith.constant dense<0.000000e+00> : vector<129xf32>
    %reduce_sum3A_1246 = vector.multi_reduction <add>, %get3A_1244, %reduce_sum3A_1245 [1] : vector<129x64xf32> to vector<129xf32>
    %mul3A_1247 = arith.constant 1.562500e-02 : f32
    %mul3A_1248 = vector.broadcast %mul3A_1247 : f32 to vector<129xf32>
    %mul3A_1249 = arith.mulf %reduce_sum3A_1246, %mul3A_1248 : vector<129xf32>
    %div3A_1250 = arith.constant 1.000000e+00 : f32
    %div3A_1251 = vector.broadcast %div3A_1250 : f32 to vector<129xf32>
    %div3A_1252 = arith.divf %div3A_1251, %mul3A_1249 : vector<129xf32>
    %get3A_1253 = arith.constant 16 : index
    %get3A_1254 = arith.constant 0 : index
    %get3A_1255 = arith.constant 0 : index
    %get3A_1256 = vector.load %arg0[%get3A_1253, %get3A_1254, %get3A_1255] : memref<32x129x64xf32, #tpu.memory_space<vmem>>, vector<1x129x64xf32>
    %get3A_1257 = vector.shape_cast %get3A_1256 : vector<1x129x64xf32> to vector<129x64xf32>
    %broadcast_in_dim3A_1258 = vector.shape_cast %div3A_1252 : vector<129xf32> to vector<129x1xf32>
    %mul3A_1259 = vector.broadcast %broadcast_in_dim3A_1258 : vector<129x1xf32> to vector<129x64xf32>
    %mul3A_1260 = arith.mulf %get3A_1257, %mul3A_1259 : vector<129x64xf32>
    %get3A_1261 = arith.constant 16 : index
    %get3A_1262 = arith.constant 0 : index
    %get3A_1263 = arith.constant 0 : index
    %get3A_1264 = vector.load %arg1[%get3A_1261, %get3A_1262, %get3A_1263] : memref<32x129x64xf32, #tpu.memory_space<vmem>>, vector<1x129x64xf32>
    %get3A_1265 = vector.shape_cast %get3A_1264 : vector<1x129x64xf32> to vector<129x64xf32>
    %broadcast_in_dim3A_1266 = vector.shape_cast %div3A_1252 : vector<129xf32> to vector<129x1xf32>
    %mul3A_1267 = vector.broadcast %broadcast_in_dim3A_1266 : vector<129x1xf32> to vector<129x64xf32>
    %mul3A_1268 = arith.mulf %get3A_1265, %mul3A_1267 : vector<129x64xf32>
    %get3A_1269 = arith.constant 16 : index
    %get3A_1270 = arith.constant 0 : index
    %get3A_1271 = arith.constant 0 : index
    %get3A_1272 = vector.load %arg2[%get3A_1269, %get3A_1270, %get3A_1271] : memref<32x129x64xf32, #tpu.memory_space<vmem>>, vector<1x129x64xf32>
    %get3A_1273 = vector.shape_cast %get3A_1272 : vector<1x129x64xf32> to vector<129x64xf32>
    %broadcast_in_dim3A_1274 = vector.shape_cast %div3A_1252 : vector<129xf32> to vector<129x1xf32>
    %mul3A_1275 = vector.broadcast %broadcast_in_dim3A_1274 : vector<129x1xf32> to vector<129x64xf32>
    %mul3A_1276 = arith.mulf %get3A_1273, %mul3A_1275 : vector<129x64xf32>
    %dot_general3A_1277 = arith.constant dense<0.000000e+00> : vector<129x129xf32>
    %dot_general3A_1278 = tpu.matmul %mul3A_1260, %mul3A_1268, %dot_general3A_1277 {dimension_numbers = #tpu.dot_dimension_numbers<[1], [1], [0], [0], [0, 0, 1, 0], [], []>, transpose_lhs_hint = false} : vector<129x64xf32>, vector<129x64xf32>, vector<129x129xf32> -> vector<129x129xf32>
    %reduce_max3A_1279 = arith.constant dense<0xFF800000> : vector<129xf32>
    %reduce_max3A_1280 = vector.multi_reduction <maximumf>, %dot_general3A_1278, %reduce_max3A_1279 [1] : vector<129x129xf32> to vector<129xf32>
    %max3A_1281 = arith.constant 0xFF800000 : f32
    %max3A_1282 = vector.broadcast %max3A_1281 : f32 to vector<129xf32>
    %max3A_1283 = arith.maximumf %max3A_1282, %reduce_max3A_1280 : vector<129xf32>
    %broadcast_in_dim3A_1284 = vector.shape_cast %max3A_1283 : vector<129xf32> to vector<129x1xf32>
    %sub3A_1285 = vector.broadcast %broadcast_in_dim3A_1284 : vector<129x1xf32> to vector<129x129xf32>
    %sub3A_1286 = arith.subf %dot_general3A_1278, %sub3A_1285 : vector<129x129xf32>
    %exp3A_1287 = math.exp %sub3A_1286 : vector<129x129xf32>
    %reduce_sum3A_1288 = arith.constant dense<0.000000e+00> : vector<129xf32>
    %reduce_sum3A_1289 = vector.multi_reduction <add>, %exp3A_1287, %reduce_sum3A_1288 [1] : vector<129x129xf32> to vector<129xf32>
    %broadcast_in_dim3A_1290 = vector.shape_cast %reduce_sum3A_1289 : vector<129xf32> to vector<129x1xf32>
    %div3A_1291 = vector.broadcast %broadcast_in_dim3A_1290 : vector<129x1xf32> to vector<129x129xf32>
    %div3A_1292 = arith.divf %exp3A_1287, %div3A_1291 : vector<129x129xf32>
    %broadcast_in_dim3A_1293 = vector.shape_cast %mul3A_1249 : vector<129xf32> to vector<1x129xf32>
    %mul3A_1294 = vector.broadcast %broadcast_in_dim3A_1293 : vector<1x129xf32> to vector<129x129xf32>
    %mul3A_1295 = arith.mulf %div3A_1292, %mul3A_1294 : vector<129x129xf32>
    %reduce_sum3A_1296 = arith.constant dense<0.000000e+00> : vector<129xf32>
    %reduce_sum3A_1297 = vector.multi_reduction <add>, %mul3A_1295, %reduce_sum3A_1296 [1] : vector<129x129xf32> to vector<129xf32>
    %broadcast_in_dim3A_1298 = vector.shape_cast %reduce_sum3A_1297 : vector<129xf32> to vector<129x1xf32>
    %div3A_1299 = vector.broadcast %broadcast_in_dim3A_1298 : vector<129x1xf32> to vector<129x129xf32>
    %div3A_1300 = arith.divf %mul3A_1295, %div3A_1299 : vector<129x129xf32>
    %dot_general3A_1301 = arith.constant dense<0.000000e+00> : vector<129x64xf32>
    %dot_general3A_1302 = tpu.matmul %div3A_1300, %mul3A_1276, %dot_general3A_1301 {dimension_numbers = #tpu.dot_dimension_numbers<[1], [0], [0], [1], [0, 0, 1, 1], [], []>, transpose_lhs_hint = false} : vector<129x129xf32>, vector<129x64xf32>, vector<129x64xf32> -> vector<129x64xf32>
    %swap3A_1303 = arith.constant 16 : index
    %swap3A_1304 = arith.constant 0 : index
    %swap3A_1305 = arith.constant 0 : index
    %swap3A_1306 = vector.load %arg4[%swap3A_1303, %swap3A_1304, %swap3A_1305] : memref<32x129x64xf32, #tpu.memory_space<vmem>>, vector<1x129x64xf32>
    %swap3A_1307 = vector.shape_cast %swap3A_1306 : vector<1x129x64xf32> to vector<129x64xf32>
    %swap3A_1308 = vector.shape_cast %dot_general3A_1302 : vector<129x64xf32> to vector<1x129x64xf32>
    tpu.vector_store %arg4[%swap3A_1303, %swap3A_1304, %swap3A_1305], %swap3A_1308 {strides = array<i32>} : memref<32x129x64xf32, #tpu.memory_space<vmem>>, vector<1x129x64xf32>,
    %mul3A_1309 = arith.mulf %div3A_1300, %convert_element_type3A_2 : vector<129x129xf32>
    %reduce_sum3A_1310 = arith.constant dense<0.000000e+00> : vector<129xf32>
    %reduce_sum3A_1311 = vector.multi_reduction <add>, %mul3A_1309, %reduce_sum3A_1310 [1] : vector<129x129xf32> to vector<129xf32>
    %swap3A_1312 = arith.constant 16 : index
    %swap3A_1313 = arith.constant 0 : index
    %swap3A_1314 = arith.constant 0 : index
    %swap3A_1315 = vector.load %arg5[%swap3A_1312, %swap3A_1313, %swap3A_1314] : memref<32x1x129xf32, #tpu.memory_space<vmem>>, vector<1x1x129xf32>
    %swap3A_1316 = vector.shape_cast %swap3A_1315 : vector<1x1x129xf32> to vector<129xf32>
    %swap3A_1317 = vector.shape_cast %reduce_sum3A_1311 : vector<129xf32> to vector<1x1x129xf32>
    tpu.vector_store %arg5[%swap3A_1312, %swap3A_1313, %swap3A_1314], %swap3A_1317 {strides = array<i32>} : memref<32x1x129xf32, #tpu.memory_space<vmem>>, vector<1x1x129xf32>,
    %get3A_1318 = arith.constant 17 : index
    %get3A_1319 = arith.constant 0 : index
    %get3A_1320 = arith.constant 0 : index
    %get3A_1321 = vector.load %arg3[%get3A_1318, %get3A_1319, %get3A_1320] : memref<32x129x64xf32, #tpu.memory_space<vmem>>, vector<1x129x64xf32>
    %get3A_1322 = vector.shape_cast %get3A_1321 : vector<1x129x64xf32> to vector<129x64xf32>
    %reduce_sum3A_1323 = arith.constant dense<0.000000e+00> : vector<129xf32>
    %reduce_sum3A_1324 = vector.multi_reduction <add>, %get3A_1322, %reduce_sum3A_1323 [1] : vector<129x64xf32> to vector<129xf32>
    %mul3A_1325 = arith.constant 1.562500e-02 : f32
    %mul3A_1326 = vector.broadcast %mul3A_1325 : f32 to vector<129xf32>
    %mul3A_1327 = arith.mulf %reduce_sum3A_1324, %mul3A_1326 : vector<129xf32>
    %div3A_1328 = arith.constant 1.000000e+00 : f32
    %div3A_1329 = vector.broadcast %div3A_1328 : f32 to vector<129xf32>
    %div3A_1330 = arith.divf %div3A_1329, %mul3A_1327 : vector<129xf32>
    %get3A_1331 = arith.constant 17 : index
    %get3A_1332 = arith.constant 0 : index
    %get3A_1333 = arith.constant 0 : index
    %get3A_1334 = vector.load %arg0[%get3A_1331, %get3A_1332, %get3A_1333] : memref<32x129x64xf32, #tpu.memory_space<vmem>>, vector<1x129x64xf32>
    %get3A_1335 = vector.shape_cast %get3A_1334 : vector<1x129x64xf32> to vector<129x64xf32>
    %broadcast_in_dim3A_1336 = vector.shape_cast %div3A_1330 : vector<129xf32> to vector<129x1xf32>
    %mul3A_1337 = vector.broadcast %broadcast_in_dim3A_1336 : vector<129x1xf32> to vector<129x64xf32>
    %mul3A_1338 = arith.mulf %get3A_1335, %mul3A_1337 : vector<129x64xf32>
    %get3A_1339 = arith.constant 17 : index
    %get3A_1340 = arith.constant 0 : index
    %get3A_1341 = arith.constant 0 : index
    %get3A_1342 = vector.load %arg1[%get3A_1339, %get3A_1340, %get3A_1341] : memref<32x129x64xf32, #tpu.memory_space<vmem>>, vector<1x129x64xf32>
    %get3A_1343 = vector.shape_cast %get3A_1342 : vector<1x129x64xf32> to vector<129x64xf32>
    %broadcast_in_dim3A_1344 = vector.shape_cast %div3A_1330 : vector<129xf32> to vector<129x1xf32>
    %mul3A_1345 = vector.broadcast %broadcast_in_dim3A_1344 : vector<129x1xf32> to vector<129x64xf32>
    %mul3A_1346 = arith.mulf %get3A_1343, %mul3A_1345 : vector<129x64xf32>
    %get3A_1347 = arith.constant 17 : index
    %get3A_1348 = arith.constant 0 : index
    %get3A_1349 = arith.constant 0 : index
    %get3A_1350 = vector.load %arg2[%get3A_1347, %get3A_1348, %get3A_1349] : memref<32x129x64xf32, #tpu.memory_space<vmem>>, vector<1x129x64xf32>
    %get3A_1351 = vector.shape_cast %get3A_1350 : vector<1x129x64xf32> to vector<129x64xf32>
    %broadcast_in_dim3A_1352 = vector.shape_cast %div3A_1330 : vector<129xf32> to vector<129x1xf32>
    %mul3A_1353 = vector.broadcast %broadcast_in_dim3A_1352 : vector<129x1xf32> to vector<129x64xf32>
    %mul3A_1354 = arith.mulf %get3A_1351, %mul3A_1353 : vector<129x64xf32>
    %dot_general3A_1355 = arith.constant dense<0.000000e+00> : vector<129x129xf32>
    %dot_general3A_1356 = tpu.matmul %mul3A_1338, %mul3A_1346, %dot_general3A_1355 {dimension_numbers = #tpu.dot_dimension_numbers<[1], [1], [0], [0], [0, 0, 1, 0], [], []>, transpose_lhs_hint = false} : vector<129x64xf32>, vector<129x64xf32>, vector<129x129xf32> -> vector<129x129xf32>
    %reduce_max3A_1357 = arith.constant dense<0xFF800000> : vector<129xf32>
    %reduce_max3A_1358 = vector.multi_reduction <maximumf>, %dot_general3A_1356, %reduce_max3A_1357 [1] : vector<129x129xf32> to vector<129xf32>
    %max3A_1359 = arith.constant 0xFF800000 : f32
    %max3A_1360 = vector.broadcast %max3A_1359 : f32 to vector<129xf32>
    %max3A_1361 = arith.maximumf %max3A_1360, %reduce_max3A_1358 : vector<129xf32>
    %broadcast_in_dim3A_1362 = vector.shape_cast %max3A_1361 : vector<129xf32> to vector<129x1xf32>
    %sub3A_1363 = vector.broadcast %broadcast_in_dim3A_1362 : vector<129x1xf32> to vector<129x129xf32>
    %sub3A_1364 = arith.subf %dot_general3A_1356, %sub3A_1363 : vector<129x129xf32>
    %exp3A_1365 = math.exp %sub3A_1364 : vector<129x129xf32>
    %reduce_sum3A_1366 = arith.constant dense<0.000000e+00> : vector<129xf32>
    %reduce_sum3A_1367 = vector.multi_reduction <add>, %exp3A_1365, %reduce_sum3A_1366 [1] : vector<129x129xf32> to vector<129xf32>
    %broadcast_in_dim3A_1368 = vector.shape_cast %reduce_sum3A_1367 : vector<129xf32> to vector<129x1xf32>
    %div3A_1369 = vector.broadcast %broadcast_in_dim3A_1368 : vector<129x1xf32> to vector<129x129xf32>
    %div3A_1370 = arith.divf %exp3A_1365, %div3A_1369 : vector<129x129xf32>
    %broadcast_in_dim3A_1371 = vector.shape_cast %mul3A_1327 : vector<129xf32> to vector<1x129xf32>
    %mul3A_1372 = vector.broadcast %broadcast_in_dim3A_1371 : vector<1x129xf32> to vector<129x129xf32>
    %mul3A_1373 = arith.mulf %div3A_1370, %mul3A_1372 : vector<129x129xf32>
    %reduce_sum3A_1374 = arith.constant dense<0.000000e+00> : vector<129xf32>
    %reduce_sum3A_1375 = vector.multi_reduction <add>, %mul3A_1373, %reduce_sum3A_1374 [1] : vector<129x129xf32> to vector<129xf32>
    %broadcast_in_dim3A_1376 = vector.shape_cast %reduce_sum3A_1375 : vector<129xf32> to vector<129x1xf32>
    %div3A_1377 = vector.broadcast %broadcast_in_dim3A_1376 : vector<129x1xf32> to vector<129x129xf32>
    %div3A_1378 = arith.divf %mul3A_1373, %div3A_1377 : vector<129x129xf32>
    %dot_general3A_1379 = arith.constant dense<0.000000e+00> : vector<129x64xf32>
    %dot_general3A_1380 = tpu.matmul %div3A_1378, %mul3A_1354, %dot_general3A_1379 {dimension_numbers = #tpu.dot_dimension_numbers<[1], [0], [0], [1], [0, 0, 1, 1], [], []>, transpose_lhs_hint = false} : vector<129x129xf32>, vector<129x64xf32>, vector<129x64xf32> -> vector<129x64xf32>
    %swap3A_1381 = arith.constant 17 : index
    %swap3A_1382 = arith.constant 0 : index
    %swap3A_1383 = arith.constant 0 : index
    %swap3A_1384 = vector.load %arg4[%swap3A_1381, %swap3A_1382, %swap3A_1383] : memref<32x129x64xf32, #tpu.memory_space<vmem>>, vector<1x129x64xf32>
    %swap3A_1385 = vector.shape_cast %swap3A_1384 : vector<1x129x64xf32> to vector<129x64xf32>
    %swap3A_1386 = vector.shape_cast %dot_general3A_1380 : vector<129x64xf32> to vector<1x129x64xf32>
    tpu.vector_store %arg4[%swap3A_1381, %swap3A_1382, %swap3A_1383], %swap3A_1386 {strides = array<i32>} : memref<32x129x64xf32, #tpu.memory_space<vmem>>, vector<1x129x64xf32>,
    %mul3A_1387 = arith.mulf %div3A_1378, %convert_element_type3A_2 : vector<129x129xf32>
    %reduce_sum3A_1388 = arith.constant dense<0.000000e+00> : vector<129xf32>
    %reduce_sum3A_1389 = vector.multi_reduction <add>, %mul3A_1387, %reduce_sum3A_1388 [1] : vector<129x129xf32> to vector<129xf32>
    %swap3A_1390 = arith.constant 17 : index
    %swap3A_1391 = arith.constant 0 : index
    %swap3A_1392 = arith.constant 0 : index
    %swap3A_1393 = vector.load %arg5[%swap3A_1390, %swap3A_1391, %swap3A_1392] : memref<32x1x129xf32, #tpu.memory_space<vmem>>, vector<1x1x129xf32>
    %swap3A_1394 = vector.shape_cast %swap3A_1393 : vector<1x1x129xf32> to vector<129xf32>
    %swap3A_1395 = vector.shape_cast %reduce_sum3A_1389 : vector<129xf32> to vector<1x1x129xf32>
    tpu.vector_store %arg5[%swap3A_1390, %swap3A_1391, %swap3A_1392], %swap3A_1395 {strides = array<i32>} : memref<32x1x129xf32, #tpu.memory_space<vmem>>, vector<1x1x129xf32>,
    %get3A_1396 = arith.constant 18 : index
    %get3A_1397 = arith.constant 0 : index
    %get3A_1398 = arith.constant 0 : index
    %get3A_1399 = vector.load %arg3[%get3A_1396, %get3A_1397, %get3A_1398] : memref<32x129x64xf32, #tpu.memory_space<vmem>>, vector<1x129x64xf32>
    %get3A_1400 = vector.shape_cast %get3A_1399 : vector<1x129x64xf32> to vector<129x64xf32>
    %reduce_sum3A_1401 = arith.constant dense<0.000000e+00> : vector<129xf32>
    %reduce_sum3A_1402 = vector.multi_reduction <add>, %get3A_1400, %reduce_sum3A_1401 [1] : vector<129x64xf32> to vector<129xf32>
    %mul3A_1403 = arith.constant 1.562500e-02 : f32
    %mul3A_1404 = vector.broadcast %mul3A_1403 : f32 to vector<129xf32>
    %mul3A_1405 = arith.mulf %reduce_sum3A_1402, %mul3A_1404 : vector<129xf32>
    %div3A_1406 = arith.constant 1.000000e+00 : f32
    %div3A_1407 = vector.broadcast %div3A_1406 : f32 to vector<129xf32>
    %div3A_1408 = arith.divf %div3A_1407, %mul3A_1405 : vector<129xf32>
    %get3A_1409 = arith.constant 18 : index
    %get3A_1410 = arith.constant 0 : index
    %get3A_1411 = arith.constant 0 : index
    %get3A_1412 = vector.load %arg0[%get3A_1409, %get3A_1410, %get3A_1411] : memref<32x129x64xf32, #tpu.memory_space<vmem>>, vector<1x129x64xf32>
    %get3A_1413 = vector.shape_cast %get3A_1412 : vector<1x129x64xf32> to vector<129x64xf32>
    %broadcast_in_dim3A_1414 = vector.shape_cast %div3A_1408 : vector<129xf32> to vector<129x1xf32>
    %mul3A_1415 = vector.broadcast %broadcast_in_dim3A_1414 : vector<129x1xf32> to vector<129x64xf32>
    %mul3A_1416 = arith.mulf %get3A_1413, %mul3A_1415 : vector<129x64xf32>
    %get3A_1417 = arith.constant 18 : index
    %get3A_1418 = arith.constant 0 : index
    %get3A_1419 = arith.constant 0 : index
    %get3A_1420 = vector.load %arg1[%get3A_1417, %get3A_1418, %get3A_1419] : memref<32x129x64xf32, #tpu.memory_space<vmem>>, vector<1x129x64xf32>
    %get3A_1421 = vector.shape_cast %get3A_1420 : vector<1x129x64xf32> to vector<129x64xf32>
    %broadcast_in_dim3A_1422 = vector.shape_cast %div3A_1408 : vector<129xf32> to vector<129x1xf32>
    %mul3A_1423 = vector.broadcast %broadcast_in_dim3A_1422 : vector<129x1xf32> to vector<129x64xf32>
    %mul3A_1424 = arith.mulf %get3A_1421, %mul3A_1423 : vector<129x64xf32>
    %get3A_1425 = arith.constant 18 : index
    %get3A_1426 = arith.constant 0 : index
    %get3A_1427 = arith.constant 0 : index
    %get3A_1428 = vector.load %arg2[%get3A_1425, %get3A_1426, %get3A_1427] : memref<32x129x64xf32, #tpu.memory_space<vmem>>, vector<1x129x64xf32>
    %get3A_1429 = vector.shape_cast %get3A_1428 : vector<1x129x64xf32> to vector<129x64xf32>
    %broadcast_in_dim3A_1430 = vector.shape_cast %div3A_1408 : vector<129xf32> to vector<129x1xf32>
    %mul3A_1431 = vector.broadcast %broadcast_in_dim3A_1430 : vector<129x1xf32> to vector<129x64xf32>
    %mul3A_1432 = arith.mulf %get3A_1429, %mul3A_1431 : vector<129x64xf32>
    %dot_general3A_1433 = arith.constant dense<0.000000e+00> : vector<129x129xf32>
    %dot_general3A_1434 = tpu.matmul %mul3A_1416, %mul3A_1424, %dot_general3A_1433 {dimension_numbers = #tpu.dot_dimension_numbers<[1], [1], [0], [0], [0, 0, 1, 0], [], []>, transpose_lhs_hint = false} : vector<129x64xf32>, vector<129x64xf32>, vector<129x129xf32> -> vector<129x129xf32>
    %reduce_max3A_1435 = arith.constant dense<0xFF800000> : vector<129xf32>
    %reduce_max3A_1436 = vector.multi_reduction <maximumf>, %dot_general3A_1434, %reduce_max3A_1435 [1] : vector<129x129xf32> to vector<129xf32>
    %max3A_1437 = arith.constant 0xFF800000 : f32
    %max3A_1438 = vector.broadcast %max3A_1437 : f32 to vector<129xf32>
    %max3A_1439 = arith.maximumf %max3A_1438, %reduce_max3A_1436 : vector<129xf32>
    %broadcast_in_dim3A_1440 = vector.shape_cast %max3A_1439 : vector<129xf32> to vector<129x1xf32>
    %sub3A_1441 = vector.broadcast %broadcast_in_dim3A_1440 : vector<129x1xf32> to vector<129x129xf32>
    %sub3A_1442 = arith.subf %dot_general3A_1434, %sub3A_1441 : vector<129x129xf32>
    %exp3A_1443 = math.exp %sub3A_1442 : vector<129x129xf32>
    %reduce_sum3A_1444 = arith.constant dense<0.000000e+00> : vector<129xf32>
    %reduce_sum3A_1445 = vector.multi_reduction <add>, %exp3A_1443, %reduce_sum3A_1444 [1] : vector<129x129xf32> to vector<129xf32>
    %broadcast_in_dim3A_1446 = vector.shape_cast %reduce_sum3A_1445 : vector<129xf32> to vector<129x1xf32>
    %div3A_1447 = vector.broadcast %broadcast_in_dim3A_1446 : vector<129x1xf32> to vector<129x129xf32>
    %div3A_1448 = arith.divf %exp3A_1443, %div3A_1447 : vector<129x129xf32>
    %broadcast_in_dim3A_1449 = vector.shape_cast %mul3A_1405 : vector<129xf32> to vector<1x129xf32>
    %mul3A_1450 = vector.broadcast %broadcast_in_dim3A_1449 : vector<1x129xf32> to vector<129x129xf32>
    %mul3A_1451 = arith.mulf %div3A_1448, %mul3A_1450 : vector<129x129xf32>
    %reduce_sum3A_1452 = arith.constant dense<0.000000e+00> : vector<129xf32>
    %reduce_sum3A_1453 = vector.multi_reduction <add>, %mul3A_1451, %reduce_sum3A_1452 [1] : vector<129x129xf32> to vector<129xf32>
    %broadcast_in_dim3A_1454 = vector.shape_cast %reduce_sum3A_1453 : vector<129xf32> to vector<129x1xf32>
    %div3A_1455 = vector.broadcast %broadcast_in_dim3A_1454 : vector<129x1xf32> to vector<129x129xf32>
    %div3A_1456 = arith.divf %mul3A_1451, %div3A_1455 : vector<129x129xf32>
    %dot_general3A_1457 = arith.constant dense<0.000000e+00> : vector<129x64xf32>
    %dot_general3A_1458 = tpu.matmul %div3A_1456, %mul3A_1432, %dot_general3A_1457 {dimension_numbers = #tpu.dot_dimension_numbers<[1], [0], [0], [1], [0, 0, 1, 1], [], []>, transpose_lhs_hint = false} : vector<129x129xf32>, vector<129x64xf32>, vector<129x64xf32> -> vector<129x64xf32>
    %swap3A_1459 = arith.constant 18 : index
    %swap3A_1460 = arith.constant 0 : index
    %swap3A_1461 = arith.constant 0 : index
    %swap3A_1462 = vector.load %arg4[%swap3A_1459, %swap3A_1460, %swap3A_1461] : memref<32x129x64xf32, #tpu.memory_space<vmem>>, vector<1x129x64xf32>
    %swap3A_1463 = vector.shape_cast %swap3A_1462 : vector<1x129x64xf32> to vector<129x64xf32>
    %swap3A_1464 = vector.shape_cast %dot_general3A_1458 : vector<129x64xf32> to vector<1x129x64xf32>
    tpu.vector_store %arg4[%swap3A_1459, %swap3A_1460, %swap3A_1461], %swap3A_1464 {strides = array<i32>} : memref<32x129x64xf32, #tpu.memory_space<vmem>>, vector<1x129x64xf32>,
    %mul3A_1465 = arith.mulf %div3A_1456, %convert_element_type3A_2 : vector<129x129xf32>
    %reduce_sum3A_1466 = arith.constant dense<0.000000e+00> : vector<129xf32>
    %reduce_sum3A_1467 = vector.multi_reduction <add>, %mul3A_1465, %reduce_sum3A_1466 [1] : vector<129x129xf32> to vector<129xf32>
    %swap3A_1468 = arith.constant 18 : index
    %swap3A_1469 = arith.constant 0 : index
    %swap3A_1470 = arith.constant 0 : index
    %swap3A_1471 = vector.load %arg5[%swap3A_1468, %swap3A_1469, %swap3A_1470] : memref<32x1x129xf32, #tpu.memory_space<vmem>>, vector<1x1x129xf32>
    %swap3A_1472 = vector.shape_cast %swap3A_1471 : vector<1x1x129xf32> to vector<129xf32>
    %swap3A_1473 = vector.shape_cast %reduce_sum3A_1467 : vector<129xf32> to vector<1x1x129xf32>
    tpu.vector_store %arg5[%swap3A_1468, %swap3A_1469, %swap3A_1470], %swap3A_1473 {strides = array<i32>} : memref<32x1x129xf32, #tpu.memory_space<vmem>>, vector<1x1x129xf32>,
    %get3A_1474 = arith.constant 19 : index
    %get3A_1475 = arith.constant 0 : index
    %get3A_1476 = arith.constant 0 : index
    %get3A_1477 = vector.load %arg3[%get3A_1474, %get3A_1475, %get3A_1476] : memref<32x129x64xf32, #tpu.memory_space<vmem>>, vector<1x129x64xf32>
    %get3A_1478 = vector.shape_cast %get3A_1477 : vector<1x129x64xf32> to vector<129x64xf32>
    %reduce_sum3A_1479 = arith.constant dense<0.000000e+00> : vector<129xf32>
    %reduce_sum3A_1480 = vector.multi_reduction <add>, %get3A_1478, %reduce_sum3A_1479 [1] : vector<129x64xf32> to vector<129xf32>
    %mul3A_1481 = arith.constant 1.562500e-02 : f32
    %mul3A_1482 = vector.broadcast %mul3A_1481 : f32 to vector<129xf32>
    %mul3A_1483 = arith.mulf %reduce_sum3A_1480, %mul3A_1482 : vector<129xf32>
    %div3A_1484 = arith.constant 1.000000e+00 : f32
    %div3A_1485 = vector.broadcast %div3A_1484 : f32 to vector<129xf32>
    %div3A_1486 = arith.divf %div3A_1485, %mul3A_1483 : vector<129xf32>
    %get3A_1487 = arith.constant 19 : index
    %get3A_1488 = arith.constant 0 : index
    %get3A_1489 = arith.constant 0 : index
    %get3A_1490 = vector.load %arg0[%get3A_1487, %get3A_1488, %get3A_1489] : memref<32x129x64xf32, #tpu.memory_space<vmem>>, vector<1x129x64xf32>
    %get3A_1491 = vector.shape_cast %get3A_1490 : vector<1x129x64xf32> to vector<129x64xf32>
    %broadcast_in_dim3A_1492 = vector.shape_cast %div3A_1486 : vector<129xf32> to vector<129x1xf32>
    %mul3A_1493 = vector.broadcast %broadcast_in_dim3A_1492 : vector<129x1xf32> to vector<129x64xf32>
    %mul3A_1494 = arith.mulf %get3A_1491, %mul3A_1493 : vector<129x64xf32>
    %get3A_1495 = arith.constant 19 : index
    %get3A_1496 = arith.constant 0 : index
    %get3A_1497 = arith.constant 0 : index
    %get3A_1498 = vector.load %arg1[%get3A_1495, %get3A_1496, %get3A_1497] : memref<32x129x64xf32, #tpu.memory_space<vmem>>, vector<1x129x64xf32>
    %get3A_1499 = vector.shape_cast %get3A_1498 : vector<1x129x64xf32> to vector<129x64xf32>
    %broadcast_in_dim3A_1500 = vector.shape_cast %div3A_1486 : vector<129xf32> to vector<129x1xf32>
    %mul3A_1501 = vector.broadcast %broadcast_in_dim3A_1500 : vector<129x1xf32> to vector<129x64xf32>
    %mul3A_1502 = arith.mulf %get3A_1499, %mul3A_1501 : vector<129x64xf32>
    %get3A_1503 = arith.constant 19 : index
    %get3A_1504 = arith.constant 0 : index
    %get3A_1505 = arith.constant 0 : index
    %get3A_1506 = vector.load %arg2[%get3A_1503, %get3A_1504, %get3A_1505] : memref<32x129x64xf32, #tpu.memory_space<vmem>>, vector<1x129x64xf32>
    %get3A_1507 = vector.shape_cast %get3A_1506 : vector<1x129x64xf32> to vector<129x64xf32>
    %broadcast_in_dim3A_1508 = vector.shape_cast %div3A_1486 : vector<129xf32> to vector<129x1xf32>
    %mul3A_1509 = vector.broadcast %broadcast_in_dim3A_1508 : vector<129x1xf32> to vector<129x64xf32>
    %mul3A_1510 = arith.mulf %get3A_1507, %mul3A_1509 : vector<129x64xf32>
    %dot_general3A_1511 = arith.constant dense<0.000000e+00> : vector<129x129xf32>
    %dot_general3A_1512 = tpu.matmul %mul3A_1494, %mul3A_1502, %dot_general3A_1511 {dimension_numbers = #tpu.dot_dimension_numbers<[1], [1], [0], [0], [0, 0, 1, 0], [], []>, transpose_lhs_hint = false} : vector<129x64xf32>, vector<129x64xf32>, vector<129x129xf32> -> vector<129x129xf32>
    %reduce_max3A_1513 = arith.constant dense<0xFF800000> : vector<129xf32>
    %reduce_max3A_1514 = vector.multi_reduction <maximumf>, %dot_general3A_1512, %reduce_max3A_1513 [1] : vector<129x129xf32> to vector<129xf32>
    %max3A_1515 = arith.constant 0xFF800000 : f32
    %max3A_1516 = vector.broadcast %max3A_1515 : f32 to vector<129xf32>
    %max3A_1517 = arith.maximumf %max3A_1516, %reduce_max3A_1514 : vector<129xf32>
    %broadcast_in_dim3A_1518 = vector.shape_cast %max3A_1517 : vector<129xf32> to vector<129x1xf32>
    %sub3A_1519 = vector.broadcast %broadcast_in_dim3A_1518 : vector<129x1xf32> to vector<129x129xf32>
    %sub3A_1520 = arith.subf %dot_general3A_1512, %sub3A_1519 : vector<129x129xf32>
    %exp3A_1521 = math.exp %sub3A_1520 : vector<129x129xf32>
    %reduce_sum3A_1522 = arith.constant dense<0.000000e+00> : vector<129xf32>
    %reduce_sum3A_1523 = vector.multi_reduction <add>, %exp3A_1521, %reduce_sum3A_1522 [1] : vector<129x129xf32> to vector<129xf32>
    %broadcast_in_dim3A_1524 = vector.shape_cast %reduce_sum3A_1523 : vector<129xf32> to vector<129x1xf32>
    %div3A_1525 = vector.broadcast %broadcast_in_dim3A_1524 : vector<129x1xf32> to vector<129x129xf32>
    %div3A_1526 = arith.divf %exp3A_1521, %div3A_1525 : vector<129x129xf32>
    %broadcast_in_dim3A_1527 = vector.shape_cast %mul3A_1483 : vector<129xf32> to vector<1x129xf32>
    %mul3A_1528 = vector.broadcast %broadcast_in_dim3A_1527 : vector<1x129xf32> to vector<129x129xf32>
    %mul3A_1529 = arith.mulf %div3A_1526, %mul3A_1528 : vector<129x129xf32>
    %reduce_sum3A_1530 = arith.constant dense<0.000000e+00> : vector<129xf32>
    %reduce_sum3A_1531 = vector.multi_reduction <add>, %mul3A_1529, %reduce_sum3A_1530 [1] : vector<129x129xf32> to vector<129xf32>
    %broadcast_in_dim3A_1532 = vector.shape_cast %reduce_sum3A_1531 : vector<129xf32> to vector<129x1xf32>
    %div3A_1533 = vector.broadcast %broadcast_in_dim3A_1532 : vector<129x1xf32> to vector<129x129xf32>
    %div3A_1534 = arith.divf %mul3A_1529, %div3A_1533 : vector<129x129xf32>
    %dot_general3A_1535 = arith.constant dense<0.000000e+00> : vector<129x64xf32>
    %dot_general3A_1536 = tpu.matmul %div3A_1534, %mul3A_1510, %dot_general3A_1535 {dimension_numbers = #tpu.dot_dimension_numbers<[1], [0], [0], [1], [0, 0, 1, 1], [], []>, transpose_lhs_hint = false} : vector<129x129xf32>, vector<129x64xf32>, vector<129x64xf32> -> vector<129x64xf32>
    %swap3A_1537 = arith.constant 19 : index
    %swap3A_1538 = arith.constant 0 : index
    %swap3A_1539 = arith.constant 0 : index
    %swap3A_1540 = vector.load %arg4[%swap3A_1537, %swap3A_1538, %swap3A_1539] : memref<32x129x64xf32, #tpu.memory_space<vmem>>, vector<1x129x64xf32>
    %swap3A_1541 = vector.shape_cast %swap3A_1540 : vector<1x129x64xf32> to vector<129x64xf32>
    %swap3A_1542 = vector.shape_cast %dot_general3A_1536 : vector<129x64xf32> to vector<1x129x64xf32>
    tpu.vector_store %arg4[%swap3A_1537, %swap3A_1538, %swap3A_1539], %swap3A_1542 {strides = array<i32>} : memref<32x129x64xf32, #tpu.memory_space<vmem>>, vector<1x129x64xf32>,
    %mul3A_1543 = arith.mulf %div3A_1534, %convert_element_type3A_2 : vector<129x129xf32>
    %reduce_sum3A_1544 = arith.constant dense<0.000000e+00> : vector<129xf32>
    %reduce_sum3A_1545 = vector.multi_reduction <add>, %mul3A_1543, %reduce_sum3A_1544 [1] : vector<129x129xf32> to vector<129xf32>
    %swap3A_1546 = arith.constant 19 : index
    %swap3A_1547 = arith.constant 0 : index
    %swap3A_1548 = arith.constant 0 : index
    %swap3A_1549 = vector.load %arg5[%swap3A_1546, %swap3A_1547, %swap3A_1548] : memref<32x1x129xf32, #tpu.memory_space<vmem>>, vector<1x1x129xf32>
    %swap3A_1550 = vector.shape_cast %swap3A_1549 : vector<1x1x129xf32> to vector<129xf32>
    %swap3A_1551 = vector.shape_cast %reduce_sum3A_1545 : vector<129xf32> to vector<1x1x129xf32>
    tpu.vector_store %arg5[%swap3A_1546, %swap3A_1547, %swap3A_1548], %swap3A_1551 {strides = array<i32>} : memref<32x1x129xf32, #tpu.memory_space<vmem>>, vector<1x1x129xf32>,
    %get3A_1552 = arith.constant 20 : index
    %get3A_1553 = arith.constant 0 : index
    %get3A_1554 = arith.constant 0 : index
    %get3A_1555 = vector.load %arg3[%get3A_1552, %get3A_1553, %get3A_1554] : memref<32x129x64xf32, #tpu.memory_space<vmem>>, vector<1x129x64xf32>
    %get3A_1556 = vector.shape_cast %get3A_1555 : vector<1x129x64xf32> to vector<129x64xf32>
    %reduce_sum3A_1557 = arith.constant dense<0.000000e+00> : vector<129xf32>
    %reduce_sum3A_1558 = vector.multi_reduction <add>, %get3A_1556, %reduce_sum3A_1557 [1] : vector<129x64xf32> to vector<129xf32>
    %mul3A_1559 = arith.constant 1.562500e-02 : f32
    %mul3A_1560 = vector.broadcast %mul3A_1559 : f32 to vector<129xf32>
    %mul3A_1561 = arith.mulf %reduce_sum3A_1558, %mul3A_1560 : vector<129xf32>
    %div3A_1562 = arith.constant 1.000000e+00 : f32
    %div3A_1563 = vector.broadcast %div3A_1562 : f32 to vector<129xf32>
    %div3A_1564 = arith.divf %div3A_1563, %mul3A_1561 : vector<129xf32>
    %get3A_1565 = arith.constant 20 : index
    %get3A_1566 = arith.constant 0 : index
    %get3A_1567 = arith.constant 0 : index
    %get3A_1568 = vector.load %arg0[%get3A_1565, %get3A_1566, %get3A_1567] : memref<32x129x64xf32, #tpu.memory_space<vmem>>, vector<1x129x64xf32>
    %get3A_1569 = vector.shape_cast %get3A_1568 : vector<1x129x64xf32> to vector<129x64xf32>
    %broadcast_in_dim3A_1570 = vector.shape_cast %div3A_1564 : vector<129xf32> to vector<129x1xf32>
    %mul3A_1571 = vector.broadcast %broadcast_in_dim3A_1570 : vector<129x1xf32> to vector<129x64xf32>
    %mul3A_1572 = arith.mulf %get3A_1569, %mul3A_1571 : vector<129x64xf32>
    %get3A_1573 = arith.constant 20 : index
    %get3A_1574 = arith.constant 0 : index
    %get3A_1575 = arith.constant 0 : index
    %get3A_1576 = vector.load %arg1[%get3A_1573, %get3A_1574, %get3A_1575] : memref<32x129x64xf32, #tpu.memory_space<vmem>>, vector<1x129x64xf32>
    %get3A_1577 = vector.shape_cast %get3A_1576 : vector<1x129x64xf32> to vector<129x64xf32>
    %broadcast_in_dim3A_1578 = vector.shape_cast %div3A_1564 : vector<129xf32> to vector<129x1xf32>
    %mul3A_1579 = vector.broadcast %broadcast_in_dim3A_1578 : vector<129x1xf32> to vector<129x64xf32>
    %mul3A_1580 = arith.mulf %get3A_1577, %mul3A_1579 : vector<129x64xf32>
    %get3A_1581 = arith.constant 20 : index
    %get3A_1582 = arith.constant 0 : index
    %get3A_1583 = arith.constant 0 : index
    %get3A_1584 = vector.load %arg2[%get3A_1581, %get3A_1582, %get3A_1583] : memref<32x129x64xf32, #tpu.memory_space<vmem>>, vector<1x129x64xf32>
    %get3A_1585 = vector.shape_cast %get3A_1584 : vector<1x129x64xf32> to vector<129x64xf32>
    %broadcast_in_dim3A_1586 = vector.shape_cast %div3A_1564 : vector<129xf32> to vector<129x1xf32>
    %mul3A_1587 = vector.broadcast %broadcast_in_dim3A_1586 : vector<129x1xf32> to vector<129x64xf32>
    %mul3A_1588 = arith.mulf %get3A_1585, %mul3A_1587 : vector<129x64xf32>
    %dot_general3A_1589 = arith.constant dense<0.000000e+00> : vector<129x129xf32>
    %dot_general3A_1590 = tpu.matmul %mul3A_1572, %mul3A_1580, %dot_general3A_1589 {dimension_numbers = #tpu.dot_dimension_numbers<[1], [1], [0], [0], [0, 0, 1, 0], [], []>, transpose_lhs_hint = false} : vector<129x64xf32>, vector<129x64xf32>, vector<129x129xf32> -> vector<129x129xf32>
    %reduce_max3A_1591 = arith.constant dense<0xFF800000> : vector<129xf32>
    %reduce_max3A_1592 = vector.multi_reduction <maximumf>, %dot_general3A_1590, %reduce_max3A_1591 [1] : vector<129x129xf32> to vector<129xf32>
    %max3A_1593 = arith.constant 0xFF800000 : f32
    %max3A_1594 = vector.broadcast %max3A_1593 : f32 to vector<129xf32>
    %max3A_1595 = arith.maximumf %max3A_1594, %reduce_max3A_1592 : vector<129xf32>
    %broadcast_in_dim3A_1596 = vector.shape_cast %max3A_1595 : vector<129xf32> to vector<129x1xf32>
    %sub3A_1597 = vector.broadcast %broadcast_in_dim3A_1596 : vector<129x1xf32> to vector<129x129xf32>
    %sub3A_1598 = arith.subf %dot_general3A_1590, %sub3A_1597 : vector<129x129xf32>
    %exp3A_1599 = math.exp %sub3A_1598 : vector<129x129xf32>
    %reduce_sum3A_1600 = arith.constant dense<0.000000e+00> : vector<129xf32>
    %reduce_sum3A_1601 = vector.multi_reduction <add>, %exp3A_1599, %reduce_sum3A_1600 [1] : vector<129x129xf32> to vector<129xf32>
    %broadcast_in_dim3A_1602 = vector.shape_cast %reduce_sum3A_1601 : vector<129xf32> to vector<129x1xf32>
    %div3A_1603 = vector.broadcast %broadcast_in_dim3A_1602 : vector<129x1xf32> to vector<129x129xf32>
    %div3A_1604 = arith.divf %exp3A_1599, %div3A_1603 : vector<129x129xf32>
    %broadcast_in_dim3A_1605 = vector.shape_cast %mul3A_1561 : vector<129xf32> to vector<1x129xf32>
    %mul3A_1606 = vector.broadcast %broadcast_in_dim3A_1605 : vector<1x129xf32> to vector<129x129xf32>
    %mul3A_1607 = arith.mulf %div3A_1604, %mul3A_1606 : vector<129x129xf32>
    %reduce_sum3A_1608 = arith.constant dense<0.000000e+00> : vector<129xf32>
    %reduce_sum3A_1609 = vector.multi_reduction <add>, %mul3A_1607, %reduce_sum3A_1608 [1] : vector<129x129xf32> to vector<129xf32>
    %broadcast_in_dim3A_1610 = vector.shape_cast %reduce_sum3A_1609 : vector<129xf32> to vector<129x1xf32>
    %div3A_1611 = vector.broadcast %broadcast_in_dim3A_1610 : vector<129x1xf32> to vector<129x129xf32>
    %div3A_1612 = arith.divf %mul3A_1607, %div3A_1611 : vector<129x129xf32>
    %dot_general3A_1613 = arith.constant dense<0.000000e+00> : vector<129x64xf32>
    %dot_general3A_1614 = tpu.matmul %div3A_1612, %mul3A_1588, %dot_general3A_1613 {dimension_numbers = #tpu.dot_dimension_numbers<[1], [0], [0], [1], [0, 0, 1, 1], [], []>, transpose_lhs_hint = false} : vector<129x129xf32>, vector<129x64xf32>, vector<129x64xf32> -> vector<129x64xf32>
    %swap3A_1615 = arith.constant 20 : index
    %swap3A_1616 = arith.constant 0 : index
    %swap3A_1617 = arith.constant 0 : index
    %swap3A_1618 = vector.load %arg4[%swap3A_1615, %swap3A_1616, %swap3A_1617] : memref<32x129x64xf32, #tpu.memory_space<vmem>>, vector<1x129x64xf32>
    %swap3A_1619 = vector.shape_cast %swap3A_1618 : vector<1x129x64xf32> to vector<129x64xf32>
    %swap3A_1620 = vector.shape_cast %dot_general3A_1614 : vector<129x64xf32> to vector<1x129x64xf32>
    tpu.vector_store %arg4[%swap3A_1615, %swap3A_1616, %swap3A_1617], %swap3A_1620 {strides = array<i32>} : memref<32x129x64xf32, #tpu.memory_space<vmem>>, vector<1x129x64xf32>,
    %mul3A_1621 = arith.mulf %div3A_1612, %convert_element_type3A_2 : vector<129x129xf32>
    %reduce_sum3A_1622 = arith.constant dense<0.000000e+00> : vector<129xf32>
    %reduce_sum3A_1623 = vector.multi_reduction <add>, %mul3A_1621, %reduce_sum3A_1622 [1] : vector<129x129xf32> to vector<129xf32>
    %swap3A_1624 = arith.constant 20 : index
    %swap3A_1625 = arith.constant 0 : index
    %swap3A_1626 = arith.constant 0 : index
    %swap3A_1627 = vector.load %arg5[%swap3A_1624, %swap3A_1625, %swap3A_1626] : memref<32x1x129xf32, #tpu.memory_space<vmem>>, vector<1x1x129xf32>
    %swap3A_1628 = vector.shape_cast %swap3A_1627 : vector<1x1x129xf32> to vector<129xf32>
    %swap3A_1629 = vector.shape_cast %reduce_sum3A_1623 : vector<129xf32> to vector<1x1x129xf32>
    tpu.vector_store %arg5[%swap3A_1624, %swap3A_1625, %swap3A_1626], %swap3A_1629 {strides = array<i32>} : memref<32x1x129xf32, #tpu.memory_space<vmem>>, vector<1x1x129xf32>,
    %get3A_1630 = arith.constant 21 : index
    %get3A_1631 = arith.constant 0 : index
    %get3A_1632 = arith.constant 0 : index
    %get3A_1633 = vector.load %arg3[%get3A_1630, %get3A_1631, %get3A_1632] : memref<32x129x64xf32, #tpu.memory_space<vmem>>, vector<1x129x64xf32>
    %get3A_1634 = vector.shape_cast %get3A_1633 : vector<1x129x64xf32> to vector<129x64xf32>
    %reduce_sum3A_1635 = arith.constant dense<0.000000e+00> : vector<129xf32>
    %reduce_sum3A_1636 = vector.multi_reduction <add>, %get3A_1634, %reduce_sum3A_1635 [1] : vector<129x64xf32> to vector<129xf32>
    %mul3A_1637 = arith.constant 1.562500e-02 : f32
    %mul3A_1638 = vector.broadcast %mul3A_1637 : f32 to vector<129xf32>
    %mul3A_1639 = arith.mulf %reduce_sum3A_1636, %mul3A_1638 : vector<129xf32>
    %div3A_1640 = arith.constant 1.000000e+00 : f32
    %div3A_1641 = vector.broadcast %div3A_1640 : f32 to vector<129xf32>
    %div3A_1642 = arith.divf %div3A_1641, %mul3A_1639 : vector<129xf32>
    %get3A_1643 = arith.constant 21 : index
    %get3A_1644 = arith.constant 0 : index
    %get3A_1645 = arith.constant 0 : index
    %get3A_1646 = vector.load %arg0[%get3A_1643, %get3A_1644, %get3A_1645] : memref<32x129x64xf32, #tpu.memory_space<vmem>>, vector<1x129x64xf32>
    %get3A_1647 = vector.shape_cast %get3A_1646 : vector<1x129x64xf32> to vector<129x64xf32>
    %broadcast_in_dim3A_1648 = vector.shape_cast %div3A_1642 : vector<129xf32> to vector<129x1xf32>
    %mul3A_1649 = vector.broadcast %broadcast_in_dim3A_1648 : vector<129x1xf32> to vector<129x64xf32>
    %mul3A_1650 = arith.mulf %get3A_1647, %mul3A_1649 : vector<129x64xf32>
    %get3A_1651 = arith.constant 21 : index
    %get3A_1652 = arith.constant 0 : index
    %get3A_1653 = arith.constant 0 : index
    %get3A_1654 = vector.load %arg1[%get3A_1651, %get3A_1652, %get3A_1653] : memref<32x129x64xf32, #tpu.memory_space<vmem>>, vector<1x129x64xf32>
    %get3A_1655 = vector.shape_cast %get3A_1654 : vector<1x129x64xf32> to vector<129x64xf32>
    %broadcast_in_dim3A_1656 = vector.shape_cast %div3A_1642 : vector<129xf32> to vector<129x1xf32>
    %mul3A_1657 = vector.broadcast %broadcast_in_dim3A_1656 : vector<129x1xf32> to vector<129x64xf32>
    %mul3A_1658 = arith.mulf %get3A_1655, %mul3A_1657 : vector<129x64xf32>
    %get3A_1659 = arith.constant 21 : index
    %get3A_1660 = arith.constant 0 : index
    %get3A_1661 = arith.constant 0 : index
    %get3A_1662 = vector.load %arg2[%get3A_1659, %get3A_1660, %get3A_1661] : memref<32x129x64xf32, #tpu.memory_space<vmem>>, vector<1x129x64xf32>
    %get3A_1663 = vector.shape_cast %get3A_1662 : vector<1x129x64xf32> to vector<129x64xf32>
    %broadcast_in_dim3A_1664 = vector.shape_cast %div3A_1642 : vector<129xf32> to vector<129x1xf32>
    %mul3A_1665 = vector.broadcast %broadcast_in_dim3A_1664 : vector<129x1xf32> to vector<129x64xf32>
    %mul3A_1666 = arith.mulf %get3A_1663, %mul3A_1665 : vector<129x64xf32>
    %dot_general3A_1667 = arith.constant dense<0.000000e+00> : vector<129x129xf32>
    %dot_general3A_1668 = tpu.matmul %mul3A_1650, %mul3A_1658, %dot_general3A_1667 {dimension_numbers = #tpu.dot_dimension_numbers<[1], [1], [0], [0], [0, 0, 1, 0], [], []>, transpose_lhs_hint = false} : vector<129x64xf32>, vector<129x64xf32>, vector<129x129xf32> -> vector<129x129xf32>
    %reduce_max3A_1669 = arith.constant dense<0xFF800000> : vector<129xf32>
    %reduce_max3A_1670 = vector.multi_reduction <maximumf>, %dot_general3A_1668, %reduce_max3A_1669 [1] : vector<129x129xf32> to vector<129xf32>
    %max3A_1671 = arith.constant 0xFF800000 : f32
    %max3A_1672 = vector.broadcast %max3A_1671 : f32 to vector<129xf32>
    %max3A_1673 = arith.maximumf %max3A_1672, %reduce_max3A_1670 : vector<129xf32>
    %broadcast_in_dim3A_1674 = vector.shape_cast %max3A_1673 : vector<129xf32> to vector<129x1xf32>
    %sub3A_1675 = vector.broadcast %broadcast_in_dim3A_1674 : vector<129x1xf32> to vector<129x129xf32>
    %sub3A_1676 = arith.subf %dot_general3A_1668, %sub3A_1675 : vector<129x129xf32>
    %exp3A_1677 = math.exp %sub3A_1676 : vector<129x129xf32>
    %reduce_sum3A_1678 = arith.constant dense<0.000000e+00> : vector<129xf32>
    %reduce_sum3A_1679 = vector.multi_reduction <add>, %exp3A_1677, %reduce_sum3A_1678 [1] : vector<129x129xf32> to vector<129xf32>
    %broadcast_in_dim3A_1680 = vector.shape_cast %reduce_sum3A_1679 : vector<129xf32> to vector<129x1xf32>
    %div3A_1681 = vector.broadcast %broadcast_in_dim3A_1680 : vector<129x1xf32> to vector<129x129xf32>
    %div3A_1682 = arith.divf %exp3A_1677, %div3A_1681 : vector<129x129xf32>
    %broadcast_in_dim3A_1683 = vector.shape_cast %mul3A_1639 : vector<129xf32> to vector<1x129xf32>
    %mul3A_1684 = vector.broadcast %broadcast_in_dim3A_1683 : vector<1x129xf32> to vector<129x129xf32>
    %mul3A_1685 = arith.mulf %div3A_1682, %mul3A_1684 : vector<129x129xf32>
    %reduce_sum3A_1686 = arith.constant dense<0.000000e+00> : vector<129xf32>
    %reduce_sum3A_1687 = vector.multi_reduction <add>, %mul3A_1685, %reduce_sum3A_1686 [1] : vector<129x129xf32> to vector<129xf32>
    %broadcast_in_dim3A_1688 = vector.shape_cast %reduce_sum3A_1687 : vector<129xf32> to vector<129x1xf32>
    %div3A_1689 = vector.broadcast %broadcast_in_dim3A_1688 : vector<129x1xf32> to vector<129x129xf32>
    %div3A_1690 = arith.divf %mul3A_1685, %div3A_1689 : vector<129x129xf32>
    %dot_general3A_1691 = arith.constant dense<0.000000e+00> : vector<129x64xf32>
    %dot_general3A_1692 = tpu.matmul %div3A_1690, %mul3A_1666, %dot_general3A_1691 {dimension_numbers = #tpu.dot_dimension_numbers<[1], [0], [0], [1], [0, 0, 1, 1], [], []>, transpose_lhs_hint = false} : vector<129x129xf32>, vector<129x64xf32>, vector<129x64xf32> -> vector<129x64xf32>
    %swap3A_1693 = arith.constant 21 : index
    %swap3A_1694 = arith.constant 0 : index
    %swap3A_1695 = arith.constant 0 : index
    %swap3A_1696 = vector.load %arg4[%swap3A_1693, %swap3A_1694, %swap3A_1695] : memref<32x129x64xf32, #tpu.memory_space<vmem>>, vector<1x129x64xf32>
    %swap3A_1697 = vector.shape_cast %swap3A_1696 : vector<1x129x64xf32> to vector<129x64xf32>
    %swap3A_1698 = vector.shape_cast %dot_general3A_1692 : vector<129x64xf32> to vector<1x129x64xf32>
    tpu.vector_store %arg4[%swap3A_1693, %swap3A_1694, %swap3A_1695], %swap3A_1698 {strides = array<i32>} : memref<32x129x64xf32, #tpu.memory_space<vmem>>, vector<1x129x64xf32>,
    %mul3A_1699 = arith.mulf %div3A_1690, %convert_element_type3A_2 : vector<129x129xf32>
    %reduce_sum3A_1700 = arith.constant dense<0.000000e+00> : vector<129xf32>
    %reduce_sum3A_1701 = vector.multi_reduction <add>, %mul3A_1699, %reduce_sum3A_1700 [1] : vector<129x129xf32> to vector<129xf32>
    %swap3A_1702 = arith.constant 21 : index
    %swap3A_1703 = arith.constant 0 : index
    %swap3A_1704 = arith.constant 0 : index
    %swap3A_1705 = vector.load %arg5[%swap3A_1702, %swap3A_1703, %swap3A_1704] : memref<32x1x129xf32, #tpu.memory_space<vmem>>, vector<1x1x129xf32>
    %swap3A_1706 = vector.shape_cast %swap3A_1705 : vector<1x1x129xf32> to vector<129xf32>
    %swap3A_1707 = vector.shape_cast %reduce_sum3A_1701 : vector<129xf32> to vector<1x1x129xf32>
    tpu.vector_store %arg5[%swap3A_1702, %swap3A_1703, %swap3A_1704], %swap3A_1707 {strides = array<i32>} : memref<32x1x129xf32, #tpu.memory_space<vmem>>, vector<1x1x129xf32>,
    %get3A_1708 = arith.constant 22 : index
    %get3A_1709 = arith.constant 0 : index
    %get3A_1710 = arith.constant 0 : index
    %get3A_1711 = vector.load %arg3[%get3A_1708, %get3A_1709, %get3A_1710] : memref<32x129x64xf32, #tpu.memory_space<vmem>>, vector<1x129x64xf32>
    %get3A_1712 = vector.shape_cast %get3A_1711 : vector<1x129x64xf32> to vector<129x64xf32>
    %reduce_sum3A_1713 = arith.constant dense<0.000000e+00> : vector<129xf32>
    %reduce_sum3A_1714 = vector.multi_reduction <add>, %get3A_1712, %reduce_sum3A_1713 [1] : vector<129x64xf32> to vector<129xf32>
    %mul3A_1715 = arith.constant 1.562500e-02 : f32
    %mul3A_1716 = vector.broadcast %mul3A_1715 : f32 to vector<129xf32>
    %mul3A_1717 = arith.mulf %reduce_sum3A_1714, %mul3A_1716 : vector<129xf32>
    %div3A_1718 = arith.constant 1.000000e+00 : f32
    %div3A_1719 = vector.broadcast %div3A_1718 : f32 to vector<129xf32>
    %div3A_1720 = arith.divf %div3A_1719, %mul3A_1717 : vector<129xf32>
    %get3A_1721 = arith.constant 22 : index
    %get3A_1722 = arith.constant 0 : index
    %get3A_1723 = arith.constant 0 : index
    %get3A_1724 = vector.load %arg0[%get3A_1721, %get3A_1722, %get3A_1723] : memref<32x129x64xf32, #tpu.memory_space<vmem>>, vector<1x129x64xf32>
    %get3A_1725 = vector.shape_cast %get3A_1724 : vector<1x129x64xf32> to vector<129x64xf32>
    %broadcast_in_dim3A_1726 = vector.shape_cast %div3A_1720 : vector<129xf32> to vector<129x1xf32>
    %mul3A_1727 = vector.broadcast %broadcast_in_dim3A_1726 : vector<129x1xf32> to vector<129x64xf32>
    %mul3A_1728 = arith.mulf %get3A_1725, %mul3A_1727 : vector<129x64xf32>
    %get3A_1729 = arith.constant 22 : index
    %get3A_1730 = arith.constant 0 : index
    %get3A_1731 = arith.constant 0 : index
    %get3A_1732 = vector.load %arg1[%get3A_1729, %get3A_1730, %get3A_1731] : memref<32x129x64xf32, #tpu.memory_space<vmem>>, vector<1x129x64xf32>
    %get3A_1733 = vector.shape_cast %get3A_1732 : vector<1x129x64xf32> to vector<129x64xf32>
    %broadcast_in_dim3A_1734 = vector.shape_cast %div3A_1720 : vector<129xf32> to vector<129x1xf32>
    %mul3A_1735 = vector.broadcast %broadcast_in_dim3A_1734 : vector<129x1xf32> to vector<129x64xf32>
    %mul3A_1736 = arith.mulf %get3A_1733, %mul3A_1735 : vector<129x64xf32>
    %get3A_1737 = arith.constant 22 : index
    %get3A_1738 = arith.constant 0 : index
    %get3A_1739 = arith.constant 0 : index
    %get3A_1740 = vector.load %arg2[%get3A_1737, %get3A_1738, %get3A_1739] : memref<32x129x64xf32, #tpu.memory_space<vmem>>, vector<1x129x64xf32>
    %get3A_1741 = vector.shape_cast %get3A_1740 : vector<1x129x64xf32> to vector<129x64xf32>
    %broadcast_in_dim3A_1742 = vector.shape_cast %div3A_1720 : vector<129xf32> to vector<129x1xf32>
    %mul3A_1743 = vector.broadcast %broadcast_in_dim3A_1742 : vector<129x1xf32> to vector<129x64xf32>
    %mul3A_1744 = arith.mulf %get3A_1741, %mul3A_1743 : vector<129x64xf32>
    %dot_general3A_1745 = arith.constant dense<0.000000e+00> : vector<129x129xf32>
    %dot_general3A_1746 = tpu.matmul %mul3A_1728, %mul3A_1736, %dot_general3A_1745 {dimension_numbers = #tpu.dot_dimension_numbers<[1], [1], [0], [0], [0, 0, 1, 0], [], []>, transpose_lhs_hint = false} : vector<129x64xf32>, vector<129x64xf32>, vector<129x129xf32> -> vector<129x129xf32>
    %reduce_max3A_1747 = arith.constant dense<0xFF800000> : vector<129xf32>
    %reduce_max3A_1748 = vector.multi_reduction <maximumf>, %dot_general3A_1746, %reduce_max3A_1747 [1] : vector<129x129xf32> to vector<129xf32>
    %max3A_1749 = arith.constant 0xFF800000 : f32
    %max3A_1750 = vector.broadcast %max3A_1749 : f32 to vector<129xf32>
    %max3A_1751 = arith.maximumf %max3A_1750, %reduce_max3A_1748 : vector<129xf32>
    %broadcast_in_dim3A_1752 = vector.shape_cast %max3A_1751 : vector<129xf32> to vector<129x1xf32>
    %sub3A_1753 = vector.broadcast %broadcast_in_dim3A_1752 : vector<129x1xf32> to vector<129x129xf32>
    %sub3A_1754 = arith.subf %dot_general3A_1746, %sub3A_1753 : vector<129x129xf32>
    %exp3A_1755 = math.exp %sub3A_1754 : vector<129x129xf32>
    %reduce_sum3A_1756 = arith.constant dense<0.000000e+00> : vector<129xf32>
    %reduce_sum3A_1757 = vector.multi_reduction <add>, %exp3A_1755, %reduce_sum3A_1756 [1] : vector<129x129xf32> to vector<129xf32>
    %broadcast_in_dim3A_1758 = vector.shape_cast %reduce_sum3A_1757 : vector<129xf32> to vector<129x1xf32>
    %div3A_1759 = vector.broadcast %broadcast_in_dim3A_1758 : vector<129x1xf32> to vector<129x129xf32>
    %div3A_1760 = arith.divf %exp3A_1755, %div3A_1759 : vector<129x129xf32>
    %broadcast_in_dim3A_1761 = vector.shape_cast %mul3A_1717 : vector<129xf32> to vector<1x129xf32>
    %mul3A_1762 = vector.broadcast %broadcast_in_dim3A_1761 : vector<1x129xf32> to vector<129x129xf32>
    %mul3A_1763 = arith.mulf %div3A_1760, %mul3A_1762 : vector<129x129xf32>
    %reduce_sum3A_1764 = arith.constant dense<0.000000e+00> : vector<129xf32>
    %reduce_sum3A_1765 = vector.multi_reduction <add>, %mul3A_1763, %reduce_sum3A_1764 [1] : vector<129x129xf32> to vector<129xf32>
    %broadcast_in_dim3A_1766 = vector.shape_cast %reduce_sum3A_1765 : vector<129xf32> to vector<129x1xf32>
    %div3A_1767 = vector.broadcast %broadcast_in_dim3A_1766 : vector<129x1xf32> to vector<129x129xf32>
    %div3A_1768 = arith.divf %mul3A_1763, %div3A_1767 : vector<129x129xf32>
    %dot_general3A_1769 = arith.constant dense<0.000000e+00> : vector<129x64xf32>
    %dot_general3A_1770 = tpu.matmul %div3A_1768, %mul3A_1744, %dot_general3A_1769 {dimension_numbers = #tpu.dot_dimension_numbers<[1], [0], [0], [1], [0, 0, 1, 1], [], []>, transpose_lhs_hint = false} : vector<129x129xf32>, vector<129x64xf32>, vector<129x64xf32> -> vector<129x64xf32>
    %swap3A_1771 = arith.constant 22 : index
    %swap3A_1772 = arith.constant 0 : index
    %swap3A_1773 = arith.constant 0 : index
    %swap3A_1774 = vector.load %arg4[%swap3A_1771, %swap3A_1772, %swap3A_1773] : memref<32x129x64xf32, #tpu.memory_space<vmem>>, vector<1x129x64xf32>
    %swap3A_1775 = vector.shape_cast %swap3A_1774 : vector<1x129x64xf32> to vector<129x64xf32>
    %swap3A_1776 = vector.shape_cast %dot_general3A_1770 : vector<129x64xf32> to vector<1x129x64xf32>
    tpu.vector_store %arg4[%swap3A_1771, %swap3A_1772, %swap3A_1773], %swap3A_1776 {strides = array<i32>} : memref<32x129x64xf32, #tpu.memory_space<vmem>>, vector<1x129x64xf32>,
    %mul3A_1777 = arith.mulf %div3A_1768, %convert_element_type3A_2 : vector<129x129xf32>
    %reduce_sum3A_1778 = arith.constant dense<0.000000e+00> : vector<129xf32>
    %reduce_sum3A_1779 = vector.multi_reduction <add>, %mul3A_1777, %reduce_sum3A_1778 [1] : vector<129x129xf32> to vector<129xf32>
    %swap3A_1780 = arith.constant 22 : index
    %swap3A_1781 = arith.constant 0 : index
    %swap3A_1782 = arith.constant 0 : index
    %swap3A_1783 = vector.load %arg5[%swap3A_1780, %swap3A_1781, %swap3A_1782] : memref<32x1x129xf32, #tpu.memory_space<vmem>>, vector<1x1x129xf32>
    %swap3A_1784 = vector.shape_cast %swap3A_1783 : vector<1x1x129xf32> to vector<129xf32>
    %swap3A_1785 = vector.shape_cast %reduce_sum3A_1779 : vector<129xf32> to vector<1x1x129xf32>
    tpu.vector_store %arg5[%swap3A_1780, %swap3A_1781, %swap3A_1782], %swap3A_1785 {strides = array<i32>} : memref<32x1x129xf32, #tpu.memory_space<vmem>>, vector<1x1x129xf32>,
    %get3A_1786 = arith.constant 23 : index
    %get3A_1787 = arith.constant 0 : index
    %get3A_1788 = arith.constant 0 : index
    %get3A_1789 = vector.load %arg3[%get3A_1786, %get3A_1787, %get3A_1788] : memref<32x129x64xf32, #tpu.memory_space<vmem>>, vector<1x129x64xf32>
    %get3A_1790 = vector.shape_cast %get3A_1789 : vector<1x129x64xf32> to vector<129x64xf32>
    %reduce_sum3A_1791 = arith.constant dense<0.000000e+00> : vector<129xf32>
    %reduce_sum3A_1792 = vector.multi_reduction <add>, %get3A_1790, %reduce_sum3A_1791 [1] : vector<129x64xf32> to vector<129xf32>
    %mul3A_1793 = arith.constant 1.562500e-02 : f32
    %mul3A_1794 = vector.broadcast %mul3A_1793 : f32 to vector<129xf32>
    %mul3A_1795 = arith.mulf %reduce_sum3A_1792, %mul3A_1794 : vector<129xf32>
    %div3A_1796 = arith.constant 1.000000e+00 : f32
    %div3A_1797 = vector.broadcast %div3A_1796 : f32 to vector<129xf32>
    %div3A_1798 = arith.divf %div3A_1797, %mul3A_1795 : vector<129xf32>
    %get3A_1799 = arith.constant 23 : index
    %get3A_1800 = arith.constant 0 : index
    %get3A_1801 = arith.constant 0 : index
    %get3A_1802 = vector.load %arg0[%get3A_1799, %get3A_1800, %get3A_1801] : memref<32x129x64xf32, #tpu.memory_space<vmem>>, vector<1x129x64xf32>
    %get3A_1803 = vector.shape_cast %get3A_1802 : vector<1x129x64xf32> to vector<129x64xf32>
    %broadcast_in_dim3A_1804 = vector.shape_cast %div3A_1798 : vector<129xf32> to vector<129x1xf32>
    %mul3A_1805 = vector.broadcast %broadcast_in_dim3A_1804 : vector<129x1xf32> to vector<129x64xf32>
    %mul3A_1806 = arith.mulf %get3A_1803, %mul3A_1805 : vector<129x64xf32>
    %get3A_1807 = arith.constant 23 : index
    %get3A_1808 = arith.constant 0 : index
    %get3A_1809 = arith.constant 0 : index
    %get3A_1810 = vector.load %arg1[%get3A_1807, %get3A_1808, %get3A_1809] : memref<32x129x64xf32, #tpu.memory_space<vmem>>, vector<1x129x64xf32>
    %get3A_1811 = vector.shape_cast %get3A_1810 : vector<1x129x64xf32> to vector<129x64xf32>
    %broadcast_in_dim3A_1812 = vector.shape_cast %div3A_1798 : vector<129xf32> to vector<129x1xf32>
    %mul3A_1813 = vector.broadcast %broadcast_in_dim3A_1812 : vector<129x1xf32> to vector<129x64xf32>
    %mul3A_1814 = arith.mulf %get3A_1811, %mul3A_1813 : vector<129x64xf32>
    %get3A_1815 = arith.constant 23 : index
    %get3A_1816 = arith.constant 0 : index
    %get3A_1817 = arith.constant 0 : index
    %get3A_1818 = vector.load %arg2[%get3A_1815, %get3A_1816, %get3A_1817] : memref<32x129x64xf32, #tpu.memory_space<vmem>>, vector<1x129x64xf32>
    %get3A_1819 = vector.shape_cast %get3A_1818 : vector<1x129x64xf32> to vector<129x64xf32>
    %broadcast_in_dim3A_1820 = vector.shape_cast %div3A_1798 : vector<129xf32> to vector<129x1xf32>
    %mul3A_1821 = vector.broadcast %broadcast_in_dim3A_1820 : vector<129x1xf32> to vector<129x64xf32>
    %mul3A_1822 = arith.mulf %get3A_1819, %mul3A_1821 : vector<129x64xf32>
    %dot_general3A_1823 = arith.constant dense<0.000000e+00> : vector<129x129xf32>
    %dot_general3A_1824 = tpu.matmul %mul3A_1806, %mul3A_1814, %dot_general3A_1823 {dimension_numbers = #tpu.dot_dimension_numbers<[1], [1], [0], [0], [0, 0, 1, 0], [], []>, transpose_lhs_hint = false} : vector<129x64xf32>, vector<129x64xf32>, vector<129x129xf32> -> vector<129x129xf32>
    %reduce_max3A_1825 = arith.constant dense<0xFF800000> : vector<129xf32>
    %reduce_max3A_1826 = vector.multi_reduction <maximumf>, %dot_general3A_1824, %reduce_max3A_1825 [1] : vector<129x129xf32> to vector<129xf32>
    %max3A_1827 = arith.constant 0xFF800000 : f32
    %max3A_1828 = vector.broadcast %max3A_1827 : f32 to vector<129xf32>
    %max3A_1829 = arith.maximumf %max3A_1828, %reduce_max3A_1826 : vector<129xf32>
    %broadcast_in_dim3A_1830 = vector.shape_cast %max3A_1829 : vector<129xf32> to vector<129x1xf32>
    %sub3A_1831 = vector.broadcast %broadcast_in_dim3A_1830 : vector<129x1xf32> to vector<129x129xf32>
    %sub3A_1832 = arith.subf %dot_general3A_1824, %sub3A_1831 : vector<129x129xf32>
    %exp3A_1833 = math.exp %sub3A_1832 : vector<129x129xf32>
    %reduce_sum3A_1834 = arith.constant dense<0.000000e+00> : vector<129xf32>
    %reduce_sum3A_1835 = vector.multi_reduction <add>, %exp3A_1833, %reduce_sum3A_1834 [1] : vector<129x129xf32> to vector<129xf32>
    %broadcast_in_dim3A_1836 = vector.shape_cast %reduce_sum3A_1835 : vector<129xf32> to vector<129x1xf32>
    %div3A_1837 = vector.broadcast %broadcast_in_dim3A_1836 : vector<129x1xf32> to vector<129x129xf32>
    %div3A_1838 = arith.divf %exp3A_1833, %div3A_1837 : vector<129x129xf32>
    %broadcast_in_dim3A_1839 = vector.shape_cast %mul3A_1795 : vector<129xf32> to vector<1x129xf32>
    %mul3A_1840 = vector.broadcast %broadcast_in_dim3A_1839 : vector<1x129xf32> to vector<129x129xf32>
    %mul3A_1841 = arith.mulf %div3A_1838, %mul3A_1840 : vector<129x129xf32>
    %reduce_sum3A_1842 = arith.constant dense<0.000000e+00> : vector<129xf32>
    %reduce_sum3A_1843 = vector.multi_reduction <add>, %mul3A_1841, %reduce_sum3A_1842 [1] : vector<129x129xf32> to vector<129xf32>
    %broadcast_in_dim3A_1844 = vector.shape_cast %reduce_sum3A_1843 : vector<129xf32> to vector<129x1xf32>
    %div3A_1845 = vector.broadcast %broadcast_in_dim3A_1844 : vector<129x1xf32> to vector<129x129xf32>
    %div3A_1846 = arith.divf %mul3A_1841, %div3A_1845 : vector<129x129xf32>
    %dot_general3A_1847 = arith.constant dense<0.000000e+00> : vector<129x64xf32>
    %dot_general3A_1848 = tpu.matmul %div3A_1846, %mul3A_1822, %dot_general3A_1847 {dimension_numbers = #tpu.dot_dimension_numbers<[1], [0], [0], [1], [0, 0, 1, 1], [], []>, transpose_lhs_hint = false} : vector<129x129xf32>, vector<129x64xf32>, vector<129x64xf32> -> vector<129x64xf32>
    %swap3A_1849 = arith.constant 23 : index
    %swap3A_1850 = arith.constant 0 : index
    %swap3A_1851 = arith.constant 0 : index
    %swap3A_1852 = vector.load %arg4[%swap3A_1849, %swap3A_1850, %swap3A_1851] : memref<32x129x64xf32, #tpu.memory_space<vmem>>, vector<1x129x64xf32>
    %swap3A_1853 = vector.shape_cast %swap3A_1852 : vector<1x129x64xf32> to vector<129x64xf32>
    %swap3A_1854 = vector.shape_cast %dot_general3A_1848 : vector<129x64xf32> to vector<1x129x64xf32>
    tpu.vector_store %arg4[%swap3A_1849, %swap3A_1850, %swap3A_1851], %swap3A_1854 {strides = array<i32>} : memref<32x129x64xf32, #tpu.memory_space<vmem>>, vector<1x129x64xf32>,
    %mul3A_1855 = arith.mulf %div3A_1846, %convert_element_type3A_2 : vector<129x129xf32>
    %reduce_sum3A_1856 = arith.constant dense<0.000000e+00> : vector<129xf32>
    %reduce_sum3A_1857 = vector.multi_reduction <add>, %mul3A_1855, %reduce_sum3A_1856 [1] : vector<129x129xf32> to vector<129xf32>
    %swap3A_1858 = arith.constant 23 : index
    %swap3A_1859 = arith.constant 0 : index
    %swap3A_1860 = arith.constant 0 : index
    %swap3A_1861 = vector.load %arg5[%swap3A_1858, %swap3A_1859, %swap3A_1860] : memref<32x1x129xf32, #tpu.memory_space<vmem>>, vector<1x1x129xf32>
    %swap3A_1862 = vector.shape_cast %swap3A_1861 : vector<1x1x129xf32> to vector<129xf32>
    %swap3A_1863 = vector.shape_cast %reduce_sum3A_1857 : vector<129xf32> to vector<1x1x129xf32>
    tpu.vector_store %arg5[%swap3A_1858, %swap3A_1859, %swap3A_1860], %swap3A_1863 {strides = array<i32>} : memref<32x1x129xf32, #tpu.memory_space<vmem>>, vector<1x1x129xf32>,
    %get3A_1864 = arith.constant 24 : index
    %get3A_1865 = arith.constant 0 : index
    %get3A_1866 = arith.constant 0 : index
    %get3A_1867 = vector.load %arg3[%get3A_1864, %get3A_1865, %get3A_1866] : memref<32x129x64xf32, #tpu.memory_space<vmem>>, vector<1x129x64xf32>
    %get3A_1868 = vector.shape_cast %get3A_1867 : vector<1x129x64xf32> to vector<129x64xf32>
    %reduce_sum3A_1869 = arith.constant dense<0.000000e+00> : vector<129xf32>
    %reduce_sum3A_1870 = vector.multi_reduction <add>, %get3A_1868, %reduce_sum3A_1869 [1] : vector<129x64xf32> to vector<129xf32>
    %mul3A_1871 = arith.constant 1.562500e-02 : f32
    %mul3A_1872 = vector.broadcast %mul3A_1871 : f32 to vector<129xf32>
    %mul3A_1873 = arith.mulf %reduce_sum3A_1870, %mul3A_1872 : vector<129xf32>
    %div3A_1874 = arith.constant 1.000000e+00 : f32
    %div3A_1875 = vector.broadcast %div3A_1874 : f32 to vector<129xf32>
    %div3A_1876 = arith.divf %div3A_1875, %mul3A_1873 : vector<129xf32>
    %get3A_1877 = arith.constant 24 : index
    %get3A_1878 = arith.constant 0 : index
    %get3A_1879 = arith.constant 0 : index
    %get3A_1880 = vector.load %arg0[%get3A_1877, %get3A_1878, %get3A_1879] : memref<32x129x64xf32, #tpu.memory_space<vmem>>, vector<1x129x64xf32>
    %get3A_1881 = vector.shape_cast %get3A_1880 : vector<1x129x64xf32> to vector<129x64xf32>
    %broadcast_in_dim3A_1882 = vector.shape_cast %div3A_1876 : vector<129xf32> to vector<129x1xf32>
    %mul3A_1883 = vector.broadcast %broadcast_in_dim3A_1882 : vector<129x1xf32> to vector<129x64xf32>
    %mul3A_1884 = arith.mulf %get3A_1881, %mul3A_1883 : vector<129x64xf32>
    %get3A_1885 = arith.constant 24 : index
    %get3A_1886 = arith.constant 0 : index
    %get3A_1887 = arith.constant 0 : index
    %get3A_1888 = vector.load %arg1[%get3A_1885, %get3A_1886, %get3A_1887] : memref<32x129x64xf32, #tpu.memory_space<vmem>>, vector<1x129x64xf32>
    %get3A_1889 = vector.shape_cast %get3A_1888 : vector<1x129x64xf32> to vector<129x64xf32>
    %broadcast_in_dim3A_1890 = vector.shape_cast %div3A_1876 : vector<129xf32> to vector<129x1xf32>
    %mul3A_1891 = vector.broadcast %broadcast_in_dim3A_1890 : vector<129x1xf32> to vector<129x64xf32>
    %mul3A_1892 = arith.mulf %get3A_1889, %mul3A_1891 : vector<129x64xf32>
    %get3A_1893 = arith.constant 24 : index
    %get3A_1894 = arith.constant 0 : index
    %get3A_1895 = arith.constant 0 : index
    %get3A_1896 = vector.load %arg2[%get3A_1893, %get3A_1894, %get3A_1895] : memref<32x129x64xf32, #tpu.memory_space<vmem>>, vector<1x129x64xf32>
    %get3A_1897 = vector.shape_cast %get3A_1896 : vector<1x129x64xf32> to vector<129x64xf32>
    %broadcast_in_dim3A_1898 = vector.shape_cast %div3A_1876 : vector<129xf32> to vector<129x1xf32>
    %mul3A_1899 = vector.broadcast %broadcast_in_dim3A_1898 : vector<129x1xf32> to vector<129x64xf32>
    %mul3A_1900 = arith.mulf %get3A_1897, %mul3A_1899 : vector<129x64xf32>
    %dot_general3A_1901 = arith.constant dense<0.000000e+00> : vector<129x129xf32>
    %dot_general3A_1902 = tpu.matmul %mul3A_1884, %mul3A_1892, %dot_general3A_1901 {dimension_numbers = #tpu.dot_dimension_numbers<[1], [1], [0], [0], [0, 0, 1, 0], [], []>, transpose_lhs_hint = false} : vector<129x64xf32>, vector<129x64xf32>, vector<129x129xf32> -> vector<129x129xf32>
    %reduce_max3A_1903 = arith.constant dense<0xFF800000> : vector<129xf32>
    %reduce_max3A_1904 = vector.multi_reduction <maximumf>, %dot_general3A_1902, %reduce_max3A_1903 [1] : vector<129x129xf32> to vector<129xf32>
    %max3A_1905 = arith.constant 0xFF800000 : f32
    %max3A_1906 = vector.broadcast %max3A_1905 : f32 to vector<129xf32>
    %max3A_1907 = arith.maximumf %max3A_1906, %reduce_max3A_1904 : vector<129xf32>
    %broadcast_in_dim3A_1908 = vector.shape_cast %max3A_1907 : vector<129xf32> to vector<129x1xf32>
    %sub3A_1909 = vector.broadcast %broadcast_in_dim3A_1908 : vector<129x1xf32> to vector<129x129xf32>
    %sub3A_1910 = arith.subf %dot_general3A_1902, %sub3A_1909 : vector<129x129xf32>
    %exp3A_1911 = math.exp %sub3A_1910 : vector<129x129xf32>
    %reduce_sum3A_1912 = arith.constant dense<0.000000e+00> : vector<129xf32>
    %reduce_sum3A_1913 = vector.multi_reduction <add>, %exp3A_1911, %reduce_sum3A_1912 [1] : vector<129x129xf32> to vector<129xf32>
    %broadcast_in_dim3A_1914 = vector.shape_cast %reduce_sum3A_1913 : vector<129xf32> to vector<129x1xf32>
    %div3A_1915 = vector.broadcast %broadcast_in_dim3A_1914 : vector<129x1xf32> to vector<129x129xf32>
    %div3A_1916 = arith.divf %exp3A_1911, %div3A_1915 : vector<129x129xf32>
    %broadcast_in_dim3A_1917 = vector.shape_cast %mul3A_1873 : vector<129xf32> to vector<1x129xf32>
    %mul3A_1918 = vector.broadcast %broadcast_in_dim3A_1917 : vector<1x129xf32> to vector<129x129xf32>
    %mul3A_1919 = arith.mulf %div3A_1916, %mul3A_1918 : vector<129x129xf32>
    %reduce_sum3A_1920 = arith.constant dense<0.000000e+00> : vector<129xf32>
    %reduce_sum3A_1921 = vector.multi_reduction <add>, %mul3A_1919, %reduce_sum3A_1920 [1] : vector<129x129xf32> to vector<129xf32>
    %broadcast_in_dim3A_1922 = vector.shape_cast %reduce_sum3A_1921 : vector<129xf32> to vector<129x1xf32>
    %div3A_1923 = vector.broadcast %broadcast_in_dim3A_1922 : vector<129x1xf32> to vector<129x129xf32>
    %div3A_1924 = arith.divf %mul3A_1919, %div3A_1923 : vector<129x129xf32>
    %dot_general3A_1925 = arith.constant dense<0.000000e+00> : vector<129x64xf32>
    %dot_general3A_1926 = tpu.matmul %div3A_1924, %mul3A_1900, %dot_general3A_1925 {dimension_numbers = #tpu.dot_dimension_numbers<[1], [0], [0], [1], [0, 0, 1, 1], [], []>, transpose_lhs_hint = false} : vector<129x129xf32>, vector<129x64xf32>, vector<129x64xf32> -> vector<129x64xf32>
    %swap3A_1927 = arith.constant 24 : index
    %swap3A_1928 = arith.constant 0 : index
    %swap3A_1929 = arith.constant 0 : index
    %swap3A_1930 = vector.load %arg4[%swap3A_1927, %swap3A_1928, %swap3A_1929] : memref<32x129x64xf32, #tpu.memory_space<vmem>>, vector<1x129x64xf32>
    %swap3A_1931 = vector.shape_cast %swap3A_1930 : vector<1x129x64xf32> to vector<129x64xf32>
    %swap3A_1932 = vector.shape_cast %dot_general3A_1926 : vector<129x64xf32> to vector<1x129x64xf32>
    tpu.vector_store %arg4[%swap3A_1927, %swap3A_1928, %swap3A_1929], %swap3A_1932 {strides = array<i32>} : memref<32x129x64xf32, #tpu.memory_space<vmem>>, vector<1x129x64xf32>,
    %mul3A_1933 = arith.mulf %div3A_1924, %convert_element_type3A_2 : vector<129x129xf32>
    %reduce_sum3A_1934 = arith.constant dense<0.000000e+00> : vector<129xf32>
    %reduce_sum3A_1935 = vector.multi_reduction <add>, %mul3A_1933, %reduce_sum3A_1934 [1] : vector<129x129xf32> to vector<129xf32>
    %swap3A_1936 = arith.constant 24 : index
    %swap3A_1937 = arith.constant 0 : index
    %swap3A_1938 = arith.constant 0 : index
    %swap3A_1939 = vector.load %arg5[%swap3A_1936, %swap3A_1937, %swap3A_1938] : memref<32x1x129xf32, #tpu.memory_space<vmem>>, vector<1x1x129xf32>
    %swap3A_1940 = vector.shape_cast %swap3A_1939 : vector<1x1x129xf32> to vector<129xf32>
    %swap3A_1941 = vector.shape_cast %reduce_sum3A_1935 : vector<129xf32> to vector<1x1x129xf32>
    tpu.vector_store %arg5[%swap3A_1936, %swap3A_1937, %swap3A_1938], %swap3A_1941 {strides = array<i32>} : memref<32x1x129xf32, #tpu.memory_space<vmem>>, vector<1x1x129xf32>,
    %get3A_1942 = arith.constant 25 : index
    %get3A_1943 = arith.constant 0 : index
    %get3A_1944 = arith.constant 0 : index
    %get3A_1945 = vector.load %arg3[%get3A_1942, %get3A_1943, %get3A_1944] : memref<32x129x64xf32, #tpu.memory_space<vmem>>, vector<1x129x64xf32>
    %get3A_1946 = vector.shape_cast %get3A_1945 : vector<1x129x64xf32> to vector<129x64xf32>
    %reduce_sum3A_1947 = arith.constant dense<0.000000e+00> : vector<129xf32>
    %reduce_sum3A_1948 = vector.multi_reduction <add>, %get3A_1946, %reduce_sum3A_1947 [1] : vector<129x64xf32> to vector<129xf32>
    %mul3A_1949 = arith.constant 1.562500e-02 : f32
    %mul3A_1950 = vector.broadcast %mul3A_1949 : f32 to vector<129xf32>
    %mul3A_1951 = arith.mulf %reduce_sum3A_1948, %mul3A_1950 : vector<129xf32>
    %div3A_1952 = arith.constant 1.000000e+00 : f32
    %div3A_1953 = vector.broadcast %div3A_1952 : f32 to vector<129xf32>
    %div3A_1954 = arith.divf %div3A_1953, %mul3A_1951 : vector<129xf32>
    %get3A_1955 = arith.constant 25 : index
    %get3A_1956 = arith.constant 0 : index
    %get3A_1957 = arith.constant 0 : index
    %get3A_1958 = vector.load %arg0[%get3A_1955, %get3A_1956, %get3A_1957] : memref<32x129x64xf32, #tpu.memory_space<vmem>>, vector<1x129x64xf32>
    %get3A_1959 = vector.shape_cast %get3A_1958 : vector<1x129x64xf32> to vector<129x64xf32>
    %broadcast_in_dim3A_1960 = vector.shape_cast %div3A_1954 : vector<129xf32> to vector<129x1xf32>
    %mul3A_1961 = vector.broadcast %broadcast_in_dim3A_1960 : vector<129x1xf32> to vector<129x64xf32>
    %mul3A_1962 = arith.mulf %get3A_1959, %mul3A_1961 : vector<129x64xf32>
    %get3A_1963 = arith.constant 25 : index
    %get3A_1964 = arith.constant 0 : index
    %get3A_1965 = arith.constant 0 : index
    %get3A_1966 = vector.load %arg1[%get3A_1963, %get3A_1964, %get3A_1965] : memref<32x129x64xf32, #tpu.memory_space<vmem>>, vector<1x129x64xf32>
    %get3A_1967 = vector.shape_cast %get3A_1966 : vector<1x129x64xf32> to vector<129x64xf32>
    %broadcast_in_dim3A_1968 = vector.shape_cast %div3A_1954 : vector<129xf32> to vector<129x1xf32>
    %mul3A_1969 = vector.broadcast %broadcast_in_dim3A_1968 : vector<129x1xf32> to vector<129x64xf32>
    %mul3A_1970 = arith.mulf %get3A_1967, %mul3A_1969 : vector<129x64xf32>
    %get3A_1971 = arith.constant 25 : index
    %get3A_1972 = arith.constant 0 : index
    %get3A_1973 = arith.constant 0 : index
    %get3A_1974 = vector.load %arg2[%get3A_1971, %get3A_1972, %get3A_1973] : memref<32x129x64xf32, #tpu.memory_space<vmem>>, vector<1x129x64xf32>
    %get3A_1975 = vector.shape_cast %get3A_1974 : vector<1x129x64xf32> to vector<129x64xf32>
    %broadcast_in_dim3A_1976 = vector.shape_cast %div3A_1954 : vector<129xf32> to vector<129x1xf32>
    %mul3A_1977 = vector.broadcast %broadcast_in_dim3A_1976 : vector<129x1xf32> to vector<129x64xf32>
    %mul3A_1978 = arith.mulf %get3A_1975, %mul3A_1977 : vector<129x64xf32>
    %dot_general3A_1979 = arith.constant dense<0.000000e+00> : vector<129x129xf32>
    %dot_general3A_1980 = tpu.matmul %mul3A_1962, %mul3A_1970, %dot_general3A_1979 {dimension_numbers = #tpu.dot_dimension_numbers<[1], [1], [0], [0], [0, 0, 1, 0], [], []>, transpose_lhs_hint = false} : vector<129x64xf32>, vector<129x64xf32>, vector<129x129xf32> -> vector<129x129xf32>
    %reduce_max3A_1981 = arith.constant dense<0xFF800000> : vector<129xf32>
    %reduce_max3A_1982 = vector.multi_reduction <maximumf>, %dot_general3A_1980, %reduce_max3A_1981 [1] : vector<129x129xf32> to vector<129xf32>
    %max3A_1983 = arith.constant 0xFF800000 : f32
    %max3A_1984 = vector.broadcast %max3A_1983 : f32 to vector<129xf32>
    %max3A_1985 = arith.maximumf %max3A_1984, %reduce_max3A_1982 : vector<129xf32>
    %broadcast_in_dim3A_1986 = vector.shape_cast %max3A_1985 : vector<129xf32> to vector<129x1xf32>
    %sub3A_1987 = vector.broadcast %broadcast_in_dim3A_1986 : vector<129x1xf32> to vector<129x129xf32>
    %sub3A_1988 = arith.subf %dot_general3A_1980, %sub3A_1987 : vector<129x129xf32>
    %exp3A_1989 = math.exp %sub3A_1988 : vector<129x129xf32>
    %reduce_sum3A_1990 = arith.constant dense<0.000000e+00> : vector<129xf32>
    %reduce_sum3A_1991 = vector.multi_reduction <add>, %exp3A_1989, %reduce_sum3A_1990 [1] : vector<129x129xf32> to vector<129xf32>
    %broadcast_in_dim3A_1992 = vector.shape_cast %reduce_sum3A_1991 : vector<129xf32> to vector<129x1xf32>
    %div3A_1993 = vector.broadcast %broadcast_in_dim3A_1992 : vector<129x1xf32> to vector<129x129xf32>
    %div3A_1994 = arith.divf %exp3A_1989, %div3A_1993 : vector<129x129xf32>
    %broadcast_in_dim3A_1995 = vector.shape_cast %mul3A_1951 : vector<129xf32> to vector<1x129xf32>
    %mul3A_1996 = vector.broadcast %broadcast_in_dim3A_1995 : vector<1x129xf32> to vector<129x129xf32>
    %mul3A_1997 = arith.mulf %div3A_1994, %mul3A_1996 : vector<129x129xf32>
    %reduce_sum3A_1998 = arith.constant dense<0.000000e+00> : vector<129xf32>
    %reduce_sum3A_1999 = vector.multi_reduction <add>, %mul3A_1997, %reduce_sum3A_1998 [1] : vector<129x129xf32> to vector<129xf32>
    %broadcast_in_dim3A_2000 = vector.shape_cast %reduce_sum3A_1999 : vector<129xf32> to vector<129x1xf32>
    %div3A_2001 = vector.broadcast %broadcast_in_dim3A_2000 : vector<129x1xf32> to vector<129x129xf32>
    %div3A_2002 = arith.divf %mul3A_1997, %div3A_2001 : vector<129x129xf32>
    %dot_general3A_2003 = arith.constant dense<0.000000e+00> : vector<129x64xf32>
    %dot_general3A_2004 = tpu.matmul %div3A_2002, %mul3A_1978, %dot_general3A_2003 {dimension_numbers = #tpu.dot_dimension_numbers<[1], [0], [0], [1], [0, 0, 1, 1], [], []>, transpose_lhs_hint = false} : vector<129x129xf32>, vector<129x64xf32>, vector<129x64xf32> -> vector<129x64xf32>
    %swap3A_2005 = arith.constant 25 : index
    %swap3A_2006 = arith.constant 0 : index
    %swap3A_2007 = arith.constant 0 : index
    %swap3A_2008 = vector.load %arg4[%swap3A_2005, %swap3A_2006, %swap3A_2007] : memref<32x129x64xf32, #tpu.memory_space<vmem>>, vector<1x129x64xf32>
    %swap3A_2009 = vector.shape_cast %swap3A_2008 : vector<1x129x64xf32> to vector<129x64xf32>
    %swap3A_2010 = vector.shape_cast %dot_general3A_2004 : vector<129x64xf32> to vector<1x129x64xf32>
    tpu.vector_store %arg4[%swap3A_2005, %swap3A_2006, %swap3A_2007], %swap3A_2010 {strides = array<i32>} : memref<32x129x64xf32, #tpu.memory_space<vmem>>, vector<1x129x64xf32>,
    %mul3A_2011 = arith.mulf %div3A_2002, %convert_element_type3A_2 : vector<129x129xf32>
    %reduce_sum3A_2012 = arith.constant dense<0.000000e+00> : vector<129xf32>
    %reduce_sum3A_2013 = vector.multi_reduction <add>, %mul3A_2011, %reduce_sum3A_2012 [1] : vector<129x129xf32> to vector<129xf32>
    %swap3A_2014 = arith.constant 25 : index
    %swap3A_2015 = arith.constant 0 : index
    %swap3A_2016 = arith.constant 0 : index
    %swap3A_2017 = vector.load %arg5[%swap3A_2014, %swap3A_2015, %swap3A_2016] : memref<32x1x129xf32, #tpu.memory_space<vmem>>, vector<1x1x129xf32>
    %swap3A_2018 = vector.shape_cast %swap3A_2017 : vector<1x1x129xf32> to vector<129xf32>
    %swap3A_2019 = vector.shape_cast %reduce_sum3A_2013 : vector<129xf32> to vector<1x1x129xf32>
    tpu.vector_store %arg5[%swap3A_2014, %swap3A_2015, %swap3A_2016], %swap3A_2019 {strides = array<i32>} : memref<32x1x129xf32, #tpu.memory_space<vmem>>, vector<1x1x129xf32>,
    %get3A_2020 = arith.constant 26 : index
    %get3A_2021 = arith.constant 0 : index
    %get3A_2022 = arith.constant 0 : index
    %get3A_2023 = vector.load %arg3[%get3A_2020, %get3A_2021, %get3A_2022] : memref<32x129x64xf32, #tpu.memory_space<vmem>>, vector<1x129x64xf32>
    %get3A_2024 = vector.shape_cast %get3A_2023 : vector<1x129x64xf32> to vector<129x64xf32>
    %reduce_sum3A_2025 = arith.constant dense<0.000000e+00> : vector<129xf32>
    %reduce_sum3A_2026 = vector.multi_reduction <add>, %get3A_2024, %reduce_sum3A_2025 [1] : vector<129x64xf32> to vector<129xf32>
    %mul3A_2027 = arith.constant 1.562500e-02 : f32
    %mul3A_2028 = vector.broadcast %mul3A_2027 : f32 to vector<129xf32>
    %mul3A_2029 = arith.mulf %reduce_sum3A_2026, %mul3A_2028 : vector<129xf32>
    %div3A_2030 = arith.constant 1.000000e+00 : f32
    %div3A_2031 = vector.broadcast %div3A_2030 : f32 to vector<129xf32>
    %div3A_2032 = arith.divf %div3A_2031, %mul3A_2029 : vector<129xf32>
    %get3A_2033 = arith.constant 26 : index
    %get3A_2034 = arith.constant 0 : index
    %get3A_2035 = arith.constant 0 : index
    %get3A_2036 = vector.load %arg0[%get3A_2033, %get3A_2034, %get3A_2035] : memref<32x129x64xf32, #tpu.memory_space<vmem>>, vector<1x129x64xf32>
    %get3A_2037 = vector.shape_cast %get3A_2036 : vector<1x129x64xf32> to vector<129x64xf32>
    %broadcast_in_dim3A_2038 = vector.shape_cast %div3A_2032 : vector<129xf32> to vector<129x1xf32>
    %mul3A_2039 = vector.broadcast %broadcast_in_dim3A_2038 : vector<129x1xf32> to vector<129x64xf32>
    %mul3A_2040 = arith.mulf %get3A_2037, %mul3A_2039 : vector<129x64xf32>
    %get3A_2041 = arith.constant 26 : index
    %get3A_2042 = arith.constant 0 : index
    %get3A_2043 = arith.constant 0 : index
    %get3A_2044 = vector.load %arg1[%get3A_2041, %get3A_2042, %get3A_2043] : memref<32x129x64xf32, #tpu.memory_space<vmem>>, vector<1x129x64xf32>
    %get3A_2045 = vector.shape_cast %get3A_2044 : vector<1x129x64xf32> to vector<129x64xf32>
    %broadcast_in_dim3A_2046 = vector.shape_cast %div3A_2032 : vector<129xf32> to vector<129x1xf32>
    %mul3A_2047 = vector.broadcast %broadcast_in_dim3A_2046 : vector<129x1xf32> to vector<129x64xf32>
    %mul3A_2048 = arith.mulf %get3A_2045, %mul3A_2047 : vector<129x64xf32>
    %get3A_2049 = arith.constant 26 : index
    %get3A_2050 = arith.constant 0 : index
    %get3A_2051 = arith.constant 0 : index
    %get3A_2052 = vector.load %arg2[%get3A_2049, %get3A_2050, %get3A_2051] : memref<32x129x64xf32, #tpu.memory_space<vmem>>, vector<1x129x64xf32>
    %get3A_2053 = vector.shape_cast %get3A_2052 : vector<1x129x64xf32> to vector<129x64xf32>
    %broadcast_in_dim3A_2054 = vector.shape_cast %div3A_2032 : vector<129xf32> to vector<129x1xf32>
    %mul3A_2055 = vector.broadcast %broadcast_in_dim3A_2054 : vector<129x1xf32> to vector<129x64xf32>
    %mul3A_2056 = arith.mulf %get3A_2053, %mul3A_2055 : vector<129x64xf32>
    %dot_general3A_2057 = arith.constant dense<0.000000e+00> : vector<129x129xf32>
    %dot_general3A_2058 = tpu.matmul %mul3A_2040, %mul3A_2048, %dot_general3A_2057 {dimension_numbers = #tpu.dot_dimension_numbers<[1], [1], [0], [0], [0, 0, 1, 0], [], []>, transpose_lhs_hint = false} : vector<129x64xf32>, vector<129x64xf32>, vector<129x129xf32> -> vector<129x129xf32>
    %reduce_max3A_2059 = arith.constant dense<0xFF800000> : vector<129xf32>
    %reduce_max3A_2060 = vector.multi_reduction <maximumf>, %dot_general3A_2058, %reduce_max3A_2059 [1] : vector<129x129xf32> to vector<129xf32>
    %max3A_2061 = arith.constant 0xFF800000 : f32
    %max3A_2062 = vector.broadcast %max3A_2061 : f32 to vector<129xf32>
    %max3A_2063 = arith.maximumf %max3A_2062, %reduce_max3A_2060 : vector<129xf32>
    %broadcast_in_dim3A_2064 = vector.shape_cast %max3A_2063 : vector<129xf32> to vector<129x1xf32>
    %sub3A_2065 = vector.broadcast %broadcast_in_dim3A_2064 : vector<129x1xf32> to vector<129x129xf32>
    %sub3A_2066 = arith.subf %dot_general3A_2058, %sub3A_2065 : vector<129x129xf32>
    %exp3A_2067 = math.exp %sub3A_2066 : vector<129x129xf32>
    %reduce_sum3A_2068 = arith.constant dense<0.000000e+00> : vector<129xf32>
    %reduce_sum3A_2069 = vector.multi_reduction <add>, %exp3A_2067, %reduce_sum3A_2068 [1] : vector<129x129xf32> to vector<129xf32>
    %broadcast_in_dim3A_2070 = vector.shape_cast %reduce_sum3A_2069 : vector<129xf32> to vector<129x1xf32>
    %div3A_2071 = vector.broadcast %broadcast_in_dim3A_2070 : vector<129x1xf32> to vector<129x129xf32>
    %div3A_2072 = arith.divf %exp3A_2067, %div3A_2071 : vector<129x129xf32>
    %broadcast_in_dim3A_2073 = vector.shape_cast %mul3A_2029 : vector<129xf32> to vector<1x129xf32>
    %mul3A_2074 = vector.broadcast %broadcast_in_dim3A_2073 : vector<1x129xf32> to vector<129x129xf32>
    %mul3A_2075 = arith.mulf %div3A_2072, %mul3A_2074 : vector<129x129xf32>
    %reduce_sum3A_2076 = arith.constant dense<0.000000e+00> : vector<129xf32>
    %reduce_sum3A_2077 = vector.multi_reduction <add>, %mul3A_2075, %reduce_sum3A_2076 [1] : vector<129x129xf32> to vector<129xf32>
    %broadcast_in_dim3A_2078 = vector.shape_cast %reduce_sum3A_2077 : vector<129xf32> to vector<129x1xf32>
    %div3A_2079 = vector.broadcast %broadcast_in_dim3A_2078 : vector<129x1xf32> to vector<129x129xf32>
    %div3A_2080 = arith.divf %mul3A_2075, %div3A_2079 : vector<129x129xf32>
    %dot_general3A_2081 = arith.constant dense<0.000000e+00> : vector<129x64xf32>
    %dot_general3A_2082 = tpu.matmul %div3A_2080, %mul3A_2056, %dot_general3A_2081 {dimension_numbers = #tpu.dot_dimension_numbers<[1], [0], [0], [1], [0, 0, 1, 1], [], []>, transpose_lhs_hint = false} : vector<129x129xf32>, vector<129x64xf32>, vector<129x64xf32> -> vector<129x64xf32>
    %swap3A_2083 = arith.constant 26 : index
    %swap3A_2084 = arith.constant 0 : index
    %swap3A_2085 = arith.constant 0 : index
    %swap3A_2086 = vector.load %arg4[%swap3A_2083, %swap3A_2084, %swap3A_2085] : memref<32x129x64xf32, #tpu.memory_space<vmem>>, vector<1x129x64xf32>
    %swap3A_2087 = vector.shape_cast %swap3A_2086 : vector<1x129x64xf32> to vector<129x64xf32>
    %swap3A_2088 = vector.shape_cast %dot_general3A_2082 : vector<129x64xf32> to vector<1x129x64xf32>
    tpu.vector_store %arg4[%swap3A_2083, %swap3A_2084, %swap3A_2085], %swap3A_2088 {strides = array<i32>} : memref<32x129x64xf32, #tpu.memory_space<vmem>>, vector<1x129x64xf32>,
    %mul3A_2089 = arith.mulf %div3A_2080, %convert_element_type3A_2 : vector<129x129xf32>
    %reduce_sum3A_2090 = arith.constant dense<0.000000e+00> : vector<129xf32>
    %reduce_sum3A_2091 = vector.multi_reduction <add>, %mul3A_2089, %reduce_sum3A_2090 [1] : vector<129x129xf32> to vector<129xf32>
    %swap3A_2092 = arith.constant 26 : index
    %swap3A_2093 = arith.constant 0 : index
    %swap3A_2094 = arith.constant 0 : index
    %swap3A_2095 = vector.load %arg5[%swap3A_2092, %swap3A_2093, %swap3A_2094] : memref<32x1x129xf32, #tpu.memory_space<vmem>>, vector<1x1x129xf32>
    %swap3A_2096 = vector.shape_cast %swap3A_2095 : vector<1x1x129xf32> to vector<129xf32>
    %swap3A_2097 = vector.shape_cast %reduce_sum3A_2091 : vector<129xf32> to vector<1x1x129xf32>
    tpu.vector_store %arg5[%swap3A_2092, %swap3A_2093, %swap3A_2094], %swap3A_2097 {strides = array<i32>} : memref<32x1x129xf32, #tpu.memory_space<vmem>>, vector<1x1x129xf32>,
    %get3A_2098 = arith.constant 27 : index
    %get3A_2099 = arith.constant 0 : index
    %get3A_2100 = arith.constant 0 : index
    %get3A_2101 = vector.load %arg3[%get3A_2098, %get3A_2099, %get3A_2100] : memref<32x129x64xf32, #tpu.memory_space<vmem>>, vector<1x129x64xf32>
    %get3A_2102 = vector.shape_cast %get3A_2101 : vector<1x129x64xf32> to vector<129x64xf32>
    %reduce_sum3A_2103 = arith.constant dense<0.000000e+00> : vector<129xf32>
    %reduce_sum3A_2104 = vector.multi_reduction <add>, %get3A_2102, %reduce_sum3A_2103 [1] : vector<129x64xf32> to vector<129xf32>
    %mul3A_2105 = arith.constant 1.562500e-02 : f32
    %mul3A_2106 = vector.broadcast %mul3A_2105 : f32 to vector<129xf32>
    %mul3A_2107 = arith.mulf %reduce_sum3A_2104, %mul3A_2106 : vector<129xf32>
    %div3A_2108 = arith.constant 1.000000e+00 : f32
    %div3A_2109 = vector.broadcast %div3A_2108 : f32 to vector<129xf32>
    %div3A_2110 = arith.divf %div3A_2109, %mul3A_2107 : vector<129xf32>
    %get3A_2111 = arith.constant 27 : index
    %get3A_2112 = arith.constant 0 : index
    %get3A_2113 = arith.constant 0 : index
    %get3A_2114 = vector.load %arg0[%get3A_2111, %get3A_2112, %get3A_2113] : memref<32x129x64xf32, #tpu.memory_space<vmem>>, vector<1x129x64xf32>
    %get3A_2115 = vector.shape_cast %get3A_2114 : vector<1x129x64xf32> to vector<129x64xf32>
    %broadcast_in_dim3A_2116 = vector.shape_cast %div3A_2110 : vector<129xf32> to vector<129x1xf32>
    %mul3A_2117 = vector.broadcast %broadcast_in_dim3A_2116 : vector<129x1xf32> to vector<129x64xf32>
    %mul3A_2118 = arith.mulf %get3A_2115, %mul3A_2117 : vector<129x64xf32>
    %get3A_2119 = arith.constant 27 : index
    %get3A_2120 = arith.constant 0 : index
    %get3A_2121 = arith.constant 0 : index
    %get3A_2122 = vector.load %arg1[%get3A_2119, %get3A_2120, %get3A_2121] : memref<32x129x64xf32, #tpu.memory_space<vmem>>, vector<1x129x64xf32>
    %get3A_2123 = vector.shape_cast %get3A_2122 : vector<1x129x64xf32> to vector<129x64xf32>
    %broadcast_in_dim3A_2124 = vector.shape_cast %div3A_2110 : vector<129xf32> to vector<129x1xf32>
    %mul3A_2125 = vector.broadcast %broadcast_in_dim3A_2124 : vector<129x1xf32> to vector<129x64xf32>
    %mul3A_2126 = arith.mulf %get3A_2123, %mul3A_2125 : vector<129x64xf32>
    %get3A_2127 = arith.constant 27 : index
    %get3A_2128 = arith.constant 0 : index
    %get3A_2129 = arith.constant 0 : index
    %get3A_2130 = vector.load %arg2[%get3A_2127, %get3A_2128, %get3A_2129] : memref<32x129x64xf32, #tpu.memory_space<vmem>>, vector<1x129x64xf32>
    %get3A_2131 = vector.shape_cast %get3A_2130 : vector<1x129x64xf32> to vector<129x64xf32>
    %broadcast_in_dim3A_2132 = vector.shape_cast %div3A_2110 : vector<129xf32> to vector<129x1xf32>
    %mul3A_2133 = vector.broadcast %broadcast_in_dim3A_2132 : vector<129x1xf32> to vector<129x64xf32>
    %mul3A_2134 = arith.mulf %get3A_2131, %mul3A_2133 : vector<129x64xf32>
    %dot_general3A_2135 = arith.constant dense<0.000000e+00> : vector<129x129xf32>
    %dot_general3A_2136 = tpu.matmul %mul3A_2118, %mul3A_2126, %dot_general3A_2135 {dimension_numbers = #tpu.dot_dimension_numbers<[1], [1], [0], [0], [0, 0, 1, 0], [], []>, transpose_lhs_hint = false} : vector<129x64xf32>, vector<129x64xf32>, vector<129x129xf32> -> vector<129x129xf32>
    %reduce_max3A_2137 = arith.constant dense<0xFF800000> : vector<129xf32>
    %reduce_max3A_2138 = vector.multi_reduction <maximumf>, %dot_general3A_2136, %reduce_max3A_2137 [1] : vector<129x129xf32> to vector<129xf32>
    %max3A_2139 = arith.constant 0xFF800000 : f32
    %max3A_2140 = vector.broadcast %max3A_2139 : f32 to vector<129xf32>
    %max3A_2141 = arith.maximumf %max3A_2140, %reduce_max3A_2138 : vector<129xf32>
    %broadcast_in_dim3A_2142 = vector.shape_cast %max3A_2141 : vector<129xf32> to vector<129x1xf32>
    %sub3A_2143 = vector.broadcast %broadcast_in_dim3A_2142 : vector<129x1xf32> to vector<129x129xf32>
    %sub3A_2144 = arith.subf %dot_general3A_2136, %sub3A_2143 : vector<129x129xf32>
    %exp3A_2145 = math.exp %sub3A_2144 : vector<129x129xf32>
    %reduce_sum3A_2146 = arith.constant dense<0.000000e+00> : vector<129xf32>
    %reduce_sum3A_2147 = vector.multi_reduction <add>, %exp3A_2145, %reduce_sum3A_2146 [1] : vector<129x129xf32> to vector<129xf32>
    %broadcast_in_dim3A_2148 = vector.shape_cast %reduce_sum3A_2147 : vector<129xf32> to vector<129x1xf32>
    %div3A_2149 = vector.broadcast %broadcast_in_dim3A_2148 : vector<129x1xf32> to vector<129x129xf32>
    %div3A_2150 = arith.divf %exp3A_2145, %div3A_2149 : vector<129x129xf32>
    %broadcast_in_dim3A_2151 = vector.shape_cast %mul3A_2107 : vector<129xf32> to vector<1x129xf32>
    %mul3A_2152 = vector.broadcast %broadcast_in_dim3A_2151 : vector<1x129xf32> to vector<129x129xf32>
    %mul3A_2153 = arith.mulf %div3A_2150, %mul3A_2152 : vector<129x129xf32>
    %reduce_sum3A_2154 = arith.constant dense<0.000000e+00> : vector<129xf32>
    %reduce_sum3A_2155 = vector.multi_reduction <add>, %mul3A_2153, %reduce_sum3A_2154 [1] : vector<129x129xf32> to vector<129xf32>
    %broadcast_in_dim3A_2156 = vector.shape_cast %reduce_sum3A_2155 : vector<129xf32> to vector<129x1xf32>
    %div3A_2157 = vector.broadcast %broadcast_in_dim3A_2156 : vector<129x1xf32> to vector<129x129xf32>
    %div3A_2158 = arith.divf %mul3A_2153, %div3A_2157 : vector<129x129xf32>
    %dot_general3A_2159 = arith.constant dense<0.000000e+00> : vector<129x64xf32>
    %dot_general3A_2160 = tpu.matmul %div3A_2158, %mul3A_2134, %dot_general3A_2159 {dimension_numbers = #tpu.dot_dimension_numbers<[1], [0], [0], [1], [0, 0, 1, 1], [], []>, transpose_lhs_hint = false} : vector<129x129xf32>, vector<129x64xf32>, vector<129x64xf32> -> vector<129x64xf32>
    %swap3A_2161 = arith.constant 27 : index
    %swap3A_2162 = arith.constant 0 : index
    %swap3A_2163 = arith.constant 0 : index
    %swap3A_2164 = vector.load %arg4[%swap3A_2161, %swap3A_2162, %swap3A_2163] : memref<32x129x64xf32, #tpu.memory_space<vmem>>, vector<1x129x64xf32>
    %swap3A_2165 = vector.shape_cast %swap3A_2164 : vector<1x129x64xf32> to vector<129x64xf32>
    %swap3A_2166 = vector.shape_cast %dot_general3A_2160 : vector<129x64xf32> to vector<1x129x64xf32>
    tpu.vector_store %arg4[%swap3A_2161, %swap3A_2162, %swap3A_2163], %swap3A_2166 {strides = array<i32>} : memref<32x129x64xf32, #tpu.memory_space<vmem>>, vector<1x129x64xf32>,
    %mul3A_2167 = arith.mulf %div3A_2158, %convert_element_type3A_2 : vector<129x129xf32>
    %reduce_sum3A_2168 = arith.constant dense<0.000000e+00> : vector<129xf32>
    %reduce_sum3A_2169 = vector.multi_reduction <add>, %mul3A_2167, %reduce_sum3A_2168 [1] : vector<129x129xf32> to vector<129xf32>
    %swap3A_2170 = arith.constant 27 : index
    %swap3A_2171 = arith.constant 0 : index
    %swap3A_2172 = arith.constant 0 : index
    %swap3A_2173 = vector.load %arg5[%swap3A_2170, %swap3A_2171, %swap3A_2172] : memref<32x1x129xf32, #tpu.memory_space<vmem>>, vector<1x1x129xf32>
    %swap3A_2174 = vector.shape_cast %swap3A_2173 : vector<1x1x129xf32> to vector<129xf32>
    %swap3A_2175 = vector.shape_cast %reduce_sum3A_2169 : vector<129xf32> to vector<1x1x129xf32>
    tpu.vector_store %arg5[%swap3A_2170, %swap3A_2171, %swap3A_2172], %swap3A_2175 {strides = array<i32>} : memref<32x1x129xf32, #tpu.memory_space<vmem>>, vector<1x1x129xf32>,
    %get3A_2176 = arith.constant 28 : index
    %get3A_2177 = arith.constant 0 : index
    %get3A_2178 = arith.constant 0 : index
    %get3A_2179 = vector.load %arg3[%get3A_2176, %get3A_2177, %get3A_2178] : memref<32x129x64xf32, #tpu.memory_space<vmem>>, vector<1x129x64xf32>
    %get3A_2180 = vector.shape_cast %get3A_2179 : vector<1x129x64xf32> to vector<129x64xf32>
    %reduce_sum3A_2181 = arith.constant dense<0.000000e+00> : vector<129xf32>
    %reduce_sum3A_2182 = vector.multi_reduction <add>, %get3A_2180, %reduce_sum3A_2181 [1] : vector<129x64xf32> to vector<129xf32>
    %mul3A_2183 = arith.constant 1.562500e-02 : f32
    %mul3A_2184 = vector.broadcast %mul3A_2183 : f32 to vector<129xf32>
    %mul3A_2185 = arith.mulf %reduce_sum3A_2182, %mul3A_2184 : vector<129xf32>
    %div3A_2186 = arith.constant 1.000000e+00 : f32
    %div3A_2187 = vector.broadcast %div3A_2186 : f32 to vector<129xf32>
    %div3A_2188 = arith.divf %div3A_2187, %mul3A_2185 : vector<129xf32>
    %get3A_2189 = arith.constant 28 : index
    %get3A_2190 = arith.constant 0 : index
    %get3A_2191 = arith.constant 0 : index
    %get3A_2192 = vector.load %arg0[%get3A_2189, %get3A_2190, %get3A_2191] : memref<32x129x64xf32, #tpu.memory_space<vmem>>, vector<1x129x64xf32>
    %get3A_2193 = vector.shape_cast %get3A_2192 : vector<1x129x64xf32> to vector<129x64xf32>
    %broadcast_in_dim3A_2194 = vector.shape_cast %div3A_2188 : vector<129xf32> to vector<129x1xf32>
    %mul3A_2195 = vector.broadcast %broadcast_in_dim3A_2194 : vector<129x1xf32> to vector<129x64xf32>
    %mul3A_2196 = arith.mulf %get3A_2193, %mul3A_2195 : vector<129x64xf32>
    %get3A_2197 = arith.constant 28 : index
    %get3A_2198 = arith.constant 0 : index
    %get3A_2199 = arith.constant 0 : index
    %get3A_2200 = vector.load %arg1[%get3A_2197, %get3A_2198, %get3A_2199] : memref<32x129x64xf32, #tpu.memory_space<vmem>>, vector<1x129x64xf32>
    %get3A_2201 = vector.shape_cast %get3A_2200 : vector<1x129x64xf32> to vector<129x64xf32>
    %broadcast_in_dim3A_2202 = vector.shape_cast %div3A_2188 : vector<129xf32> to vector<129x1xf32>
    %mul3A_2203 = vector.broadcast %broadcast_in_dim3A_2202 : vector<129x1xf32> to vector<129x64xf32>
    %mul3A_2204 = arith.mulf %get3A_2201, %mul3A_2203 : vector<129x64xf32>
    %get3A_2205 = arith.constant 28 : index
    %get3A_2206 = arith.constant 0 : index
    %get3A_2207 = arith.constant 0 : index
    %get3A_2208 = vector.load %arg2[%get3A_2205, %get3A_2206, %get3A_2207] : memref<32x129x64xf32, #tpu.memory_space<vmem>>, vector<1x129x64xf32>
    %get3A_2209 = vector.shape_cast %get3A_2208 : vector<1x129x64xf32> to vector<129x64xf32>
    %broadcast_in_dim3A_2210 = vector.shape_cast %div3A_2188 : vector<129xf32> to vector<129x1xf32>
    %mul3A_2211 = vector.broadcast %broadcast_in_dim3A_2210 : vector<129x1xf32> to vector<129x64xf32>
    %mul3A_2212 = arith.mulf %get3A_2209, %mul3A_2211 : vector<129x64xf32>
    %dot_general3A_2213 = arith.constant dense<0.000000e+00> : vector<129x129xf32>
    %dot_general3A_2214 = tpu.matmul %mul3A_2196, %mul3A_2204, %dot_general3A_2213 {dimension_numbers = #tpu.dot_dimension_numbers<[1], [1], [0], [0], [0, 0, 1, 0], [], []>, transpose_lhs_hint = false} : vector<129x64xf32>, vector<129x64xf32>, vector<129x129xf32> -> vector<129x129xf32>
    %reduce_max3A_2215 = arith.constant dense<0xFF800000> : vector<129xf32>
    %reduce_max3A_2216 = vector.multi_reduction <maximumf>, %dot_general3A_2214, %reduce_max3A_2215 [1] : vector<129x129xf32> to vector<129xf32>
    %max3A_2217 = arith.constant 0xFF800000 : f32
    %max3A_2218 = vector.broadcast %max3A_2217 : f32 to vector<129xf32>
    %max3A_2219 = arith.maximumf %max3A_2218, %reduce_max3A_2216 : vector<129xf32>
    %broadcast_in_dim3A_2220 = vector.shape_cast %max3A_2219 : vector<129xf32> to vector<129x1xf32>
    %sub3A_2221 = vector.broadcast %broadcast_in_dim3A_2220 : vector<129x1xf32> to vector<129x129xf32>
    %sub3A_2222 = arith.subf %dot_general3A_2214, %sub3A_2221 : vector<129x129xf32>
    %exp3A_2223 = math.exp %sub3A_2222 : vector<129x129xf32>
    %reduce_sum3A_2224 = arith.constant dense<0.000000e+00> : vector<129xf32>
    %reduce_sum3A_2225 = vector.multi_reduction <add>, %exp3A_2223, %reduce_sum3A_2224 [1] : vector<129x129xf32> to vector<129xf32>
    %broadcast_in_dim3A_2226 = vector.shape_cast %reduce_sum3A_2225 : vector<129xf32> to vector<129x1xf32>
    %div3A_2227 = vector.broadcast %broadcast_in_dim3A_2226 : vector<129x1xf32> to vector<129x129xf32>
    %div3A_2228 = arith.divf %exp3A_2223, %div3A_2227 : vector<129x129xf32>
    %broadcast_in_dim3A_2229 = vector.shape_cast %mul3A_2185 : vector<129xf32> to vector<1x129xf32>
    %mul3A_2230 = vector.broadcast %broadcast_in_dim3A_2229 : vector<1x129xf32> to vector<129x129xf32>
    %mul3A_2231 = arith.mulf %div3A_2228, %mul3A_2230 : vector<129x129xf32>
    %reduce_sum3A_2232 = arith.constant dense<0.000000e+00> : vector<129xf32>
    %reduce_sum3A_2233 = vector.multi_reduction <add>, %mul3A_2231, %reduce_sum3A_2232 [1] : vector<129x129xf32> to vector<129xf32>
    %broadcast_in_dim3A_2234 = vector.shape_cast %reduce_sum3A_2233 : vector<129xf32> to vector<129x1xf32>
    %div3A_2235 = vector.broadcast %broadcast_in_dim3A_2234 : vector<129x1xf32> to vector<129x129xf32>
    %div3A_2236 = arith.divf %mul3A_2231, %div3A_2235 : vector<129x129xf32>
    %dot_general3A_2237 = arith.constant dense<0.000000e+00> : vector<129x64xf32>
    %dot_general3A_2238 = tpu.matmul %div3A_2236, %mul3A_2212, %dot_general3A_2237 {dimension_numbers = #tpu.dot_dimension_numbers<[1], [0], [0], [1], [0, 0, 1, 1], [], []>, transpose_lhs_hint = false} : vector<129x129xf32>, vector<129x64xf32>, vector<129x64xf32> -> vector<129x64xf32>
    %swap3A_2239 = arith.constant 28 : index
    %swap3A_2240 = arith.constant 0 : index
    %swap3A_2241 = arith.constant 0 : index
    %swap3A_2242 = vector.load %arg4[%swap3A_2239, %swap3A_2240, %swap3A_2241] : memref<32x129x64xf32, #tpu.memory_space<vmem>>, vector<1x129x64xf32>
    %swap3A_2243 = vector.shape_cast %swap3A_2242 : vector<1x129x64xf32> to vector<129x64xf32>
    %swap3A_2244 = vector.shape_cast %dot_general3A_2238 : vector<129x64xf32> to vector<1x129x64xf32>
    tpu.vector_store %arg4[%swap3A_2239, %swap3A_2240, %swap3A_2241], %swap3A_2244 {strides = array<i32>} : memref<32x129x64xf32, #tpu.memory_space<vmem>>, vector<1x129x64xf32>,
    %mul3A_2245 = arith.mulf %div3A_2236, %convert_element_type3A_2 : vector<129x129xf32>
    %reduce_sum3A_2246 = arith.constant dense<0.000000e+00> : vector<129xf32>
    %reduce_sum3A_2247 = vector.multi_reduction <add>, %mul3A_2245, %reduce_sum3A_2246 [1] : vector<129x129xf32> to vector<129xf32>
    %swap3A_2248 = arith.constant 28 : index
    %swap3A_2249 = arith.constant 0 : index
    %swap3A_2250 = arith.constant 0 : index
    %swap3A_2251 = vector.load %arg5[%swap3A_2248, %swap3A_2249, %swap3A_2250] : memref<32x1x129xf32, #tpu.memory_space<vmem>>, vector<1x1x129xf32>
    %swap3A_2252 = vector.shape_cast %swap3A_2251 : vector<1x1x129xf32> to vector<129xf32>
    %swap3A_2253 = vector.shape_cast %reduce_sum3A_2247 : vector<129xf32> to vector<1x1x129xf32>
    tpu.vector_store %arg5[%swap3A_2248, %swap3A_2249, %swap3A_2250], %swap3A_2253 {strides = array<i32>} : memref<32x1x129xf32, #tpu.memory_space<vmem>>, vector<1x1x129xf32>,
    %get3A_2254 = arith.constant 29 : index
    %get3A_2255 = arith.constant 0 : index
    %get3A_2256 = arith.constant 0 : index
    %get3A_2257 = vector.load %arg3[%get3A_2254, %get3A_2255, %get3A_2256] : memref<32x129x64xf32, #tpu.memory_space<vmem>>, vector<1x129x64xf32>
    %get3A_2258 = vector.shape_cast %get3A_2257 : vector<1x129x64xf32> to vector<129x64xf32>
    %reduce_sum3A_2259 = arith.constant dense<0.000000e+00> : vector<129xf32>
    %reduce_sum3A_2260 = vector.multi_reduction <add>, %get3A_2258, %reduce_sum3A_2259 [1] : vector<129x64xf32> to vector<129xf32>
    %mul3A_2261 = arith.constant 1.562500e-02 : f32
    %mul3A_2262 = vector.broadcast %mul3A_2261 : f32 to vector<129xf32>
    %mul3A_2263 = arith.mulf %reduce_sum3A_2260, %mul3A_2262 : vector<129xf32>
    %div3A_2264 = arith.constant 1.000000e+00 : f32
    %div3A_2265 = vector.broadcast %div3A_2264 : f32 to vector<129xf32>
    %div3A_2266 = arith.divf %div3A_2265, %mul3A_2263 : vector<129xf32>
    %get3A_2267 = arith.constant 29 : index
    %get3A_2268 = arith.constant 0 : index
    %get3A_2269 = arith.constant 0 : index
    %get3A_2270 = vector.load %arg0[%get3A_2267, %get3A_2268, %get3A_2269] : memref<32x129x64xf32, #tpu.memory_space<vmem>>, vector<1x129x64xf32>
    %get3A_2271 = vector.shape_cast %get3A_2270 : vector<1x129x64xf32> to vector<129x64xf32>
    %broadcast_in_dim3A_2272 = vector.shape_cast %div3A_2266 : vector<129xf32> to vector<129x1xf32>
    %mul3A_2273 = vector.broadcast %broadcast_in_dim3A_2272 : vector<129x1xf32> to vector<129x64xf32>
    %mul3A_2274 = arith.mulf %get3A_2271, %mul3A_2273 : vector<129x64xf32>
    %get3A_2275 = arith.constant 29 : index
    %get3A_2276 = arith.constant 0 : index
    %get3A_2277 = arith.constant 0 : index
    %get3A_2278 = vector.load %arg1[%get3A_2275, %get3A_2276, %get3A_2277] : memref<32x129x64xf32, #tpu.memory_space<vmem>>, vector<1x129x64xf32>
    %get3A_2279 = vector.shape_cast %get3A_2278 : vector<1x129x64xf32> to vector<129x64xf32>
    %broadcast_in_dim3A_2280 = vector.shape_cast %div3A_2266 : vector<129xf32> to vector<129x1xf32>
    %mul3A_2281 = vector.broadcast %broadcast_in_dim3A_2280 : vector<129x1xf32> to vector<129x64xf32>
    %mul3A_2282 = arith.mulf %get3A_2279, %mul3A_2281 : vector<129x64xf32>
    %get3A_2283 = arith.constant 29 : index
    %get3A_2284 = arith.constant 0 : index
    %get3A_2285 = arith.constant 0 : index
    %get3A_2286 = vector.load %arg2[%get3A_2283, %get3A_2284, %get3A_2285] : memref<32x129x64xf32, #tpu.memory_space<vmem>>, vector<1x129x64xf32>
    %get3A_2287 = vector.shape_cast %get3A_2286 : vector<1x129x64xf32> to vector<129x64xf32>
    %broadcast_in_dim3A_2288 = vector.shape_cast %div3A_2266 : vector<129xf32> to vector<129x1xf32>
    %mul3A_2289 = vector.broadcast %broadcast_in_dim3A_2288 : vector<129x1xf32> to vector<129x64xf32>
    %mul3A_2290 = arith.mulf %get3A_2287, %mul3A_2289 : vector<129x64xf32>
    %dot_general3A_2291 = arith.constant dense<0.000000e+00> : vector<129x129xf32>
    %dot_general3A_2292 = tpu.matmul %mul3A_2274, %mul3A_2282, %dot_general3A_2291 {dimension_numbers = #tpu.dot_dimension_numbers<[1], [1], [0], [0], [0, 0, 1, 0], [], []>, transpose_lhs_hint = false} : vector<129x64xf32>, vector<129x64xf32>, vector<129x129xf32> -> vector<129x129xf32>
    %reduce_max3A_2293 = arith.constant dense<0xFF800000> : vector<129xf32>
    %reduce_max3A_2294 = vector.multi_reduction <maximumf>, %dot_general3A_2292, %reduce_max3A_2293 [1] : vector<129x129xf32> to vector<129xf32>
    %max3A_2295 = arith.constant 0xFF800000 : f32
    %max3A_2296 = vector.broadcast %max3A_2295 : f32 to vector<129xf32>
    %max3A_2297 = arith.maximumf %max3A_2296, %reduce_max3A_2294 : vector<129xf32>
    %broadcast_in_dim3A_2298 = vector.shape_cast %max3A_2297 : vector<129xf32> to vector<129x1xf32>
    %sub3A_2299 = vector.broadcast %broadcast_in_dim3A_2298 : vector<129x1xf32> to vector<129x129xf32>
    %sub3A_2300 = arith.subf %dot_general3A_2292, %sub3A_2299 : vector<129x129xf32>
    %exp3A_2301 = math.exp %sub3A_2300 : vector<129x129xf32>
    %reduce_sum3A_2302 = arith.constant dense<0.000000e+00> : vector<129xf32>
    %reduce_sum3A_2303 = vector.multi_reduction <add>, %exp3A_2301, %reduce_sum3A_2302 [1] : vector<129x129xf32> to vector<129xf32>
    %broadcast_in_dim3A_2304 = vector.shape_cast %reduce_sum3A_2303 : vector<129xf32> to vector<129x1xf32>
    %div3A_2305 = vector.broadcast %broadcast_in_dim3A_2304 : vector<129x1xf32> to vector<129x129xf32>
    %div3A_2306 = arith.divf %exp3A_2301, %div3A_2305 : vector<129x129xf32>
    %broadcast_in_dim3A_2307 = vector.shape_cast %mul3A_2263 : vector<129xf32> to vector<1x129xf32>
    %mul3A_2308 = vector.broadcast %broadcast_in_dim3A_2307 : vector<1x129xf32> to vector<129x129xf32>
    %mul3A_2309 = arith.mulf %div3A_2306, %mul3A_2308 : vector<129x129xf32>
    %reduce_sum3A_2310 = arith.constant dense<0.000000e+00> : vector<129xf32>
    %reduce_sum3A_2311 = vector.multi_reduction <add>, %mul3A_2309, %reduce_sum3A_2310 [1] : vector<129x129xf32> to vector<129xf32>
    %broadcast_in_dim3A_2312 = vector.shape_cast %reduce_sum3A_2311 : vector<129xf32> to vector<129x1xf32>
    %div3A_2313 = vector.broadcast %broadcast_in_dim3A_2312 : vector<129x1xf32> to vector<129x129xf32>
    %div3A_2314 = arith.divf %mul3A_2309, %div3A_2313 : vector<129x129xf32>
    %dot_general3A_2315 = arith.constant dense<0.000000e+00> : vector<129x64xf32>
    %dot_general3A_2316 = tpu.matmul %div3A_2314, %mul3A_2290, %dot_general3A_2315 {dimension_numbers = #tpu.dot_dimension_numbers<[1], [0], [0], [1], [0, 0, 1, 1], [], []>, transpose_lhs_hint = false} : vector<129x129xf32>, vector<129x64xf32>, vector<129x64xf32> -> vector<129x64xf32>
    %swap3A_2317 = arith.constant 29 : index
    %swap3A_2318 = arith.constant 0 : index
    %swap3A_2319 = arith.constant 0 : index
    %swap3A_2320 = vector.load %arg4[%swap3A_2317, %swap3A_2318, %swap3A_2319] : memref<32x129x64xf32, #tpu.memory_space<vmem>>, vector<1x129x64xf32>
    %swap3A_2321 = vector.shape_cast %swap3A_2320 : vector<1x129x64xf32> to vector<129x64xf32>
    %swap3A_2322 = vector.shape_cast %dot_general3A_2316 : vector<129x64xf32> to vector<1x129x64xf32>
    tpu.vector_store %arg4[%swap3A_2317, %swap3A_2318, %swap3A_2319], %swap3A_2322 {strides = array<i32>} : memref<32x129x64xf32, #tpu.memory_space<vmem>>, vector<1x129x64xf32>,
    %mul3A_2323 = arith.mulf %div3A_2314, %convert_element_type3A_2 : vector<129x129xf32>
    %reduce_sum3A_2324 = arith.constant dense<0.000000e+00> : vector<129xf32>
    %reduce_sum3A_2325 = vector.multi_reduction <add>, %mul3A_2323, %reduce_sum3A_2324 [1] : vector<129x129xf32> to vector<129xf32>
    %swap3A_2326 = arith.constant 29 : index
    %swap3A_2327 = arith.constant 0 : index
    %swap3A_2328 = arith.constant 0 : index
    %swap3A_2329 = vector.load %arg5[%swap3A_2326, %swap3A_2327, %swap3A_2328] : memref<32x1x129xf32, #tpu.memory_space<vmem>>, vector<1x1x129xf32>
    %swap3A_2330 = vector.shape_cast %swap3A_2329 : vector<1x1x129xf32> to vector<129xf32>
    %swap3A_2331 = vector.shape_cast %reduce_sum3A_2325 : vector<129xf32> to vector<1x1x129xf32>
    tpu.vector_store %arg5[%swap3A_2326, %swap3A_2327, %swap3A_2328], %swap3A_2331 {strides = array<i32>} : memref<32x1x129xf32, #tpu.memory_space<vmem>>, vector<1x1x129xf32>,
    %get3A_2332 = arith.constant 30 : index
    %get3A_2333 = arith.constant 0 : index
    %get3A_2334 = arith.constant 0 : index
    %get3A_2335 = vector.load %arg3[%get3A_2332, %get3A_2333, %get3A_2334] : memref<32x129x64xf32, #tpu.memory_space<vmem>>, vector<1x129x64xf32>
    %get3A_2336 = vector.shape_cast %get3A_2335 : vector<1x129x64xf32> to vector<129x64xf32>
    %reduce_sum3A_2337 = arith.constant dense<0.000000e+00> : vector<129xf32>
    %reduce_sum3A_2338 = vector.multi_reduction <add>, %get3A_2336, %reduce_sum3A_2337 [1] : vector<129x64xf32> to vector<129xf32>
    %mul3A_2339 = arith.constant 1.562500e-02 : f32
    %mul3A_2340 = vector.broadcast %mul3A_2339 : f32 to vector<129xf32>
    %mul3A_2341 = arith.mulf %reduce_sum3A_2338, %mul3A_2340 : vector<129xf32>
    %div3A_2342 = arith.constant 1.000000e+00 : f32
    %div3A_2343 = vector.broadcast %div3A_2342 : f32 to vector<129xf32>
    %div3A_2344 = arith.divf %div3A_2343, %mul3A_2341 : vector<129xf32>
    %get3A_2345 = arith.constant 30 : index
    %get3A_2346 = arith.constant 0 : index
    %get3A_2347 = arith.constant 0 : index
    %get3A_2348 = vector.load %arg0[%get3A_2345, %get3A_2346, %get3A_2347] : memref<32x129x64xf32, #tpu.memory_space<vmem>>, vector<1x129x64xf32>
    %get3A_2349 = vector.shape_cast %get3A_2348 : vector<1x129x64xf32> to vector<129x64xf32>
    %broadcast_in_dim3A_2350 = vector.shape_cast %div3A_2344 : vector<129xf32> to vector<129x1xf32>
    %mul3A_2351 = vector.broadcast %broadcast_in_dim3A_2350 : vector<129x1xf32> to vector<129x64xf32>
    %mul3A_2352 = arith.mulf %get3A_2349, %mul3A_2351 : vector<129x64xf32>
    %get3A_2353 = arith.constant 30 : index
    %get3A_2354 = arith.constant 0 : index
    %get3A_2355 = arith.constant 0 : index
    %get3A_2356 = vector.load %arg1[%get3A_2353, %get3A_2354, %get3A_2355] : memref<32x129x64xf32, #tpu.memory_space<vmem>>, vector<1x129x64xf32>
    %get3A_2357 = vector.shape_cast %get3A_2356 : vector<1x129x64xf32> to vector<129x64xf32>
    %broadcast_in_dim3A_2358 = vector.shape_cast %div3A_2344 : vector<129xf32> to vector<129x1xf32>
    %mul3A_2359 = vector.broadcast %broadcast_in_dim3A_2358 : vector<129x1xf32> to vector<129x64xf32>
    %mul3A_2360 = arith.mulf %get3A_2357, %mul3A_2359 : vector<129x64xf32>
    %get3A_2361 = arith.constant 30 : index
    %get3A_2362 = arith.constant 0 : index
    %get3A_2363 = arith.constant 0 : index
    %get3A_2364 = vector.load %arg2[%get3A_2361, %get3A_2362, %get3A_2363] : memref<32x129x64xf32, #tpu.memory_space<vmem>>, vector<1x129x64xf32>
    %get3A_2365 = vector.shape_cast %get3A_2364 : vector<1x129x64xf32> to vector<129x64xf32>
    %broadcast_in_dim3A_2366 = vector.shape_cast %div3A_2344 : vector<129xf32> to vector<129x1xf32>
    %mul3A_2367 = vector.broadcast %broadcast_in_dim3A_2366 : vector<129x1xf32> to vector<129x64xf32>
    %mul3A_2368 = arith.mulf %get3A_2365, %mul3A_2367 : vector<129x64xf32>
    %dot_general3A_2369 = arith.constant dense<0.000000e+00> : vector<129x129xf32>
    %dot_general3A_2370 = tpu.matmul %mul3A_2352, %mul3A_2360, %dot_general3A_2369 {dimension_numbers = #tpu.dot_dimension_numbers<[1], [1], [0], [0], [0, 0, 1, 0], [], []>, transpose_lhs_hint = false} : vector<129x64xf32>, vector<129x64xf32>, vector<129x129xf32> -> vector<129x129xf32>
    %reduce_max3A_2371 = arith.constant dense<0xFF800000> : vector<129xf32>
    %reduce_max3A_2372 = vector.multi_reduction <maximumf>, %dot_general3A_2370, %reduce_max3A_2371 [1] : vector<129x129xf32> to vector<129xf32>
    %max3A_2373 = arith.constant 0xFF800000 : f32
    %max3A_2374 = vector.broadcast %max3A_2373 : f32 to vector<129xf32>
    %max3A_2375 = arith.maximumf %max3A_2374, %reduce_max3A_2372 : vector<129xf32>
    %broadcast_in_dim3A_2376 = vector.shape_cast %max3A_2375 : vector<129xf32> to vector<129x1xf32>
    %sub3A_2377 = vector.broadcast %broadcast_in_dim3A_2376 : vector<129x1xf32> to vector<129x129xf32>
    %sub3A_2378 = arith.subf %dot_general3A_2370, %sub3A_2377 : vector<129x129xf32>
    %exp3A_2379 = math.exp %sub3A_2378 : vector<129x129xf32>
    %reduce_sum3A_2380 = arith.constant dense<0.000000e+00> : vector<129xf32>
    %reduce_sum3A_2381 = vector.multi_reduction <add>, %exp3A_2379, %reduce_sum3A_2380 [1] : vector<129x129xf32> to vector<129xf32>
    %broadcast_in_dim3A_2382 = vector.shape_cast %reduce_sum3A_2381 : vector<129xf32> to vector<129x1xf32>
    %div3A_2383 = vector.broadcast %broadcast_in_dim3A_2382 : vector<129x1xf32> to vector<129x129xf32>
    %div3A_2384 = arith.divf %exp3A_2379, %div3A_2383 : vector<129x129xf32>
    %broadcast_in_dim3A_2385 = vector.shape_cast %mul3A_2341 : vector<129xf32> to vector<1x129xf32>
    %mul3A_2386 = vector.broadcast %broadcast_in_dim3A_2385 : vector<1x129xf32> to vector<129x129xf32>
    %mul3A_2387 = arith.mulf %div3A_2384, %mul3A_2386 : vector<129x129xf32>
    %reduce_sum3A_2388 = arith.constant dense<0.000000e+00> : vector<129xf32>
    %reduce_sum3A_2389 = vector.multi_reduction <add>, %mul3A_2387, %reduce_sum3A_2388 [1] : vector<129x129xf32> to vector<129xf32>
    %broadcast_in_dim3A_2390 = vector.shape_cast %reduce_sum3A_2389 : vector<129xf32> to vector<129x1xf32>
    %div3A_2391 = vector.broadcast %broadcast_in_dim3A_2390 : vector<129x1xf32> to vector<129x129xf32>
    %div3A_2392 = arith.divf %mul3A_2387, %div3A_2391 : vector<129x129xf32>
    %dot_general3A_2393 = arith.constant dense<0.000000e+00> : vector<129x64xf32>
    %dot_general3A_2394 = tpu.matmul %div3A_2392, %mul3A_2368, %dot_general3A_2393 {dimension_numbers = #tpu.dot_dimension_numbers<[1], [0], [0], [1], [0, 0, 1, 1], [], []>, transpose_lhs_hint = false} : vector<129x129xf32>, vector<129x64xf32>, vector<129x64xf32> -> vector<129x64xf32>
    %swap3A_2395 = arith.constant 30 : index
    %swap3A_2396 = arith.constant 0 : index
    %swap3A_2397 = arith.constant 0 : index
    %swap3A_2398 = vector.load %arg4[%swap3A_2395, %swap3A_2396, %swap3A_2397] : memref<32x129x64xf32, #tpu.memory_space<vmem>>, vector<1x129x64xf32>
    %swap3A_2399 = vector.shape_cast %swap3A_2398 : vector<1x129x64xf32> to vector<129x64xf32>
    %swap3A_2400 = vector.shape_cast %dot_general3A_2394 : vector<129x64xf32> to vector<1x129x64xf32>
    tpu.vector_store %arg4[%swap3A_2395, %swap3A_2396, %swap3A_2397], %swap3A_2400 {strides = array<i32>} : memref<32x129x64xf32, #tpu.memory_space<vmem>>, vector<1x129x64xf32>,
    %mul3A_2401 = arith.mulf %div3A_2392, %convert_element_type3A_2 : vector<129x129xf32>
    %reduce_sum3A_2402 = arith.constant dense<0.000000e+00> : vector<129xf32>
    %reduce_sum3A_2403 = vector.multi_reduction <add>, %mul3A_2401, %reduce_sum3A_2402 [1] : vector<129x129xf32> to vector<129xf32>
    %swap3A_2404 = arith.constant 30 : index
    %swap3A_2405 = arith.constant 0 : index
    %swap3A_2406 = arith.constant 0 : index
    %swap3A_2407 = vector.load %arg5[%swap3A_2404, %swap3A_2405, %swap3A_2406] : memref<32x1x129xf32, #tpu.memory_space<vmem>>, vector<1x1x129xf32>
    %swap3A_2408 = vector.shape_cast %swap3A_2407 : vector<1x1x129xf32> to vector<129xf32>
    %swap3A_2409 = vector.shape_cast %reduce_sum3A_2403 : vector<129xf32> to vector<1x1x129xf32>
    tpu.vector_store %arg5[%swap3A_2404, %swap3A_2405, %swap3A_2406], %swap3A_2409 {strides = array<i32>} : memref<32x1x129xf32, #tpu.memory_space<vmem>>, vector<1x1x129xf32>,
    %get3A_2410 = arith.constant 31 : index
    %get3A_2411 = arith.constant 0 : index
    %get3A_2412 = arith.constant 0 : index
    %get3A_2413 = vector.load %arg3[%get3A_2410, %get3A_2411, %get3A_2412] : memref<32x129x64xf32, #tpu.memory_space<vmem>>, vector<1x129x64xf32>
    %get3A_2414 = vector.shape_cast %get3A_2413 : vector<1x129x64xf32> to vector<129x64xf32>
    %reduce_sum3A_2415 = arith.constant dense<0.000000e+00> : vector<129xf32>
    %reduce_sum3A_2416 = vector.multi_reduction <add>, %get3A_2414, %reduce_sum3A_2415 [1] : vector<129x64xf32> to vector<129xf32>
    %mul3A_2417 = arith.constant 1.562500e-02 : f32
    %mul3A_2418 = vector.broadcast %mul3A_2417 : f32 to vector<129xf32>
    %mul3A_2419 = arith.mulf %reduce_sum3A_2416, %mul3A_2418 : vector<129xf32>
    %div3A_2420 = arith.constant 1.000000e+00 : f32
    %div3A_2421 = vector.broadcast %div3A_2420 : f32 to vector<129xf32>
    %div3A_2422 = arith.divf %div3A_2421, %mul3A_2419 : vector<129xf32>
    %get3A_2423 = arith.constant 31 : index
    %get3A_2424 = arith.constant 0 : index
    %get3A_2425 = arith.constant 0 : index
    %get3A_2426 = vector.load %arg0[%get3A_2423, %get3A_2424, %get3A_2425] : memref<32x129x64xf32, #tpu.memory_space<vmem>>, vector<1x129x64xf32>
    %get3A_2427 = vector.shape_cast %get3A_2426 : vector<1x129x64xf32> to vector<129x64xf32>
    %broadcast_in_dim3A_2428 = vector.shape_cast %div3A_2422 : vector<129xf32> to vector<129x1xf32>
    %mul3A_2429 = vector.broadcast %broadcast_in_dim3A_2428 : vector<129x1xf32> to vector<129x64xf32>
    %mul3A_2430 = arith.mulf %get3A_2427, %mul3A_2429 : vector<129x64xf32>
    %get3A_2431 = arith.constant 31 : index
    %get3A_2432 = arith.constant 0 : index
    %get3A_2433 = arith.constant 0 : index
    %get3A_2434 = vector.load %arg1[%get3A_2431, %get3A_2432, %get3A_2433] : memref<32x129x64xf32, #tpu.memory_space<vmem>>, vector<1x129x64xf32>
    %get3A_2435 = vector.shape_cast %get3A_2434 : vector<1x129x64xf32> to vector<129x64xf32>
    %broadcast_in_dim3A_2436 = vector.shape_cast %div3A_2422 : vector<129xf32> to vector<129x1xf32>
    %mul3A_2437 = vector.broadcast %broadcast_in_dim3A_2436 : vector<129x1xf32> to vector<129x64xf32>
    %mul3A_2438 = arith.mulf %get3A_2435, %mul3A_2437 : vector<129x64xf32>
    %get3A_2439 = arith.constant 31 : index
    %get3A_2440 = arith.constant 0 : index
    %get3A_2441 = arith.constant 0 : index
    %get3A_2442 = vector.load %arg2[%get3A_2439, %get3A_2440, %get3A_2441] : memref<32x129x64xf32, #tpu.memory_space<vmem>>, vector<1x129x64xf32>
    %get3A_2443 = vector.shape_cast %get3A_2442 : vector<1x129x64xf32> to vector<129x64xf32>
    %broadcast_in_dim3A_2444 = vector.shape_cast %div3A_2422 : vector<129xf32> to vector<129x1xf32>
    %mul3A_2445 = vector.broadcast %broadcast_in_dim3A_2444 : vector<129x1xf32> to vector<129x64xf32>
    %mul3A_2446 = arith.mulf %get3A_2443, %mul3A_2445 : vector<129x64xf32>
    %dot_general3A_2447 = arith.constant dense<0.000000e+00> : vector<129x129xf32>
    %dot_general3A_2448 = tpu.matmul %mul3A_2430, %mul3A_2438, %dot_general3A_2447 {dimension_numbers = #tpu.dot_dimension_numbers<[1], [1], [0], [0], [0, 0, 1, 0], [], []>, transpose_lhs_hint = false} : vector<129x64xf32>, vector<129x64xf32>, vector<129x129xf32> -> vector<129x129xf32>
    %reduce_max3A_2449 = arith.constant dense<0xFF800000> : vector<129xf32>
    %reduce_max3A_2450 = vector.multi_reduction <maximumf>, %dot_general3A_2448, %reduce_max3A_2449 [1] : vector<129x129xf32> to vector<129xf32>
    %max3A_2451 = arith.constant 0xFF800000 : f32
    %max3A_2452 = vector.broadcast %max3A_2451 : f32 to vector<129xf32>
    %max3A_2453 = arith.maximumf %max3A_2452, %reduce_max3A_2450 : vector<129xf32>
    %broadcast_in_dim3A_2454 = vector.shape_cast %max3A_2453 : vector<129xf32> to vector<129x1xf32>
    %sub3A_2455 = vector.broadcast %broadcast_in_dim3A_2454 : vector<129x1xf32> to vector<129x129xf32>
    %sub3A_2456 = arith.subf %dot_general3A_2448, %sub3A_2455 : vector<129x129xf32>
    %exp3A_2457 = math.exp %sub3A_2456 : vector<129x129xf32>
    %reduce_sum3A_2458 = arith.constant dense<0.000000e+00> : vector<129xf32>
    %reduce_sum3A_2459 = vector.multi_reduction <add>, %exp3A_2457, %reduce_sum3A_2458 [1] : vector<129x129xf32> to vector<129xf32>
    %broadcast_in_dim3A_2460 = vector.shape_cast %reduce_sum3A_2459 : vector<129xf32> to vector<129x1xf32>
    %div3A_2461 = vector.broadcast %broadcast_in_dim3A_2460 : vector<129x1xf32> to vector<129x129xf32>
    %div3A_2462 = arith.divf %exp3A_2457, %div3A_2461 : vector<129x129xf32>
    %broadcast_in_dim3A_2463 = vector.shape_cast %mul3A_2419 : vector<129xf32> to vector<1x129xf32>
    %mul3A_2464 = vector.broadcast %broadcast_in_dim3A_2463 : vector<1x129xf32> to vector<129x129xf32>
    %mul3A_2465 = arith.mulf %div3A_2462, %mul3A_2464 : vector<129x129xf32>
    %reduce_sum3A_2466 = arith.constant dense<0.000000e+00> : vector<129xf32>
    %reduce_sum3A_2467 = vector.multi_reduction <add>, %mul3A_2465, %reduce_sum3A_2466 [1] : vector<129x129xf32> to vector<129xf32>
    %broadcast_in_dim3A_2468 = vector.shape_cast %reduce_sum3A_2467 : vector<129xf32> to vector<129x1xf32>
    %div3A_2469 = vector.broadcast %broadcast_in_dim3A_2468 : vector<129x1xf32> to vector<129x129xf32>
    %div3A_2470 = arith.divf %mul3A_2465, %div3A_2469 : vector<129x129xf32>
    %dot_general3A_2471 = arith.constant dense<0.000000e+00> : vector<129x64xf32>
    %dot_general3A_2472 = tpu.matmul %div3A_2470, %mul3A_2446, %dot_general3A_2471 {dimension_numbers = #tpu.dot_dimension_numbers<[1], [0], [0], [1], [0, 0, 1, 1], [], []>, transpose_lhs_hint = false} : vector<129x129xf32>, vector<129x64xf32>, vector<129x64xf32> -> vector<129x64xf32>
    %swap3A_2473 = arith.constant 31 : index
    %swap3A_2474 = arith.constant 0 : index
    %swap3A_2475 = arith.constant 0 : index
    %swap3A_2476 = vector.load %arg4[%swap3A_2473, %swap3A_2474, %swap3A_2475] : memref<32x129x64xf32, #tpu.memory_space<vmem>>, vector<1x129x64xf32>
    %swap3A_2477 = vector.shape_cast %swap3A_2476 : vector<1x129x64xf32> to vector<129x64xf32>
    %swap3A_2478 = vector.shape_cast %dot_general3A_2472 : vector<129x64xf32> to vector<1x129x64xf32>
    tpu.vector_store %arg4[%swap3A_2473, %swap3A_2474, %swap3A_2475], %swap3A_2478 {strides = array<i32>} : memref<32x129x64xf32, #tpu.memory_space<vmem>>, vector<1x129x64xf32>,
    %mul3A_2479 = arith.mulf %div3A_2470, %convert_element_type3A_2 : vector<129x129xf32>
    %reduce_sum3A_2480 = arith.constant dense<0.000000e+00> : vector<129xf32>
    %reduce_sum3A_2481 = vector.multi_reduction <add>, %mul3A_2479, %reduce_sum3A_2480 [1] : vector<129x129xf32> to vector<129xf32>
    %swap3A_2482 = arith.constant 31 : index
    %swap3A_2483 = arith.constant 0 : index
    %swap3A_2484 = arith.constant 0 : index
    %swap3A_2485 = vector.load %arg5[%swap3A_2482, %swap3A_2483, %swap3A_2484] : memref<32x1x129xf32, #tpu.memory_space<vmem>>, vector<1x1x129xf32>
    %swap3A_2486 = vector.shape_cast %swap3A_2485 : vector<1x1x129xf32> to vector<129xf32>
    %swap3A_2487 = vector.shape_cast %reduce_sum3A_2481 : vector<129xf32> to vector<1x1x129xf32>
    tpu.vector_store %arg5[%swap3A_2482, %swap3A_2483, %swap3A_2484], %swap3A_2487 {strides = array<i32>} : memref<32x1x129xf32, #tpu.memory_space<vmem>>, vector<1x1x129xf32>,
    return
  }
}

</mosaic_0001>

<sc_bundles>
// kernel: kernel.5.cloned.1.call-start
scs
__scs_entry_jumppad:
0x0: {  	(pc) =	sbr.rel $0x88, $3  }
0x1: {  	(tag) =	ssettag $0x0;
	lr =	simm.s32 $0x1  }
0x2: {  	[smem:$0x3F9D] =	sst lr;
	_ =	strace $0xD0000000  }
0x3: {  	_ = 	snop  }
0x4: {  	_ = 	snop  }
0x5: {  	_ = 	snop  }
0x6: {  	_ = 	snop  }
0x7: {  	_ = 	snop  }
__scs_overlays_trampoline_lowered:
0x8: {  	[smem:$0x3FAC] =	sst s0  }
0x9: {  	[smem:$0x3FAD] =	sst s1  }
0xa: {  	[smem:$0x3FAE] =	sst s2  }
0xb: {  	[smem:$0x3FAF] =	sst s3  }
0xc: {  	[smem:$0x3FB0] =	sst s4  }
0xd: {  	[smem:$0x3FB1] =	sst s5  }
0xe: {  	[smem:$0x3FB2] =	sst s6  }
0xf: {  	[smem:$0x3FB3] =	sst s7  }
0x10: {  	[smem:$0x3FB4] =	sst s8  }
0x11: {  	[smem:$0x3FB5] =	sst s9;
	s0 =	simm.s32 @!p0 $0x0  }
0x12: {  	s1 =	sld [smem:$0x3F9B];
	s0 =	simm.s32 @p0 $0x1  }
0x13: {  	[smem:$0x3FB6] =	sst s0;
	s0 =	simm.s32 @!p1 $0x0  }
0x14: {  	s2 =	sld [smem:$0x3F9A];
	s0 =	simm.s32 @p1 $0x1  }
0x15: {  	[smem:$0x3FB7] =	sst s0;
	s0 =	simm.s32 @!p2 $0x0  }
0x16: {  	s3 =	sld [smem:$0x3FDB];
	s0 =	simm.s32 @p2 $0x1  }
0x17: {  	s4 =	simm.s32 $0x1BF5;
	[smem:$0x3FB9] =	sst s0  }
0x18: {  	s0 =	sld [smem:$0x3F9C];
	_ =	swait.ge [sflag:s4], $0x0  }
0x19: {  	s7 =	sld [smem:$0x3F9D]  }
0x1a: {  	s8 =	sadd.s32 $0xFFFFE003, lr  }
0x1b: {  	s9 =	sadd.s32 $0xFFFFFEF7, lr;
	s5 =	simm.s32 $0xFFFFFFFF;
	p2 =	slt.u32 s8, $0xFFFFF086  }
0x1c: {  	p1 =	slt.u32 s9, $0xF7A;
	s5 =	simm.s32 @!p2 $0x0  }
0x1d: {  	s5 =	simm.s32 @p1 $0x1;
	p0 =	seq.s32 s7, s2  }
0x1e: {  	s7 =	smul.u32 @!p0 $0xF7A, s2;
	p2 =	seq.s32 @!p0 s5, $0x0  }
0x1f: {  	s9 =	smul.u32 $0xF7A, s1;
	s8 =	simm.s32 @!p0 $0x1BF5;
	p2 =	por !p2, p0  }
0x20: {  	[sflag:s8] =	ssyncset.s32 @!p0 $0xFFFFF086;
	s6 =	sadd.s32 @!p0 s3, s7;
	s7 =	simm.s32 @!p0 $0x108  }
0x21: {  	s3 =	sadd.s32 s3, s9;
	s6 =	sadd.s32 @!p0 $0x88, s6;
	s7 =	simm.s32 @p2 $0x1082  }
0x22: {  	[simem:s7], [sflag:s8] =	dma.local @!p0 [hbm:s6], $0xF7A  }
0x23: {  	s9 =	sor.u32 $0xD0000000, s2;
	s6 =	simm.s32 $0x108;
	_ =	swait.ge @!p0 [sflag:s8], $0x0  }
0x24: {  	s3 =	sadd.s32 $0x88, s3;
	s6 =	simm.s32 @!p1 $0x1082;
	[sflag:s4] =	ssyncset.s32 $0xFFFFF086  }
0x25: {  	[simem:s6], [sflag:s4] =	dma.local [hbm:s3], $0xF7A  }
0x26: {  	[smem:$0x3F9D] =	sst s1;
	(tag) =	ssettag s2;
	_ =	strace s9  }
0x27: {  	s1 =	sld [smem:$0x3FAD]  }
0x28: {  	s2 =	sld [smem:$0x3FAE]  }
0x29: {  	s4 =	sld [smem:$0x3FB0]  }
0x2a: {  	p0 =	seq.s32 s5, $0x0;
	s5 =	sld [smem:$0x3FB1]  }
0x2b: {  	s6 =	sld [smem:$0x3FB2]  }
0x2c: {  	s7 =	sld [smem:$0x3FB3]  }
0x2d: {  	s3 =	simm.s32 $0x108;
	s8 =	sld [smem:$0x3FB4]  }
0x2e: {  	s3 =	simm.s32 @!p0 $0x1082;
	s9 =	sld [smem:$0x3FB5]  }
0x2f: {  	lr =	sadd.s32 s0, s3;
	s0 =	sld [smem:$0x3FAC]  }
0x30: {  	s3 =	sld [smem:$0x3FAF]  }
0x31: {  	[smem:$0x3FB8] =	sst s10  }
0x32: {  	s10 =	sld [smem:$0x3FB6];
	_ =	sdelay $0x3  }
0x33: {  	p0 =	seq.s32 s10, $0x1;
	s10 =	sld [smem:$0x3FB8];
	_ =	sdelay $0x3  }
0x34: {  	[smem:$0x3FB8] =	sst s10  }
0x35: {  	s10 =	sld [smem:$0x3FB7];
	_ =	sdelay $0x3  }
0x36: {  	p1 =	seq.s32 s10, $0x1;
	s10 =	sld [smem:$0x3FB8];
	_ =	sdelay $0x3  }
0x37: {  	[smem:$0x3FB8] =	sst s10  }
0x38: {  	s10 =	sld [smem:$0x3FB9]  }
0x39: {  	_ = 	snop;
	(pc) =	sbr.ind lr, $3  }
0x3a: {  	_ = 	snop  }
0x3b: {  	_ = 	snop  }
0x3c: {  	p2 =	seq.s32 s10, $0x1;
	s10 =	sld [smem:$0x3FB8]  }
0x3d: {  	_ =	shalt  }
0x3e: {  	_ =	shalt  }
0x3f: {  	_ =	shalt  }
0x40: {  	_ =	shalt  }
0x41: {  	_ =	shalt  }
0x42: {  	_ =	shalt  }
0x43: {  	_ =	shalt  }
0x44: {  	_ =	shalt  }
0x45: {  	_ =	shalt  }
0x46: {  	_ =	shalt  }
0x47: {  	_ =	shalt  }
0x48: {  	_ =	shalt  }
0x49: {  	_ =	shalt  }
0x4a: {  	_ =	shalt  }
0x4b: {  	_ =	shalt  }
0x4c: {  	_ =	shalt  }
0x4d: {  	_ =	shalt  }
0x4e: {  	_ =	shalt  }
0x4f: {  	_ =	shalt  }
0x50: {  	_ =	shalt  }
0x51: {  	_ =	shalt  }
0x52: {  	_ =	shalt  }
0x53: {  	_ =	shalt  }
0x54: {  	_ =	shalt  }
0x55: {  	_ =	shalt  }
0x56: {  	_ =	shalt  }
0x57: {  	_ =	shalt  }
0x58: {  	_ =	shalt  }
0x59: {  	_ =	shalt  }
0x5a: {  	_ =	shalt  }
0x5b: {  	_ =	shalt  }
0x5c: {  	_ =	shalt  }
0x5d: {  	_ =	shalt  }
0x5e: {  	_ =	shalt  }
0x5f: {  	_ =	shalt  }
0x60: {  	_ =	shalt  }
0x61: {  	_ =	shalt  }
0x62: {  	_ =	shalt  }
0x63: {  	_ =	shalt  }
0x64: {  	_ =	shalt  }
0x65: {  	_ =	shalt  }
0x66: {  	_ =	shalt  }
0x67: {  	_ =	shalt  }
0x68: {  	_ =	shalt  }
0x69: {  	_ =	shalt  }
0x6a: {  	_ =	shalt  }
0x6b: {  	_ =	shalt  }
0x6c: {  	_ =	shalt  }
0x6d: {  	_ =	shalt  }
0x6e: {  	_ =	shalt  }
0x6f: {  	_ =	shalt  }
0x70: {  	_ =	shalt  }
0x71: {  	_ =	shalt  }
0x72: {  	_ =	shalt  }
0x73: {  	_ =	shalt  }
0x74: {  	_ =	shalt  }
0x75: {  	_ =	shalt  }
0x76: {  	_ =	shalt  }
0x77: {  	_ =	shalt  }
0x78: {  	_ =	shalt  }
0x79: {  	_ =	shalt  }
0x7a: {  	_ =	shalt  }
0x7b: {  	_ =	shalt  }
0x7c: {  	_ =	shalt  }
0x7d: {  	_ =	shalt  }
0x7e: {  	_ =	shalt  }
0x7f: {  	_ =	shalt  }
0x80: {  	_ =	shalt  }
0x81: {  	_ =	shalt  }
0x82: {  	_ =	shalt  }
0x83: {  	_ =	shalt  }
0x84: {  	_ =	shalt  }
0x85: {  	_ =	shalt  }
0x86: {  	_ =	shalt  }
0x87: {  	_ =	shalt  }
.Lfunc_end0:
.L_simem_size_0:
called_computation.1_lowered:
.L_overlay_start_0:
0x88: {  	s2 =	sld [smem:$0x3FD9]  }
0x89: {  	s3 =	sld [smem:$0x3FFE];
	_ =	sdelay $0x1  }
0x8a: {  	s1 =	srdreg.scid  }
0x8b: {  	s0 =	sand.u32 $0x1, s1  }
0x8c: {  	s14 =	sshll.u32 s0, $0xA;
	s2 =	sadd.s32 s3, s2  }
0x8d: {  	s2 =	sadd.s32 s2, s14  }
0x8e: {  	[smem:$0x3FC4] =	sst s2  }
0x8f: {  	_ = 	snop  }
0x90: {  	s2 =	sld [smem:$0x3FD0];
	_ =	sdelay $0x2  }
0x91: {  	s15 =	simm.s32 $0xA;
	s4 =	simm.s32 $0x10  }
0x92: {  	[smem:s4], [sflag:s15] =	dma.local [hbm:s2], $0x1  }
0x93: {  	_ =	swait.eq [sflag:s15], $0x1  }
0x94: {  	[sflag:s15] =	ssyncset.done $0x0  }
0x95: {  	s16 =	sld [smem:$0x10];
	[sflag:s15] =	ssyncadd.s32 $0xFFFFFFFF  }
0x96: {  	s17 =	sld [smem:$0x11];
	(tm) =	ssettm $0x1  }
0x97: {  	s18 =	sld [smem:$0x3FFB];
	_ =	sdelay $0x3  }
0x98: {  	_ =	strace s18  }
0x99: {  	s4 =	sld [smem:$0x3FFC];
	_ =	sdelay $0x3  }
0x9a: {  	_ =	strace s4  }
0x9b: {  	s4 =	sld [smem:$0x3FFD];
	_ =	sdelay $0x3  }
0x9c: {  	_ =	strace s4  }
0x9d: {  	_ =	strace $0x8FFFFFFF  }
0x9e: {  	s19 =	sld [smem:$0x3FDB];
	_ =	sdelay $0x1  }
0x9f: {  	s5 =	simm.s32 $_scs_section_size  }
0xa0: {  	s6 =	simm.s32 $_size__tile_overlayer_lowered;
	s7 =	simm.s32 $_tile_overlayer_lowered  }
0xa1: {  	s22 =	simm.s32 $0x1BFF;
	s21 =	sshll.u32 s7, $0x1;
	s4 =	sadd.s32 s5, s19  }
0xa2: {  	s8 =	simm.s32 $0x0;
	s20 =	sshll.u32 s6, $0x1;
	s6 =	sadd.s32 s21, s4  }
0xa3: {  	[timem:s8], [sflag:s22] =	dma.local [hbm:s6], s20  }
0xa4: {  	_ =	swait.ge [sflag:s22], s20  }
0xa5: {  	s5 =	ssub.s32 $0x0, s20;
	[sflag:s22] =	ssyncset.done $0x0  }
0xa6: {  	[sflag:s22] =	ssyncadd.s32 s5;
	_ =	sdelay $0x1  }
0xa7: {  	s23 =	simm.s32 $0x1B8B  }
0xa8: {  	_ =	swait.ge [sflag:s23], $0x1  }
0xa9: {  	[sflag:s23] =	ssyncset.done $0x0  }
0xaa: {  	s25 =	simm.s32 $0x1B8E;
	s24 =	sld [smem:$0x3FFE];
	[sflag:s23] =	ssyncadd.s32 $0xFFFFFFFF  }
0xab: {  	s26 =	simm.s32 $execute0_lowered;
	[smem:$0x3FD2] =	sst s25  }
0xac: {  	s6 =	sshll.u32 s26, $0x1;
	_ =	strace $0x80000046;
	[dreg:$0x1] =	wrdreg $0xFFFFFFFF  }
0xad: {  	s28 =	simm.s32 $_size_execute0_lowered;
	s4 =	sadd.s32 s4, s6;
	[dreg:$0x0] =	wrdreg $0x0  }
0xae: {  	s6 =	sshll.u32 s28, $0x1;
	[dreg:$0x2] =	wrdreg s4  }
0xaf: {  	[dreg:$0x3] =	wrdreg s6  }
0xb0: {  	[dreg:$0x4] =	wrdreg $0xC0  }
0xb1: {  	_ =	task [dreg:s8], $0x5FFFF  }
0xb2: {  	[dreg:$0x1] =	wrdreg $0xFFFFFFFF  }
0xb3: {  	[dreg:$0x0] =	wrdreg $0x60  }
0xb4: {  	[dreg:$0x2] =	wrdreg s16  }
0xb5: {  	[dreg:$0x3] =	wrdreg s24  }
0xb6: {  	[dreg:$0x4] =	wrdreg s17  }
0xb7: {  	[dreg:$0x5] =	wrdreg $0xE2000  }
0xb8: {  	[dreg:$0x6] =	wrdreg $0xE4080  }
0xb9: {  	[dreg:$0x7] =	wrdreg $0xE6100  }
0xba: {  	[dreg:$0x8] =	wrdreg $0xE8180  }
0xbb: {  	[dreg:$0x9] =	wrdreg $0x9  }
0xbc: {  	_ =	task.clear_ibuf [dreg:s8], $0xAFFFF;
	_ =	strace $0x90000046  }
0xbd: {  	s29 =	simm.s32 $0x9;
	_ =	strace $0x80000048  }
0xbe: {  	_ =	swait.ge [sflag:s29], $0x1  }
0xbf: {  	[sflag:s29] =	ssyncadd.s32 $0xFFFFFFFF  }
0xc0: {  	_ =	strace $0x90000048  }
0xc1: {  	_ =	sfence  }
0xc2: {  	s30 =	sld [smem:$0x0];
	_ =	sdelay $0x2  }
0xc3: {  	s31 =	sshll.u32 s1, $0xD;
	s1 =	sshrl.u32 s1, $0x2  }
0xc4: {  	s3 =	sand.u32 $0x4000, s31;
	s1 =	sadd.s32 s1, s30  }
0xc5: {  	s0 =	sor.u32 s3, s0;
	s1 =	sshll.u32 s1, $0x11  }
0xc6: {  	s0 =	sor.u32 s1, s0  }
0xc7: {  	s0 =	sadd.s32 $0x8F2B, s0  }
0xc8: {  	[sflag:s0] =	ssyncadd.remote.s32 $0x1  }
0xc9: {  	_ =	sfence.sel $0xFFFF  }
0xca: {  	[dreg:$0x0] =	wrdreg $0xFFFFFFFF;
	(pc) =	sbr.abs _section_cstart, $3  }
0xcb: {  	[dreg:$0x1] =	wrdreg $0xFFFFFFFF  }
0xcc: {  	_ =	task.clear_ibuf [dreg:s8], $0x2FFFF;
	_ =	strace $0x9FFFFFFF  }
0xcd: {  	(tm) =	ssettm $0x7FFFFFFF  }
tec
execute0_lowered:
.L_overlay_start_1:
0x0: {  	(tag) =	ssettag $0x1  }
0x1: {  	s0 =	rddreg [dreg:$0x0]  }
0x2: {  	s1 =	rddreg [dreg:$0x1]  }
0x3: {  	s3 =	rddreg [dreg:$0x3]  }
0x4: {  	s4 =	rddreg [dreg:$0x4]  }
0x5: {  	s5 =	rddreg [dreg:$0x5]  }
0x6: {  	s14 =	rddreg [dreg:$0x6];
	s6 =	simm.s32 $0x0;
	s2 =	srdreg.scid  }
0x7: {  	s18 =	stileid.u32;
	[smem:$0x7FF] =	sst s6  }
0x8: {  	s2 =	sand.u32 $0x1, s2;
	s17 =	sadd.s32 $0x9A00, s1;
	s13 =	sshll.u32 s18, $0xC  }
0x9: {  	_ =	strace $0x80000047;
	s8 =	sshll.u32 s2, $0x10;
	s7 =	sshll.u32 s2, $0xA  }
0xa: {  	s10 =	smul.u32 $0x408, s2;
	[dreg:$0xf] =	wrdreg s17;
	s2 =	ssub.s32 $0x2, s2  }
0xb: {  	s9 =	sadd.s32 s8, s1;
	s12 =	sshrl.u32 s2, $0x1;
	s0 =	sadd.s32 s8, s0  }
0xc: {  	s11 =	sadd.s32 s7, s1;
	s2 =	ssub.s32 s2, s12;
	s0 =	sadd.s32 s13, s0  }
0xd: {  	s1 =	sadd.s32 s10, s1;
	s2 =	smax.u32 s2, $0x1;
	[dreg:$0x8] =	wrdreg s0  }
0xe: {  	s20 =	sadd.s32 $0x22600, s1;
	[dreg:$0x10] =	wrdreg s2  }
0xf: {  	s21 =	sadd.s32 $0x1A400, s1;
	[dreg:$0x11] =	wrdreg s20  }
0x10: {  	s22 =	sadd.s32 s13, s9;
	s23 =	sadd.s32 $0x12200, s1;
	[dreg:$0x12] =	wrdreg s21  }
0x11: {  	s19 =	sshll.u32 s18, $0x6;
	s24 =	sadd.s32 $0x601A00, s22;
	[dreg:$0x13] =	wrdreg s23  }
0x12: {  	s25 =	sadd.s32 s19, s11;
	s1 =	sadd.s32 $0xA000, s1;
	[dreg:$0x9] =	wrdreg s24  }
0x13: {  	s28 =	sadd.s32 $0x1A00, s25;
	[dreg:$0x14] =	wrdreg s1  }
0x14: {  	p0 =	sne.s32 s18, $0x0;
	s26 =	sadd.s32 $0x401A00, s22;
	[dreg:$0x15] =	wrdreg s28  }
0x15: {  	s29 =	simm.s32 $0x8200;
	s0 =	sshrl.u32 @!p0 s3, $0x3;
	[dreg:$0xa] =	wrdreg s26  }
0x16: {  	s30 =	simm.s32 $0x2200;
	[dreg:$0xb] =	wrdreg s0;
	s0 =	sshrl.u32 @!p0 s4, $0x3  }
0x17: {  	s31 =	simm.s32 $0x6200;
	[dreg:$0xc] =	wrdreg s0;
	s0 =	sshrl.u32 @!p0 s5, $0x3  }
0x18: {  	s20 =	simm.s32 $0x2;
	[dreg:$0xd] =	wrdreg s0;
	s0 =	sshrl.u32 @!p0 s14, $0x3  }
0x19: {  	s24 =	simm.s32 $0x80;
	s2 =	simm.s32 $0x0;
	[dreg:$0xe] =	wrdreg s0  }
.LBB2_1:
0x1a: {  	[dreg:$0x16] =	wrdreg s2  }
0x1b: {  	s0 =	rddreg [dreg:$0x2];
	s11 =	simm.s32 $0xC200;
	s21 =	simm.s32 $0x1  }
0x1c: {  	[tilespmem:s11], [sflag:$0x1] =	stream.linear.gather [hbm4b:s0+s6], $0x2000, $0x38;
	[tilespmem:$0xEA20] =	vst v63  }
0x1d: {  	_ =	swait.ge [sflag:s21], $0x2000  }
0x1e: {  	s1 =	simm.s32 @!p0 $0x2;
	[sflag:s21] =	ssyncset.done $0x0;
	s13 =	rddreg [dreg:$0xb]  }
0x1f: {  	s0 =	simm.s32 @!p0 $0x1C02;
	s2 =	rddreg [dreg:$0xf];
	[sflag:s21] =	ssyncadd.s32 $0xFFFFE000  }
0x20: {  	[spmem:s13], [sflag:s0] =	dma.local @!p0 [hbm:s2], $0x408  }
0x21: {  	_ =	swait.ge @!p0 [sflag:s1], $0x408  }
0x22: {  	[sflag:s1] =	ssyncset.done @!p0 $0x0  }
0x23: {  	s14 =	rddreg [dreg:$0xc];
	[sflag:s1] =	ssyncadd.s32 @!p0 $0xFFFFFBF8  }
0x24: {  	[spmem:s14], [sflag:s0] =	dma.local @!p0 [hbm:s2], $0x408  }
0x25: {  	_ =	swait.ge @!p0 [sflag:s1], $0x408  }
0x26: {  	[sflag:s1] =	ssyncset.done @!p0 $0x0  }
0x27: {  	s15 =	rddreg [dreg:$0xd];
	[sflag:s1] =	ssyncadd.s32 @!p0 $0xFFFFFBF8  }
0x28: {  	[spmem:s15], [sflag:s0] =	dma.local @!p0 [hbm:s2], $0x408  }
0x29: {  	_ =	swait.ge @!p0 [sflag:s1], $0x408  }
0x2a: {  	[sflag:s1] =	ssyncset.done @!p0 $0x0  }
0x2b: {  	s16 =	rddreg [dreg:$0xe];
	[sflag:s1] =	ssyncadd.s32 @!p0 $0xFFFFFBF8  }
0x2c: {  	[spmem:s16], [sflag:s0] =	dma.local @!p0 [hbm:s2], $0x408  }
0x2d: {  	_ =	swait.ge @!p0 [sflag:s1], $0x408  }
0x2e: {  	[sflag:s1] =	ssyncset.done @!p0 $0x0  }
0x2f: {  	[sflag:s1] =	ssyncadd.s32 @!p0 $0xFFFFFBF8  }
0x30: {  	[bflag:$0x0] =	sbarrier.arrive $0xFFFF  }
0x31: {  	s12 =	rddreg [dreg:$0x15]  }
0x32: {  	[tilespmem:s6], [sflag:$0x2] =	stream.linear.gather [hbm4b:s12+s6], $0x200, $0x38;
	[tilespmem:$0xEA20] =	vst v63  }
0x33: {  	_ =	swait.ge [sflag:s20], $0x200  }
0x34: {  	s22 =	rddreg [dreg:$0x8];
	[sflag:s20] =	ssyncset.done $0x0  }
0x35: {  	s17 =	simm.s32 $0x200;
	[sflag:s20] =	ssyncadd.s32 $0xFFFFFE00;
	s2 =	sadd.s32 $0x0, s22  }
0x36: {  	[tilespmem:s17], [sflag:$0x2] =	stream.linear.gather [hbm4b:s2+s6], $0x4000, $0x38;
	[tilespmem:$0xEA20] =	vst v63  }
0x37: {  	_ =	swait.ge [sflag:s20], $0x4000  }
0x38: {  	s8 =	rddreg [dreg:$0x9];
	[sflag:s20] =	ssyncset.done $0x0  }
0x39: {  	s18 =	simm.s32 $0x4200;
	[sflag:s20] =	ssyncadd.s32 $0xFFFFC000;
	s8 =	sadd.s32 $0x0, s8  }
0x3a: {  	[tilespmem:s18], [sflag:$0x2] =	stream.linear.gather [hbm4b:s8+s6], $0x4000, $0x38;
	[tilespmem:$0xEA20] =	vst v63  }
0x3b: {  	_ =	swait.ge [sflag:s20], $0x4000  }
0x3c: {  	s9 =	rddreg [dreg:$0xa];
	[sflag:s20] =	ssyncset.done $0x0  }
0x3d: {  	s19 =	simm.s32 $0x8200;
	[sflag:s20] =	ssyncadd.s32 $0xFFFFC000;
	s9 =	sadd.s32 $0x0, s9  }
0x3e: {  	[tilespmem:s19], [sflag:$0x2] =	stream.linear.gather [hbm4b:s9+s6], $0x4000, $0x38;
	[tilespmem:$0xEA20] =	vst v63  }
0x3f: {  	_ =	swait.ge [sflag:s20], $0x4000  }
0x40: {  	[sflag:s20] =	ssyncset.done $0x0  }
0x41: {  	[sflag:s20] =	ssyncadd.s32 $0xFFFFC000  }
0x42: {  	s3 =	rddreg [dreg:$0x3]  }
0x43: {  	[spmem:s3] =	stream.indirect.scatter.add.f32 [tilespmem:s17], [sflag:$0x2], $0x40, s6, s24, $0xb8;
	[tilespmem:$0xEA20] =	vst v63  }
0x44: {  	_ =	swait.ge [sflag:s20], $0x2000  }
0x45: {  	[sflag:s20] =	ssyncset.done $0x0  }
0x46: {  	[sflag:s20] =	ssyncadd.s32 $0xFFFFE000  }
0x47: {  	s4 =	rddreg [dreg:$0x4]  }
0x48: {  	[spmem:s4] =	stream.indirect.scatter.add.f32 [tilespmem:s18], [sflag:$0x2], $0x40, s6, s24, $0xb8;
	[tilespmem:$0xEA20] =	vst v63  }
0x49: {  	_ =	swait.ge [sflag:s20], $0x2000  }
0x4a: {  	[sflag:s20] =	ssyncset.done $0x0  }
0x4b: {  	[sflag:s20] =	ssyncadd.s32 $0xFFFFE000  }
0x4c: {  	s5 =	rddreg [dreg:$0x5]  }
0x4d: {  	[spmem:s5] =	stream.indirect.scatter.add.f32 [tilespmem:s19], [sflag:$0x2], $0x40, s6, s24, $0xb8;
	[tilespmem:$0xEA20] =	vst v63  }
0x4e: {  	_ =	swait.ge [sflag:s20], $0x2000  }
0x4f: {  	[sflag:s20] =	ssyncset.done $0x0  }
0x50: {  	[sflag:s20] =	ssyncadd.s32 $0xFFFFE000  }
0x51: {  	s10 =	rddreg [dreg:$0x6]  }
0x52: {  	[spmem:s10] =	stream.indirect.scatter.add.f32 [tilespmem:s11], [sflag:$0x2], $0x40, s6, s24, $0xb8;
	[tilespmem:$0xEA20] =	vst v63  }
0x53: {  	_ =	swait.ge [sflag:s20], $0x2000  }
0x54: {  	[sflag:s20] =	ssyncset.done $0x0  }
0x55: {  	s21 =	simm.s32 $0x2200;
	[sflag:s20] =	ssyncadd.s32 $0xFFFFE000  }
0x56: {  	[spmem:s3] =	stream.indirect.scatter.add.f32 [tilespmem:s21], [sflag:$0x2], $0x40, s24, s24, $0xb8;
	[tilespmem:$0xEA20] =	vst v63  }
0x57: {  	_ =	swait.ge [sflag:s20], $0x2000  }
0x58: {  	[sflag:s20] =	ssyncset.done $0x0  }
0x59: {  	s22 =	simm.s32 $0x6200;
	[sflag:s20] =	ssyncadd.s32 $0xFFFFE000  }
0x5a: {  	[spmem:s4] =	stream.indirect.scatter.add.f32 [tilespmem:s22], [sflag:$0x2], $0x40, s24, s24, $0xb8;
	[tilespmem:$0xEA20] =	vst v63  }
0x5b: {  	_ =	swait.ge [sflag:s20], $0x2000  }
0x5c: {  	[sflag:s20] =	ssyncset.done $0x0  }
0x5d: {  	s7 =	simm.s32 $0xA200;
	[sflag:s20] =	ssyncadd.s32 $0xFFFFE000  }
0x5e: {  	[spmem:s5] =	stream.indirect.scatter.add.f32 [tilespmem:s7], [sflag:$0x2], $0x40, s24, s24, $0xb8;
	[tilespmem:$0xEA20] =	vst v63  }
0x5f: {  	_ =	swait.ge [sflag:s20], $0x2000  }
0x60: {  	[sflag:s20] =	ssyncset.done $0x0  }
0x61: {  	[sflag:s20] =	ssyncadd.s32 $0xFFFFE000  }
0x62: {  	[spmem:s10] =	stream.indirect.scatter.add.f32 [tilespmem:s11], [sflag:$0x2], $0x40, s24, s24, $0xb8;
	[tilespmem:$0xEA20] =	vst v63  }
0x63: {  	_ =	swait.ge [sflag:s20], $0x2000  }
0x64: {  	[sflag:s20] =	ssyncset.done $0x0  }
0x65: {  	s2 =	sadd.s32 $0x800, s2;
	[sflag:s20] =	ssyncadd.s32 $0xFFFFE000  }
0x66: {  	[tilespmem:s17], [sflag:$0x2] =	stream.linear.gather [hbm4b:s2+s6], $0x4000, $0x38;
	[tilespmem:$0xEA20] =	vst v63  }
0x67: {  	_ =	swait.ge [sflag:s20], $0x4000  }
0x68: {  	[sflag:s20] =	ssyncset.done $0x0  }
0x69: {  	s23 =	sadd.s32 $0x800, s8;
	[sflag:s20] =	ssyncadd.s32 $0xFFFFC000  }
0x6a: {  	[tilespmem:s18], [sflag:$0x2] =	stream.linear.gather [hbm4b:s23+s6], $0x4000, $0x38;
	[tilespmem:$0xEA20] =	vst v63  }
0x6b: {  	_ =	swait.ge [sflag:s20], $0x4000  }
0x6c: {  	[sflag:s20] =	ssyncset.done $0x0  }
0x6d: {  	s25 =	sadd.s32 $0x800, s9;
	[sflag:s20] =	ssyncadd.s32 $0xFFFFC000  }
0x6e: {  	[tilespmem:s19], [sflag:$0x2] =	stream.linear.gather [hbm4b:s25+s6], $0x4000, $0x38;
	[tilespmem:$0xEA20] =	vst v63  }
0x6f: {  	_ =	swait.ge [sflag:s20], $0x4000  }
0x70: {  	[sflag:s20] =	ssyncset.done $0x0  }
0x71: {  	s26 =	simm.s32 $0x100;
	[sflag:s20] =	ssyncadd.s32 $0xFFFFC000  }
0x72: {  	[spmem:s3] =	stream.indirect.scatter.add.f32 [tilespmem:s17], [sflag:$0x2], $0x40, s26, s24, $0xb8;
	[tilespmem:$0xEA20] =	vst v63  }
0x73: {  	_ =	swait.ge [sflag:s20], $0x2000  }
0x74: {  	[sflag:s20] =	ssyncset.done $0x0  }
0x75: {  	[sflag:s20] =	ssyncadd.s32 $0xFFFFE000  }
0x76: {  	[spmem:s4] =	stream.indirect.scatter.add.f32 [tilespmem:s18], [sflag:$0x2], $0x40, s26, s24, $0xb8;
	[tilespmem:$0xEA20] =	vst v63  }
0x77: {  	_ =	swait.ge [sflag:s20], $0x2000  }
0x78: {  	[sflag:s20] =	ssyncset.done $0x0  }
0x79: {  	[sflag:s20] =	ssyncadd.s32 $0xFFFFE000  }
0x7a: {  	[spmem:s5] =	stream.indirect.scatter.add.f32 [tilespmem:s19], [sflag:$0x2], $0x40, s26, s24, $0xb8;
	[tilespmem:$0xEA20] =	vst v63  }
0x7b: {  	_ =	swait.ge [sflag:s20], $0x2000  }
0x7c: {  	[sflag:s20] =	ssyncset.done $0x0  }
0x7d: {  	[sflag:s20] =	ssyncadd.s32 $0xFFFFE000  }
0x7e: {  	[spmem:s10] =	stream.indirect.scatter.add.f32 [tilespmem:s11], [sflag:$0x2], $0x40, s26, s24, $0xb8;
	[tilespmem:$0xEA20] =	vst v63  }
0x7f: {  	_ =	swait.ge [sflag:s20], $0x2000  }
0x80: {  	[sflag:s20] =	ssyncset.done $0x0  }
0x81: {  	s28 =	simm.s32 $0x180;
	[sflag:s20] =	ssyncadd.s32 $0xFFFFE000  }
0x82: {  	[spmem:s3] =	stream.indirect.scatter.add.f32 [tilespmem:s21], [sflag:$0x2], $0x40, s28, s24, $0xb8;
	[tilespmem:$0xEA20] =	vst v63  }
0x83: {  	_ =	swait.ge [sflag:s20], $0x2000  }
0x84: {  	[sflag:s20] =	ssyncset.done $0x0  }
0x85: {  	[sflag:s20] =	ssyncadd.s32 $0xFFFFE000  }
0x86: {  	[spmem:s4] =	stream.indirect.scatter.add.f32 [tilespmem:s22], [sflag:$0x2], $0x40, s28, s24, $0xb8;
	[tilespmem:$0xEA20] =	vst v63  }
0x87: {  	_ =	swait.ge [sflag:s20], $0x2000  }
0x88: {  	[sflag:s20] =	ssyncset.done $0x0  }
0x89: {  	[sflag:s20] =	ssyncadd.s32 $0xFFFFE000  }
0x8a: {  	[spmem:s5] =	stream.indirect.scatter.add.f32 [tilespmem:s7], [sflag:$0x2], $0x40, s28, s24, $0xb8;
	[tilespmem:$0xEA20] =	vst v63  }
0x8b: {  	_ =	swait.ge [sflag:s20], $0x2000  }
0x8c: {  	[sflag:s20] =	ssyncset.done $0x0  }
0x8d: {  	[sflag:s20] =	ssyncadd.s32 $0xFFFFE000  }
0x8e: {  	[spmem:s10] =	stream.indirect.scatter.add.f32 [tilespmem:s11], [sflag:$0x2], $0x40, s28, s24, $0xb8;
	[tilespmem:$0xEA20] =	vst v63  }
0x8f: {  	_ =	swait.ge [sflag:s20], $0x2000  }
0x90: {  	[sflag:s20] =	ssyncset.done $0x0  }
0x91: {  	[sflag:s20] =	ssyncadd.s32 $0xFFFFE000  }
0x92: {  	[bflag:$0x0] =	sbarrier.arrive $0xFFFF  }
0x93: {  	s2 =	rddreg [dreg:$0x11]  }
0x94: {  	[hbm:s2], [sflag:s0] =	dma.local @!p0 [spmem:s13], $0x408  }
0x95: {  	_ =	swait.ge @!p0 [sflag:s1], $0x408  }
0x96: {  	[sflag:s1] =	ssyncset.done @!p0 $0x0  }
0x97: {  	s3 =	rddreg [dreg:$0x12];
	[sflag:s1] =	ssyncadd.s32 @!p0 $0xFFFFFBF8  }
0x98: {  	[hbm:s3], [sflag:s0] =	dma.local @!p0 [spmem:s14], $0x408  }
0x99: {  	_ =	swait.ge @!p0 [sflag:s1], $0x408  }
0x9a: {  	[sflag:s1] =	ssyncset.done @!p0 $0x0  }
0x9b: {  	s4 =	rddreg [dreg:$0x13];
	[sflag:s1] =	ssyncadd.s32 @!p0 $0xFFFFFBF8  }
0x9c: {  	[hbm:s4], [sflag:s0] =	dma.local @!p0 [spmem:s15], $0x408  }
0x9d: {  	s12 =	sadd.s32 $0x800, s12;
	s8 =	simm.s32 @!p0 $0x1C01;
	_ =	swait.ge @!p0 [sflag:s1], $0x408  }
0x9e: {  	s7 =	simm.s32 @!p0 $0x1;
	s11 =	simm.s32 $0x20000;
	[sflag:s1] =	ssyncset.done @!p0 $0x0  }
0x9f: {  	s13 =	simm.s32 $0x40000;
	s5 =	rddreg [dreg:$0x14];
	[sflag:s1] =	ssyncadd.s32 @!p0 $0xFFFFFBF8  }
0xa0: {  	[hbm:s5], [sflag:s8] =	dma.local @!p0 [spmem:s16], $0x408  }
0xa1: {  	s10 =	sadd.s32 $0x810, s2;
	s9 =	sadd.s32 $0x810, s3;
	_ =	swait.ge @!p0 [sflag:s7], $0x408  }
0xa2: {  	s15 =	sadd.s32 $0x810, s4;
	s8 =	sadd.s32 $0x810, s5;
	[sflag:s7] =	ssyncset.done @!p0 $0x0  }
.LBB2_2:
0xa3: {  	s2 =	simm.s32 @!p0 $0x1;
	s17 =	rddreg [dreg:$0xb]  }
0xa4: {  	s3 =	rddreg [dreg:$0xf];
	[sflag:s2] =	ssyncadd.s32 @!p0 $0xFFFFFBF8  }
0xa5: {  	[spmem:s17], [sflag:s0] =	dma.local @!p0 [hbm:s3], $0x408  }
0xa6: {  	_ =	swait.ge @!p0 [sflag:s1], $0x408  }
0xa7: {  	[sflag:s1] =	ssyncset.done @!p0 $0x0  }
0xa8: {  	s18 =	rddreg [dreg:$0xc];
	[sflag:s1] =	ssyncadd.s32 @!p0 $0xFFFFFBF8  }
0xa9: {  	[spmem:s18], [sflag:s0] =	dma.local @!p0 [hbm:s3], $0x408  }
0xaa: {  	_ =	swait.ge @!p0 [sflag:s1], $0x408  }
0xab: {  	[sflag:s1] =	ssyncset.done @!p0 $0x0  }
0xac: {  	s19 =	rddreg [dreg:$0xd];
	[sflag:s1] =	ssyncadd.s32 @!p0 $0xFFFFFBF8  }
0xad: {  	[spmem:s19], [sflag:s0] =	dma.local @!p0 [hbm:s3], $0x408  }
0xae: {  	_ =	swait.ge @!p0 [sflag:s1], $0x408  }
0xaf: {  	[sflag:s1] =	ssyncset.done @!p0 $0x0  }
0xb0: {  	s21 =	rddreg [dreg:$0xe];
	[sflag:s1] =	ssyncadd.s32 @!p0 $0xFFFFFBF8  }
0xb1: {  	[spmem:s21], [sflag:s0] =	dma.local @!p0 [hbm:s3], $0x408  }
0xb2: {  	_ =	swait.ge @!p0 [sflag:s1], $0x408  }
0xb3: {  	[sflag:s1] =	ssyncset.done @!p0 $0x0  }
0xb4: {  	[sflag:s1] =	ssyncadd.s32 @!p0 $0xFFFFFBF8  }
0xb5: {  	[bflag:$0x0] =	sbarrier.arrive $0xFFFF  }
0xb6: {  	[tilespmem:s6], [sflag:$0x2] =	stream.linear.gather [hbm4b:s12+s6], $0x200, $0x38;
	[tilespmem:$0xEA20] =	vst v63  }
0xb7: {  	_ =	swait.ge [sflag:s20], $0x200  }
0xb8: {  	[sflag:s20] =	ssyncset.done $0x0;
	s25 =	rddreg [dreg:$0x8]  }
0xb9: {  	s22 =	simm.s32 $0x200;
	[sflag:s20] =	ssyncadd.s32 $0xFFFFFE00;
	s25 =	sadd.s32 s11, s25  }
0xba: {  	[tilespmem:s22], [sflag:$0x2] =	stream.linear.gather [hbm4b:s25+s6], $0x4000, $0x38;
	[tilespmem:$0xEA20] =	vst v63  }
0xbb: {  	_ =	swait.ge [sflag:s20], $0x4000  }
0xbc: {  	s26 =	rddreg [dreg:$0x9];
	[sflag:s20] =	ssyncset.done $0x0  }
0xbd: {  	s23 =	simm.s32 $0x4200;
	[sflag:s20] =	ssyncadd.s32 $0xFFFFC000;
	s26 =	sadd.s32 s11, s26  }
0xbe: {  	[tilespmem:s23], [sflag:$0x2] =	stream.linear.gather [hbm4b:s26+s6], $0x4000, $0x38;
	[tilespmem:$0xEA20] =	vst v63  }
0xbf: {  	_ =	swait.ge [sflag:s20], $0x4000  }
0xc0: {  	s28 =	rddreg [dreg:$0xa];
	[sflag:s20] =	ssyncset.done $0x0  }
0xc1: {  	[sflag:s20] =	ssyncadd.s32 $0xFFFFC000;
	s28 =	sadd.s32 s11, s28  }
0xc2: {  	[tilespmem:s29], [sflag:$0x2] =	stream.linear.gather [hbm4b:s28+s6], $0x4000, $0x38;
	[tilespmem:$0xEA20] =	vst v63  }
0xc3: {  	_ =	swait.ge [sflag:s20], $0x4000  }
0xc4: {  	[sflag:s20] =	ssyncset.done $0x0  }
0xc5: {  	[sflag:s20] =	ssyncadd.s32 $0xFFFFC000  }
0xc6: {  	s3 =	rddreg [dreg:$0x3]  }
0xc7: {  	[spmem:s3] =	stream.indirect.scatter.add.f32 [tilespmem:s22], [sflag:$0x2], $0x40, s6, s24, $0xb8;
	[tilespmem:$0xEA20] =	vst v63  }
0xc8: {  	_ =	swait.ge [sflag:s20], $0x2000  }
0xc9: {  	[sflag:s20] =	ssyncset.done $0x0  }
0xca: {  	[sflag:s20] =	ssyncadd.s32 $0xFFFFE000  }
0xcb: {  	s4 =	rddreg [dreg:$0x4]  }
0xcc: {  	[spmem:s4] =	stream.indirect.scatter.add.f32 [tilespmem:s23], [sflag:$0x2], $0x40, s6, s24, $0xb8;
	[tilespmem:$0xEA20] =	vst v63  }
0xcd: {  	_ =	swait.ge [sflag:s20], $0x2000  }
0xce: {  	[sflag:s20] =	ssyncset.done $0x0  }
0xcf: {  	[sflag:s20] =	ssyncadd.s32 $0xFFFFE000  }
0xd0: {  	s5 =	rddreg [dreg:$0x5]  }
0xd1: {  	[spmem:s5] =	stream.indirect.scatter.add.f32 [tilespmem:s29], [sflag:$0x2], $0x40, s6, s24, $0xb8;
	[tilespmem:$0xEA20] =	vst v63  }
0xd2: {  	_ =	swait.ge [sflag:s20], $0x2000  }
0xd3: {  	[sflag:s20] =	ssyncset.done $0x0  }
0xd4: {  	s16 =	smov.u32 s13;
	[sflag:s20] =	ssyncadd.s32 $0xFFFFE000  }
0xd5: {  	s11 =	smov.u32 s16;
	s16 =	simm.s32 $0xC200;
	s14 =	rddreg [dreg:$0x6]  }
0xd6: {  	[spmem:s14] =	stream.indirect.scatter.add.f32 [tilespmem:s16], [sflag:$0x2], $0x40, s6, s24, $0xb8;
	[tilespmem:$0xEA20] =	vst v63  }
0xd7: {  	_ =	swait.ge [sflag:s20], $0x2000  }
0xd8: {  	[sflag:s20] =	ssyncset.done $0x0  }
0xd9: {  	[sflag:s20] =	ssyncadd.s32 $0xFFFFE000  }
0xda: {  	[spmem:s3] =	stream.indirect.scatter.add.f32 [tilespmem:s30], [sflag:$0x2], $0x40, s24, s24, $0xb8;
	[tilespmem:$0xEA20] =	vst v63  }
0xdb: {  	_ =	swait.ge [sflag:s20], $0x2000  }
0xdc: {  	[sflag:s20] =	ssyncset.done $0x0  }
0xdd: {  	[sflag:s20] =	ssyncadd.s32 $0xFFFFE000  }
0xde: {  	[spmem:s4] =	stream.indirect.scatter.add.f32 [tilespmem:s31], [sflag:$0x2], $0x40, s24, s24, $0xb8;
	[tilespmem:$0xEA20] =	vst v63  }
0xdf: {  	_ =	swait.ge [sflag:s20], $0x2000  }
0xe0: {  	[sflag:s20] =	ssyncset.done $0x0  }
0xe1: {  	s7 =	simm.s32 $0xA200;
	[sflag:s20] =	ssyncadd.s32 $0xFFFFE000  }
0xe2: {  	[spmem:s5] =	stream.indirect.scatter.add.f32 [tilespmem:s7], [sflag:$0x2], $0x40, s24, s24, $0xb8;
	[tilespmem:$0xEA20] =	vst v63  }
0xe3: {  	_ =	swait.ge [sflag:s20], $0x2000  }
0xe4: {  	[sflag:s20] =	ssyncset.done $0x0  }
0xe5: {  	[sflag:s20] =	ssyncadd.s32 $0xFFFFE000  }
0xe6: {  	[spmem:s14] =	stream.indirect.scatter.add.f32 [tilespmem:s16], [sflag:$0x2], $0x40, s24, s24, $0xb8;
	[tilespmem:$0xEA20] =	vst v63  }
0xe7: {  	_ =	swait.ge [sflag:s20], $0x2000  }
0xe8: {  	[sflag:s20] =	ssyncset.done $0x0  }
0xe9: {  	s25 =	sadd.s32 $0x800, s25;
	[sflag:s20] =	ssyncadd.s32 $0xFFFFE000  }
0xea: {  	[tilespmem:s22], [sflag:$0x2] =	stream.linear.gather [hbm4b:s25+s6], $0x4000, $0x38;
	[tilespmem:$0xEA20] =	vst v63  }
0xeb: {  	_ =	swait.ge [sflag:s20], $0x4000  }
0xec: {  	[sflag:s20] =	ssyncset.done $0x0  }
0xed: {  	s26 =	sadd.s32 $0x800, s26;
	[sflag:s20] =	ssyncadd.s32 $0xFFFFC000  }
0xee: {  	[tilespmem:s23], [sflag:$0x2] =	stream.linear.gather [hbm4b:s26+s6], $0x4000, $0x38;
	[tilespmem:$0xEA20] =	vst v63  }
0xef: {  	_ =	swait.ge [sflag:s20], $0x4000  }
0xf0: {  	[sflag:s20] =	ssyncset.done $0x0  }
0xf1: {  	s25 =	sadd.s32 $0x800, s28;
	[sflag:s20] =	ssyncadd.s32 $0xFFFFC000  }
0xf2: {  	[tilespmem:s29], [sflag:$0x2] =	stream.linear.gather [hbm4b:s25+s6], $0x4000, $0x38;
	[tilespmem:$0xEA20] =	vst v63  }
0xf3: {  	_ =	swait.ge [sflag:s20], $0x4000  }
0xf4: {  	[sflag:s20] =	ssyncset.done $0x0  }
0xf5: {  	s26 =	simm.s32 $0x100;
	[sflag:s20] =	ssyncadd.s32 $0xFFFFC000  }
0xf6: {  	[spmem:s3] =	stream.indirect.scatter.add.f32 [tilespmem:s22], [sflag:$0x2], $0x40, s26, s24, $0xb8;
	[tilespmem:$0xEA20] =	vst v63  }
0xf7: {  	_ =	swait.ge [sflag:s20], $0x2000  }
0xf8: {  	[sflag:s20] =	ssyncset.done $0x0  }
0xf9: {  	[sflag:s20] =	ssyncadd.s32 $0xFFFFE000  }
0xfa: {  	[spmem:s4] =	stream.indirect.scatter.add.f32 [tilespmem:s23], [sflag:$0x2], $0x40, s26, s24, $0xb8;
	[tilespmem:$0xEA20] =	vst v63  }
0xfb: {  	_ =	swait.ge [sflag:s20], $0x2000  }
0xfc: {  	[sflag:s20] =	ssyncset.done $0x0  }
0xfd: {  	[sflag:s20] =	ssyncadd.s32 $0xFFFFE000  }
0xfe: {  	[spmem:s5] =	stream.indirect.scatter.add.f32 [tilespmem:s29], [sflag:$0x2], $0x40, s26, s24, $0xb8;
	[tilespmem:$0xEA20] =	vst v63  }
0xff: {  	_ =	swait.ge [sflag:s20], $0x2000  }
0x100: {  	[sflag:s20] =	ssyncset.done $0x0  }
0x101: {  	[sflag:s20] =	ssyncadd.s32 $0xFFFFE000  }
0x102: {  	[spmem:s14] =	stream.indirect.scatter.add.f32 [tilespmem:s16], [sflag:$0x2], $0x40, s26, s24, $0xb8;
	[tilespmem:$0xEA20] =	vst v63  }
0x103: {  	_ =	swait.ge [sflag:s20], $0x2000  }
0x104: {  	[sflag:s20] =	ssyncset.done $0x0  }
0x105: {  	s28 =	simm.s32 $0x180;
	[sflag:s20] =	ssyncadd.s32 $0xFFFFE000  }
0x106: {  	[spmem:s3] =	stream.indirect.scatter.add.f32 [tilespmem:s30], [sflag:$0x2], $0x40, s28, s24, $0xb8;
	[tilespmem:$0xEA20] =	vst v63  }
0x107: {  	_ =	swait.ge [sflag:s20], $0x2000  }
0x108: {  	[sflag:s20] =	ssyncset.done $0x0  }
0x109: {  	[sflag:s20] =	ssyncadd.s32 $0xFFFFE000  }
0x10a: {  	[spmem:s4] =	stream.indirect.scatter.add.f32 [tilespmem:s31], [sflag:$0x2], $0x40, s28, s24, $0xb8;
	[tilespmem:$0xEA20] =	vst v63  }
0x10b: {  	_ =	swait.ge [sflag:s20], $0x2000  }
0x10c: {  	[sflag:s20] =	ssyncset.done $0x0  }
0x10d: {  	[sflag:s20] =	ssyncadd.s32 $0xFFFFE000  }
0x10e: {  	[spmem:s5] =	stream.indirect.scatter.add.f32 [tilespmem:s7], [sflag:$0x2], $0x40, s28, s24, $0xb8;
	[tilespmem:$0xEA20] =	vst v63  }
0x10f: {  	_ =	swait.ge [sflag:s20], $0x2000  }
0x110: {  	[sflag:s20] =	ssyncset.done $0x0  }
0x111: {  	[sflag:s20] =	ssyncadd.s32 $0xFFFFE000  }
0x112: {  	[spmem:s14] =	stream.indirect.scatter.add.f32 [tilespmem:s16], [sflag:$0x2], $0x40, s28, s24, $0xb8;
	[tilespmem:$0xEA20] =	vst v63  }
0x113: {  	_ =	swait.ge [sflag:s20], $0x2000  }
0x114: {  	[sflag:s20] =	ssyncset.done $0x0  }
0x115: {  	[sflag:s20] =	ssyncadd.s32 $0xFFFFE000  }
0x116: {  	[bflag:$0x0] =	sbarrier.arrive $0xFFFF  }
0x117: {  	[hbm:s10], [sflag:s0] =	dma.local @!p0 [spmem:s17], $0x408  }
0x118: {  	_ =	swait.ge @!p0 [sflag:s1], $0x408  }
0x119: {  	[sflag:s1] =	ssyncset.done @!p0 $0x0  }
0x11a: {  	[sflag:s1] =	ssyncadd.s32 @!p0 $0xFFFFFBF8  }
0x11b: {  	[hbm:s9], [sflag:s0] =	dma.local @!p0 [spmem:s18], $0x408  }
0x11c: {  	_ =	swait.ge @!p0 [sflag:s1], $0x408  }
0x11d: {  	[sflag:s1] =	ssyncset.done @!p0 $0x0  }
0x11e: {  	s13 =	sadd.s32 $0x20000, s13;
	[sflag:s1] =	ssyncadd.s32 @!p0 $0xFFFFFBF8  }
0x11f: {  	[hbm:s15], [sflag:s0] =	dma.local @!p0 [spmem:s19], $0x408  }
0x120: {  	p1 =	sne.s32 s13, $0x200000;
	s2 =	simm.s32 @!p0 $0x1C01;
	_ =	swait.ge @!p0 [sflag:s1], $0x408  }
.Ltmp0:
0x121: {  	s12 =	sadd.s32 $0x800, s12;
	[sflag:s1] =	ssyncset.done @!p0 $0x0;
	(pc) =	sbr.rel @p1 .LBB2_2-.Ltmp0, $4  }
0x122: {  	s3 =	simm.s32 @!p0 $0x1;
	s10 =	sadd.s32 $0x810, s10;
	[sflag:s1] =	ssyncadd.s32 @!p0 $0xFFFFFBF8  }
0x123: {  	[hbm:s8], [sflag:s2] =	dma.local @!p0 [spmem:s21], $0x408  }
0x124: {  	s9 =	sadd.s32 $0x810, s9;
	s15 =	sadd.s32 $0x810, s15;
	_ =	swait.ge @!p0 [sflag:s3], $0x408  }
0x125: {  	s8 =	sadd.s32 $0x810, s8;
	s2 =	simm.s32 @!p0 $0x1;
	[sflag:s3] =	ssyncset.done @!p0 $0x0  }
0x126: {  	s1 =	simm.s32 @!p0 $0x1C02;
	s16 =	rddreg [dreg:$0xb]  }
0x127: {  	s0 =	simm.s32 @!p0 $0x2;
	[sflag:s2] =	ssyncadd.s32 @!p0 $0xFFFFFBF8;
	s2 =	rddreg [dreg:$0xf]  }
0x128: {  	[spmem:s16], [sflag:s1] =	dma.local @!p0 [hbm:s2], $0x408  }
0x129: {  	_ =	swait.ge @!p0 [sflag:s0], $0x408  }
0x12a: {  	[sflag:s0] =	ssyncset.done @!p0 $0x0  }
0x12b: {  	s17 =	rddreg [dreg:$0xc];
	[sflag:s0] =	ssyncadd.s32 @!p0 $0xFFFFFBF8  }
0x12c: {  	[spmem:s17], [sflag:s1] =	dma.local @!p0 [hbm:s2], $0x408  }
0x12d: {  	_ =	swait.ge @!p0 [sflag:s0], $0x408  }
0x12e: {  	[sflag:s0] =	ssyncset.done @!p0 $0x0  }
0x12f: {  	s18 =	rddreg [dreg:$0xd];
	[sflag:s0] =	ssyncadd.s32 @!p0 $0xFFFFFBF8  }
0x130: {  	[spmem:s18], [sflag:s1] =	dma.local @!p0 [hbm:s2], $0x408  }
0x131: {  	_ =	swait.ge @!p0 [sflag:s0], $0x408  }
0x132: {  	[sflag:s0] =	ssyncset.done @!p0 $0x0  }
0x133: {  	s19 =	rddreg [dreg:$0xe];
	[sflag:s0] =	ssyncadd.s32 @!p0 $0xFFFFFBF8  }
0x134: {  	[spmem:s19], [sflag:s1] =	dma.local @!p0 [hbm:s2], $0x408  }
0x135: {  	_ =	swait.ge @!p0 [sflag:s0], $0x408  }
0x136: {  	[sflag:s0] =	ssyncset.done @!p0 $0x0  }
0x137: {  	[sflag:s0] =	ssyncadd.s32 @!p0 $0xFFFFFBF8  }
0x138: {  	[bflag:$0x0] =	sbarrier.arrive $0xFFFF  }
0x139: {  	[tilespmem:s6], [sflag:$0x2] =	stream.linear.gather [hbm4b:s12+s6], $0x200, $0x38;
	[tilespmem:$0xEA20] =	vst v63  }
0x13a: {  	_ =	swait.ge [sflag:s20], $0x200  }
0x13b: {  	s25 =	rddreg [dreg:$0x8];
	[sflag:s20] =	ssyncset.done $0x0  }
0x13c: {  	s21 =	simm.s32 $0x200;
	[sflag:s20] =	ssyncadd.s32 $0xFFFFFE00;
	s2 =	sadd.s32 s11, s25  }
0x13d: {  	[tilespmem:s21], [sflag:$0x2] =	stream.linear.gather [hbm4b:s2+s6], $0x4000, $0x38;
	[tilespmem:$0xEA20] =	vst v63  }
0x13e: {  	_ =	swait.ge [sflag:s20], $0x4000  }
0x13f: {  	s26 =	rddreg [dreg:$0x9];
	[sflag:s20] =	ssyncset.done $0x0  }
0x140: {  	s22 =	simm.s32 $0x4200;
	[sflag:s20] =	ssyncadd.s32 $0xFFFFC000;
	s12 =	sadd.s32 s11, s26  }
0x141: {  	[tilespmem:s22], [sflag:$0x2] =	stream.linear.gather [hbm4b:s12+s6], $0x4000, $0x38;
	[tilespmem:$0xEA20] =	vst v63  }
0x142: {  	_ =	swait.ge [sflag:s20], $0x4000  }
0x143: {  	s13 =	rddreg [dreg:$0xa];
	[sflag:s20] =	ssyncset.done $0x0  }
0x144: {  	s23 =	simm.s32 $0x8200;
	s11 =	sadd.s32 s11, s13;
	[sflag:s20] =	ssyncadd.s32 $0xFFFFC000  }
0x145: {  	[tilespmem:s23], [sflag:$0x2] =	stream.linear.gather [hbm4b:s11+s6], $0x4000, $0x38;
	[tilespmem:$0xEA20] =	vst v63  }
0x146: {  	_ =	swait.ge [sflag:s20], $0x4000  }
0x147: {  	[sflag:s20] =	ssyncset.done $0x0  }
0x148: {  	[sflag:s20] =	ssyncadd.s32 $0xFFFFC000  }
0x149: {  	s3 =	rddreg [dreg:$0x3]  }
0x14a: {  	[spmem:s3] =	stream.indirect.scatter.add.f32 [tilespmem:s21], [sflag:$0x2], $0x40, s6, s24, $0xb8;
	[tilespmem:$0xEA20] =	vst v63  }
0x14b: {  	_ =	swait.ge [sflag:s20], $0x2000  }
0x14c: {  	[sflag:s20] =	ssyncset.done $0x0  }
0x14d: {  	[sflag:s20] =	ssyncadd.s32 $0xFFFFE000  }
0x14e: {  	s4 =	rddreg [dreg:$0x4]  }
0x14f: {  	[spmem:s4] =	stream.indirect.scatter.add.f32 [tilespmem:s22], [sflag:$0x2], $0x40, s6, s24, $0xb8;
	[tilespmem:$0xEA20] =	vst v63  }
0x150: {  	_ =	swait.ge [sflag:s20], $0x2000  }
0x151: {  	[sflag:s20] =	ssyncset.done $0x0  }
0x152: {  	[sflag:s20] =	ssyncadd.s32 $0xFFFFE000  }
0x153: {  	s5 =	rddreg [dreg:$0x5]  }
0x154: {  	[spmem:s5] =	stream.indirect.scatter.add.f32 [tilespmem:s23], [sflag:$0x2], $0x40, s6, s24, $0xb8;
	[tilespmem:$0xEA20] =	vst v63  }
0x155: {  	_ =	swait.ge [sflag:s20], $0x2000  }
0x156: {  	[sflag:s20] =	ssyncset.done $0x0  }
0x157: {  	[sflag:s20] =	ssyncadd.s32 $0xFFFFE000  }
0x158: {  	s14 =	simm.s32 $0xC200;
	s13 =	rddreg [dreg:$0x6]  }
0x159: {  	[spmem:s13] =	stream.indirect.scatter.add.f32 [tilespmem:s14], [sflag:$0x2], $0x40, s6, s24, $0xb8;
	[tilespmem:$0xEA20] =	vst v63  }
0x15a: {  	_ =	swait.ge [sflag:s20], $0x2000  }
0x15b: {  	[sflag:s20] =	ssyncset.done $0x0  }
0x15c: {  	s25 =	simm.s32 $0x2200;
	[sflag:s20] =	ssyncadd.s32 $0xFFFFE000  }
0x15d: {  	[spmem:s3] =	stream.indirect.scatter.add.f32 [tilespmem:s25], [sflag:$0x2], $0x40, s24, s24, $0xb8;
	[tilespmem:$0xEA20] =	vst v63  }
0x15e: {  	_ =	swait.ge [sflag:s20], $0x2000  }
0x15f: {  	[sflag:s20] =	ssyncset.done $0x0  }
0x160: {  	s26 =	simm.s32 $0x6200;
	[sflag:s20] =	ssyncadd.s32 $0xFFFFE000  }
0x161: {  	[spmem:s4] =	stream.indirect.scatter.add.f32 [tilespmem:s26], [sflag:$0x2], $0x40, s24, s24, $0xb8;
	[tilespmem:$0xEA20] =	vst v63  }
0x162: {  	_ =	swait.ge [sflag:s20], $0x2000  }
0x163: {  	[sflag:s20] =	ssyncset.done $0x0  }
0x164: {  	s7 =	simm.s32 $0xA200;
	[sflag:s20] =	ssyncadd.s32 $0xFFFFE000  }
0x165: {  	[spmem:s5] =	stream.indirect.scatter.add.f32 [tilespmem:s7], [sflag:$0x2], $0x40, s24, s24, $0xb8;
	[tilespmem:$0xEA20] =	vst v63  }
0x166: {  	_ =	swait.ge [sflag:s20], $0x2000  }
0x167: {  	[sflag:s20] =	ssyncset.done $0x0  }
0x168: {  	[sflag:s20] =	ssyncadd.s32 $0xFFFFE000  }
0x169: {  	[spmem:s13] =	stream.indirect.scatter.add.f32 [tilespmem:s14], [sflag:$0x2], $0x40, s24, s24, $0xb8;
	[tilespmem:$0xEA20] =	vst v63  }
0x16a: {  	_ =	swait.ge [sflag:s20], $0x2000  }
0x16b: {  	[sflag:s20] =	ssyncset.done $0x0  }
0x16c: {  	s2 =	sadd.s32 $0x800, s2;
	[sflag:s20] =	ssyncadd.s32 $0xFFFFE000  }
0x16d: {  	[tilespmem:s21], [sflag:$0x2] =	stream.linear.gather [hbm4b:s2+s6], $0x4000, $0x38;
	[tilespmem:$0xEA20] =	vst v63  }
0x16e: {  	_ =	swait.ge [sflag:s20], $0x4000  }
0x16f: {  	[sflag:s20] =	ssyncset.done $0x0  }
0x170: {  	s28 =	sadd.s32 $0x800, s12;
	[sflag:s20] =	ssyncadd.s32 $0xFFFFC000  }
0x171: {  	[tilespmem:s22], [sflag:$0x2] =	stream.linear.gather [hbm4b:s28+s6], $0x4000, $0x38;
	[tilespmem:$0xEA20] =	vst v63  }
0x172: {  	_ =	swait.ge [sflag:s20], $0x4000  }
0x173: {  	[sflag:s20] =	ssyncset.done $0x0  }
0x174: {  	s11 =	sadd.s32 $0x800, s11;
	[sflag:s20] =	ssyncadd.s32 $0xFFFFC000  }
0x175: {  	[tilespmem:s23], [sflag:$0x2] =	stream.linear.gather [hbm4b:s11+s6], $0x4000, $0x38;
	[tilespmem:$0xEA20] =	vst v63  }
0x176: {  	_ =	swait.ge [sflag:s20], $0x4000  }
0x177: {  	[sflag:s20] =	ssyncset.done $0x0  }
0x178: {  	s12 =	simm.s32 $0x100;
	[sflag:s20] =	ssyncadd.s32 $0xFFFFC000  }
0x179: {  	[spmem:s3] =	stream.indirect.scatter.add.f32 [tilespmem:s21], [sflag:$0x2], $0x40, s12, s24, $0xb8;
	[tilespmem:$0xEA20] =	vst v63  }
0x17a: {  	_ =	swait.ge [sflag:s20], $0x2000  }
0x17b: {  	[sflag:s20] =	ssyncset.done $0x0  }
0x17c: {  	[sflag:s20] =	ssyncadd.s32 $0xFFFFE000  }
0x17d: {  	[spmem:s4] =	stream.indirect.scatter.add.f32 [tilespmem:s22], [sflag:$0x2], $0x40, s12, s24, $0xb8;
	[tilespmem:$0xEA20] =	vst v63  }
0x17e: {  	_ =	swait.ge [sflag:s20], $0x2000  }
0x17f: {  	[sflag:s20] =	ssyncset.done $0x0  }
0x180: {  	[sflag:s20] =	ssyncadd.s32 $0xFFFFE000  }
0x181: {  	[spmem:s5] =	stream.indirect.scatter.add.f32 [tilespmem:s23], [sflag:$0x2], $0x40, s12, s24, $0xb8;
	[tilespmem:$0xEA20] =	vst v63  }
0x182: {  	_ =	swait.ge [sflag:s20], $0x2000  }
0x183: {  	[sflag:s20] =	ssyncset.done $0x0  }
0x184: {  	[sflag:s20] =	ssyncadd.s32 $0xFFFFE000  }
0x185: {  	[spmem:s13] =	stream.indirect.scatter.add.f32 [tilespmem:s14], [sflag:$0x2], $0x40, s12, s24, $0xb8;
	[tilespmem:$0xEA20] =	vst v63  }
0x186: {  	_ =	swait.ge [sflag:s20], $0x2000  }
0x187: {  	[sflag:s20] =	ssyncset.done $0x0  }
0x188: {  	s23 =	simm.s32 $0x180;
	[sflag:s20] =	ssyncadd.s32 $0xFFFFE000  }
0x189: {  	[spmem:s3] =	stream.indirect.scatter.add.f32 [tilespmem:s25], [sflag:$0x2], $0x40, s23, s24, $0xb8;
	[tilespmem:$0xEA20] =	vst v63  }
0x18a: {  	_ =	swait.ge [sflag:s20], $0x2000  }
0x18b: {  	[sflag:s20] =	ssyncset.done $0x0  }
0x18c: {  	[sflag:s20] =	ssyncadd.s32 $0xFFFFE000  }
0x18d: {  	[spmem:s4] =	stream.indirect.scatter.add.f32 [tilespmem:s26], [sflag:$0x2], $0x40, s23, s24, $0xb8;
	[tilespmem:$0xEA20] =	vst v63  }
0x18e: {  	_ =	swait.ge [sflag:s20], $0x2000  }
0x18f: {  	[sflag:s20] =	ssyncset.done $0x0  }
0x190: {  	[sflag:s20] =	ssyncadd.s32 $0xFFFFE000  }
0x191: {  	[spmem:s5] =	stream.indirect.scatter.add.f32 [tilespmem:s7], [sflag:$0x2], $0x40, s23, s24, $0xb8;
	[tilespmem:$0xEA20] =	vst v63  }
0x192: {  	_ =	swait.ge [sflag:s20], $0x2000  }
0x193: {  	[sflag:s20] =	ssyncset.done $0x0  }
0x194: {  	[sflag:s20] =	ssyncadd.s32 $0xFFFFE000  }
0x195: {  	[spmem:s13] =	stream.indirect.scatter.add.f32 [tilespmem:s14], [sflag:$0x2], $0x40, s23, s24, $0xb8;
	[tilespmem:$0xEA20] =	vst v63  }
0x196: {  	_ =	swait.ge [sflag:s20], $0x2000  }
0x197: {  	[sflag:s20] =	ssyncset.done $0x0  }
0x198: {  	[sflag:s20] =	ssyncadd.s32 $0xFFFFE000  }
0x199: {  	[bflag:$0x0] =	sbarrier.arrive $0xFFFF  }
0x19a: {  	[hbm:s10], [sflag:s1] =	dma.local @!p0 [spmem:s16], $0x408  }
0x19b: {  	_ =	swait.ge @!p0 [sflag:s0], $0x408  }
0x19c: {  	[sflag:s0] =	ssyncset.done @!p0 $0x0  }
0x19d: {  	[sflag:s0] =	ssyncadd.s32 @!p0 $0xFFFFFBF8  }
0x19e: {  	[hbm:s9], [sflag:s1] =	dma.local @!p0 [spmem:s17], $0x408  }
0x19f: {  	_ =	swait.ge @!p0 [sflag:s0], $0x408  }
0x1a0: {  	[sflag:s0] =	ssyncset.done @!p0 $0x0  }
0x1a1: {  	[sflag:s0] =	ssyncadd.s32 @!p0 $0xFFFFFBF8  }
0x1a2: {  	[hbm:s15], [sflag:s1] =	dma.local @!p0 [spmem:s18], $0x408  }
0x1a3: {  	_ =	swait.ge @!p0 [sflag:s0], $0x408  }
0x1a4: {  	[sflag:s0] =	ssyncset.done @!p0 $0x0  }
0x1a5: {  	[sflag:s0] =	ssyncadd.s32 @!p0 $0xFFFFFBF8;
	s0 =	simm.s32 @!p0 $0x1C01  }
0x1a6: {  	[hbm:s8], [sflag:s0] =	dma.local @!p0 [spmem:s19], $0x408  }
0x1a7: {  	s0 =	simm.s32 @!p0 $0x1  }
0x1a8: {  	_ =	swait.ge @!p0 [sflag:s0], $0x408  }
0x1a9: {  	s26 =	rddreg [dreg:$0x16]  }
0x1aa: {  	s28 =	rddreg [dreg:$0x10];
	s2 =	sadd.s32 $0x1, s26  }
0x1ab: {  	p1 =	sne.s32 s2, s28  }
.Ltmp1:
0x1ac: {  	_ = 	snop;
	(pc) =	sbr.rel @p1 .LBB2_1-.Ltmp1, $3  }
0x1ad: {  	_ =	sdelay $0x1  }
0x1ae: {  	[sflag:s0] =	ssyncset.done @!p0 $0x0  }
0x1af: {  	[sflag:s0] =	ssyncadd.s32 @!p0 $0xFFFFFBF8  }
0x1b0: {  	_ =	sfence.sel $0x180000  }
0x1b1: {  	[bflag:$0x0] =	sbarrier.arrive $0xFFFF  }
0x1b2: {  	_ =	strace $0x90000047  }
0x1b3: {  	[bflag:$0x2] =	sbarrier.arrive $0xFFFF  }
0x1b4: {  	s0 =	rddreg [dreg:$0x7]  }
0x1b5: {  	s0 =	sadd.s32 @!p0 $0x100000, s0  }
0x1b6: {  	[sflag:s0] =	ssyncadd.tile.s32 @!p0 $0x1;
	_ =	shalt  }
.Lfunc_end2:
_tile_overlayer_lowered:
.L_overlay_start_2:
0x1b7: {  	(tag) =	ssettag $0x2  }
0x1b8: {  	s0 =	rddreg [dreg:$0x0];
	s2 =	stileid.u32  }
0x1b9: {  	s1 =	rddreg [dreg:$0x1];
	p0 =	sne.s32 s2, $0x0  }
0x1ba: {  	s3 =	rddreg [dreg:$0x2];
	[bflag:$0x3] =	sbarrier.arrive $0xFFFF;
	s2 =	simm.s32 @!p0 $0x1C01  }
0x1bb: {  	[timem:s3], [sflag:s2] =	dma.local @!p0 [hbm:s0], s1  }
0x1bc: {  	s0 =	simm.s32 @!p0 $0x1  }
0x1bd: {  	_ =	swait.ge @!p0 [sflag:s0], s1  }
0x1be: {  	s1 =	ssub.s32 @!p0 $0x0, s1;
	[sflag:s0] =	ssyncset.done @!p0 $0x0  }
0x1bf: {  	[sflag:s0] =	ssyncadd.s32 @!p0 s1  }
0x1c0: {  	[bflag:$0x3] =	sbarrier.arrive $0xFFFF  }
0x1c1: {  	_ =	shalt  }

// kernel: kernel.8.cloned.1.call-start
scs
__scs_entry_jumppad:
0x0: {  	(pc) =	sbr.rel $0x88, $3  }
0x1: {  	(tag) =	ssettag $0x0;
	lr =	simm.s32 $0x1  }
0x2: {  	[smem:$0x3F9D] =	sst lr;
	_ =	strace $0xD0000000  }
0x3: {  	_ = 	snop  }
0x4: {  	_ = 	snop  }
0x5: {  	_ = 	snop  }
0x6: {  	_ = 	snop  }
0x7: {  	_ = 	snop  }
__scs_overlays_trampoline_lowered:
0x8: {  	[smem:$0x3FAC] =	sst s0  }
0x9: {  	[smem:$0x3FAD] =	sst s1  }
0xa: {  	[smem:$0x3FAE] =	sst s2  }
0xb: {  	[smem:$0x3FAF] =	sst s3  }
0xc: {  	[smem:$0x3FB0] =	sst s4  }
0xd: {  	[smem:$0x3FB1] =	sst s5  }
0xe: {  	[smem:$0x3FB2] =	sst s6  }
0xf: {  	[smem:$0x3FB3] =	sst s7  }
0x10: {  	[smem:$0x3FB4] =	sst s8  }
0x11: {  	[smem:$0x3FB5] =	sst s9;
	s0 =	simm.s32 @!p0 $0x0  }
0x12: {  	s1 =	sld [smem:$0x3F9B];
	s0 =	simm.s32 @p0 $0x1  }
0x13: {  	[smem:$0x3FB6] =	sst s0;
	s0 =	simm.s32 @!p1 $0x0  }
0x14: {  	s2 =	sld [smem:$0x3F9A];
	s0 =	simm.s32 @p1 $0x1  }
0x15: {  	[smem:$0x3FB7] =	sst s0;
	s0 =	simm.s32 @!p2 $0x0  }
0x16: {  	s3 =	sld [smem:$0x3FDB];
	s0 =	simm.s32 @p2 $0x1  }
0x17: {  	s4 =	simm.s32 $0x1BF5;
	[smem:$0x3FB9] =	sst s0  }
0x18: {  	s0 =	sld [smem:$0x3F9C];
	_ =	swait.ge [sflag:s4], $0x0  }
0x19: {  	s7 =	sld [smem:$0x3F9D]  }
0x1a: {  	s8 =	sadd.s32 $0xFFFFE003, lr  }
0x1b: {  	s9 =	sadd.s32 $0xFFFFFEF7, lr;
	s5 =	simm.s32 $0xFFFFFFFF;
	p2 =	slt.u32 s8, $0xFFFFF086  }
0x1c: {  	p1 =	slt.u32 s9, $0xF7A;
	s5 =	simm.s32 @!p2 $0x0  }
0x1d: {  	s5 =	simm.s32 @p1 $0x1;
	p0 =	seq.s32 s7, s2  }
0x1e: {  	s7 =	smul.u32 @!p0 $0xF7A, s2;
	p2 =	seq.s32 @!p0 s5, $0x0  }
0x1f: {  	s9 =	smul.u32 $0xF7A, s1;
	s8 =	simm.s32 @!p0 $0x1BF5;
	p2 =	por !p2, p0  }
0x20: {  	[sflag:s8] =	ssyncset.s32 @!p0 $0xFFFFF086;
	s6 =	sadd.s32 @!p0 s3, s7;
	s7 =	simm.s32 @!p0 $0x108  }
0x21: {  	s3 =	sadd.s32 s3, s9;
	s6 =	sadd.s32 @!p0 $0x88, s6;
	s7 =	simm.s32 @p2 $0x1082  }
0x22: {  	[simem:s7], [sflag:s8] =	dma.local @!p0 [hbm:s6], $0xF7A  }
0x23: {  	s9 =	sor.u32 $0xD0000000, s2;
	s6 =	simm.s32 $0x108;
	_ =	swait.ge @!p0 [sflag:s8], $0x0  }
0x24: {  	s3 =	sadd.s32 $0x88, s3;
	s6 =	simm.s32 @!p1 $0x1082;
	[sflag:s4] =	ssyncset.s32 $0xFFFFF086  }
0x25: {  	[simem:s6], [sflag:s4] =	dma.local [hbm:s3], $0xF7A  }
0x26: {  	[smem:$0x3F9D] =	sst s1;
	(tag) =	ssettag s2;
	_ =	strace s9  }
0x27: {  	s1 =	sld [smem:$0x3FAD]  }
0x28: {  	s2 =	sld [smem:$0x3FAE]  }
0x29: {  	s4 =	sld [smem:$0x3FB0]  }
0x2a: {  	p0 =	seq.s32 s5, $0x0;
	s5 =	sld [smem:$0x3FB1]  }
0x2b: {  	s6 =	sld [smem:$0x3FB2]  }
0x2c: {  	s7 =	sld [smem:$0x3FB3]  }
0x2d: {  	s3 =	simm.s32 $0x108;
	s8 =	sld [smem:$0x3FB4]  }
0x2e: {  	s3 =	simm.s32 @!p0 $0x1082;
	s9 =	sld [smem:$0x3FB5]  }
0x2f: {  	lr =	sadd.s32 s0, s3;
	s0 =	sld [smem:$0x3FAC]  }
0x30: {  	s3 =	sld [smem:$0x3FAF]  }
0x31: {  	[smem:$0x3FB8] =	sst s10  }
0x32: {  	s10 =	sld [smem:$0x3FB6];
	_ =	sdelay $0x3  }
0x33: {  	p0 =	seq.s32 s10, $0x1;
	s10 =	sld [smem:$0x3FB8];
	_ =	sdelay $0x3  }
0x34: {  	[smem:$0x3FB8] =	sst s10  }
0x35: {  	s10 =	sld [smem:$0x3FB7];
	_ =	sdelay $0x3  }
0x36: {  	p1 =	seq.s32 s10, $0x1;
	s10 =	sld [smem:$0x3FB8];
	_ =	sdelay $0x3  }
0x37: {  	[smem:$0x3FB8] =	sst s10  }
0x38: {  	s10 =	sld [smem:$0x3FB9]  }
0x39: {  	_ = 	snop;
	(pc) =	sbr.ind lr, $3  }
0x3a: {  	_ = 	snop  }
0x3b: {  	_ = 	snop  }
0x3c: {  	p2 =	seq.s32 s10, $0x1;
	s10 =	sld [smem:$0x3FB8]  }
0x3d: {  	_ =	shalt  }
0x3e: {  	_ =	shalt  }
0x3f: {  	_ =	shalt  }
0x40: {  	_ =	shalt  }
0x41: {  	_ =	shalt  }
0x42: {  	_ =	shalt  }
0x43: {  	_ =	shalt  }
0x44: {  	_ =	shalt  }
0x45: {  	_ =	shalt  }
0x46: {  	_ =	shalt  }
0x47: {  	_ =	shalt  }
0x48: {  	_ =	shalt  }
0x49: {  	_ =	shalt  }
0x4a: {  	_ =	shalt  }
0x4b: {  	_ =	shalt  }
0x4c: {  	_ =	shalt  }
0x4d: {  	_ =	shalt  }
0x4e: {  	_ =	shalt  }
0x4f: {  	_ =	shalt  }
0x50: {  	_ =	shalt  }
0x51: {  	_ =	shalt  }
0x52: {  	_ =	shalt  }
0x53: {  	_ =	shalt  }
0x54: {  	_ =	shalt  }
0x55: {  	_ =	shalt  }
0x56: {  	_ =	shalt  }
0x57: {  	_ =	shalt  }
0x58: {  	_ =	shalt  }
0x59: {  	_ =	shalt  }
0x5a: {  	_ =	shalt  }
0x5b: {  	_ =	shalt  }
0x5c: {  	_ =	shalt  }
0x5d: {  	_ =	shalt  }
0x5e: {  	_ =	shalt  }
0x5f: {  	_ =	shalt  }
0x60: {  	_ =	shalt  }
0x61: {  	_ =	shalt  }
0x62: {  	_ =	shalt  }
0x63: {  	_ =	shalt  }
0x64: {  	_ =	shalt  }
0x65: {  	_ =	shalt  }
0x66: {  	_ =	shalt  }
0x67: {  	_ =	shalt  }
0x68: {  	_ =	shalt  }
0x69: {  	_ =	shalt  }
0x6a: {  	_ =	shalt  }
0x6b: {  	_ =	shalt  }
0x6c: {  	_ =	shalt  }
0x6d: {  	_ =	shalt  }
0x6e: {  	_ =	shalt  }
0x6f: {  	_ =	shalt  }
0x70: {  	_ =	shalt  }
0x71: {  	_ =	shalt  }
0x72: {  	_ =	shalt  }
0x73: {  	_ =	shalt  }
0x74: {  	_ =	shalt  }
0x75: {  	_ =	shalt  }
0x76: {  	_ =	shalt  }
0x77: {  	_ =	shalt  }
0x78: {  	_ =	shalt  }
0x79: {  	_ =	shalt  }
0x7a: {  	_ =	shalt  }
0x7b: {  	_ =	shalt  }
0x7c: {  	_ =	shalt  }
0x7d: {  	_ =	shalt  }
0x7e: {  	_ =	shalt  }
0x7f: {  	_ =	shalt  }
0x80: {  	_ =	shalt  }
0x81: {  	_ =	shalt  }
0x82: {  	_ =	shalt  }
0x83: {  	_ =	shalt  }
0x84: {  	_ =	shalt  }
0x85: {  	_ =	shalt  }
0x86: {  	_ =	shalt  }
0x87: {  	_ =	shalt  }
.Lfunc_end0:
.L_simem_size_0:
called_computation.2_lowered:
.L_overlay_start_0:
0x88: {  	s2 =	sld [smem:$0x3FD9]  }
0x89: {  	s3 =	sld [smem:$0x3FFE];
	_ =	sdelay $0x1  }
0x8a: {  	s1 =	srdreg.scid  }
0x8b: {  	s0 =	sand.u32 $0x1, s1  }
0x8c: {  	s14 =	sshll.u32 s0, $0xA;
	s2 =	sadd.s32 s3, s2  }
0x8d: {  	s2 =	sadd.s32 s2, s14  }
0x8e: {  	[smem:$0x3FC4] =	sst s2  }
0x8f: {  	_ = 	snop  }
0x90: {  	s2 =	sld [smem:$0x3FD0];
	_ =	sdelay $0x2  }
0x91: {  	s15 =	simm.s32 $0xA;
	s4 =	simm.s32 $0x10  }
0x92: {  	[smem:s4], [sflag:s15] =	dma.local [hbm:s2], $0x1  }
0x93: {  	_ =	swait.eq [sflag:s15], $0x1  }
0x94: {  	[sflag:s15] =	ssyncset.done $0x0  }
0x95: {  	[sflag:s15] =	ssyncadd.s32 $0xFFFFFFFF  }
0x96: {  	s16 =	sld [smem:$0x10];
	(tm) =	ssettm $0x1  }
0x97: {  	s17 =	sld [smem:$0x3FFB];
	_ =	sdelay $0x3  }
0x98: {  	_ =	strace s17  }
0x99: {  	s3 =	sld [smem:$0x3FFC];
	_ =	sdelay $0x3  }
0x9a: {  	_ =	strace s3  }
0x9b: {  	s3 =	sld [smem:$0x3FFD];
	_ =	sdelay $0x3  }
0x9c: {  	_ =	strace s3  }
0x9d: {  	_ =	strace $0x8FFFFFFF  }
0x9e: {  	s18 =	sld [smem:$0x3FDB];
	_ =	sdelay $0x1  }
0x9f: {  	s19 =	simm.s32 $_scs_section_size  }
0xa0: {  	s5 =	simm.s32 $_size__tile_overlayer_lowered;
	s6 =	simm.s32 $_tile_overlayer_lowered  }
0xa1: {  	s22 =	simm.s32 $0x1BFF;
	s21 =	sshll.u32 s6, $0x1;
	s3 =	sadd.s32 s19, s18  }
0xa2: {  	s7 =	simm.s32 $0x0;
	s20 =	sshll.u32 s5, $0x1;
	s5 =	sadd.s32 s21, s3  }
0xa3: {  	[timem:s7], [sflag:s22] =	dma.local [hbm:s5], s20  }
0xa4: {  	_ =	swait.ge [sflag:s22], s20  }
0xa5: {  	s4 =	ssub.s32 $0x0, s20;
	[sflag:s22] =	ssyncset.done $0x0  }
0xa6: {  	[sflag:s22] =	ssyncadd.s32 s4;
	_ =	sdelay $0x1  }
0xa7: {  	s23 =	simm.s32 $0x1B8B  }
0xa8: {  	_ =	swait.ge [sflag:s23], $0x1  }
0xa9: {  	[sflag:s23] =	ssyncset.done $0x0  }
0xaa: {  	s25 =	simm.s32 $0x1B8E;
	s24 =	sld [smem:$0x3FFE];
	[sflag:s23] =	ssyncadd.s32 $0xFFFFFFFF  }
0xab: {  	s26 =	simm.s32 $execute0_lowered;
	[smem:$0x3FD2] =	sst s25  }
0xac: {  	s5 =	sshll.u32 s26, $0x1;
	_ =	strace $0x80000049;
	[dreg:$0x1] =	wrdreg $0xFFFFFFFF  }
0xad: {  	s28 =	simm.s32 $_size_execute0_lowered;
	s3 =	sadd.s32 s3, s5;
	[dreg:$0x0] =	wrdreg $0x0  }
0xae: {  	s5 =	sshll.u32 s28, $0x1;
	[dreg:$0x2] =	wrdreg s3  }
0xaf: {  	[dreg:$0x3] =	wrdreg s5  }
0xb0: {  	[dreg:$0x4] =	wrdreg $0xC0  }
0xb1: {  	_ =	task [dreg:s7], $0x5FFFF  }
0xb2: {  	[dreg:$0x1] =	wrdreg $0xFFFFFFFF  }
0xb3: {  	[dreg:$0x0] =	wrdreg $0x60  }
0xb4: {  	[dreg:$0x2] =	wrdreg s24  }
0xb5: {  	[dreg:$0x3] =	wrdreg s16  }
0xb6: {  	[dreg:$0x4] =	wrdreg $0x9  }
0xb7: {  	_ =	task.clear_ibuf [dreg:s7], $0x5FFFF;
	_ =	strace $0x90000049  }
0xb8: {  	s29 =	simm.s32 $0x9;
	_ =	strace $0x8000004B  }
0xb9: {  	_ =	swait.ge [sflag:s29], $0x1  }
0xba: {  	[sflag:s29] =	ssyncadd.s32 $0xFFFFFFFF  }
0xbb: {  	_ =	strace $0x9000004B  }
0xbc: {  	_ =	sfence  }
0xbd: {  	s30 =	sld [smem:$0x0];
	_ =	sdelay $0x2  }
0xbe: {  	s31 =	sshll.u32 s1, $0xD;
	s1 =	sshrl.u32 s1, $0x2  }
0xbf: {  	s3 =	sand.u32 $0x4000, s31;
	s1 =	sadd.s32 s1, s30  }
0xc0: {  	s0 =	sor.u32 s3, s0;
	s1 =	sshll.u32 s1, $0x11  }
0xc1: {  	s0 =	sor.u32 s1, s0  }
0xc2: {  	s0 =	sadd.s32 $0x8F2B, s0  }
0xc3: {  	[sflag:s0] =	ssyncadd.remote.s32 $0x1  }
0xc4: {  	_ =	sfence.sel $0xFFFF  }
0xc5: {  	[dreg:$0x0] =	wrdreg $0xFFFFFFFF;
	(pc) =	sbr.abs _section_cstart, $3  }
0xc6: {  	[dreg:$0x1] =	wrdreg $0xFFFFFFFF  }
0xc7: {  	_ =	task.clear_ibuf [dreg:s7], $0x2FFFF;
	_ =	strace $0x9FFFFFFF  }
0xc8: {  	(tm) =	ssettm $0x7FFFFFFF  }
0xc9: {  	_ =	shalt  }
tec
execute0_lowered:
.L_overlay_start_1:
0x0: {  	(tag) =	ssettag $0x1  }
0x1: {  	s4 =	rddreg [dreg:$0x0]  }
0x2: {  	s5 =	rddreg [dreg:$0x1];
	s1 =	srdreg.scid  }
0x3: {  	s0 =	rddreg [dreg:$0x2];
	s2 =	simm.s32 $0x0;
	s10 =	simm.s32 $0x1  }
0x4: {  	s11 =	simm.s32 $0x2200;
	s12 =	simm.s32 $0x100;
	s13 =	simm.s32 $0x4200  }
0x5: {  	s14 =	simm.s32 $0x180;
	s15 =	simm.s32 $0x6200;
	s16 =	simm.s32 $0x0  }
0x6: {  	s6 =	sand.u32 $0x1, s1;
	[smem:$0x7FF] =	sst s2;
	s1 =	stileid.u32  }
0x7: {  	s3 =	sadd.s32 $0x1A00, s4;
	s7 =	ssub.s32 $0x2, s6;
	_ =	strace $0x8000004A  }
0x8: {  	s8 =	sshll.u32 s1, $0xB;
	s29 =	sshll.u32 s1, $0x11;
	s30 =	sshll.u32 s6, $0xA  }
0x9: {  	s6 =	sshll.u32 s6, $0x10;
	s9 =	sshrl.u32 s7, $0x1;
	s8 =	sadd.s32 s8, s4  }
0xa: {  	s5 =	sadd.s32 s29, s5;
	s28 =	ssub.s32 s7, s9;
	s31 =	sadd.s32 s30, s8  }
0xb: {  	s5 =	sadd.s32 s6, s5;
	s7 =	simm.s32 $0x2;
	s8 =	simm.s32 $0x80  }
0xc: {  	s9 =	simm.s32 $0x200;
	s4 =	smax.u32 s28, $0x1;
	s6 =	sadd.s32 $0x2A800, s31  }
.LBB2_1:
0xd: {  	s17 =	sadd.s32 $0x0, s6  }
0xe: {  	[tilespmem:s2], [sflag:$0x2] =	stream.linear.gather [hbm4b:s17+s2], $0x200, $0x38;
	[tilespmem:$0x8200] =	vst v63  }
0xf: {  	_ =	swait.ge [sflag:s7], $0x200  }
0x10: {  	[sflag:s7] =	ssyncset.done $0x0  }
0x11: {  	[sflag:s7] =	ssyncadd.s32 $0xFFFFFE00  }
0x12: {  	[tilespmem:s9], [sflag:$0x1] =	stream.indirect.gather [hbm4b:s3+s8], $0x40, s2, s8, $0xb8;
	[tilespmem:$0x8200] =	vst v63  }
0x13: {  	_ =	swait.ge [sflag:s10], $0x2000  }
0x14: {  	[sflag:s10] =	ssyncset.done $0x0  }
0x15: {  	[sflag:s10] =	ssyncadd.s32 $0xFFFFE000  }
0x16: {  	[tilespmem:s11], [sflag:$0x1] =	stream.indirect.gather [hbm4b:s3+s8], $0x40, s8, s8, $0xb8;
	[tilespmem:$0x8200] =	vst v63  }
0x17: {  	_ =	swait.ge [sflag:s10], $0x2000  }
0x18: {  	[sflag:s10] =	ssyncset.done $0x0  }
0x19: {  	[sflag:s10] =	ssyncadd.s32 $0xFFFFE000  }
0x1a: {  	[tilespmem:s13], [sflag:$0x1] =	stream.indirect.gather [hbm4b:s3+s8], $0x40, s12, s8, $0xb8;
	[tilespmem:$0x8200] =	vst v63  }
0x1b: {  	_ =	swait.ge [sflag:s10], $0x2000  }
0x1c: {  	[sflag:s10] =	ssyncset.done $0x0  }
0x1d: {  	[sflag:s10] =	ssyncadd.s32 $0xFFFFE000  }
0x1e: {  	[tilespmem:s15], [sflag:$0x1] =	stream.indirect.gather [hbm4b:s3+s8], $0x40, s14, s8, $0xb8;
	[tilespmem:$0x8200] =	vst v63  }
0x1f: {  	_ =	swait.ge [sflag:s10], $0x2000  }
0x20: {  	[sflag:s10] =	ssyncset.done $0x0  }
0x21: {  	[sflag:s10] =	ssyncadd.s32 $0xFFFFE000  }
0x22: {  	[hbm4b:s5+s2] =	stream.linear.scatter [tilespmem:s9], [sflag:$0x2], $0x8000, $0x38;
	[tilespmem:$0x8200] =	vst v63  }
0x23: {  	s18 =	simm.s32 $0x40;
	_ =	swait.ge [sflag:s7], $0x8000  }
0x24: {  	s19 =	simm.s32 $0x80;
	s17 =	sadd.s32 $0x1000, s5;
	[sflag:s7] =	ssyncset.done $0x0  }
.LBB2_2:
0x25: {  	s20 =	sadd.s32 s18, s6  }
0x26: {  	[sflag:s7] =	ssyncadd.s32 $0xFFFF8000;
	s18 =	smov.u32 s19;
	s21 =	sadd.s32 $0x40, s19  }
0x27: {  	[tilespmem:s2], [sflag:$0x2] =	stream.linear.gather [hbm4b:s20+s2], $0x200, $0x38;
	[tilespmem:$0x8200] =	vst v63  }
0x28: {  	p0 =	sne.s32 s19, $0x3C0;
	_ =	swait.ge [sflag:s7], $0x200  }
0x29: {  	[sflag:s7] =	ssyncset.done $0x0  }
0x2a: {  	[sflag:s7] =	ssyncadd.s32 $0xFFFFFE00  }
0x2b: {  	[tilespmem:s9], [sflag:$0x1] =	stream.indirect.gather [hbm4b:s3+s8], $0x40, s2, s8, $0xb8;
	[tilespmem:$0x8200] =	vst v63  }
0x2c: {  	_ =	swait.ge [sflag:s10], $0x2000  }
0x2d: {  	[sflag:s10] =	ssyncset.done $0x0  }
0x2e: {  	[sflag:s10] =	ssyncadd.s32 $0xFFFFE000  }
0x2f: {  	[tilespmem:s11], [sflag:$0x1] =	stream.indirect.gather [hbm4b:s3+s8], $0x40, s8, s8, $0xb8;
	[tilespmem:$0x8200] =	vst v63  }
0x30: {  	_ =	swait.ge [sflag:s10], $0x2000  }
0x31: {  	[sflag:s10] =	ssyncset.done $0x0  }
0x32: {  	[sflag:s10] =	ssyncadd.s32 $0xFFFFE000  }
0x33: {  	[tilespmem:s13], [sflag:$0x1] =	stream.indirect.gather [hbm4b:s3+s8], $0x40, s12, s8, $0xb8;
	[tilespmem:$0x8200] =	vst v63  }
0x34: {  	_ =	swait.ge [sflag:s10], $0x2000  }
0x35: {  	[sflag:s10] =	ssyncset.done $0x0  }
0x36: {  	[sflag:s10] =	ssyncadd.s32 $0xFFFFE000  }
0x37: {  	[tilespmem:s15], [sflag:$0x1] =	stream.indirect.gather [hbm4b:s3+s8], $0x40, s14, s8, $0xb8;
	[tilespmem:$0x8200] =	vst v63  }
0x38: {  	_ =	swait.ge [sflag:s10], $0x2000  }
.Ltmp0:
0x39: {  	[sflag:s10] =	ssyncset.done $0x0;
	(pc) =	sbr.rel @p0 .LBB2_2-.Ltmp0, $4  }
0x3a: {  	[sflag:s10] =	ssyncadd.s32 $0xFFFFE000  }
0x3b: {  	[hbm4b:s17+s2] =	stream.linear.scatter [tilespmem:s9], [sflag:$0x2], $0x8000, $0x38;
	[tilespmem:$0x8200] =	vst v63  }
0x3c: {  	_ =	swait.ge [sflag:s7], $0x8000  }
0x3d: {  	s19 =	smov.u32 s21;
	s17 =	sadd.s32 $0x1000, s17;
	[sflag:s7] =	ssyncset.done $0x0  }
0x3e: {  	s18 =	sadd.s32 s18, s6;
	[sflag:s7] =	ssyncadd.s32 $0xFFFF8000  }
0x3f: {  	[tilespmem:s2], [sflag:$0x2] =	stream.linear.gather [hbm4b:s18+s2], $0x200, $0x38;
	[tilespmem:$0x8200] =	vst v63  }
0x40: {  	_ =	swait.ge [sflag:s7], $0x200  }
0x41: {  	[sflag:s7] =	ssyncset.done $0x0  }
0x42: {  	[sflag:s7] =	ssyncadd.s32 $0xFFFFFE00  }
0x43: {  	[tilespmem:s9], [sflag:$0x1] =	stream.indirect.gather [hbm4b:s3+s8], $0x40, s2, s8, $0xb8;
	[tilespmem:$0x8200] =	vst v63  }
0x44: {  	_ =	swait.ge [sflag:s10], $0x2000  }
0x45: {  	[sflag:s10] =	ssyncset.done $0x0  }
0x46: {  	[sflag:s10] =	ssyncadd.s32 $0xFFFFE000  }
0x47: {  	[tilespmem:s11], [sflag:$0x1] =	stream.indirect.gather [hbm4b:s3+s8], $0x40, s8, s8, $0xb8;
	[tilespmem:$0x8200] =	vst v63  }
0x48: {  	_ =	swait.ge [sflag:s10], $0x2000  }
0x49: {  	[sflag:s10] =	ssyncset.done $0x0  }
0x4a: {  	[sflag:s10] =	ssyncadd.s32 $0xFFFFE000  }
0x4b: {  	[tilespmem:s13], [sflag:$0x1] =	stream.indirect.gather [hbm4b:s3+s8], $0x40, s12, s8, $0xb8;
	[tilespmem:$0x8200] =	vst v63  }
0x4c: {  	_ =	swait.ge [sflag:s10], $0x2000  }
0x4d: {  	[sflag:s10] =	ssyncset.done $0x0  }
0x4e: {  	[sflag:s10] =	ssyncadd.s32 $0xFFFFE000  }
0x4f: {  	[tilespmem:s15], [sflag:$0x1] =	stream.indirect.gather [hbm4b:s3+s8], $0x40, s14, s8, $0xb8;
	[tilespmem:$0x8200] =	vst v63  }
0x50: {  	s16 =	sadd.s32 $0x1, s16;
	_ =	swait.ge [sflag:s10], $0x2000  }
0x51: {  	p0 =	sne.s32 s16, s4;
	[sflag:s10] =	ssyncset.done $0x0  }
.Ltmp1:
0x52: {  	[sflag:s10] =	ssyncadd.s32 $0xFFFFE000;
	(pc) =	sbr.rel @p0 .LBB2_1-.Ltmp1, $4  }
0x53: {  	[hbm4b:s17+s2] =	stream.linear.scatter [tilespmem:s9], [sflag:$0x2], $0x8000, $0x38;
	[tilespmem:$0x8200] =	vst v63  }
0x54: {  	_ =	swait.ge [sflag:s7], $0x8000  }
0x55: {  	[sflag:s7] =	ssyncset.done $0x0  }
0x56: {  	[sflag:s7] =	ssyncadd.s32 $0xFFFF8000  }
0x57: {  	_ =	sfence.sel $0x180000  }
0x58: {  	[bflag:$0x0] =	sbarrier.arrive $0xFFFF  }
0x59: {  	p0 =	sne.s32 s1, $0x0;
	_ =	strace $0x9000004A  }
0x5a: {  	s0 =	sadd.s32 @!p0 $0x100000, s0;
	[bflag:$0x2] =	sbarrier.arrive $0xFFFF  }
0x5b: {  	[sflag:s0] =	ssyncadd.tile.s32 @!p0 $0x1;
	_ =	shalt  }
.Lfunc_end2:
_tile_overlayer_lowered:
.L_overlay_start_2:
0x5c: {  	(tag) =	ssettag $0x2  }
0x5d: {  	s0 =	rddreg [dreg:$0x0];
	s2 =	stileid.u32  }
0x5e: {  	s1 =	rddreg [dreg:$0x1];
	p0 =	sne.s32 s2, $0x0  }
0x5f: {  	s3 =	rddreg [dreg:$0x2];
	[bflag:$0x3] =	sbarrier.arrive $0xFFFF;
	s2 =	simm.s32 @!p0 $0x1C02  }
0x60: {  	[timem:s3], [sflag:s2] =	dma.local @!p0 [hbm:s0], s1  }
0x61: {  	s0 =	simm.s32 @!p0 $0x2  }
0x62: {  	_ =	swait.ge @!p0 [sflag:s0], s1  }
0x63: {  	s1 =	ssub.s32 @!p0 $0x0, s1;
	[sflag:s0] =	ssyncset.done @!p0 $0x0  }
0x64: {  	[sflag:s0] =	ssyncadd.s32 @!p0 s1  }
0x65: {  	[bflag:$0x3] =	sbarrier.arrive $0xFFFF  }
0x66: {  	_ =	shalt  }

// kernel: sparse-core-data-format-call.cloned.1.call-start
scs
called_computation_lowered:
.L_overlay_start_0:
0x0: {  	s2 =	sld [smem:$0x3FD9]  }
0x1: {  	s3 =	sld [smem:$0x3FFE];
	_ =	sdelay $0x1  }
0x2: {  	s1 =	srdreg.scid  }
0x3: {  	s0 =	sand.u32 $0x1, s1  }
0x4: {  	s15 =	sshll.u32 s0, $0xA;
	s2 =	sadd.s32 s3, s2  }
0x5: {  	s2 =	sadd.s32 s2, s15  }
0x6: {  	[smem:$0x3FC4] =	sst s2  }
0x7: {  	_ = 	snop  }
0x8: {  	s2 =	sld [smem:$0x3FD0];
	_ =	sdelay $0x2  }
0x9: {  	s16 =	simm.s32 $0xA;
	s4 =	simm.s32 $0x10  }
0xa: {  	[smem:s4], [sflag:s16] =	dma.local [hbm:s2], $0x1  }
0xb: {  	_ =	swait.eq [sflag:s16], $0x1  }
0xc: {  	[sflag:s16] =	ssyncset.done $0x0  }
0xd: {  	[sflag:s16] =	ssyncadd.s32 $0xFFFFFFFF  }
0xe: {  	s17 =	sld [smem:$0x10];
	(tm) =	ssettm $0x1  }
0xf: {  	s18 =	sld [smem:$0x3FFB];
	_ =	sdelay $0x3  }
0x10: {  	_ =	strace s18  }
0x11: {  	s3 =	sld [smem:$0x3FFC];
	_ =	sdelay $0x3  }
0x12: {  	_ =	strace s3  }
0x13: {  	s3 =	sld [smem:$0x3FFD];
	_ =	sdelay $0x3  }
0x14: {  	_ =	strace s3  }
0x15: {  	_ =	strace $0x8FFFFFFF  }
0x16: {  	s19 =	sld [smem:$0x3FDB];
	_ =	sdelay $0x1  }
0x17: {  	s20 =	simm.s32 $_scs_section_size  }
0x18: {  	s5 =	simm.s32 $_size__tile_overlayer_lowered;
	s6 =	simm.s32 $_tile_overlayer_lowered  }
0x19: {  	s23 =	simm.s32 $0x1BFF;
	s22 =	sshll.u32 s6, $0x1;
	s3 =	sadd.s32 s20, s19  }
0x1a: {  	s7 =	simm.s32 $0x0;
	s21 =	sshll.u32 s5, $0x1;
	s5 =	sadd.s32 s22, s3  }
0x1b: {  	[timem:s7], [sflag:s23] =	dma.local [hbm:s5], s21  }
0x1c: {  	_ =	swait.ge [sflag:s23], s21  }
0x1d: {  	s4 =	ssub.s32 $0x0, s21;
	[sflag:s23] =	ssyncset.done $0x0  }
0x1e: {  	[sflag:s23] =	ssyncadd.s32 s4;
	_ =	sdelay $0x1  }
0x1f: {  	s24 =	simm.s32 $0x1B8B  }
0x20: {  	_ =	swait.ge [sflag:s24], $0x1  }
0x21: {  	[sflag:s24] =	ssyncset.done $0x0  }
0x22: {  	s26 =	simm.s32 $0x1B8E;
	s25 =	sld [smem:$0x3FFE];
	[sflag:s24] =	ssyncadd.s32 $0xFFFFFFFF  }
0x23: {  	s27 =	simm.s32 $execute0_lowered;
	[smem:$0x3FD2] =	sst s26  }
0x24: {  	s5 =	sshll.u32 s27, $0x1;
	_ =	strace $0x8000004C;
	[dreg:$0x1] =	wrdreg $0xFFFFFFFF  }
0x25: {  	s28 =	simm.s32 $_size_execute0_lowered;
	s3 =	sadd.s32 s3, s5;
	[dreg:$0x0] =	wrdreg $0x0  }
0x26: {  	s5 =	sshll.u32 s28, $0x1;
	[dreg:$0x2] =	wrdreg s3  }
0x27: {  	[dreg:$0x3] =	wrdreg s5  }
0x28: {  	[dreg:$0x4] =	wrdreg $0xC0  }
0x29: {  	_ =	task [dreg:s7], $0x5FFFF  }
0x2a: {  	[dreg:$0x1] =	wrdreg $0xFFFFFFFF  }
0x2b: {  	[dreg:$0x0] =	wrdreg $0x60  }
0x2c: {  	[dreg:$0x2] =	wrdreg s25  }
0x2d: {  	[dreg:$0x3] =	wrdreg s17  }
0x2e: {  	[dreg:$0x4] =	wrdreg $0x9  }
0x2f: {  	_ =	task.clear_ibuf [dreg:s7], $0x5FFFF;
	_ =	strace $0x9000004C  }
0x30: {  	s29 =	simm.s32 $0x9;
	_ =	strace $0x8000004E  }
0x31: {  	_ =	swait.ge [sflag:s29], $0x1  }
0x32: {  	[sflag:s29] =	ssyncadd.s32 $0xFFFFFFFF  }
0x33: {  	_ =	strace $0x9000004E  }
0x34: {  	_ =	sfence  }
0x35: {  	s30 =	sld [smem:$0x0];
	_ =	sdelay $0x2  }
0x36: {  	s31 =	sshll.u32 s1, $0xD;
	s1 =	sshrl.u32 s1, $0x2  }
0x37: {  	s3 =	sand.u32 $0x4000, s31;
	s1 =	sadd.s32 s1, s30  }
0x38: {  	s0 =	sor.u32 s3, s0;
	s1 =	sshll.u32 s1, $0x11  }
0x39: {  	s0 =	sor.u32 s1, s0  }
0x3a: {  	s0 =	sadd.s32 $0x8F2B, s0  }
0x3b: {  	[sflag:s0] =	ssyncadd.remote.s32 $0x1  }
0x3c: {  	_ =	sfence.sel $0xFFFF  }
0x3d: {  	[dreg:$0x0] =	wrdreg $0xFFFFFFFF;
	(pc) =	sbr.abs _section_cstart, $3  }
0x3e: {  	[dreg:$0x1] =	wrdreg $0xFFFFFFFF  }
0x3f: {  	_ =	task.clear_ibuf [dreg:s7], $0x2FFFF;
	_ =	strace $0x9FFFFFFF  }
0x40: {  	(tm) =	ssettm $0x7FFFFFFF  }
0x41: {  	_ =	shalt  }
tec
execute0_lowered:
.L_overlay_start_1:
0x0: {  	(tag) =	ssettag $0x1  }
0x1: {  	s8 =	rddreg [dreg:$0x0]  }
0x2: {  	s2 =	rddreg [dreg:$0x1]  }
0x3: {  	s1 =	stileid.u32;
	s4 =	srdreg.scid  }
0x4: {  	s0 =	rddreg [dreg:$0x2];
	_ =	strace $0x8000004D;
	s9 =	simm.s32 $0x1  }
0x5: {  	s31 =	simm.s32 $0x2;
	s14 =	simm.s32 $0x0;
	s15 =	simm.s32 $0x0  }
0x6: {  	s13 =	simm.s32 $0x0;
	s3 =	sshll.u32 s1, $0x1;
	s4 =	sshll.u32 s4, $0x7  }
0x7: {  	s4 =	sand.u32 $0x80, s4;
	s5 =	ssub.s32 $0x20, s3;
	s12 =	smov.u32 s3  }
0x8: {  	s6 =	sshrl.u32 s5, $0x5;
	s5 =	sand.u32 $0x1E, s5;
	s7 =	ssub.s32 $0x2000, s4  }
0x9: {  	p0 =	sne.s32 s5, $0x0;
	s30 =	sshrl.u32 s7, $0x7;
	s7 =	sshrl.u32 s7, $0x8  }
.Ltmp0:
0xa: {  	s9 =	simm.s32 @!p0 $0x0;
	s10 =	sand.u32 $0x1, s30;
	(pc) =	sbr.rel .LBB1_1-.Ltmp0, $4  }
0xb: {  	s5 =	simm.s32 $0x1;
	s6 =	sadd.s32 s9, s6;
	s7 =	sadd.s32 s7, s10  }
0xc: {  	s11 =	smov.u32 s4;
	[sflag:s5] =	ssyncpa.u1 $0x0;
	s6 =	smul.u32 s6, s7  }
0xd: {  	p0 =	por $0x0, $0x0;
	[sflag:s31] =	ssyncpa.u1 $0x0;
	s10 =	simm.s32 $0x10000  }
0xe: {  	s7 =	sadd.s32 $0x1A00, s8;
	s8 =	sadd.s32 $0x21A00, s8;
	s9 =	sadd.s32 $0x1, s6  }
.LBB1_7:
0xf: {  	s16 =	sadd.s32 $0x100, s11  }
0x10: {  	s14 =	sadd.s32 $0x20, s12;
	s18 =	smov.u32 s12;
	p2 =	sgt.s32 s16, $0x1FFF  }
0x11: {  	s18 =	smov.u32 @p2 s14  }
0x12: {  	s16 =	smov.u32 @p2 s4;
	p2 =	sgt.s32 s18, $0x1F  }
0x13: {  	s18 =	smov.u32 @p2 s3;
	p2 =	sne.s32 s13, s9  }
.Ltmp1:
0x14: {  	p1 =	slt.u32 s13, $0x2;
	(pc) =	sbr.rel @!p2 .LBB1_8-.Ltmp1, $4  }
0x15: {  	s17 =	simm.s32 @!p1 $0x2  }
0x16: {  	s15 =	smov.u32 s12;
	p0 =	por !p0, !p0;
	_ =	swait.ge @!p1 [sflag:s17], $0x4000  }
0x17: {  	s14 =	smov.u32 s11;
	[sflag:s17] =	ssyncset.done @!p1 $0x0;
	s11 =	smov.u32 s16  }
0x18: {  	s13 =	sadd.s32 $0x1, s13;
	[sflag:s17] =	ssyncadd.s32 @!p1 $0xFFFFC000;
	s12 =	smov.u32 s18  }
.LBB1_1:
0x19: {  	p1 =	sge.u32 s13, s6  }
0x1a: {  	s16 =	sxor.u32 @!p1 $0xFFFFFFFF, s13;
	s17 =	sshll.u32 @!p1 s12, $0x11  }
0x1b: {  	s18 =	sshll.u32 @!p1 s11, $0x4;
	s20 =	simm.s32 @!p1 $0x40;
	s21 =	simm.s32 @!p1 $0x80  }
0x1c: {  	s16 =	sshll.u32 @!p1 s16, $0xE;
	s18 =	sand.u32 @!p1 $0x1FFF0, s18;
	s19 =	sadd.s32 @!p1 s7, s17  }
0x1d: {  	s17 =	sadd.s32 @!p1 s17, s8;
	s16 =	sand.u32 @!p1 $0x4000, s16;
	s19 =	sadd.s32 @!p1 s18, s19  }
0x1e: {  	[tilespmem:s16], [sflag:$0x1] =	stream.strided.gather @!p1 [hbm4b:s19+s20], $0x2000, s21, s20, $0x38;
	[tilespmem:$0x10100] =	vst v63  }
0x1f: {  	s31 =	sadd.s32 $0xFFFFFFFF, s13;
	s17 =	sadd.s32 @!p1 s18, s17;
	s16 =	sor.u32 @!p1 $0x2000, s16  }
0x20: {  	[tilespmem:s16], [sflag:$0x1] =	stream.strided.gather @!p1 [hbm4b:s17+s20], $0x2000, s21, s20, $0x38;
	[tilespmem:$0x10100] =	vst v63  }
0x21: {  	p1 =	sge.u32 s31, s6  }
.Ltmp2:
0x22: {  	_ = 	snop;
	(pc) =	sbr.rel @p1 .LBB1_7-.Ltmp2, $1  }
0x23: {  	_ =	sdelay $0x3  }
0x24: {  	s16 =	simm.s32 $0x1;
	s18 =	sand.u32 $0x1, s13  }
0x25: {  	_ =	swait.ge [sflag:s5], $0x4000;
	s16 =	simm.s32 @!p0 $0x0;
	s18 =	smul.u32 $0x10200, s18  }
0x26: {  	p2 =	por $0x1, $0x1;
	[sflag:s5] =	ssyncset.done $0x0;
	s17 =	smul.u32 $0x10200, s16  }
0x27: {  	s19 =	sshll.u32 s16, $0x10;
	[sflag:s5] =	ssyncadd.s32 $0xFFFFC000;
	s30 =	sshrl.u32 s18, $0x2  }
0x28: {  	s31 =	sshrl.u32 s19, $0x2;
	s19 =	simm.s32 $0x0;
	s17 =	sshrl.u32 s17, $0x2  }
0x29: {  	s16 =	sor.u32 $0x8000, s30;
	s18 =	sadd.s32 $0x20, s31;
	s17 =	sor.u32 $0x8000, s17  }
.LBB1_3:
0x2a: {  	s20 =	sshll.u32 s19, $0xD  }
0x2b: {  	s20 =	sand.u32 $0x3FFFE000, s20  }
0x2c: {  	s22 =	sadd.s32 s20, s18  }
0x2d: {  	s31 =	smul.u32 $0x8100, s19;
	v3 =	vld [tilespmem:s22+$0x10]  }
0x2e: {  	v1 =	vld [tilespmem:s22+$0xFFFFFFF0]  }
0x2f: {  	s19 =	sshra.s32 s31, $0x2;
	v0 =	vld [tilespmem:s22+$0x0]  }
0x30: {  	s19 =	sadd.s32 s19, s17;
	v2 =	vld [tilespmem:s22+$0xFFFFFFE0]  }
0x31: {  	s20 =	sadd.s32 $0x0, s19  }
0x32: {  	p1 =	por p2, p2;
	s21 =	simm.s32 $0x4;
	s22 =	sadd.s32 $0x40, s22;
	[tilespmem:s20+$0x1830 ss:$0x81] =	vst.msk $0xffff, v3  }
.LBB1_4:
0x33: {  	v3 =	vld [tilespmem:s22+$0x10];
	p2 =	sne.s32 s21, $0x1FC;
	[tilespmem:s20+$0x810 ss:$0x81] =	vst.msk $0xffff, v1;
	s23 =	smov.u32 s21;
	s21 =	sadd.s32 $0x4, s21  }
.Ltmp3:
0x34: {  	v1 =	vld [tilespmem:s22+$0xFFFFFFF0];
	[tilespmem:s20+$0x1020 ss:$0x81] =	vst.msk $0xffff, v0;
	(pc) =	sbr.rel @p2 .LBB1_4-.Ltmp3, $4  }
0x35: {  	v0 =	vld [tilespmem:s22+$0x0];
	[tilespmem:s20+$0x0 ss:$0x81] =	vst.msk $0xffff, v2  }
0x36: {  	s20 =	sshra.s32 s23, $0x2;
	v2 =	vld [tilespmem:s22+$0xFFFFFFE0]  }
0x37: {  	s20 =	sadd.s32 s20, s19  }
0x38: {  	s22 =	sadd.s32 $0x40, s22;
	[tilespmem:s20+$0x1830 ss:$0x81] =	vst.msk $0xffff, v3  }
.Ltmp4:
0x39: {  	(pc) =	sbr.rel @p1 .LBB1_3-.Ltmp4, $4  }
0x3a: {  	_ = 	snop  }
0x3b: {  	[tilespmem:s20+$0x810 ss:$0x81] =	vst.msk $0xffff, v1  }
0x3c: {  	[tilespmem:s20+$0x1020 ss:$0x81] =	vst.msk $0xffff, v0  }
0x3d: {  	s19 =	simm.s32 $0x1;
	p2 =	por $0x0, $0x0;
	[tilespmem:s20+$0x0 ss:$0x81] =	vst.msk $0xffff, v2  }
0x3e: {  	s17 =	sshll.u32 s14, $0x3;
	s18 =	sand.u32 $0x78, s14;
	s15 =	sshll.u32 s15, $0x10  }
.Ltmp5:
0x3f: {  	s30 =	sand.u32 $0xFC00, s14;
	s17 =	sand.u32 $0x1C00, s17;
	(pc) =	sbr.rel .LBB1_7-.Ltmp5, $4  }
0x40: {  	s31 =	sand.u32 $0x7, s14;
	s15 =	sadd.s32 s2, s15;
	s17 =	sor.u32 s18, s17  }
0x41: {  	s14 =	sshll.u32 s31, $0x12;
	s15 =	sadd.s32 s30, s15;
	s17 =	sshrl.u32 s17, $0x3  }
0x42: {  	s14 =	sor.u32 $0x400, s14;
	s15 =	sadd.s32 s17, s15  }
0x43: {  	[hbm4b:s15+s14] =	stream.strided.scatter [tilespmem:s16], [sflag:$0x2], $0x4000, s10, s14, $0x20;
	[tilespmem:$0x10100] =	vst v63  }
.LBB1_8:
0x44: {  	_ =	sfence.sel $0x180000  }
0x45: {  	s2 =	simm.s32 $0x1;
	[bflag:$0x0] =	sbarrier.arrive $0xFFFF  }
0x46: {  	s31 =	simm.s32 $0x2;
	[sflag:s2] =	ssyncpa.u1 $0x1  }
0x47: {  	[sflag:s31] =	ssyncpa.u1 $0x1  }
0x48: {  	p0 =	sne.s32 s1, $0x0;
	_ =	strace $0x9000004D  }
0x49: {  	s0 =	sadd.s32 @!p0 $0x100000, s0;
	[bflag:$0x2] =	sbarrier.arrive $0xFFFF  }
0x4a: {  	[sflag:s0] =	ssyncadd.tile.s32 @!p0 $0x1;
	_ =	shalt  }
.Lfunc_end1:
_tile_overlayer_lowered:
.L_overlay_start_2:
0x4b: {  	(tag) =	ssettag $0x2  }
0x4c: {  	s0 =	rddreg [dreg:$0x0];
	s2 =	stileid.u32  }
0x4d: {  	s1 =	rddreg [dreg:$0x1];
	p0 =	sne.s32 s2, $0x0  }
0x4e: {  	s3 =	rddreg [dreg:$0x2];
	[bflag:$0x3] =	sbarrier.arrive $0xFFFF;
	s2 =	simm.s32 @!p0 $0x1C01  }
0x4f: {  	[timem:s3], [sflag:s2] =	dma.local @!p0 [hbm:s0], s1  }
0x50: {  	s0 =	simm.s32 @!p0 $0x1  }
0x51: {  	_ =	swait.ge @!p0 [sflag:s0], s1  }
0x52: {  	s1 =	ssub.s32 @!p0 $0x0, s1;
	[sflag:s0] =	ssyncset.done @!p0 $0x0  }
0x53: {  	[sflag:s0] =	ssyncadd.s32 @!p0 s1  }
0x54: {  	[bflag:$0x3] =	sbarrier.arrive $0xFFFF  }
0x55: {  	_ =	shalt  }

</sc_bundles>
